<compile_context>
chip_gen: v7x
topology: tpu7x:2x2x1
jax: 0.10.2.dev20260603
libtpu: 0.0.44.dev20260713+nightly
codegen_flags: <defaults>
</compile_context>

<pallas_src>
import functools

import jax
import jax.numpy as jnp
from jax import lax
from jax.experimental import pallas as pl
from jax.experimental.pallas import tpu as pltpu
from jax.experimental.pallas import tpu_sc as plsc

SEQ = 200
BATCH = 1024
EMBED = 64

NC = 2
NS = 16
NW = NC * NS
CHUNK = 128
CPR = BATCH // CHUNK
NCHUNK = SEQ * CPR // NW
ST = SEQ // 8

K = 5
NG = NCHUNK // K

_mesh = plsc.VectorSubcoreMesh(core_axis_name="c", subcore_axis_name="s")


@functools.partial(
    pl.kernel,
    mesh=_mesh,
    out_type=jax.ShapeDtypeStruct((SEQ, BATCH, EMBED), jnp.float32),
    compiler_params=pltpu.CompilerParams(use_tc_tiling_on_sc=False),
    scratch_types=[
        pltpu.VMEM((2, CPR, 8, CHUNK), jnp.int32),
        pltpu.VMEM((K, CHUNK, EMBED), jnp.float32),
        pltpu.VMEM((K, CHUNK, EMBED), jnp.float32),
        pltpu.SemaphoreType.DMA,
        pltpu.SemaphoreType.DMA,
        pltpu.SemaphoreType.DMA,
        pltpu.SemaphoreType.DMA,
    ],
)
def _gather_kernel(idx_hbm, table_hbm, out_hbm, idx_v, buf_a, buf_b,
                   gsem_a, gsem_b, wsem_a, wsem_b):
    wid = lax.axis_index("s") * NC + lax.axis_index("c")
    chunk0 = wid * NCHUNK
    st0 = jnp.minimum((chunk0 // CPR) // 8, ST - 2)
    pltpu.sync_copy(idx_hbm.at[pl.ds(st0, 2)], idx_v)

    def chunk_coords(c):
        s = c // CPR
        bt = c % CPR
        return s, bt, s // 8 - st0, s % 8

    def idx_slice(c):
        _, bt, lst, si = chunk_coords(c)
        return idx_v.at[lst, bt, si]

    def out_slice(c):
        s, bt, _, _ = chunk_coords(c)
        return out_hbm.at[s, pl.ds(bt * CHUNK, CHUNK)]

    def fire_gathers(g, buf, gsem):
        for b in range(K):
            c = chunk0 + g * K + b
            pltpu.async_copy(table_hbm.at[idx_slice(c)], buf.at[b], gsem)

    def drain_then_write(g, buf, gsem, wsem):
        for b in range(K):
            c = chunk0 + g * K + b
            pltpu.make_async_copy(table_hbm.at[idx_slice(c)], buf.at[b],
                                  gsem).wait()
        for b in range(K):
            c = chunk0 + g * K + b
            pltpu.async_copy(buf.at[b], out_slice(c), wsem)

    def drain_writes(g, buf, wsem):
        for b in range(K):
            c = chunk0 + g * K + b
            pltpu.make_async_copy(buf.at[b], out_slice(c), wsem).wait()

    fire_gathers(0, buf_a, gsem_a)

    def body(i, carry):
        g0 = 2 * i
        fire_gathers(g0 + 1, buf_b, gsem_b)
        drain_then_write(g0, buf_a, gsem_a, wsem_a)
        drain_writes(g0, buf_a, wsem_a)

        @pl.when(g0 + 2 < NG)
        def _():
            fire_gathers(g0 + 2, buf_a, gsem_a)

        drain_then_write(g0 + 1, buf_b, gsem_b, wsem_b)
        drain_writes(g0 + 1, buf_b, wsem_b)
        return carry

    lax.fori_loop(0, NG // 2, body, 0)


def kernel(inputs, inputs_len, table):
    del inputs_len
    idx4 = inputs.reshape(ST, 8, CPR, CHUNK).transpose(0, 2, 1, 3)
    return _gather_kernel(idx4, table)

# --- scband reference (transcript-rebuilt; emitter-appended) ---
"""Pipeline reference for scband-embedding-layer-89567247991681 (READ-ONLY COPY).

The authoritative reference and input builder live on the scoring server;
editing this copy changes nothing except your own understanding.
"""

import jax, jax.numpy as jnp
import numpy as np

PAD = 0
VOCAB = 1000000
EMBED_DIM = 64
SEQ = 200
BATCH = 1024


def setup_inputs(seed: int = 0) -> dict:
    key = jax.random.key(seed)
    k1, k2, k3 = jax.random.split(key, 3)
    inputs = jax.random.randint(k1, (SEQ, BATCH), 0, VOCAB, dtype=jnp.int32)
    inputs_len = jax.random.randint(k2, (BATCH,), 1, SEQ + 1, dtype=jnp.int32)
    # Embedding table; padding_idx row is zero (nn.Embedding zeroes the PAD row).
    table = jax.random.normal(k3, (VOCAB, EMBED_DIM), dtype=jnp.float32) * 0.02
    table = table.at[PAD].set(0.0)
    return {"inputs": inputs, "inputs_len": inputs_len, "table": table}


def reference(inputs, inputs_len, table):
    # Eval-mode forward: word_dropout / word_permute / embed_dropout are
    # training-only (self.training gates) or no-ops when rates are 0, so the
    # forward pass is a pure embedding lookup. inputs_len is unused in eval.
    embed = jnp.take(table, inputs, axis=0)
    return embed

if __name__ == "__main__":
    import jax
    _d = setup_inputs()
    print(jax.jit(kernel)(*tuple(_d.values())))

</pallas_src>

<mosaic_0001>
#map = affine_map<(d0, d1) -> (0, 0, 0, 0)>
#map1 = affine_map<(d0, d1) -> (0, 0)>
#map2 = affine_map<(d0, d1) -> (0, 0, 0)>
module attributes {stable_mosaic.version = 14 : i64} {
  func.func @_gather_kernel(%arg0: i32, %arg1: i32, %arg2: memref<25x8x8x128xi32, #tpu.memory_space<hbm>>, %arg3: memref<1000000x64xf32, #tpu.memory_space<hbm>>, %arg4: memref<200x1024x64xf32, #tpu.memory_space<hbm>>, %arg5: memref<2x8x8x128xi32, #tpu.memory_space<vmem>>, %arg6: memref<5x128x64xf32, #tpu.memory_space<vmem>>, %arg7: memref<5x128x64xf32, #tpu.memory_space<vmem>>, %arg8: memref<!tpu.dma_semaphore, #tpu.memory_space<semaphore_mem>>, %arg9: memref<!tpu.dma_semaphore, #tpu.memory_space<semaphore_mem>>, %arg10: memref<!tpu.dma_semaphore, #tpu.memory_space<semaphore_mem>>, %arg11: memref<!tpu.dma_semaphore, #tpu.memory_space<semaphore_mem>>) attributes {dimension_semantics = [#tpu.dimension_semantics<core_parallel>, #tpu.dimension_semantics<subcore_parallel>], iteration_bounds = array<i64: 2, 16>, scalar_prefetch = 0 : i64, scratch_operands = 7 : i64, tpu.core_type = #tpu.core_type<sc_vector_subcore>, window_params = [{transform_indices = #map}, {transform_indices = #map1}, {transform_indices = #map2}]} {
    %mul3A = arith.constant 2 : i32
    %mul3A_0 = arith.muli %arg1, %mul3A : i32
    %add3A = arith.addi %mul3A_0, %arg0 : i32
    %mul3A_1 = arith.constant 50 : i32
    %mul3A_2 = arith.muli %add3A, %mul3A_1 : i32
    %jit3A = arith.constant 8 : i32
    %div3A = arith.divsi %mul3A_2, %jit3A : i32
    %sign3A = arith.constant 0 : i32
    %sign3A_3 = arith.cmpi sgt, %mul3A_2, %sign3A : i32
    %sign3A_4 = arith.extui %sign3A_3 : i1 to i32
    %sign3A_5 = arith.constant 0 : i32
    %sign3A_6 = arith.cmpi slt, %mul3A_2, %sign3A_5 : i32
    %sign3A_7 = arith.extui %sign3A_6 : i1 to i32
    %sign3A_8 = arith.subi %sign3A_4, %sign3A_7 : i32
    %sign3A_9 = arith.constant 0 : i32
    %sign3A_10 = arith.cmpi sgt, %jit3A, %sign3A_9 : i32
    %sign3A_11 = arith.extui %sign3A_10 : i1 to i32
    %sign3A_12 = arith.constant 0 : i32
    %sign3A_13 = arith.cmpi slt, %jit3A, %sign3A_12 : i32
    %sign3A_14 = arith.extui %sign3A_13 : i1 to i32
    %sign3A_15 = arith.subi %sign3A_11, %sign3A_14 : i32
    %ne3A = arith.cmpi ne, %sign3A_8, %sign3A_15 : i32
    %rem3A = arith.remsi %mul3A_2, %jit3A : i32
    %ne3A_16 = arith.constant 0 : i32
    %ne3A_17 = arith.cmpi ne, %rem3A, %ne3A_16 : i32
    %and3A = arith.andi %ne3A, %ne3A_17 : i1
    %sub3A = arith.constant 1 : i32
    %sub3A_18 = arith.subi %div3A, %sub3A : i32
    %select_n3A = arith.select %and3A, %sub3A_18, %div3A : i32
    %jit3A_19 = arith.constant 8 : i32
    %div3A_20 = arith.divsi %select_n3A, %jit3A_19 : i32
    %sign3A_21 = arith.constant 0 : i32
    %sign3A_22 = arith.cmpi sgt, %select_n3A, %sign3A_21 : i32
    %sign3A_23 = arith.extui %sign3A_22 : i1 to i32
    %sign3A_24 = arith.constant 0 : i32
    %sign3A_25 = arith.cmpi slt, %select_n3A, %sign3A_24 : i32
    %sign3A_26 = arith.extui %sign3A_25 : i1 to i32
    %sign3A_27 = arith.subi %sign3A_23, %sign3A_26 : i32
    %sign3A_28 = arith.constant 0 : i32
    %sign3A_29 = arith.cmpi sgt, %jit3A_19, %sign3A_28 : i32
    %sign3A_30 = arith.extui %sign3A_29 : i1 to i32
    %sign3A_31 = arith.constant 0 : i32
    %sign3A_32 = arith.cmpi slt, %jit3A_19, %sign3A_31 : i32
    %sign3A_33 = arith.extui %sign3A_32 : i1 to i32
    %sign3A_34 = arith.subi %sign3A_30, %sign3A_33 : i32
    %ne3A_35 = arith.cmpi ne, %sign3A_27, %sign3A_34 : i32
    %rem3A_36 = arith.remsi %select_n3A, %jit3A_19 : i32
    %ne3A_37 = arith.constant 0 : i32
    %ne3A_38 = arith.cmpi ne, %rem3A_36, %ne3A_37 : i32
    %and3A_39 = arith.andi %ne3A_35, %ne3A_38 : i1
    %sub3A_40 = arith.constant 1 : i32
    %sub3A_41 = arith.subi %div3A_20, %sub3A_40 : i32
    %select_n3A_42 = arith.select %and3A_39, %sub3A_41, %div3A_20 : i32
    %min3A = arith.constant 23 : i32
    %min3A_43 = arith.minsi %select_n3A_42, %min3A : i32
    "tpu.region"() ({
      %run_scoped3A = tpu.sem_alloc : memref<!tpu.dma_semaphore, #tpu.memory_space<semaphore_mem>>
      %dma_start3A_526 = arith.constant 0 : i32
      %dma_start3A_527 = arith.constant 0 : i32
      %dma_start3A_528 = arith.constant 0 : i32
      %dma_start3A_529 = tpu.memref_slice %arg2[%min3A_43, %dma_start3A_526, %dma_start3A_527, %dma_start3A_528] : memref<25x8x8x128xi32, #tpu.memory_space<hbm>> -> memref<2x8x8x128xi32, #tpu.memory_space<hbm>>
      %dma_start3A_530 = arith.constant 0 : i32
      %dma_start3A_531 = arith.constant 0 : i32
      %dma_start3A_532 = arith.constant 0 : i32
      %dma_start3A_533 = tpu.memref_slice %arg2[%min3A_43, %dma_start3A_530, %dma_start3A_531, %dma_start3A_532] : memref<25x8x8x128xi32, #tpu.memory_space<hbm>> -> memref<2x8x8x128xi32, #tpu.memory_space<hbm>>
      tpu.enqueue_dma source(%dma_start3A_533 : memref<2x8x8x128xi32, #tpu.memory_space<hbm>>) target(%arg5 : memref<2x8x8x128xi32, #tpu.memory_space<vmem>>) target_semaphore(%run_scoped3A : memref<!tpu.dma_semaphore, #tpu.memory_space<semaphore_mem>>)
      %dma_wait3A = arith.constant 0 : i32
      %dma_wait3A_534 = arith.constant 0 : i32
      %dma_wait3A_535 = arith.constant 0 : i32
      %dma_wait3A_536 = tpu.memref_slice %arg2[%min3A_43, %dma_wait3A, %dma_wait3A_534, %dma_wait3A_535] : memref<25x8x8x128xi32, #tpu.memory_space<hbm>> -> memref<2x8x8x128xi32, #tpu.memory_space<hbm>>
      %dma_wait3A_537 = arith.constant 0 : i32
      %dma_wait3A_538 = arith.constant 0 : i32
      %dma_wait3A_539 = arith.constant 0 : i32
      %dma_wait3A_540 = tpu.memref_slice %arg2[%min3A_43, %dma_wait3A_537, %dma_wait3A_538, %dma_wait3A_539] : memref<25x8x8x128xi32, #tpu.memory_space<hbm>> -> memref<2x8x8x128xi32, #tpu.memory_space<hbm>>
      tpu.wait_dma2 semaphore(%run_scoped3A : memref<!tpu.dma_semaphore, #tpu.memory_space<semaphore_mem>>) src(%dma_wait3A_540 : memref<2x8x8x128xi32, #tpu.memory_space<hbm>>) dst(%arg5 : memref<2x8x8x128xi32, #tpu.memory_space<vmem>>)
      tpu.yield
    }) : () -> ()
    %add3A_44 = arith.constant 0 : i32
    %add3A_45 = arith.addi %mul3A_2, %add3A_44 : i32
    %add3A_46 = arith.constant 0 : i32
    %add3A_47 = arith.addi %add3A_45, %add3A_46 : i32
    %jit3A_48 = arith.constant 8 : i32
    %div3A_49 = arith.divsi %add3A_47, %jit3A_48 : i32
    %sign3A_50 = arith.constant 0 : i32
    %sign3A_51 = arith.cmpi sgt, %add3A_47, %sign3A_50 : i32
    %sign3A_52 = arith.extui %sign3A_51 : i1 to i32
    %sign3A_53 = arith.constant 0 : i32
    %sign3A_54 = arith.cmpi slt, %add3A_47, %sign3A_53 : i32
    %sign3A_55 = arith.extui %sign3A_54 : i1 to i32
    %sign3A_56 = arith.subi %sign3A_52, %sign3A_55 : i32
    %sign3A_57 = arith.constant 0 : i32
    %sign3A_58 = arith.cmpi sgt, %jit3A_48, %sign3A_57 : i32
    %sign3A_59 = arith.extui %sign3A_58 : i1 to i32
    %sign3A_60 = arith.constant 0 : i32
    %sign3A_61 = arith.cmpi slt, %jit3A_48, %sign3A_60 : i32
    %sign3A_62 = arith.extui %sign3A_61 : i1 to i32
    %sign3A_63 = arith.subi %sign3A_59, %sign3A_62 : i32
    %ne3A_64 = arith.cmpi ne, %sign3A_56, %sign3A_63 : i32
    %rem3A_65 = arith.remsi %add3A_47, %jit3A_48 : i32
    %ne3A_66 = arith.constant 0 : i32
    %ne3A_67 = arith.cmpi ne, %rem3A_65, %ne3A_66 : i32
    %and3A_68 = arith.andi %ne3A_64, %ne3A_67 : i1
    %sub3A_69 = arith.constant 1 : i32
    %sub3A_70 = arith.subi %div3A_49, %sub3A_69 : i32
    %select_n3A_71 = arith.select %and3A_68, %sub3A_70, %div3A_49 : i32
    %jit3A_72 = arith.constant 8 : i32
    %eq3A = arith.constant 0 : i32
    %eq3A_73 = arith.cmpi eq, %jit3A_72, %eq3A : i32
    %jit3A_74 = arith.constant 1 : i32
    %select_n3A_75 = arith.select %eq3A_73, %jit3A_74, %jit3A_72 : i32
    %rem3A_76 = arith.remsi %add3A_47, %select_n3A_75 : i32
    %ne3A_77 = arith.constant 0 : i32
    %ne3A_78 = arith.cmpi ne, %rem3A_76, %ne3A_77 : i32
    %lt3A = arith.constant 0 : i32
    %lt3A_79 = arith.cmpi slt, %rem3A_76, %lt3A : i32
    %lt3A_80 = arith.constant 0 : i32
    %lt3A_81 = arith.cmpi slt, %select_n3A_75, %lt3A_80 : i32
    %ne3A_82 = arith.xori %lt3A_79, %lt3A_81 : i1
    %and3A_83 = arith.andi %ne3A_82, %ne3A_78 : i1
    %add3A_84 = arith.addi %rem3A_76, %select_n3A_75 : i32
    %select_n3A_85 = arith.select %and3A_83, %add3A_84, %rem3A_76 : i32
    %jit3A_86 = arith.constant 8 : i32
    %div3A_87 = arith.divsi %select_n3A_71, %jit3A_86 : i32
    %sign3A_88 = arith.constant 0 : i32
    %sign3A_89 = arith.cmpi sgt, %select_n3A_71, %sign3A_88 : i32
    %sign3A_90 = arith.extui %sign3A_89 : i1 to i32
    %sign3A_91 = arith.constant 0 : i32
    %sign3A_92 = arith.cmpi slt, %select_n3A_71, %sign3A_91 : i32
    %sign3A_93 = arith.extui %sign3A_92 : i1 to i32
    %sign3A_94 = arith.subi %sign3A_90, %sign3A_93 : i32
    %sign3A_95 = arith.constant 0 : i32
    %sign3A_96 = arith.cmpi sgt, %jit3A_86, %sign3A_95 : i32
    %sign3A_97 = arith.extui %sign3A_96 : i1 to i32
    %sign3A_98 = arith.constant 0 : i32
    %sign3A_99 = arith.cmpi slt, %jit3A_86, %sign3A_98 : i32
    %sign3A_100 = arith.extui %sign3A_99 : i1 to i32
    %sign3A_101 = arith.subi %sign3A_97, %sign3A_100 : i32
    %ne3A_102 = arith.cmpi ne, %sign3A_94, %sign3A_101 : i32
    %rem3A_103 = arith.remsi %select_n3A_71, %jit3A_86 : i32
    %ne3A_104 = arith.constant 0 : i32
    %ne3A_105 = arith.cmpi ne, %rem3A_103, %ne3A_104 : i32
    %and3A_106 = arith.andi %ne3A_102, %ne3A_105 : i1
    %sub3A_107 = arith.constant 1 : i32
    %sub3A_108 = arith.subi %div3A_87, %sub3A_107 : i32
    %select_n3A_109 = arith.select %and3A_106, %sub3A_108, %div3A_87 : i32
    %sub3A_110 = arith.subi %select_n3A_109, %min3A_43 : i32
    %jit3A_111 = arith.constant 8 : i32
    %eq3A_112 = arith.constant 0 : i32
    %eq3A_113 = arith.cmpi eq, %jit3A_111, %eq3A_112 : i32
    %jit3A_114 = arith.constant 1 : i32
    %select_n3A_115 = arith.select %eq3A_113, %jit3A_114, %jit3A_111 : i32
    %rem3A_116 = arith.remsi %select_n3A_71, %select_n3A_115 : i32
    %ne3A_117 = arith.constant 0 : i32
    %ne3A_118 = arith.cmpi ne, %rem3A_116, %ne3A_117 : i32
    %lt3A_119 = arith.constant 0 : i32
    %lt3A_120 = arith.cmpi slt, %rem3A_116, %lt3A_119 : i32
    %lt3A_121 = arith.constant 0 : i32
    %lt3A_122 = arith.cmpi slt, %select_n3A_115, %lt3A_121 : i32
    %ne3A_123 = arith.xori %lt3A_120, %lt3A_122 : i1
    %and3A_124 = arith.andi %ne3A_123, %ne3A_118 : i1
    %add3A_125 = arith.addi %rem3A_116, %select_n3A_115 : i32
    %select_n3A_126 = arith.select %and3A_124, %add3A_125, %rem3A_116 : i32
    %dma_start3A = arith.constant 0 : i32
    %dma_start3A_127 = arith.constant 0 : i32
    %dma_start3A_128 = arith.constant 0 : i32
    %dma_start3A_129 = tpu.memref_slice %arg6[%dma_start3A, %dma_start3A_127, %dma_start3A_128] : memref<5x128x64xf32, #tpu.memory_space<vmem>> -> memref<1x128x64xf32, #tpu.memory_space<vmem>>
    %dma_start3A_130 = tpu.memref_squeeze %dma_start3A_129 : memref<1x128x64xf32, #tpu.memory_space<vmem>> -> memref<128x64xf32, #tpu.memory_space<vmem>>
    %dma_start3A_131 = arith.constant 0 : i32
    %dma_start3A_132 = tpu.memref_slice %arg5[%sub3A_110, %select_n3A_85, %select_n3A_126, %dma_start3A_131] : memref<2x8x8x128xi32, #tpu.memory_space<vmem>> -> memref<1x1x1x128xi32, #tpu.memory_space<vmem>>
    %dma_start3A_133 = tpu.memref_squeeze %dma_start3A_132 : memref<1x1x1x128xi32, #tpu.memory_space<vmem>> -> memref<128xi32, #tpu.memory_space<vmem>>
    %dma_start3A_134 = arith.constant 0 : i32
    %dma_start3A_135 = arith.constant 0 : i32
    %dma_start3A_136 = tpu.memref_slice %arg3[%dma_start3A_134, %dma_start3A_135] : memref<1000000x64xf32, #tpu.memory_space<hbm>> -> memref<1000000x64xf32, #tpu.memory_space<hbm>>
    tpu.enqueue_indirect_dma source(%dma_start3A_136 : memref<1000000x64xf32, #tpu.memory_space<hbm>>) target(%dma_start3A_130 : memref<128x64xf32, #tpu.memory_space<vmem>>) offsets(%dma_start3A_133 : memref<128xi32, #tpu.memory_space<vmem>>) semaphore(%arg8 : memref<!tpu.dma_semaphore, #tpu.memory_space<semaphore_mem>>)
    %add3A_137 = arith.constant 0 : i32
    %add3A_138 = arith.addi %mul3A_2, %add3A_137 : i32
    %add3A_139 = arith.constant 1 : i32
    %add3A_140 = arith.addi %add3A_138, %add3A_139 : i32
    %jit3A_141 = arith.constant 8 : i32
    %div3A_142 = arith.divsi %add3A_140, %jit3A_141 : i32
    %sign3A_143 = arith.constant 0 : i32
    %sign3A_144 = arith.cmpi sgt, %add3A_140, %sign3A_143 : i32
    %sign3A_145 = arith.extui %sign3A_144 : i1 to i32
    %sign3A_146 = arith.constant 0 : i32
    %sign3A_147 = arith.cmpi slt, %add3A_140, %sign3A_146 : i32
    %sign3A_148 = arith.extui %sign3A_147 : i1 to i32
    %sign3A_149 = arith.subi %sign3A_145, %sign3A_148 : i32
    %sign3A_150 = arith.constant 0 : i32
    %sign3A_151 = arith.cmpi sgt, %jit3A_141, %sign3A_150 : i32
    %sign3A_152 = arith.extui %sign3A_151 : i1 to i32
    %sign3A_153 = arith.constant 0 : i32
    %sign3A_154 = arith.cmpi slt, %jit3A_141, %sign3A_153 : i32
    %sign3A_155 = arith.extui %sign3A_154 : i1 to i32
    %sign3A_156 = arith.subi %sign3A_152, %sign3A_155 : i32
    %ne3A_157 = arith.cmpi ne, %sign3A_149, %sign3A_156 : i32
    %rem3A_158 = arith.remsi %add3A_140, %jit3A_141 : i32
    %ne3A_159 = arith.constant 0 : i32
    %ne3A_160 = arith.cmpi ne, %rem3A_158, %ne3A_159 : i32
    %and3A_161 = arith.andi %ne3A_157, %ne3A_160 : i1
    %sub3A_162 = arith.constant 1 : i32
    %sub3A_163 = arith.subi %div3A_142, %sub3A_162 : i32
    %select_n3A_164 = arith.select %and3A_161, %sub3A_163, %div3A_142 : i32
    %jit3A_165 = arith.constant 8 : i32
    %eq3A_166 = arith.constant 0 : i32
    %eq3A_167 = arith.cmpi eq, %jit3A_165, %eq3A_166 : i32
    %jit3A_168 = arith.constant 1 : i32
    %select_n3A_169 = arith.select %eq3A_167, %jit3A_168, %jit3A_165 : i32
    %rem3A_170 = arith.remsi %add3A_140, %select_n3A_169 : i32
    %ne3A_171 = arith.constant 0 : i32
    %ne3A_172 = arith.cmpi ne, %rem3A_170, %ne3A_171 : i32
    %lt3A_173 = arith.constant 0 : i32
    %lt3A_174 = arith.cmpi slt, %rem3A_170, %lt3A_173 : i32
    %lt3A_175 = arith.constant 0 : i32
    %lt3A_176 = arith.cmpi slt, %select_n3A_169, %lt3A_175 : i32
    %ne3A_177 = arith.xori %lt3A_174, %lt3A_176 : i1
    %and3A_178 = arith.andi %ne3A_177, %ne3A_172 : i1
    %add3A_179 = arith.addi %rem3A_170, %select_n3A_169 : i32
    %select_n3A_180 = arith.select %and3A_178, %add3A_179, %rem3A_170 : i32
    %jit3A_181 = arith.constant 8 : i32
    %div3A_182 = arith.divsi %select_n3A_164, %jit3A_181 : i32
    %sign3A_183 = arith.constant 0 : i32
    %sign3A_184 = arith.cmpi sgt, %select_n3A_164, %sign3A_183 : i32
    %sign3A_185 = arith.extui %sign3A_184 : i1 to i32
    %sign3A_186 = arith.constant 0 : i32
    %sign3A_187 = arith.cmpi slt, %select_n3A_164, %sign3A_186 : i32
    %sign3A_188 = arith.extui %sign3A_187 : i1 to i32
    %sign3A_189 = arith.subi %sign3A_185, %sign3A_188 : i32
    %sign3A_190 = arith.constant 0 : i32
    %sign3A_191 = arith.cmpi sgt, %jit3A_181, %sign3A_190 : i32
    %sign3A_192 = arith.extui %sign3A_191 : i1 to i32
    %sign3A_193 = arith.constant 0 : i32
    %sign3A_194 = arith.cmpi slt, %jit3A_181, %sign3A_193 : i32
    %sign3A_195 = arith.extui %sign3A_194 : i1 to i32
    %sign3A_196 = arith.subi %sign3A_192, %sign3A_195 : i32
    %ne3A_197 = arith.cmpi ne, %sign3A_189, %sign3A_196 : i32
    %rem3A_198 = arith.remsi %select_n3A_164, %jit3A_181 : i32
    %ne3A_199 = arith.constant 0 : i32
    %ne3A_200 = arith.cmpi ne, %rem3A_198, %ne3A_199 : i32
    %and3A_201 = arith.andi %ne3A_197, %ne3A_200 : i1
    %sub3A_202 = arith.constant 1 : i32
    %sub3A_203 = arith.subi %div3A_182, %sub3A_202 : i32
    %select_n3A_204 = arith.select %and3A_201, %sub3A_203, %div3A_182 : i32
    %sub3A_205 = arith.subi %select_n3A_204, %min3A_43 : i32
    %jit3A_206 = arith.constant 8 : i32
    %eq3A_207 = arith.constant 0 : i32
    %eq3A_208 = arith.cmpi eq, %jit3A_206, %eq3A_207 : i32
    %jit3A_209 = arith.constant 1 : i32
    %select_n3A_210 = arith.select %eq3A_208, %jit3A_209, %jit3A_206 : i32
    %rem3A_211 = arith.remsi %select_n3A_164, %select_n3A_210 : i32
    %ne3A_212 = arith.constant 0 : i32
    %ne3A_213 = arith.cmpi ne, %rem3A_211, %ne3A_212 : i32
    %lt3A_214 = arith.constant 0 : i32
    %lt3A_215 = arith.cmpi slt, %rem3A_211, %lt3A_214 : i32
    %lt3A_216 = arith.constant 0 : i32
    %lt3A_217 = arith.cmpi slt, %select_n3A_210, %lt3A_216 : i32
    %ne3A_218 = arith.xori %lt3A_215, %lt3A_217 : i1
    %and3A_219 = arith.andi %ne3A_218, %ne3A_213 : i1
    %add3A_220 = arith.addi %rem3A_211, %select_n3A_210 : i32
    %select_n3A_221 = arith.select %and3A_219, %add3A_220, %rem3A_211 : i32
    %dma_start3A_222 = arith.constant 1 : i32
    %dma_start3A_223 = arith.constant 0 : i32
    %dma_start3A_224 = arith.constant 0 : i32
    %dma_start3A_225 = tpu.memref_slice %arg6[%dma_start3A_222, %dma_start3A_223, %dma_start3A_224] : memref<5x128x64xf32, #tpu.memory_space<vmem>> -> memref<1x128x64xf32, #tpu.memory_space<vmem>>
    %dma_start3A_226 = tpu.memref_squeeze %dma_start3A_225 : memref<1x128x64xf32, #tpu.memory_space<vmem>> -> memref<128x64xf32, #tpu.memory_space<vmem>>
    %dma_start3A_227 = arith.constant 0 : i32
    %dma_start3A_228 = tpu.memref_slice %arg5[%sub3A_205, %select_n3A_180, %select_n3A_221, %dma_start3A_227] : memref<2x8x8x128xi32, #tpu.memory_space<vmem>> -> memref<1x1x1x128xi32, #tpu.memory_space<vmem>>
    %dma_start3A_229 = tpu.memref_squeeze %dma_start3A_228 : memref<1x1x1x128xi32, #tpu.memory_space<vmem>> -> memref<128xi32, #tpu.memory_space<vmem>>
    %dma_start3A_230 = arith.constant 0 : i32
    %dma_start3A_231 = arith.constant 0 : i32
    %dma_start3A_232 = tpu.memref_slice %arg3[%dma_start3A_230, %dma_start3A_231] : memref<1000000x64xf32, #tpu.memory_space<hbm>> -> memref<1000000x64xf32, #tpu.memory_space<hbm>>
    tpu.enqueue_indirect_dma source(%dma_start3A_232 : memref<1000000x64xf32, #tpu.memory_space<hbm>>) target(%dma_start3A_226 : memref<128x64xf32, #tpu.memory_space<vmem>>) offsets(%dma_start3A_229 : memref<128xi32, #tpu.memory_space<vmem>>) semaphore(%arg8 : memref<!tpu.dma_semaphore, #tpu.memory_space<semaphore_mem>>)
    %add3A_233 = arith.constant 0 : i32
    %add3A_234 = arith.addi %mul3A_2, %add3A_233 : i32
    %add3A_235 = arith.constant 2 : i32
    %add3A_236 = arith.addi %add3A_234, %add3A_235 : i32
    %jit3A_237 = arith.constant 8 : i32
    %div3A_238 = arith.divsi %add3A_236, %jit3A_237 : i32
    %sign3A_239 = arith.constant 0 : i32
    %sign3A_240 = arith.cmpi sgt, %add3A_236, %sign3A_239 : i32
    %sign3A_241 = arith.extui %sign3A_240 : i1 to i32
    %sign3A_242 = arith.constant 0 : i32
    %sign3A_243 = arith.cmpi slt, %add3A_236, %sign3A_242 : i32
    %sign3A_244 = arith.extui %sign3A_243 : i1 to i32
    %sign3A_245 = arith.subi %sign3A_241, %sign3A_244 : i32
    %sign3A_246 = arith.constant 0 : i32
    %sign3A_247 = arith.cmpi sgt, %jit3A_237, %sign3A_246 : i32
    %sign3A_248 = arith.extui %sign3A_247 : i1 to i32
    %sign3A_249 = arith.constant 0 : i32
    %sign3A_250 = arith.cmpi slt, %jit3A_237, %sign3A_249 : i32
    %sign3A_251 = arith.extui %sign3A_250 : i1 to i32
    %sign3A_252 = arith.subi %sign3A_248, %sign3A_251 : i32
    %ne3A_253 = arith.cmpi ne, %sign3A_245, %sign3A_252 : i32
    %rem3A_254 = arith.remsi %add3A_236, %jit3A_237 : i32
    %ne3A_255 = arith.constant 0 : i32
    %ne3A_256 = arith.cmpi ne, %rem3A_254, %ne3A_255 : i32
    %and3A_257 = arith.andi %ne3A_253, %ne3A_256 : i1
    %sub3A_258 = arith.constant 1 : i32
    %sub3A_259 = arith.subi %div3A_238, %sub3A_258 : i32
    %select_n3A_260 = arith.select %and3A_257, %sub3A_259, %div3A_238 : i32
    %jit3A_261 = arith.constant 8 : i32
    %eq3A_262 = arith.constant 0 : i32
    %eq3A_263 = arith.cmpi eq, %jit3A_261, %eq3A_262 : i32
    %jit3A_264 = arith.constant 1 : i32
    %select_n3A_265 = arith.select %eq3A_263, %jit3A_264, %jit3A_261 : i32
    %rem3A_266 = arith.remsi %add3A_236, %select_n3A_265 : i32
    %ne3A_267 = arith.constant 0 : i32
    %ne3A_268 = arith.cmpi ne, %rem3A_266, %ne3A_267 : i32
    %lt3A_269 = arith.constant 0 : i32
    %lt3A_270 = arith.cmpi slt, %rem3A_266, %lt3A_269 : i32
    %lt3A_271 = arith.constant 0 : i32
    %lt3A_272 = arith.cmpi slt, %select_n3A_265, %lt3A_271 : i32
    %ne3A_273 = arith.xori %lt3A_270, %lt3A_272 : i1
    %and3A_274 = arith.andi %ne3A_273, %ne3A_268 : i1
    %add3A_275 = arith.addi %rem3A_266, %select_n3A_265 : i32
    %select_n3A_276 = arith.select %and3A_274, %add3A_275, %rem3A_266 : i32
    %jit3A_277 = arith.constant 8 : i32
    %div3A_278 = arith.divsi %select_n3A_260, %jit3A_277 : i32
    %sign3A_279 = arith.constant 0 : i32
    %sign3A_280 = arith.cmpi sgt, %select_n3A_260, %sign3A_279 : i32
    %sign3A_281 = arith.extui %sign3A_280 : i1 to i32
    %sign3A_282 = arith.constant 0 : i32
    %sign3A_283 = arith.cmpi slt, %select_n3A_260, %sign3A_282 : i32
    %sign3A_284 = arith.extui %sign3A_283 : i1 to i32
    %sign3A_285 = arith.subi %sign3A_281, %sign3A_284 : i32
    %sign3A_286 = arith.constant 0 : i32
    %sign3A_287 = arith.cmpi sgt, %jit3A_277, %sign3A_286 : i32
    %sign3A_288 = arith.extui %sign3A_287 : i1 to i32
    %sign3A_289 = arith.constant 0 : i32
    %sign3A_290 = arith.cmpi slt, %jit3A_277, %sign3A_289 : i32
    %sign3A_291 = arith.extui %sign3A_290 : i1 to i32
    %sign3A_292 = arith.subi %sign3A_288, %sign3A_291 : i32
    %ne3A_293 = arith.cmpi ne, %sign3A_285, %sign3A_292 : i32
    %rem3A_294 = arith.remsi %select_n3A_260, %jit3A_277 : i32
    %ne3A_295 = arith.constant 0 : i32
    %ne3A_296 = arith.cmpi ne, %rem3A_294, %ne3A_295 : i32
    %and3A_297 = arith.andi %ne3A_293, %ne3A_296 : i1
    %sub3A_298 = arith.constant 1 : i32
    %sub3A_299 = arith.subi %div3A_278, %sub3A_298 : i32
    %select_n3A_300 = arith.select %and3A_297, %sub3A_299, %div3A_278 : i32
    %sub3A_301 = arith.subi %select_n3A_300, %min3A_43 : i32
    %jit3A_302 = arith.constant 8 : i32
    %eq3A_303 = arith.constant 0 : i32
    %eq3A_304 = arith.cmpi eq, %jit3A_302, %eq3A_303 : i32
    %jit3A_305 = arith.constant 1 : i32
    %select_n3A_306 = arith.select %eq3A_304, %jit3A_305, %jit3A_302 : i32
    %rem3A_307 = arith.remsi %select_n3A_260, %select_n3A_306 : i32
    %ne3A_308 = arith.constant 0 : i32
    %ne3A_309 = arith.cmpi ne, %rem3A_307, %ne3A_308 : i32
    %lt3A_310 = arith.constant 0 : i32
    %lt3A_311 = arith.cmpi slt, %rem3A_307, %lt3A_310 : i32
    %lt3A_312 = arith.constant 0 : i32
    %lt3A_313 = arith.cmpi slt, %select_n3A_306, %lt3A_312 : i32
    %ne3A_314 = arith.xori %lt3A_311, %lt3A_313 : i1
    %and3A_315 = arith.andi %ne3A_314, %ne3A_309 : i1
    %add3A_316 = arith.addi %rem3A_307, %select_n3A_306 : i32
    %select_n3A_317 = arith.select %and3A_315, %add3A_316, %rem3A_307 : i32
    %dma_start3A_318 = arith.constant 2 : i32
    %dma_start3A_319 = arith.constant 0 : i32
    %dma_start3A_320 = arith.constant 0 : i32
    %dma_start3A_321 = tpu.memref_slice %arg6[%dma_start3A_318, %dma_start3A_319, %dma_start3A_320] : memref<5x128x64xf32, #tpu.memory_space<vmem>> -> memref<1x128x64xf32, #tpu.memory_space<vmem>>
    %dma_start3A_322 = tpu.memref_squeeze %dma_start3A_321 : memref<1x128x64xf32, #tpu.memory_space<vmem>> -> memref<128x64xf32, #tpu.memory_space<vmem>>
    %dma_start3A_323 = arith.constant 0 : i32
    %dma_start3A_324 = tpu.memref_slice %arg5[%sub3A_301, %select_n3A_276, %select_n3A_317, %dma_start3A_323] : memref<2x8x8x128xi32, #tpu.memory_space<vmem>> -> memref<1x1x1x128xi32, #tpu.memory_space<vmem>>
    %dma_start3A_325 = tpu.memref_squeeze %dma_start3A_324 : memref<1x1x1x128xi32, #tpu.memory_space<vmem>> -> memref<128xi32, #tpu.memory_space<vmem>>
    %dma_start3A_326 = arith.constant 0 : i32
    %dma_start3A_327 = arith.constant 0 : i32
    %dma_start3A_328 = tpu.memref_slice %arg3[%dma_start3A_326, %dma_start3A_327] : memref<1000000x64xf32, #tpu.memory_space<hbm>> -> memref<1000000x64xf32, #tpu.memory_space<hbm>>
    tpu.enqueue_indirect_dma source(%dma_start3A_328 : memref<1000000x64xf32, #tpu.memory_space<hbm>>) target(%dma_start3A_322 : memref<128x64xf32, #tpu.memory_space<vmem>>) offsets(%dma_start3A_325 : memref<128xi32, #tpu.memory_space<vmem>>) semaphore(%arg8 : memref<!tpu.dma_semaphore, #tpu.memory_space<semaphore_mem>>)
    %add3A_329 = arith.constant 0 : i32
    %add3A_330 = arith.addi %mul3A_2, %add3A_329 : i32
    %add3A_331 = arith.constant 3 : i32
    %add3A_332 = arith.addi %add3A_330, %add3A_331 : i32
    %jit3A_333 = arith.constant 8 : i32
    %div3A_334 = arith.divsi %add3A_332, %jit3A_333 : i32
    %sign3A_335 = arith.constant 0 : i32
    %sign3A_336 = arith.cmpi sgt, %add3A_332, %sign3A_335 : i32
    %sign3A_337 = arith.extui %sign3A_336 : i1 to i32
    %sign3A_338 = arith.constant 0 : i32
    %sign3A_339 = arith.cmpi slt, %add3A_332, %sign3A_338 : i32
    %sign3A_340 = arith.extui %sign3A_339 : i1 to i32
    %sign3A_341 = arith.subi %sign3A_337, %sign3A_340 : i32
    %sign3A_342 = arith.constant 0 : i32
    %sign3A_343 = arith.cmpi sgt, %jit3A_333, %sign3A_342 : i32
    %sign3A_344 = arith.extui %sign3A_343 : i1 to i32
    %sign3A_345 = arith.constant 0 : i32
    %sign3A_346 = arith.cmpi slt, %jit3A_333, %sign3A_345 : i32
    %sign3A_347 = arith.extui %sign3A_346 : i1 to i32
    %sign3A_348 = arith.subi %sign3A_344, %sign3A_347 : i32
    %ne3A_349 = arith.cmpi ne, %sign3A_341, %sign3A_348 : i32
    %rem3A_350 = arith.remsi %add3A_332, %jit3A_333 : i32
    %ne3A_351 = arith.constant 0 : i32
    %ne3A_352 = arith.cmpi ne, %rem3A_350, %ne3A_351 : i32
    %and3A_353 = arith.andi %ne3A_349, %ne3A_352 : i1
    %sub3A_354 = arith.constant 1 : i32
    %sub3A_355 = arith.subi %div3A_334, %sub3A_354 : i32
    %select_n3A_356 = arith.select %and3A_353, %sub3A_355, %div3A_334 : i32
    %jit3A_357 = arith.constant 8 : i32
    %eq3A_358 = arith.constant 0 : i32
    %eq3A_359 = arith.cmpi eq, %jit3A_357, %eq3A_358 : i32
    %jit3A_360 = arith.constant 1 : i32
    %select_n3A_361 = arith.select %eq3A_359, %jit3A_360, %jit3A_357 : i32
    %rem3A_362 = arith.remsi %add3A_332, %select_n3A_361 : i32
    %ne3A_363 = arith.constant 0 : i32
    %ne3A_364 = arith.cmpi ne, %rem3A_362, %ne3A_363 : i32
    %lt3A_365 = arith.constant 0 : i32
    %lt3A_366 = arith.cmpi slt, %rem3A_362, %lt3A_365 : i32
    %lt3A_367 = arith.constant 0 : i32
    %lt3A_368 = arith.cmpi slt, %select_n3A_361, %lt3A_367 : i32
    %ne3A_369 = arith.xori %lt3A_366, %lt3A_368 : i1
    %and3A_370 = arith.andi %ne3A_369, %ne3A_364 : i1
    %add3A_371 = arith.addi %rem3A_362, %select_n3A_361 : i32
    %select_n3A_372 = arith.select %and3A_370, %add3A_371, %rem3A_362 : i32
    %jit3A_373 = arith.constant 8 : i32
    %div3A_374 = arith.divsi %select_n3A_356, %jit3A_373 : i32
    %sign3A_375 = arith.constant 0 : i32
    %sign3A_376 = arith.cmpi sgt, %select_n3A_356, %sign3A_375 : i32
    %sign3A_377 = arith.extui %sign3A_376 : i1 to i32
    %sign3A_378 = arith.constant 0 : i32
    %sign3A_379 = arith.cmpi slt, %select_n3A_356, %sign3A_378 : i32
    %sign3A_380 = arith.extui %sign3A_379 : i1 to i32
    %sign3A_381 = arith.subi %sign3A_377, %sign3A_380 : i32
    %sign3A_382 = arith.constant 0 : i32
    %sign3A_383 = arith.cmpi sgt, %jit3A_373, %sign3A_382 : i32
    %sign3A_384 = arith.extui %sign3A_383 : i1 to i32
    %sign3A_385 = arith.constant 0 : i32
    %sign3A_386 = arith.cmpi slt, %jit3A_373, %sign3A_385 : i32
    %sign3A_387 = arith.extui %sign3A_386 : i1 to i32
    %sign3A_388 = arith.subi %sign3A_384, %sign3A_387 : i32
    %ne3A_389 = arith.cmpi ne, %sign3A_381, %sign3A_388 : i32
    %rem3A_390 = arith.remsi %select_n3A_356, %jit3A_373 : i32
    %ne3A_391 = arith.constant 0 : i32
    %ne3A_392 = arith.cmpi ne, %rem3A_390, %ne3A_391 : i32
    %and3A_393 = arith.andi %ne3A_389, %ne3A_392 : i1
    %sub3A_394 = arith.constant 1 : i32
    %sub3A_395 = arith.subi %div3A_374, %sub3A_394 : i32
    %select_n3A_396 = arith.select %and3A_393, %sub3A_395, %div3A_374 : i32
    %sub3A_397 = arith.subi %select_n3A_396, %min3A_43 : i32
    %jit3A_398 = arith.constant 8 : i32
    %eq3A_399 = arith.constant 0 : i32
    %eq3A_400 = arith.cmpi eq, %jit3A_398, %eq3A_399 : i32
    %jit3A_401 = arith.constant 1 : i32
    %select_n3A_402 = arith.select %eq3A_400, %jit3A_401, %jit3A_398 : i32
    %rem3A_403 = arith.remsi %select_n3A_356, %select_n3A_402 : i32
    %ne3A_404 = arith.constant 0 : i32
    %ne3A_405 = arith.cmpi ne, %rem3A_403, %ne3A_404 : i32
    %lt3A_406 = arith.constant 0 : i32
    %lt3A_407 = arith.cmpi slt, %rem3A_403, %lt3A_406 : i32
    %lt3A_408 = arith.constant 0 : i32
    %lt3A_409 = arith.cmpi slt, %select_n3A_402, %lt3A_408 : i32
    %ne3A_410 = arith.xori %lt3A_407, %lt3A_409 : i1
    %and3A_411 = arith.andi %ne3A_410, %ne3A_405 : i1
    %add3A_412 = arith.addi %rem3A_403, %select_n3A_402 : i32
    %select_n3A_413 = arith.select %and3A_411, %add3A_412, %rem3A_403 : i32
    %dma_start3A_414 = arith.constant 3 : i32
    %dma_start3A_415 = arith.constant 0 : i32
    %dma_start3A_416 = arith.constant 0 : i32
    %dma_start3A_417 = tpu.memref_slice %arg6[%dma_start3A_414, %dma_start3A_415, %dma_start3A_416] : memref<5x128x64xf32, #tpu.memory_space<vmem>> -> memref<1x128x64xf32, #tpu.memory_space<vmem>>
    %dma_start3A_418 = tpu.memref_squeeze %dma_start3A_417 : memref<1x128x64xf32, #tpu.memory_space<vmem>> -> memref<128x64xf32, #tpu.memory_space<vmem>>
    %dma_start3A_419 = arith.constant 0 : i32
    %dma_start3A_420 = tpu.memref_slice %arg5[%sub3A_397, %select_n3A_372, %select_n3A_413, %dma_start3A_419] : memref<2x8x8x128xi32, #tpu.memory_space<vmem>> -> memref<1x1x1x128xi32, #tpu.memory_space<vmem>>
    %dma_start3A_421 = tpu.memref_squeeze %dma_start3A_420 : memref<1x1x1x128xi32, #tpu.memory_space<vmem>> -> memref<128xi32, #tpu.memory_space<vmem>>
    %dma_start3A_422 = arith.constant 0 : i32
    %dma_start3A_423 = arith.constant 0 : i32
    %dma_start3A_424 = tpu.memref_slice %arg3[%dma_start3A_422, %dma_start3A_423] : memref<1000000x64xf32, #tpu.memory_space<hbm>> -> memref<1000000x64xf32, #tpu.memory_space<hbm>>
    tpu.enqueue_indirect_dma source(%dma_start3A_424 : memref<1000000x64xf32, #tpu.memory_space<hbm>>) target(%dma_start3A_418 : memref<128x64xf32, #tpu.memory_space<vmem>>) offsets(%dma_start3A_421 : memref<128xi32, #tpu.memory_space<vmem>>) semaphore(%arg8 : memref<!tpu.dma_semaphore, #tpu.memory_space<semaphore_mem>>)
    %add3A_425 = arith.constant 0 : i32
    %add3A_426 = arith.addi %mul3A_2, %add3A_425 : i32
    %add3A_427 = arith.constant 4 : i32
    %add3A_428 = arith.addi %add3A_426, %add3A_427 : i32
    %jit3A_429 = arith.constant 8 : i32
    %div3A_430 = arith.divsi %add3A_428, %jit3A_429 : i32
    %sign3A_431 = arith.constant 0 : i32
    %sign3A_432 = arith.cmpi sgt, %add3A_428, %sign3A_431 : i32
    %sign3A_433 = arith.extui %sign3A_432 : i1 to i32
    %sign3A_434 = arith.constant 0 : i32
    %sign3A_435 = arith.cmpi slt, %add3A_428, %sign3A_434 : i32
    %sign3A_436 = arith.extui %sign3A_435 : i1 to i32
    %sign3A_437 = arith.subi %sign3A_433, %sign3A_436 : i32
    %sign3A_438 = arith.constant 0 : i32
    %sign3A_439 = arith.cmpi sgt, %jit3A_429, %sign3A_438 : i32
    %sign3A_440 = arith.extui %sign3A_439 : i1 to i32
    %sign3A_441 = arith.constant 0 : i32
    %sign3A_442 = arith.cmpi slt, %jit3A_429, %sign3A_441 : i32
    %sign3A_443 = arith.extui %sign3A_442 : i1 to i32
    %sign3A_444 = arith.subi %sign3A_440, %sign3A_443 : i32
    %ne3A_445 = arith.cmpi ne, %sign3A_437, %sign3A_444 : i32
    %rem3A_446 = arith.remsi %add3A_428, %jit3A_429 : i32
    %ne3A_447 = arith.constant 0 : i32
    %ne3A_448 = arith.cmpi ne, %rem3A_446, %ne3A_447 : i32
    %and3A_449 = arith.andi %ne3A_445, %ne3A_448 : i1
    %sub3A_450 = arith.constant 1 : i32
    %sub3A_451 = arith.subi %div3A_430, %sub3A_450 : i32
    %select_n3A_452 = arith.select %and3A_449, %sub3A_451, %div3A_430 : i32
    %jit3A_453 = arith.constant 8 : i32
    %eq3A_454 = arith.constant 0 : i32
    %eq3A_455 = arith.cmpi eq, %jit3A_453, %eq3A_454 : i32
    %jit3A_456 = arith.constant 1 : i32
    %select_n3A_457 = arith.select %eq3A_455, %jit3A_456, %jit3A_453 : i32
    %rem3A_458 = arith.remsi %add3A_428, %select_n3A_457 : i32
    %ne3A_459 = arith.constant 0 : i32
    %ne3A_460 = arith.cmpi ne, %rem3A_458, %ne3A_459 : i32
    %lt3A_461 = arith.constant 0 : i32
    %lt3A_462 = arith.cmpi slt, %rem3A_458, %lt3A_461 : i32
    %lt3A_463 = arith.constant 0 : i32
    %lt3A_464 = arith.cmpi slt, %select_n3A_457, %lt3A_463 : i32
    %ne3A_465 = arith.xori %lt3A_462, %lt3A_464 : i1
    %and3A_466 = arith.andi %ne3A_465, %ne3A_460 : i1
    %add3A_467 = arith.addi %rem3A_458, %select_n3A_457 : i32
    %select_n3A_468 = arith.select %and3A_466, %add3A_467, %rem3A_458 : i32
    %jit3A_469 = arith.constant 8 : i32
    %div3A_470 = arith.divsi %select_n3A_452, %jit3A_469 : i32
    %sign3A_471 = arith.constant 0 : i32
    %sign3A_472 = arith.cmpi sgt, %select_n3A_452, %sign3A_471 : i32
    %sign3A_473 = arith.extui %sign3A_472 : i1 to i32
    %sign3A_474 = arith.constant 0 : i32
    %sign3A_475 = arith.cmpi slt, %select_n3A_452, %sign3A_474 : i32
    %sign3A_476 = arith.extui %sign3A_475 : i1 to i32
    %sign3A_477 = arith.subi %sign3A_473, %sign3A_476 : i32
    %sign3A_478 = arith.constant 0 : i32
    %sign3A_479 = arith.cmpi sgt, %jit3A_469, %sign3A_478 : i32
    %sign3A_480 = arith.extui %sign3A_479 : i1 to i32
    %sign3A_481 = arith.constant 0 : i32
    %sign3A_482 = arith.cmpi slt, %jit3A_469, %sign3A_481 : i32
    %sign3A_483 = arith.extui %sign3A_482 : i1 to i32
    %sign3A_484 = arith.subi %sign3A_480, %sign3A_483 : i32
    %ne3A_485 = arith.cmpi ne, %sign3A_477, %sign3A_484 : i32
    %rem3A_486 = arith.remsi %select_n3A_452, %jit3A_469 : i32
    %ne3A_487 = arith.constant 0 : i32
    %ne3A_488 = arith.cmpi ne, %rem3A_486, %ne3A_487 : i32
    %and3A_489 = arith.andi %ne3A_485, %ne3A_488 : i1
    %sub3A_490 = arith.constant 1 : i32
    %sub3A_491 = arith.subi %div3A_470, %sub3A_490 : i32
    %select_n3A_492 = arith.select %and3A_489, %sub3A_491, %div3A_470 : i32
    %sub3A_493 = arith.subi %select_n3A_492, %min3A_43 : i32
    %jit3A_494 = arith.constant 8 : i32
    %eq3A_495 = arith.constant 0 : i32
    %eq3A_496 = arith.cmpi eq, %jit3A_494, %eq3A_495 : i32
    %jit3A_497 = arith.constant 1 : i32
    %select_n3A_498 = arith.select %eq3A_496, %jit3A_497, %jit3A_494 : i32
    %rem3A_499 = arith.remsi %select_n3A_452, %select_n3A_498 : i32
    %ne3A_500 = arith.constant 0 : i32
    %ne3A_501 = arith.cmpi ne, %rem3A_499, %ne3A_500 : i32
    %lt3A_502 = arith.constant 0 : i32
    %lt3A_503 = arith.cmpi slt, %rem3A_499, %lt3A_502 : i32
    %lt3A_504 = arith.constant 0 : i32
    %lt3A_505 = arith.cmpi slt, %select_n3A_498, %lt3A_504 : i32
    %ne3A_506 = arith.xori %lt3A_503, %lt3A_505 : i1
    %and3A_507 = arith.andi %ne3A_506, %ne3A_501 : i1
    %add3A_508 = arith.addi %rem3A_499, %select_n3A_498 : i32
    %select_n3A_509 = arith.select %and3A_507, %add3A_508, %rem3A_499 : i32
    %dma_start3A_510 = arith.constant 4 : i32
    %dma_start3A_511 = arith.constant 0 : i32
    %dma_start3A_512 = arith.constant 0 : i32
    %dma_start3A_513 = tpu.memref_slice %arg6[%dma_start3A_510, %dma_start3A_511, %dma_start3A_512] : memref<5x128x64xf32, #tpu.memory_space<vmem>> -> memref<1x128x64xf32, #tpu.memory_space<vmem>>
    %dma_start3A_514 = tpu.memref_squeeze %dma_start3A_513 : memref<1x128x64xf32, #tpu.memory_space<vmem>> -> memref<128x64xf32, #tpu.memory_space<vmem>>
    %dma_start3A_515 = arith.constant 0 : i32
    %dma_start3A_516 = tpu.memref_slice %arg5[%sub3A_493, %select_n3A_468, %select_n3A_509, %dma_start3A_515] : memref<2x8x8x128xi32, #tpu.memory_space<vmem>> -> memref<1x1x1x128xi32, #tpu.memory_space<vmem>>
    %dma_start3A_517 = tpu.memref_squeeze %dma_start3A_516 : memref<1x1x1x128xi32, #tpu.memory_space<vmem>> -> memref<128xi32, #tpu.memory_space<vmem>>
    %dma_start3A_518 = arith.constant 0 : i32
    %dma_start3A_519 = arith.constant 0 : i32
    %dma_start3A_520 = tpu.memref_slice %arg3[%dma_start3A_518, %dma_start3A_519] : memref<1000000x64xf32, #tpu.memory_space<hbm>> -> memref<1000000x64xf32, #tpu.memory_space<hbm>>
    tpu.enqueue_indirect_dma source(%dma_start3A_520 : memref<1000000x64xf32, #tpu.memory_space<hbm>>) target(%dma_start3A_514 : memref<128x64xf32, #tpu.memory_space<vmem>>) offsets(%dma_start3A_517 : memref<128xi32, #tpu.memory_space<vmem>>) semaphore(%arg8 : memref<!tpu.dma_semaphore, #tpu.memory_space<semaphore_mem>>)
    %scan3A = arith.constant 0 : i32
    %scan3A_521 = arith.constant 0 : i32
    %scan3A_522 = arith.constant 5 : i32
    %scan3A_523 = arith.addi %scan3A_521, %scan3A_522 : i32
    %scan3A_524 = arith.constant 1 : i32
    scf.for %scan3A_526 = %scan3A_521 to %scan3A_523 step %scan3A_524  : i32 {
      %mul3A_527 = arith.constant 2 : i32
      %mul3A_528 = arith.muli %mul3A_527, %scan3A_526 : i32
      %add3A_529 = arith.constant 1 : i32
      %add3A_530 = arith.addi %mul3A_528, %add3A_529 : i32
      %mul3A_531 = arith.constant 5 : i32
      %mul3A_532 = arith.muli %add3A_530, %mul3A_531 : i32
      %add3A_533 = arith.addi %mul3A_2, %mul3A_532 : i32
      %add3A_534 = arith.constant 0 : i32
      %add3A_535 = arith.addi %add3A_533, %add3A_534 : i32
      %jit3A_536 = arith.constant 8 : i32
      %div3A_537 = arith.divsi %add3A_535, %jit3A_536 : i32
      %sign3A_538 = arith.constant 0 : i32
      %sign3A_539 = arith.cmpi sgt, %add3A_535, %sign3A_538 : i32
      %sign3A_540 = arith.extui %sign3A_539 : i1 to i32
      %sign3A_541 = arith.constant 0 : i32
      %sign3A_542 = arith.cmpi slt, %add3A_535, %sign3A_541 : i32
      %sign3A_543 = arith.extui %sign3A_542 : i1 to i32
      %sign3A_544 = arith.subi %sign3A_540, %sign3A_543 : i32
      %sign3A_545 = arith.constant 0 : i32
      %sign3A_546 = arith.cmpi sgt, %jit3A_536, %sign3A_545 : i32
      %sign3A_547 = arith.extui %sign3A_546 : i1 to i32
      %sign3A_548 = arith.constant 0 : i32
      %sign3A_549 = arith.cmpi slt, %jit3A_536, %sign3A_548 : i32
      %sign3A_550 = arith.extui %sign3A_549 : i1 to i32
      %sign3A_551 = arith.subi %sign3A_547, %sign3A_550 : i32
      %ne3A_552 = arith.cmpi ne, %sign3A_544, %sign3A_551 : i32
      %rem3A_553 = arith.remsi %add3A_535, %jit3A_536 : i32
      %ne3A_554 = arith.constant 0 : i32
      %ne3A_555 = arith.cmpi ne, %rem3A_553, %ne3A_554 : i32
      %and3A_556 = arith.andi %ne3A_552, %ne3A_555 : i1
      %sub3A_557 = arith.constant 1 : i32
      %sub3A_558 = arith.subi %div3A_537, %sub3A_557 : i32
      %select_n3A_559 = arith.select %and3A_556, %sub3A_558, %div3A_537 : i32
      %jit3A_560 = arith.constant 8 : i32
      %eq3A_561 = arith.constant 0 : i32
      %eq3A_562 = arith.cmpi eq, %jit3A_560, %eq3A_561 : i32
      %jit3A_563 = arith.constant 1 : i32
      %select_n3A_564 = arith.select %eq3A_562, %jit3A_563, %jit3A_560 : i32
      %rem3A_565 = arith.remsi %add3A_535, %select_n3A_564 : i32
      %ne3A_566 = arith.constant 0 : i32
      %ne3A_567 = arith.cmpi ne, %rem3A_565, %ne3A_566 : i32
      %lt3A_568 = arith.constant 0 : i32
      %lt3A_569 = arith.cmpi slt, %rem3A_565, %lt3A_568 : i32
      %lt3A_570 = arith.constant 0 : i32
      %lt3A_571 = arith.cmpi slt, %select_n3A_564, %lt3A_570 : i32
      %ne3A_572 = arith.xori %lt3A_569, %lt3A_571 : i1
      %and3A_573 = arith.andi %ne3A_572, %ne3A_567 : i1
      %add3A_574 = arith.addi %rem3A_565, %select_n3A_564 : i32
      %select_n3A_575 = arith.select %and3A_573, %add3A_574, %rem3A_565 : i32
      %jit3A_576 = arith.constant 8 : i32
      %div3A_577 = arith.divsi %select_n3A_559, %jit3A_576 : i32
      %sign3A_578 = arith.constant 0 : i32
      %sign3A_579 = arith.cmpi sgt, %select_n3A_559, %sign3A_578 : i32
      %sign3A_580 = arith.extui %sign3A_579 : i1 to i32
      %sign3A_581 = arith.constant 0 : i32
      %sign3A_582 = arith.cmpi slt, %select_n3A_559, %sign3A_581 : i32
      %sign3A_583 = arith.extui %sign3A_582 : i1 to i32
      %sign3A_584 = arith.subi %sign3A_580, %sign3A_583 : i32
      %sign3A_585 = arith.constant 0 : i32
      %sign3A_586 = arith.cmpi sgt, %jit3A_576, %sign3A_585 : i32
      %sign3A_587 = arith.extui %sign3A_586 : i1 to i32
      %sign3A_588 = arith.constant 0 : i32
      %sign3A_589 = arith.cmpi slt, %jit3A_576, %sign3A_588 : i32
      %sign3A_590 = arith.extui %sign3A_589 : i1 to i32
      %sign3A_591 = arith.subi %sign3A_587, %sign3A_590 : i32
      %ne3A_592 = arith.cmpi ne, %sign3A_584, %sign3A_591 : i32
      %rem3A_593 = arith.remsi %select_n3A_559, %jit3A_576 : i32
      %ne3A_594 = arith.constant 0 : i32
      %ne3A_595 = arith.cmpi ne, %rem3A_593, %ne3A_594 : i32
      %and3A_596 = arith.andi %ne3A_592, %ne3A_595 : i1
      %sub3A_597 = arith.constant 1 : i32
      %sub3A_598 = arith.subi %div3A_577, %sub3A_597 : i32
      %select_n3A_599 = arith.select %and3A_596, %sub3A_598, %div3A_577 : i32
      %sub3A_600 = arith.subi %select_n3A_599, %min3A_43 : i32
      %jit3A_601 = arith.constant 8 : i32
      %eq3A_602 = arith.constant 0 : i32
      %eq3A_603 = arith.cmpi eq, %jit3A_601, %eq3A_602 : i32
      %jit3A_604 = arith.constant 1 : i32
      %select_n3A_605 = arith.select %eq3A_603, %jit3A_604, %jit3A_601 : i32
      %rem3A_606 = arith.remsi %select_n3A_559, %select_n3A_605 : i32
      %ne3A_607 = arith.constant 0 : i32
      %ne3A_608 = arith.cmpi ne, %rem3A_606, %ne3A_607 : i32
      %lt3A_609 = arith.constant 0 : i32
      %lt3A_610 = arith.cmpi slt, %rem3A_606, %lt3A_609 : i32
      %lt3A_611 = arith.constant 0 : i32
      %lt3A_612 = arith.cmpi slt, %select_n3A_605, %lt3A_611 : i32
      %ne3A_613 = arith.xori %lt3A_610, %lt3A_612 : i1
      %and3A_614 = arith.andi %ne3A_613, %ne3A_608 : i1
      %add3A_615 = arith.addi %rem3A_606, %select_n3A_605 : i32
      %select_n3A_616 = arith.select %and3A_614, %add3A_615, %rem3A_606 : i32
      %dma_start3A_617 = arith.constant 0 : i32
      %dma_start3A_618 = arith.constant 0 : i32
      %dma_start3A_619 = arith.constant 0 : i32
      %dma_start3A_620 = tpu.memref_slice %arg7[%dma_start3A_617, %dma_start3A_618, %dma_start3A_619] : memref<5x128x64xf32, #tpu.memory_space<vmem>> -> memref<1x128x64xf32, #tpu.memory_space<vmem>>
      %dma_start3A_621 = tpu.memref_squeeze %dma_start3A_620 : memref<1x128x64xf32, #tpu.memory_space<vmem>> -> memref<128x64xf32, #tpu.memory_space<vmem>>
      %dma_start3A_622 = arith.constant 0 : i32
      %dma_start3A_623 = tpu.memref_slice %arg5[%sub3A_600, %select_n3A_575, %select_n3A_616, %dma_start3A_622] : memref<2x8x8x128xi32, #tpu.memory_space<vmem>> -> memref<1x1x1x128xi32, #tpu.memory_space<vmem>>
      %dma_start3A_624 = tpu.memref_squeeze %dma_start3A_623 : memref<1x1x1x128xi32, #tpu.memory_space<vmem>> -> memref<128xi32, #tpu.memory_space<vmem>>
      %dma_start3A_625 = arith.constant 0 : i32
      %dma_start3A_626 = arith.constant 0 : i32
      %dma_start3A_627 = tpu.memref_slice %arg3[%dma_start3A_625, %dma_start3A_626] : memref<1000000x64xf32, #tpu.memory_space<hbm>> -> memref<1000000x64xf32, #tpu.memory_space<hbm>>
      tpu.enqueue_indirect_dma source(%dma_start3A_627 : memref<1000000x64xf32, #tpu.memory_space<hbm>>) target(%dma_start3A_621 : memref<128x64xf32, #tpu.memory_space<vmem>>) offsets(%dma_start3A_624 : memref<128xi32, #tpu.memory_space<vmem>>) semaphore(%arg9 : memref<!tpu.dma_semaphore, #tpu.memory_space<semaphore_mem>>)
      %mul3A_628 = arith.constant 5 : i32
      %mul3A_629 = arith.muli %add3A_530, %mul3A_628 : i32
      %add3A_630 = arith.addi %mul3A_2, %mul3A_629 : i32
      %add3A_631 = arith.constant 1 : i32
      %add3A_632 = arith.addi %add3A_630, %add3A_631 : i32
      %jit3A_633 = arith.constant 8 : i32
      %div3A_634 = arith.divsi %add3A_632, %jit3A_633 : i32
      %sign3A_635 = arith.constant 0 : i32
      %sign3A_636 = arith.cmpi sgt, %add3A_632, %sign3A_635 : i32
      %sign3A_637 = arith.extui %sign3A_636 : i1 to i32
      %sign3A_638 = arith.constant 0 : i32
      %sign3A_639 = arith.cmpi slt, %add3A_632, %sign3A_638 : i32
      %sign3A_640 = arith.extui %sign3A_639 : i1 to i32
      %sign3A_641 = arith.subi %sign3A_637, %sign3A_640 : i32
      %sign3A_642 = arith.constant 0 : i32
      %sign3A_643 = arith.cmpi sgt, %jit3A_633, %sign3A_642 : i32
      %sign3A_644 = arith.extui %sign3A_643 : i1 to i32
      %sign3A_645 = arith.constant 0 : i32
      %sign3A_646 = arith.cmpi slt, %jit3A_633, %sign3A_645 : i32
      %sign3A_647 = arith.extui %sign3A_646 : i1 to i32
      %sign3A_648 = arith.subi %sign3A_644, %sign3A_647 : i32
      %ne3A_649 = arith.cmpi ne, %sign3A_641, %sign3A_648 : i32
      %rem3A_650 = arith.remsi %add3A_632, %jit3A_633 : i32
      %ne3A_651 = arith.constant 0 : i32
      %ne3A_652 = arith.cmpi ne, %rem3A_650, %ne3A_651 : i32
      %and3A_653 = arith.andi %ne3A_649, %ne3A_652 : i1
      %sub3A_654 = arith.constant 1 : i32
      %sub3A_655 = arith.subi %div3A_634, %sub3A_654 : i32
      %select_n3A_656 = arith.select %and3A_653, %sub3A_655, %div3A_634 : i32
      %jit3A_657 = arith.constant 8 : i32
      %eq3A_658 = arith.constant 0 : i32
      %eq3A_659 = arith.cmpi eq, %jit3A_657, %eq3A_658 : i32
      %jit3A_660 = arith.constant 1 : i32
      %select_n3A_661 = arith.select %eq3A_659, %jit3A_660, %jit3A_657 : i32
      %rem3A_662 = arith.remsi %add3A_632, %select_n3A_661 : i32
      %ne3A_663 = arith.constant 0 : i32
      %ne3A_664 = arith.cmpi ne, %rem3A_662, %ne3A_663 : i32
      %lt3A_665 = arith.constant 0 : i32
      %lt3A_666 = arith.cmpi slt, %rem3A_662, %lt3A_665 : i32
      %lt3A_667 = arith.constant 0 : i32
      %lt3A_668 = arith.cmpi slt, %select_n3A_661, %lt3A_667 : i32
      %ne3A_669 = arith.xori %lt3A_666, %lt3A_668 : i1
      %and3A_670 = arith.andi %ne3A_669, %ne3A_664 : i1
      %add3A_671 = arith.addi %rem3A_662, %select_n3A_661 : i32
      %select_n3A_672 = arith.select %and3A_670, %add3A_671, %rem3A_662 : i32
      %jit3A_673 = arith.constant 8 : i32
      %div3A_674 = arith.divsi %select_n3A_656, %jit3A_673 : i32
      %sign3A_675 = arith.constant 0 : i32
      %sign3A_676 = arith.cmpi sgt, %select_n3A_656, %sign3A_675 : i32
      %sign3A_677 = arith.extui %sign3A_676 : i1 to i32
      %sign3A_678 = arith.constant 0 : i32
      %sign3A_679 = arith.cmpi slt, %select_n3A_656, %sign3A_678 : i32
      %sign3A_680 = arith.extui %sign3A_679 : i1 to i32
      %sign3A_681 = arith.subi %sign3A_677, %sign3A_680 : i32
      %sign3A_682 = arith.constant 0 : i32
      %sign3A_683 = arith.cmpi sgt, %jit3A_673, %sign3A_682 : i32
      %sign3A_684 = arith.extui %sign3A_683 : i1 to i32
      %sign3A_685 = arith.constant 0 : i32
      %sign3A_686 = arith.cmpi slt, %jit3A_673, %sign3A_685 : i32
      %sign3A_687 = arith.extui %sign3A_686 : i1 to i32
      %sign3A_688 = arith.subi %sign3A_684, %sign3A_687 : i32
      %ne3A_689 = arith.cmpi ne, %sign3A_681, %sign3A_688 : i32
      %rem3A_690 = arith.remsi %select_n3A_656, %jit3A_673 : i32
      %ne3A_691 = arith.constant 0 : i32
      %ne3A_692 = arith.cmpi ne, %rem3A_690, %ne3A_691 : i32
      %and3A_693 = arith.andi %ne3A_689, %ne3A_692 : i1
      %sub3A_694 = arith.constant 1 : i32
      %sub3A_695 = arith.subi %div3A_674, %sub3A_694 : i32
      %select_n3A_696 = arith.select %and3A_693, %sub3A_695, %div3A_674 : i32
      %sub3A_697 = arith.subi %select_n3A_696, %min3A_43 : i32
      %jit3A_698 = arith.constant 8 : i32
      %eq3A_699 = arith.constant 0 : i32
      %eq3A_700 = arith.cmpi eq, %jit3A_698, %eq3A_699 : i32
      %jit3A_701 = arith.constant 1 : i32
      %select_n3A_702 = arith.select %eq3A_700, %jit3A_701, %jit3A_698 : i32
      %rem3A_703 = arith.remsi %select_n3A_656, %select_n3A_702 : i32
      %ne3A_704 = arith.constant 0 : i32
      %ne3A_705 = arith.cmpi ne, %rem3A_703, %ne3A_704 : i32
      %lt3A_706 = arith.constant 0 : i32
      %lt3A_707 = arith.cmpi slt, %rem3A_703, %lt3A_706 : i32
      %lt3A_708 = arith.constant 0 : i32
      %lt3A_709 = arith.cmpi slt, %select_n3A_702, %lt3A_708 : i32
      %ne3A_710 = arith.xori %lt3A_707, %lt3A_709 : i1
      %and3A_711 = arith.andi %ne3A_710, %ne3A_705 : i1
      %add3A_712 = arith.addi %rem3A_703, %select_n3A_702 : i32
      %select_n3A_713 = arith.select %and3A_711, %add3A_712, %rem3A_703 : i32
      %dma_start3A_714 = arith.constant 1 : i32
      %dma_start3A_715 = arith.constant 0 : i32
      %dma_start3A_716 = arith.constant 0 : i32
      %dma_start3A_717 = tpu.memref_slice %arg7[%dma_start3A_714, %dma_start3A_715, %dma_start3A_716] : memref<5x128x64xf32, #tpu.memory_space<vmem>> -> memref<1x128x64xf32, #tpu.memory_space<vmem>>
      %dma_start3A_718 = tpu.memref_squeeze %dma_start3A_717 : memref<1x128x64xf32, #tpu.memory_space<vmem>> -> memref<128x64xf32, #tpu.memory_space<vmem>>
      %dma_start3A_719 = arith.constant 0 : i32
      %dma_start3A_720 = tpu.memref_slice %arg5[%sub3A_697, %select_n3A_672, %select_n3A_713, %dma_start3A_719] : memref<2x8x8x128xi32, #tpu.memory_space<vmem>> -> memref<1x1x1x128xi32, #tpu.memory_space<vmem>>
      %dma_start3A_721 = tpu.memref_squeeze %dma_start3A_720 : memref<1x1x1x128xi32, #tpu.memory_space<vmem>> -> memref<128xi32, #tpu.memory_space<vmem>>
      %dma_start3A_722 = arith.constant 0 : i32
      %dma_start3A_723 = arith.constant 0 : i32
      %dma_start3A_724 = tpu.memref_slice %arg3[%dma_start3A_722, %dma_start3A_723] : memref<1000000x64xf32, #tpu.memory_space<hbm>> -> memref<1000000x64xf32, #tpu.memory_space<hbm>>
      tpu.enqueue_indirect_dma source(%dma_start3A_724 : memref<1000000x64xf32, #tpu.memory_space<hbm>>) target(%dma_start3A_718 : memref<128x64xf32, #tpu.memory_space<vmem>>) offsets(%dma_start3A_721 : memref<128xi32, #tpu.memory_space<vmem>>) semaphore(%arg9 : memref<!tpu.dma_semaphore, #tpu.memory_space<semaphore_mem>>)
      %mul3A_725 = arith.constant 5 : i32
      %mul3A_726 = arith.muli %add3A_530, %mul3A_725 : i32
      %add3A_727 = arith.addi %mul3A_2, %mul3A_726 : i32
      %add3A_728 = arith.constant 2 : i32
      %add3A_729 = arith.addi %add3A_727, %add3A_728 : i32
      %jit3A_730 = arith.constant 8 : i32
      %div3A_731 = arith.divsi %add3A_729, %jit3A_730 : i32
      %sign3A_732 = arith.constant 0 : i32
      %sign3A_733 = arith.cmpi sgt, %add3A_729, %sign3A_732 : i32
      %sign3A_734 = arith.extui %sign3A_733 : i1 to i32
      %sign3A_735 = arith.constant 0 : i32
      %sign3A_736 = arith.cmpi slt, %add3A_729, %sign3A_735 : i32
      %sign3A_737 = arith.extui %sign3A_736 : i1 to i32
      %sign3A_738 = arith.subi %sign3A_734, %sign3A_737 : i32
      %sign3A_739 = arith.constant 0 : i32
      %sign3A_740 = arith.cmpi sgt, %jit3A_730, %sign3A_739 : i32
      %sign3A_741 = arith.extui %sign3A_740 : i1 to i32
      %sign3A_742 = arith.constant 0 : i32
      %sign3A_743 = arith.cmpi slt, %jit3A_730, %sign3A_742 : i32
      %sign3A_744 = arith.extui %sign3A_743 : i1 to i32
      %sign3A_745 = arith.subi %sign3A_741, %sign3A_744 : i32
      %ne3A_746 = arith.cmpi ne, %sign3A_738, %sign3A_745 : i32
      %rem3A_747 = arith.remsi %add3A_729, %jit3A_730 : i32
      %ne3A_748 = arith.constant 0 : i32
      %ne3A_749 = arith.cmpi ne, %rem3A_747, %ne3A_748 : i32
      %and3A_750 = arith.andi %ne3A_746, %ne3A_749 : i1
      %sub3A_751 = arith.constant 1 : i32
      %sub3A_752 = arith.subi %div3A_731, %sub3A_751 : i32
      %select_n3A_753 = arith.select %and3A_750, %sub3A_752, %div3A_731 : i32
      %jit3A_754 = arith.constant 8 : i32
      %eq3A_755 = arith.constant 0 : i32
      %eq3A_756 = arith.cmpi eq, %jit3A_754, %eq3A_755 : i32
      %jit3A_757 = arith.constant 1 : i32
      %select_n3A_758 = arith.select %eq3A_756, %jit3A_757, %jit3A_754 : i32
      %rem3A_759 = arith.remsi %add3A_729, %select_n3A_758 : i32
      %ne3A_760 = arith.constant 0 : i32
      %ne3A_761 = arith.cmpi ne, %rem3A_759, %ne3A_760 : i32
      %lt3A_762 = arith.constant 0 : i32
      %lt3A_763 = arith.cmpi slt, %rem3A_759, %lt3A_762 : i32
      %lt3A_764 = arith.constant 0 : i32
      %lt3A_765 = arith.cmpi slt, %select_n3A_758, %lt3A_764 : i32
      %ne3A_766 = arith.xori %lt3A_763, %lt3A_765 : i1
      %and3A_767 = arith.andi %ne3A_766, %ne3A_761 : i1
      %add3A_768 = arith.addi %rem3A_759, %select_n3A_758 : i32
      %select_n3A_769 = arith.select %and3A_767, %add3A_768, %rem3A_759 : i32
      %jit3A_770 = arith.constant 8 : i32
      %div3A_771 = arith.divsi %select_n3A_753, %jit3A_770 : i32
      %sign3A_772 = arith.constant 0 : i32
      %sign3A_773 = arith.cmpi sgt, %select_n3A_753, %sign3A_772 : i32
      %sign3A_774 = arith.extui %sign3A_773 : i1 to i32
      %sign3A_775 = arith.constant 0 : i32
      %sign3A_776 = arith.cmpi slt, %select_n3A_753, %sign3A_775 : i32
      %sign3A_777 = arith.extui %sign3A_776 : i1 to i32
      %sign3A_778 = arith.subi %sign3A_774, %sign3A_777 : i32
      %sign3A_779 = arith.constant 0 : i32
      %sign3A_780 = arith.cmpi sgt, %jit3A_770, %sign3A_779 : i32
      %sign3A_781 = arith.extui %sign3A_780 : i1 to i32
      %sign3A_782 = arith.constant 0 : i32
      %sign3A_783 = arith.cmpi slt, %jit3A_770, %sign3A_782 : i32
      %sign3A_784 = arith.extui %sign3A_783 : i1 to i32
      %sign3A_785 = arith.subi %sign3A_781, %sign3A_784 : i32
      %ne3A_786 = arith.cmpi ne, %sign3A_778, %sign3A_785 : i32
      %rem3A_787 = arith.remsi %select_n3A_753, %jit3A_770 : i32
      %ne3A_788 = arith.constant 0 : i32
      %ne3A_789 = arith.cmpi ne, %rem3A_787, %ne3A_788 : i32
      %and3A_790 = arith.andi %ne3A_786, %ne3A_789 : i1
      %sub3A_791 = arith.constant 1 : i32
      %sub3A_792 = arith.subi %div3A_771, %sub3A_791 : i32
      %select_n3A_793 = arith.select %and3A_790, %sub3A_792, %div3A_771 : i32
      %sub3A_794 = arith.subi %select_n3A_793, %min3A_43 : i32
      %jit3A_795 = arith.constant 8 : i32
      %eq3A_796 = arith.constant 0 : i32
      %eq3A_797 = arith.cmpi eq, %jit3A_795, %eq3A_796 : i32
      %jit3A_798 = arith.constant 1 : i32
      %select_n3A_799 = arith.select %eq3A_797, %jit3A_798, %jit3A_795 : i32
      %rem3A_800 = arith.remsi %select_n3A_753, %select_n3A_799 : i32
      %ne3A_801 = arith.constant 0 : i32
      %ne3A_802 = arith.cmpi ne, %rem3A_800, %ne3A_801 : i32
      %lt3A_803 = arith.constant 0 : i32
      %lt3A_804 = arith.cmpi slt, %rem3A_800, %lt3A_803 : i32
      %lt3A_805 = arith.constant 0 : i32
      %lt3A_806 = arith.cmpi slt, %select_n3A_799, %lt3A_805 : i32
      %ne3A_807 = arith.xori %lt3A_804, %lt3A_806 : i1
      %and3A_808 = arith.andi %ne3A_807, %ne3A_802 : i1
      %add3A_809 = arith.addi %rem3A_800, %select_n3A_799 : i32
      %select_n3A_810 = arith.select %and3A_808, %add3A_809, %rem3A_800 : i32
      %dma_start3A_811 = arith.constant 2 : i32
      %dma_start3A_812 = arith.constant 0 : i32
      %dma_start3A_813 = arith.constant 0 : i32
      %dma_start3A_814 = tpu.memref_slice %arg7[%dma_start3A_811, %dma_start3A_812, %dma_start3A_813] : memref<5x128x64xf32, #tpu.memory_space<vmem>> -> memref<1x128x64xf32, #tpu.memory_space<vmem>>
      %dma_start3A_815 = tpu.memref_squeeze %dma_start3A_814 : memref<1x128x64xf32, #tpu.memory_space<vmem>> -> memref<128x64xf32, #tpu.memory_space<vmem>>
      %dma_start3A_816 = arith.constant 0 : i32
      %dma_start3A_817 = tpu.memref_slice %arg5[%sub3A_794, %select_n3A_769, %select_n3A_810, %dma_start3A_816] : memref<2x8x8x128xi32, #tpu.memory_space<vmem>> -> memref<1x1x1x128xi32, #tpu.memory_space<vmem>>
      %dma_start3A_818 = tpu.memref_squeeze %dma_start3A_817 : memref<1x1x1x128xi32, #tpu.memory_space<vmem>> -> memref<128xi32, #tpu.memory_space<vmem>>
      %dma_start3A_819 = arith.constant 0 : i32
      %dma_start3A_820 = arith.constant 0 : i32
      %dma_start3A_821 = tpu.memref_slice %arg3[%dma_start3A_819, %dma_start3A_820] : memref<1000000x64xf32, #tpu.memory_space<hbm>> -> memref<1000000x64xf32, #tpu.memory_space<hbm>>
      tpu.enqueue_indirect_dma source(%dma_start3A_821 : memref<1000000x64xf32, #tpu.memory_space<hbm>>) target(%dma_start3A_815 : memref<128x64xf32, #tpu.memory_space<vmem>>) offsets(%dma_start3A_818 : memref<128xi32, #tpu.memory_space<vmem>>) semaphore(%arg9 : memref<!tpu.dma_semaphore, #tpu.memory_space<semaphore_mem>>)
      %mul3A_822 = arith.constant 5 : i32
      %mul3A_823 = arith.muli %add3A_530, %mul3A_822 : i32
      %add3A_824 = arith.addi %mul3A_2, %mul3A_823 : i32
      %add3A_825 = arith.constant 3 : i32
      %add3A_826 = arith.addi %add3A_824, %add3A_825 : i32
      %jit3A_827 = arith.constant 8 : i32
      %div3A_828 = arith.divsi %add3A_826, %jit3A_827 : i32
      %sign3A_829 = arith.constant 0 : i32
      %sign3A_830 = arith.cmpi sgt, %add3A_826, %sign3A_829 : i32
      %sign3A_831 = arith.extui %sign3A_830 : i1 to i32
      %sign3A_832 = arith.constant 0 : i32
      %sign3A_833 = arith.cmpi slt, %add3A_826, %sign3A_832 : i32
      %sign3A_834 = arith.extui %sign3A_833 : i1 to i32
      %sign3A_835 = arith.subi %sign3A_831, %sign3A_834 : i32
      %sign3A_836 = arith.constant 0 : i32
      %sign3A_837 = arith.cmpi sgt, %jit3A_827, %sign3A_836 : i32
      %sign3A_838 = arith.extui %sign3A_837 : i1 to i32
      %sign3A_839 = arith.constant 0 : i32
      %sign3A_840 = arith.cmpi slt, %jit3A_827, %sign3A_839 : i32
      %sign3A_841 = arith.extui %sign3A_840 : i1 to i32
      %sign3A_842 = arith.subi %sign3A_838, %sign3A_841 : i32
      %ne3A_843 = arith.cmpi ne, %sign3A_835, %sign3A_842 : i32
      %rem3A_844 = arith.remsi %add3A_826, %jit3A_827 : i32
      %ne3A_845 = arith.constant 0 : i32
      %ne3A_846 = arith.cmpi ne, %rem3A_844, %ne3A_845 : i32
      %and3A_847 = arith.andi %ne3A_843, %ne3A_846 : i1
      %sub3A_848 = arith.constant 1 : i32
      %sub3A_849 = arith.subi %div3A_828, %sub3A_848 : i32
      %select_n3A_850 = arith.select %and3A_847, %sub3A_849, %div3A_828 : i32
      %jit3A_851 = arith.constant 8 : i32
      %eq3A_852 = arith.constant 0 : i32
      %eq3A_853 = arith.cmpi eq, %jit3A_851, %eq3A_852 : i32
      %jit3A_854 = arith.constant 1 : i32
      %select_n3A_855 = arith.select %eq3A_853, %jit3A_854, %jit3A_851 : i32
      %rem3A_856 = arith.remsi %add3A_826, %select_n3A_855 : i32
      %ne3A_857 = arith.constant 0 : i32
      %ne3A_858 = arith.cmpi ne, %rem3A_856, %ne3A_857 : i32
      %lt3A_859 = arith.constant 0 : i32
      %lt3A_860 = arith.cmpi slt, %rem3A_856, %lt3A_859 : i32
      %lt3A_861 = arith.constant 0 : i32
      %lt3A_862 = arith.cmpi slt, %select_n3A_855, %lt3A_861 : i32
      %ne3A_863 = arith.xori %lt3A_860, %lt3A_862 : i1
      %and3A_864 = arith.andi %ne3A_863, %ne3A_858 : i1
      %add3A_865 = arith.addi %rem3A_856, %select_n3A_855 : i32
      %select_n3A_866 = arith.select %and3A_864, %add3A_865, %rem3A_856 : i32
      %jit3A_867 = arith.constant 8 : i32
      %div3A_868 = arith.divsi %select_n3A_850, %jit3A_867 : i32
      %sign3A_869 = arith.constant 0 : i32
      %sign3A_870 = arith.cmpi sgt, %select_n3A_850, %sign3A_869 : i32
      %sign3A_871 = arith.extui %sign3A_870 : i1 to i32
      %sign3A_872 = arith.constant 0 : i32
      %sign3A_873 = arith.cmpi slt, %select_n3A_850, %sign3A_872 : i32
      %sign3A_874 = arith.extui %sign3A_873 : i1 to i32
      %sign3A_875 = arith.subi %sign3A_871, %sign3A_874 : i32
      %sign3A_876 = arith.constant 0 : i32
      %sign3A_877 = arith.cmpi sgt, %jit3A_867, %sign3A_876 : i32
      %sign3A_878 = arith.extui %sign3A_877 : i1 to i32
      %sign3A_879 = arith.constant 0 : i32
      %sign3A_880 = arith.cmpi slt, %jit3A_867, %sign3A_879 : i32
      %sign3A_881 = arith.extui %sign3A_880 : i1 to i32
      %sign3A_882 = arith.subi %sign3A_878, %sign3A_881 : i32
      %ne3A_883 = arith.cmpi ne, %sign3A_875, %sign3A_882 : i32
      %rem3A_884 = arith.remsi %select_n3A_850, %jit3A_867 : i32
      %ne3A_885 = arith.constant 0 : i32
      %ne3A_886 = arith.cmpi ne, %rem3A_884, %ne3A_885 : i32
      %and3A_887 = arith.andi %ne3A_883, %ne3A_886 : i1
      %sub3A_888 = arith.constant 1 : i32
      %sub3A_889 = arith.subi %div3A_868, %sub3A_888 : i32
      %select_n3A_890 = arith.select %and3A_887, %sub3A_889, %div3A_868 : i32
      %sub3A_891 = arith.subi %select_n3A_890, %min3A_43 : i32
      %jit3A_892 = arith.constant 8 : i32
      %eq3A_893 = arith.constant 0 : i32
      %eq3A_894 = arith.cmpi eq, %jit3A_892, %eq3A_893 : i32
      %jit3A_895 = arith.constant 1 : i32
      %select_n3A_896 = arith.select %eq3A_894, %jit3A_895, %jit3A_892 : i32
      %rem3A_897 = arith.remsi %select_n3A_850, %select_n3A_896 : i32
      %ne3A_898 = arith.constant 0 : i32
      %ne3A_899 = arith.cmpi ne, %rem3A_897, %ne3A_898 : i32
      %lt3A_900 = arith.constant 0 : i32
      %lt3A_901 = arith.cmpi slt, %rem3A_897, %lt3A_900 : i32
      %lt3A_902 = arith.constant 0 : i32
      %lt3A_903 = arith.cmpi slt, %select_n3A_896, %lt3A_902 : i32
      %ne3A_904 = arith.xori %lt3A_901, %lt3A_903 : i1
      %and3A_905 = arith.andi %ne3A_904, %ne3A_899 : i1
      %add3A_906 = arith.addi %rem3A_897, %select_n3A_896 : i32
      %select_n3A_907 = arith.select %and3A_905, %add3A_906, %rem3A_897 : i32
      %dma_start3A_908 = arith.constant 3 : i32
      %dma_start3A_909 = arith.constant 0 : i32
      %dma_start3A_910 = arith.constant 0 : i32
      %dma_start3A_911 = tpu.memref_slice %arg7[%dma_start3A_908, %dma_start3A_909, %dma_start3A_910] : memref<5x128x64xf32, #tpu.memory_space<vmem>> -> memref<1x128x64xf32, #tpu.memory_space<vmem>>
      %dma_start3A_912 = tpu.memref_squeeze %dma_start3A_911 : memref<1x128x64xf32, #tpu.memory_space<vmem>> -> memref<128x64xf32, #tpu.memory_space<vmem>>
      %dma_start3A_913 = arith.constant 0 : i32
      %dma_start3A_914 = tpu.memref_slice %arg5[%sub3A_891, %select_n3A_866, %select_n3A_907, %dma_start3A_913] : memref<2x8x8x128xi32, #tpu.memory_space<vmem>> -> memref<1x1x1x128xi32, #tpu.memory_space<vmem>>
      %dma_start3A_915 = tpu.memref_squeeze %dma_start3A_914 : memref<1x1x1x128xi32, #tpu.memory_space<vmem>> -> memref<128xi32, #tpu.memory_space<vmem>>
      %dma_start3A_916 = arith.constant 0 : i32
      %dma_start3A_917 = arith.constant 0 : i32
      %dma_start3A_918 = tpu.memref_slice %arg3[%dma_start3A_916, %dma_start3A_917] : memref<1000000x64xf32, #tpu.memory_space<hbm>> -> memref<1000000x64xf32, #tpu.memory_space<hbm>>
      tpu.enqueue_indirect_dma source(%dma_start3A_918 : memref<1000000x64xf32, #tpu.memory_space<hbm>>) target(%dma_start3A_912 : memref<128x64xf32, #tpu.memory_space<vmem>>) offsets(%dma_start3A_915 : memref<128xi32, #tpu.memory_space<vmem>>) semaphore(%arg9 : memref<!tpu.dma_semaphore, #tpu.memory_space<semaphore_mem>>)
      %mul3A_919 = arith.constant 5 : i32
      %mul3A_920 = arith.muli %add3A_530, %mul3A_919 : i32
      %add3A_921 = arith.addi %mul3A_2, %mul3A_920 : i32
      %add3A_922 = arith.constant 4 : i32
      %add3A_923 = arith.addi %add3A_921, %add3A_922 : i32
      %jit3A_924 = arith.constant 8 : i32
      %div3A_925 = arith.divsi %add3A_923, %jit3A_924 : i32
      %sign3A_926 = arith.constant 0 : i32
      %sign3A_927 = arith.cmpi sgt, %add3A_923, %sign3A_926 : i32
      %sign3A_928 = arith.extui %sign3A_927 : i1 to i32
      %sign3A_929 = arith.constant 0 : i32
      %sign3A_930 = arith.cmpi slt, %add3A_923, %sign3A_929 : i32
      %sign3A_931 = arith.extui %sign3A_930 : i1 to i32
      %sign3A_932 = arith.subi %sign3A_928, %sign3A_931 : i32
      %sign3A_933 = arith.constant 0 : i32
      %sign3A_934 = arith.cmpi sgt, %jit3A_924, %sign3A_933 : i32
      %sign3A_935 = arith.extui %sign3A_934 : i1 to i32
      %sign3A_936 = arith.constant 0 : i32
      %sign3A_937 = arith.cmpi slt, %jit3A_924, %sign3A_936 : i32
      %sign3A_938 = arith.extui %sign3A_937 : i1 to i32
      %sign3A_939 = arith.subi %sign3A_935, %sign3A_938 : i32
      %ne3A_940 = arith.cmpi ne, %sign3A_932, %sign3A_939 : i32
      %rem3A_941 = arith.remsi %add3A_923, %jit3A_924 : i32
      %ne3A_942 = arith.constant 0 : i32
      %ne3A_943 = arith.cmpi ne, %rem3A_941, %ne3A_942 : i32
      %and3A_944 = arith.andi %ne3A_940, %ne3A_943 : i1
      %sub3A_945 = arith.constant 1 : i32
      %sub3A_946 = arith.subi %div3A_925, %sub3A_945 : i32
      %select_n3A_947 = arith.select %and3A_944, %sub3A_946, %div3A_925 : i32
      %jit3A_948 = arith.constant 8 : i32
      %eq3A_949 = arith.constant 0 : i32
      %eq3A_950 = arith.cmpi eq, %jit3A_948, %eq3A_949 : i32
      %jit3A_951 = arith.constant 1 : i32
      %select_n3A_952 = arith.select %eq3A_950, %jit3A_951, %jit3A_948 : i32
      %rem3A_953 = arith.remsi %add3A_923, %select_n3A_952 : i32
      %ne3A_954 = arith.constant 0 : i32
      %ne3A_955 = arith.cmpi ne, %rem3A_953, %ne3A_954 : i32
      %lt3A_956 = arith.constant 0 : i32
      %lt3A_957 = arith.cmpi slt, %rem3A_953, %lt3A_956 : i32
      %lt3A_958 = arith.constant 0 : i32
      %lt3A_959 = arith.cmpi slt, %select_n3A_952, %lt3A_958 : i32
      %ne3A_960 = arith.xori %lt3A_957, %lt3A_959 : i1
      %and3A_961 = arith.andi %ne3A_960, %ne3A_955 : i1
      %add3A_962 = arith.addi %rem3A_953, %select_n3A_952 : i32
      %select_n3A_963 = arith.select %and3A_961, %add3A_962, %rem3A_953 : i32
      %jit3A_964 = arith.constant 8 : i32
      %div3A_965 = arith.divsi %select_n3A_947, %jit3A_964 : i32
      %sign3A_966 = arith.constant 0 : i32
      %sign3A_967 = arith.cmpi sgt, %select_n3A_947, %sign3A_966 : i32
      %sign3A_968 = arith.extui %sign3A_967 : i1 to i32
      %sign3A_969 = arith.constant 0 : i32
      %sign3A_970 = arith.cmpi slt, %select_n3A_947, %sign3A_969 : i32
      %sign3A_971 = arith.extui %sign3A_970 : i1 to i32
      %sign3A_972 = arith.subi %sign3A_968, %sign3A_971 : i32
      %sign3A_973 = arith.constant 0 : i32
      %sign3A_974 = arith.cmpi sgt, %jit3A_964, %sign3A_973 : i32
      %sign3A_975 = arith.extui %sign3A_974 : i1 to i32
      %sign3A_976 = arith.constant 0 : i32
      %sign3A_977 = arith.cmpi slt, %jit3A_964, %sign3A_976 : i32
      %sign3A_978 = arith.extui %sign3A_977 : i1 to i32
      %sign3A_979 = arith.subi %sign3A_975, %sign3A_978 : i32
      %ne3A_980 = arith.cmpi ne, %sign3A_972, %sign3A_979 : i32
      %rem3A_981 = arith.remsi %select_n3A_947, %jit3A_964 : i32
      %ne3A_982 = arith.constant 0 : i32
      %ne3A_983 = arith.cmpi ne, %rem3A_981, %ne3A_982 : i32
      %and3A_984 = arith.andi %ne3A_980, %ne3A_983 : i1
      %sub3A_985 = arith.constant 1 : i32
      %sub3A_986 = arith.subi %div3A_965, %sub3A_985 : i32
      %select_n3A_987 = arith.select %and3A_984, %sub3A_986, %div3A_965 : i32
      %sub3A_988 = arith.subi %select_n3A_987, %min3A_43 : i32
      %jit3A_989 = arith.constant 8 : i32
      %eq3A_990 = arith.constant 0 : i32
      %eq3A_991 = arith.cmpi eq, %jit3A_989, %eq3A_990 : i32
      %jit3A_992 = arith.constant 1 : i32
      %select_n3A_993 = arith.select %eq3A_991, %jit3A_992, %jit3A_989 : i32
      %rem3A_994 = arith.remsi %select_n3A_947, %select_n3A_993 : i32
      %ne3A_995 = arith.constant 0 : i32
      %ne3A_996 = arith.cmpi ne, %rem3A_994, %ne3A_995 : i32
      %lt3A_997 = arith.constant 0 : i32
      %lt3A_998 = arith.cmpi slt, %rem3A_994, %lt3A_997 : i32
      %lt3A_999 = arith.constant 0 : i32
      %lt3A_1000 = arith.cmpi slt, %select_n3A_993, %lt3A_999 : i32
      %ne3A_1001 = arith.xori %lt3A_998, %lt3A_1000 : i1
      %and3A_1002 = arith.andi %ne3A_1001, %ne3A_996 : i1
      %add3A_1003 = arith.addi %rem3A_994, %select_n3A_993 : i32
      %select_n3A_1004 = arith.select %and3A_1002, %add3A_1003, %rem3A_994 : i32
      %dma_start3A_1005 = arith.constant 4 : i32
      %dma_start3A_1006 = arith.constant 0 : i32
      %dma_start3A_1007 = arith.constant 0 : i32
      %dma_start3A_1008 = tpu.memref_slice %arg7[%dma_start3A_1005, %dma_start3A_1006, %dma_start3A_1007] : memref<5x128x64xf32, #tpu.memory_space<vmem>> -> memref<1x128x64xf32, #tpu.memory_space<vmem>>
      %dma_start3A_1009 = tpu.memref_squeeze %dma_start3A_1008 : memref<1x128x64xf32, #tpu.memory_space<vmem>> -> memref<128x64xf32, #tpu.memory_space<vmem>>
      %dma_start3A_1010 = arith.constant 0 : i32
      %dma_start3A_1011 = tpu.memref_slice %arg5[%sub3A_988, %select_n3A_963, %select_n3A_1004, %dma_start3A_1010] : memref<2x8x8x128xi32, #tpu.memory_space<vmem>> -> memref<1x1x1x128xi32, #tpu.memory_space<vmem>>
      %dma_start3A_1012 = tpu.memref_squeeze %dma_start3A_1011 : memref<1x1x1x128xi32, #tpu.memory_space<vmem>> -> memref<128xi32, #tpu.memory_space<vmem>>
      %dma_start3A_1013 = arith.constant 0 : i32
      %dma_start3A_1014 = arith.constant 0 : i32
      %dma_start3A_1015 = tpu.memref_slice %arg3[%dma_start3A_1013, %dma_start3A_1014] : memref<1000000x64xf32, #tpu.memory_space<hbm>> -> memref<1000000x64xf32, #tpu.memory_space<hbm>>
      tpu.enqueue_indirect_dma source(%dma_start3A_1015 : memref<1000000x64xf32, #tpu.memory_space<hbm>>) target(%dma_start3A_1009 : memref<128x64xf32, #tpu.memory_space<vmem>>) offsets(%dma_start3A_1012 : memref<128xi32, #tpu.memory_space<vmem>>) semaphore(%arg9 : memref<!tpu.dma_semaphore, #tpu.memory_space<semaphore_mem>>)
      %mul3A_1016 = arith.constant 5 : i32
      %mul3A_1017 = arith.muli %mul3A_528, %mul3A_1016 : i32
      %add3A_1018 = arith.addi %mul3A_2, %mul3A_1017 : i32
      %add3A_1019 = arith.constant 0 : i32
      %add3A_1020 = arith.addi %add3A_1018, %add3A_1019 : i32
      %jit3A_1021 = arith.constant 8 : i32
      %div3A_1022 = arith.divsi %add3A_1020, %jit3A_1021 : i32
      %sign3A_1023 = arith.constant 0 : i32
      %sign3A_1024 = arith.cmpi sgt, %add3A_1020, %sign3A_1023 : i32
      %sign3A_1025 = arith.extui %sign3A_1024 : i1 to i32
      %sign3A_1026 = arith.constant 0 : i32
      %sign3A_1027 = arith.cmpi slt, %add3A_1020, %sign3A_1026 : i32
      %sign3A_1028 = arith.extui %sign3A_1027 : i1 to i32
      %sign3A_1029 = arith.subi %sign3A_1025, %sign3A_1028 : i32
      %sign3A_1030 = arith.constant 0 : i32
      %sign3A_1031 = arith.cmpi sgt, %jit3A_1021, %sign3A_1030 : i32
      %sign3A_1032 = arith.extui %sign3A_1031 : i1 to i32
      %sign3A_1033 = arith.constant 0 : i32
      %sign3A_1034 = arith.cmpi slt, %jit3A_1021, %sign3A_1033 : i32
      %sign3A_1035 = arith.extui %sign3A_1034 : i1 to i32
      %sign3A_1036 = arith.subi %sign3A_1032, %sign3A_1035 : i32
      %ne3A_1037 = arith.cmpi ne, %sign3A_1029, %sign3A_1036 : i32
      %rem3A_1038 = arith.remsi %add3A_1020, %jit3A_1021 : i32
      %ne3A_1039 = arith.constant 0 : i32
      %ne3A_1040 = arith.cmpi ne, %rem3A_1038, %ne3A_1039 : i32
      %and3A_1041 = arith.andi %ne3A_1037, %ne3A_1040 : i1
      %sub3A_1042 = arith.constant 1 : i32
      %sub3A_1043 = arith.subi %div3A_1022, %sub3A_1042 : i32
      %select_n3A_1044 = arith.select %and3A_1041, %sub3A_1043, %div3A_1022 : i32
      %jit3A_1045 = arith.constant 8 : i32
      %eq3A_1046 = arith.constant 0 : i32
      %eq3A_1047 = arith.cmpi eq, %jit3A_1045, %eq3A_1046 : i32
      %jit3A_1048 = arith.constant 1 : i32
      %select_n3A_1049 = arith.select %eq3A_1047, %jit3A_1048, %jit3A_1045 : i32
      %rem3A_1050 = arith.remsi %add3A_1020, %select_n3A_1049 : i32
      %ne3A_1051 = arith.constant 0 : i32
      %ne3A_1052 = arith.cmpi ne, %rem3A_1050, %ne3A_1051 : i32
      %lt3A_1053 = arith.constant 0 : i32
      %lt3A_1054 = arith.cmpi slt, %rem3A_1050, %lt3A_1053 : i32
      %lt3A_1055 = arith.constant 0 : i32
      %lt3A_1056 = arith.cmpi slt, %select_n3A_1049, %lt3A_1055 : i32
      %ne3A_1057 = arith.xori %lt3A_1054, %lt3A_1056 : i1
      %and3A_1058 = arith.andi %ne3A_1057, %ne3A_1052 : i1
      %add3A_1059 = arith.addi %rem3A_1050, %select_n3A_1049 : i32
      %select_n3A_1060 = arith.select %and3A_1058, %add3A_1059, %rem3A_1050 : i32
      %jit3A_1061 = arith.constant 8 : i32
      %div3A_1062 = arith.divsi %select_n3A_1044, %jit3A_1061 : i32
      %sign3A_1063 = arith.constant 0 : i32
      %sign3A_1064 = arith.cmpi sgt, %select_n3A_1044, %sign3A_1063 : i32
      %sign3A_1065 = arith.extui %sign3A_1064 : i1 to i32
      %sign3A_1066 = arith.constant 0 : i32
      %sign3A_1067 = arith.cmpi slt, %select_n3A_1044, %sign3A_1066 : i32
      %sign3A_1068 = arith.extui %sign3A_1067 : i1 to i32
      %sign3A_1069 = arith.subi %sign3A_1065, %sign3A_1068 : i32
      %sign3A_1070 = arith.constant 0 : i32
      %sign3A_1071 = arith.cmpi sgt, %jit3A_1061, %sign3A_1070 : i32
      %sign3A_1072 = arith.extui %sign3A_1071 : i1 to i32
      %sign3A_1073 = arith.constant 0 : i32
      %sign3A_1074 = arith.cmpi slt, %jit3A_1061, %sign3A_1073 : i32
      %sign3A_1075 = arith.extui %sign3A_1074 : i1 to i32
      %sign3A_1076 = arith.subi %sign3A_1072, %sign3A_1075 : i32
      %ne3A_1077 = arith.cmpi ne, %sign3A_1069, %sign3A_1076 : i32
      %rem3A_1078 = arith.remsi %select_n3A_1044, %jit3A_1061 : i32
      %ne3A_1079 = arith.constant 0 : i32
      %ne3A_1080 = arith.cmpi ne, %rem3A_1078, %ne3A_1079 : i32
      %and3A_1081 = arith.andi %ne3A_1077, %ne3A_1080 : i1
      %sub3A_1082 = arith.constant 1 : i32
      %sub3A_1083 = arith.subi %div3A_1062, %sub3A_1082 : i32
      %select_n3A_1084 = arith.select %and3A_1081, %sub3A_1083, %div3A_1062 : i32
      %sub3A_1085 = arith.subi %select_n3A_1084, %min3A_43 : i32
      %jit3A_1086 = arith.constant 8 : i32
      %eq3A_1087 = arith.constant 0 : i32
      %eq3A_1088 = arith.cmpi eq, %jit3A_1086, %eq3A_1087 : i32
      %jit3A_1089 = arith.constant 1 : i32
      %select_n3A_1090 = arith.select %eq3A_1088, %jit3A_1089, %jit3A_1086 : i32
      %rem3A_1091 = arith.remsi %select_n3A_1044, %select_n3A_1090 : i32
      %ne3A_1092 = arith.constant 0 : i32
      %ne3A_1093 = arith.cmpi ne, %rem3A_1091, %ne3A_1092 : i32
      %lt3A_1094 = arith.constant 0 : i32
      %lt3A_1095 = arith.cmpi slt, %rem3A_1091, %lt3A_1094 : i32
      %lt3A_1096 = arith.constant 0 : i32
      %lt3A_1097 = arith.cmpi slt, %select_n3A_1090, %lt3A_1096 : i32
      %ne3A_1098 = arith.xori %lt3A_1095, %lt3A_1097 : i1
      %and3A_1099 = arith.andi %ne3A_1098, %ne3A_1093 : i1
      %add3A_1100 = arith.addi %rem3A_1091, %select_n3A_1090 : i32
      %select_n3A_1101 = arith.select %and3A_1099, %add3A_1100, %rem3A_1091 : i32
      %dma_wait3A = arith.constant 0 : i32
      %dma_wait3A_1102 = arith.constant 0 : i32
      %dma_wait3A_1103 = arith.constant 0 : i32
      %dma_wait3A_1104 = tpu.memref_slice %arg6[%dma_wait3A, %dma_wait3A_1102, %dma_wait3A_1103] : memref<5x128x64xf32, #tpu.memory_space<vmem>> -> memref<1x128x64xf32, #tpu.memory_space<vmem>>
      %dma_wait3A_1105 = tpu.memref_squeeze %dma_wait3A_1104 : memref<1x128x64xf32, #tpu.memory_space<vmem>> -> memref<128x64xf32, #tpu.memory_space<vmem>>
      %dma_wait3A_1106 = arith.constant 0 : i32
      %dma_wait3A_1107 = tpu.memref_slice %arg5[%sub3A_1085, %select_n3A_1060, %select_n3A_1101, %dma_wait3A_1106] : memref<2x8x8x128xi32, #tpu.memory_space<vmem>> -> memref<1x1x1x128xi32, #tpu.memory_space<vmem>>
      %dma_wait3A_1108 = tpu.memref_squeeze %dma_wait3A_1107 : memref<1x1x1x128xi32, #tpu.memory_space<vmem>> -> memref<128xi32, #tpu.memory_space<vmem>>
      %dma_wait3A_1109 = arith.constant 0 : i32
      %dma_wait3A_1110 = arith.constant 0 : i32
      %dma_wait3A_1111 = tpu.memref_slice %arg3[%dma_wait3A_1109, %dma_wait3A_1110] : memref<1000000x64xf32, #tpu.memory_space<hbm>> -> memref<1000000x64xf32, #tpu.memory_space<hbm>>
      tpu.wait_indirect_dma semaphore(%arg8 : memref<!tpu.dma_semaphore, #tpu.memory_space<semaphore_mem>>) src(%dma_wait3A_1111 : memref<1000000x64xf32, #tpu.memory_space<hbm>>) dst(%dma_wait3A_1105 : memref<128x64xf32, #tpu.memory_space<vmem>>)
      %mul3A_1112 = arith.constant 5 : i32
      %mul3A_1113 = arith.muli %mul3A_528, %mul3A_1112 : i32
      %add3A_1114 = arith.addi %mul3A_2, %mul3A_1113 : i32
      %add3A_1115 = arith.constant 1 : i32
      %add3A_1116 = arith.addi %add3A_1114, %add3A_1115 : i32
      %jit3A_1117 = arith.constant 8 : i32
      %div3A_1118 = arith.divsi %add3A_1116, %jit3A_1117 : i32
      %sign3A_1119 = arith.constant 0 : i32
      %sign3A_1120 = arith.cmpi sgt, %add3A_1116, %sign3A_1119 : i32
      %sign3A_1121 = arith.extui %sign3A_1120 : i1 to i32
      %sign3A_1122 = arith.constant 0 : i32
      %sign3A_1123 = arith.cmpi slt, %add3A_1116, %sign3A_1122 : i32
      %sign3A_1124 = arith.extui %sign3A_1123 : i1 to i32
      %sign3A_1125 = arith.subi %sign3A_1121, %sign3A_1124 : i32
      %sign3A_1126 = arith.constant 0 : i32
      %sign3A_1127 = arith.cmpi sgt, %jit3A_1117, %sign3A_1126 : i32
      %sign3A_1128 = arith.extui %sign3A_1127 : i1 to i32
      %sign3A_1129 = arith.constant 0 : i32
      %sign3A_1130 = arith.cmpi slt, %jit3A_1117, %sign3A_1129 : i32
      %sign3A_1131 = arith.extui %sign3A_1130 : i1 to i32
      %sign3A_1132 = arith.subi %sign3A_1128, %sign3A_1131 : i32
      %ne3A_1133 = arith.cmpi ne, %sign3A_1125, %sign3A_1132 : i32
      %rem3A_1134 = arith.remsi %add3A_1116, %jit3A_1117 : i32
      %ne3A_1135 = arith.constant 0 : i32
      %ne3A_1136 = arith.cmpi ne, %rem3A_1134, %ne3A_1135 : i32
      %and3A_1137 = arith.andi %ne3A_1133, %ne3A_1136 : i1
      %sub3A_1138 = arith.constant 1 : i32
      %sub3A_1139 = arith.subi %div3A_1118, %sub3A_1138 : i32
      %select_n3A_1140 = arith.select %and3A_1137, %sub3A_1139, %div3A_1118 : i32
      %jit3A_1141 = arith.constant 8 : i32
      %eq3A_1142 = arith.constant 0 : i32
      %eq3A_1143 = arith.cmpi eq, %jit3A_1141, %eq3A_1142 : i32
      %jit3A_1144 = arith.constant 1 : i32
      %select_n3A_1145 = arith.select %eq3A_1143, %jit3A_1144, %jit3A_1141 : i32
      %rem3A_1146 = arith.remsi %add3A_1116, %select_n3A_1145 : i32
      %ne3A_1147 = arith.constant 0 : i32
      %ne3A_1148 = arith.cmpi ne, %rem3A_1146, %ne3A_1147 : i32
      %lt3A_1149 = arith.constant 0 : i32
      %lt3A_1150 = arith.cmpi slt, %rem3A_1146, %lt3A_1149 : i32
      %lt3A_1151 = arith.constant 0 : i32
      %lt3A_1152 = arith.cmpi slt, %select_n3A_1145, %lt3A_1151 : i32
      %ne3A_1153 = arith.xori %lt3A_1150, %lt3A_1152 : i1
      %and3A_1154 = arith.andi %ne3A_1153, %ne3A_1148 : i1
      %add3A_1155 = arith.addi %rem3A_1146, %select_n3A_1145 : i32
      %select_n3A_1156 = arith.select %and3A_1154, %add3A_1155, %rem3A_1146 : i32
      %jit3A_1157 = arith.constant 8 : i32
      %div3A_1158 = arith.divsi %select_n3A_1140, %jit3A_1157 : i32
      %sign3A_1159 = arith.constant 0 : i32
      %sign3A_1160 = arith.cmpi sgt, %select_n3A_1140, %sign3A_1159 : i32
      %sign3A_1161 = arith.extui %sign3A_1160 : i1 to i32
      %sign3A_1162 = arith.constant 0 : i32
      %sign3A_1163 = arith.cmpi slt, %select_n3A_1140, %sign3A_1162 : i32
      %sign3A_1164 = arith.extui %sign3A_1163 : i1 to i32
      %sign3A_1165 = arith.subi %sign3A_1161, %sign3A_1164 : i32
      %sign3A_1166 = arith.constant 0 : i32
      %sign3A_1167 = arith.cmpi sgt, %jit3A_1157, %sign3A_1166 : i32
      %sign3A_1168 = arith.extui %sign3A_1167 : i1 to i32
      %sign3A_1169 = arith.constant 0 : i32
      %sign3A_1170 = arith.cmpi slt, %jit3A_1157, %sign3A_1169 : i32
      %sign3A_1171 = arith.extui %sign3A_1170 : i1 to i32
      %sign3A_1172 = arith.subi %sign3A_1168, %sign3A_1171 : i32
      %ne3A_1173 = arith.cmpi ne, %sign3A_1165, %sign3A_1172 : i32
      %rem3A_1174 = arith.remsi %select_n3A_1140, %jit3A_1157 : i32
      %ne3A_1175 = arith.constant 0 : i32
      %ne3A_1176 = arith.cmpi ne, %rem3A_1174, %ne3A_1175 : i32
      %and3A_1177 = arith.andi %ne3A_1173, %ne3A_1176 : i1
      %sub3A_1178 = arith.constant 1 : i32
      %sub3A_1179 = arith.subi %div3A_1158, %sub3A_1178 : i32
      %select_n3A_1180 = arith.select %and3A_1177, %sub3A_1179, %div3A_1158 : i32
      %sub3A_1181 = arith.subi %select_n3A_1180, %min3A_43 : i32
      %jit3A_1182 = arith.constant 8 : i32
      %eq3A_1183 = arith.constant 0 : i32
      %eq3A_1184 = arith.cmpi eq, %jit3A_1182, %eq3A_1183 : i32
      %jit3A_1185 = arith.constant 1 : i32
      %select_n3A_1186 = arith.select %eq3A_1184, %jit3A_1185, %jit3A_1182 : i32
      %rem3A_1187 = arith.remsi %select_n3A_1140, %select_n3A_1186 : i32
      %ne3A_1188 = arith.constant 0 : i32
      %ne3A_1189 = arith.cmpi ne, %rem3A_1187, %ne3A_1188 : i32
      %lt3A_1190 = arith.constant 0 : i32
      %lt3A_1191 = arith.cmpi slt, %rem3A_1187, %lt3A_1190 : i32
      %lt3A_1192 = arith.constant 0 : i32
      %lt3A_1193 = arith.cmpi slt, %select_n3A_1186, %lt3A_1192 : i32
      %ne3A_1194 = arith.xori %lt3A_1191, %lt3A_1193 : i1
      %and3A_1195 = arith.andi %ne3A_1194, %ne3A_1189 : i1
      %add3A_1196 = arith.addi %rem3A_1187, %select_n3A_1186 : i32
      %select_n3A_1197 = arith.select %and3A_1195, %add3A_1196, %rem3A_1187 : i32
      %dma_wait3A_1198 = arith.constant 1 : i32
      %dma_wait3A_1199 = arith.constant 0 : i32
      %dma_wait3A_1200 = arith.constant 0 : i32
      %dma_wait3A_1201 = tpu.memref_slice %arg6[%dma_wait3A_1198, %dma_wait3A_1199, %dma_wait3A_1200] : memref<5x128x64xf32, #tpu.memory_space<vmem>> -> memref<1x128x64xf32, #tpu.memory_space<vmem>>
      %dma_wait3A_1202 = tpu.memref_squeeze %dma_wait3A_1201 : memref<1x128x64xf32, #tpu.memory_space<vmem>> -> memref<128x64xf32, #tpu.memory_space<vmem>>
      %dma_wait3A_1203 = arith.constant 0 : i32
      %dma_wait3A_1204 = tpu.memref_slice %arg5[%sub3A_1181, %select_n3A_1156, %select_n3A_1197, %dma_wait3A_1203] : memref<2x8x8x128xi32, #tpu.memory_space<vmem>> -> memref<1x1x1x128xi32, #tpu.memory_space<vmem>>
      %dma_wait3A_1205 = tpu.memref_squeeze %dma_wait3A_1204 : memref<1x1x1x128xi32, #tpu.memory_space<vmem>> -> memref<128xi32, #tpu.memory_space<vmem>>
      %dma_wait3A_1206 = arith.constant 0 : i32
      %dma_wait3A_1207 = arith.constant 0 : i32
      %dma_wait3A_1208 = tpu.memref_slice %arg3[%dma_wait3A_1206, %dma_wait3A_1207] : memref<1000000x64xf32, #tpu.memory_space<hbm>> -> memref<1000000x64xf32, #tpu.memory_space<hbm>>
      tpu.wait_indirect_dma semaphore(%arg8 : memref<!tpu.dma_semaphore, #tpu.memory_space<semaphore_mem>>) src(%dma_wait3A_1208 : memref<1000000x64xf32, #tpu.memory_space<hbm>>) dst(%dma_wait3A_1202 : memref<128x64xf32, #tpu.memory_space<vmem>>)
      %mul3A_1209 = arith.constant 5 : i32
      %mul3A_1210 = arith.muli %mul3A_528, %mul3A_1209 : i32
      %add3A_1211 = arith.addi %mul3A_2, %mul3A_1210 : i32
      %add3A_1212 = arith.constant 2 : i32
      %add3A_1213 = arith.addi %add3A_1211, %add3A_1212 : i32
      %jit3A_1214 = arith.constant 8 : i32
      %div3A_1215 = arith.divsi %add3A_1213, %jit3A_1214 : i32
      %sign3A_1216 = arith.constant 0 : i32
      %sign3A_1217 = arith.cmpi sgt, %add3A_1213, %sign3A_1216 : i32
      %sign3A_1218 = arith.extui %sign3A_1217 : i1 to i32
      %sign3A_1219 = arith.constant 0 : i32
      %sign3A_1220 = arith.cmpi slt, %add3A_1213, %sign3A_1219 : i32
      %sign3A_1221 = arith.extui %sign3A_1220 : i1 to i32
      %sign3A_1222 = arith.subi %sign3A_1218, %sign3A_1221 : i32
      %sign3A_1223 = arith.constant 0 : i32
      %sign3A_1224 = arith.cmpi sgt, %jit3A_1214, %sign3A_1223 : i32
      %sign3A_1225 = arith.extui %sign3A_1224 : i1 to i32
      %sign3A_1226 = arith.constant 0 : i32
      %sign3A_1227 = arith.cmpi slt, %jit3A_1214, %sign3A_1226 : i32
      %sign3A_1228 = arith.extui %sign3A_1227 : i1 to i32
      %sign3A_1229 = arith.subi %sign3A_1225, %sign3A_1228 : i32
      %ne3A_1230 = arith.cmpi ne, %sign3A_1222, %sign3A_1229 : i32
      %rem3A_1231 = arith.remsi %add3A_1213, %jit3A_1214 : i32
      %ne3A_1232 = arith.constant 0 : i32
      %ne3A_1233 = arith.cmpi ne, %rem3A_1231, %ne3A_1232 : i32
      %and3A_1234 = arith.andi %ne3A_1230, %ne3A_1233 : i1
      %sub3A_1235 = arith.constant 1 : i32
      %sub3A_1236 = arith.subi %div3A_1215, %sub3A_1235 : i32
      %select_n3A_1237 = arith.select %and3A_1234, %sub3A_1236, %div3A_1215 : i32
      %jit3A_1238 = arith.constant 8 : i32
      %eq3A_1239 = arith.constant 0 : i32
      %eq3A_1240 = arith.cmpi eq, %jit3A_1238, %eq3A_1239 : i32
      %jit3A_1241 = arith.constant 1 : i32
      %select_n3A_1242 = arith.select %eq3A_1240, %jit3A_1241, %jit3A_1238 : i32
      %rem3A_1243 = arith.remsi %add3A_1213, %select_n3A_1242 : i32
      %ne3A_1244 = arith.constant 0 : i32
      %ne3A_1245 = arith.cmpi ne, %rem3A_1243, %ne3A_1244 : i32
      %lt3A_1246 = arith.constant 0 : i32
      %lt3A_1247 = arith.cmpi slt, %rem3A_1243, %lt3A_1246 : i32
      %lt3A_1248 = arith.constant 0 : i32
      %lt3A_1249 = arith.cmpi slt, %select_n3A_1242, %lt3A_1248 : i32
      %ne3A_1250 = arith.xori %lt3A_1247, %lt3A_1249 : i1
      %and3A_1251 = arith.andi %ne3A_1250, %ne3A_1245 : i1
      %add3A_1252 = arith.addi %rem3A_1243, %select_n3A_1242 : i32
      %select_n3A_1253 = arith.select %and3A_1251, %add3A_1252, %rem3A_1243 : i32
      %jit3A_1254 = arith.constant 8 : i32
      %div3A_1255 = arith.divsi %select_n3A_1237, %jit3A_1254 : i32
      %sign3A_1256 = arith.constant 0 : i32
      %sign3A_1257 = arith.cmpi sgt, %select_n3A_1237, %sign3A_1256 : i32
      %sign3A_1258 = arith.extui %sign3A_1257 : i1 to i32
      %sign3A_1259 = arith.constant 0 : i32
      %sign3A_1260 = arith.cmpi slt, %select_n3A_1237, %sign3A_1259 : i32
      %sign3A_1261 = arith.extui %sign3A_1260 : i1 to i32
      %sign3A_1262 = arith.subi %sign3A_1258, %sign3A_1261 : i32
      %sign3A_1263 = arith.constant 0 : i32
      %sign3A_1264 = arith.cmpi sgt, %jit3A_1254, %sign3A_1263 : i32
      %sign3A_1265 = arith.extui %sign3A_1264 : i1 to i32
      %sign3A_1266 = arith.constant 0 : i32
      %sign3A_1267 = arith.cmpi slt, %jit3A_1254, %sign3A_1266 : i32
      %sign3A_1268 = arith.extui %sign3A_1267 : i1 to i32
      %sign3A_1269 = arith.subi %sign3A_1265, %sign3A_1268 : i32
      %ne3A_1270 = arith.cmpi ne, %sign3A_1262, %sign3A_1269 : i32
      %rem3A_1271 = arith.remsi %select_n3A_1237, %jit3A_1254 : i32
      %ne3A_1272 = arith.constant 0 : i32
      %ne3A_1273 = arith.cmpi ne, %rem3A_1271, %ne3A_1272 : i32
      %and3A_1274 = arith.andi %ne3A_1270, %ne3A_1273 : i1
      %sub3A_1275 = arith.constant 1 : i32
      %sub3A_1276 = arith.subi %div3A_1255, %sub3A_1275 : i32
      %select_n3A_1277 = arith.select %and3A_1274, %sub3A_1276, %div3A_1255 : i32
      %sub3A_1278 = arith.subi %select_n3A_1277, %min3A_43 : i32
      %jit3A_1279 = arith.constant 8 : i32
      %eq3A_1280 = arith.constant 0 : i32
      %eq3A_1281 = arith.cmpi eq, %jit3A_1279, %eq3A_1280 : i32
      %jit3A_1282 = arith.constant 1 : i32
      %select_n3A_1283 = arith.select %eq3A_1281, %jit3A_1282, %jit3A_1279 : i32
      %rem3A_1284 = arith.remsi %select_n3A_1237, %select_n3A_1283 : i32
      %ne3A_1285 = arith.constant 0 : i32
      %ne3A_1286 = arith.cmpi ne, %rem3A_1284, %ne3A_1285 : i32
      %lt3A_1287 = arith.constant 0 : i32
      %lt3A_1288 = arith.cmpi slt, %rem3A_1284, %lt3A_1287 : i32
      %lt3A_1289 = arith.constant 0 : i32
      %lt3A_1290 = arith.cmpi slt, %select_n3A_1283, %lt3A_1289 : i32
      %ne3A_1291 = arith.xori %lt3A_1288, %lt3A_1290 : i1
      %and3A_1292 = arith.andi %ne3A_1291, %ne3A_1286 : i1
      %add3A_1293 = arith.addi %rem3A_1284, %select_n3A_1283 : i32
      %select_n3A_1294 = arith.select %and3A_1292, %add3A_1293, %rem3A_1284 : i32
      %dma_wait3A_1295 = arith.constant 2 : i32
      %dma_wait3A_1296 = arith.constant 0 : i32
      %dma_wait3A_1297 = arith.constant 0 : i32
      %dma_wait3A_1298 = tpu.memref_slice %arg6[%dma_wait3A_1295, %dma_wait3A_1296, %dma_wait3A_1297] : memref<5x128x64xf32, #tpu.memory_space<vmem>> -> memref<1x128x64xf32, #tpu.memory_space<vmem>>
      %dma_wait3A_1299 = tpu.memref_squeeze %dma_wait3A_1298 : memref<1x128x64xf32, #tpu.memory_space<vmem>> -> memref<128x64xf32, #tpu.memory_space<vmem>>
      %dma_wait3A_1300 = arith.constant 0 : i32
      %dma_wait3A_1301 = tpu.memref_slice %arg5[%sub3A_1278, %select_n3A_1253, %select_n3A_1294, %dma_wait3A_1300] : memref<2x8x8x128xi32, #tpu.memory_space<vmem>> -> memref<1x1x1x128xi32, #tpu.memory_space<vmem>>
      %dma_wait3A_1302 = tpu.memref_squeeze %dma_wait3A_1301 : memref<1x1x1x128xi32, #tpu.memory_space<vmem>> -> memref<128xi32, #tpu.memory_space<vmem>>
      %dma_wait3A_1303 = arith.constant 0 : i32
      %dma_wait3A_1304 = arith.constant 0 : i32
      %dma_wait3A_1305 = tpu.memref_slice %arg3[%dma_wait3A_1303, %dma_wait3A_1304] : memref<1000000x64xf32, #tpu.memory_space<hbm>> -> memref<1000000x64xf32, #tpu.memory_space<hbm>>
      tpu.wait_indirect_dma semaphore(%arg8 : memref<!tpu.dma_semaphore, #tpu.memory_space<semaphore_mem>>) src(%dma_wait3A_1305 : memref<1000000x64xf32, #tpu.memory_space<hbm>>) dst(%dma_wait3A_1299 : memref<128x64xf32, #tpu.memory_space<vmem>>)
      %mul3A_1306 = arith.constant 5 : i32
      %mul3A_1307 = arith.muli %mul3A_528, %mul3A_1306 : i32
      %add3A_1308 = arith.addi %mul3A_2, %mul3A_1307 : i32
      %add3A_1309 = arith.constant 3 : i32
      %add3A_1310 = arith.addi %add3A_1308, %add3A_1309 : i32
      %jit3A_1311 = arith.constant 8 : i32
      %div3A_1312 = arith.divsi %add3A_1310, %jit3A_1311 : i32
      %sign3A_1313 = arith.constant 0 : i32
      %sign3A_1314 = arith.cmpi sgt, %add3A_1310, %sign3A_1313 : i32
      %sign3A_1315 = arith.extui %sign3A_1314 : i1 to i32
      %sign3A_1316 = arith.constant 0 : i32
      %sign3A_1317 = arith.cmpi slt, %add3A_1310, %sign3A_1316 : i32
      %sign3A_1318 = arith.extui %sign3A_1317 : i1 to i32
      %sign3A_1319 = arith.subi %sign3A_1315, %sign3A_1318 : i32
      %sign3A_1320 = arith.constant 0 : i32
      %sign3A_1321 = arith.cmpi sgt, %jit3A_1311, %sign3A_1320 : i32
      %sign3A_1322 = arith.extui %sign3A_1321 : i1 to i32
      %sign3A_1323 = arith.constant 0 : i32
      %sign3A_1324 = arith.cmpi slt, %jit3A_1311, %sign3A_1323 : i32
      %sign3A_1325 = arith.extui %sign3A_1324 : i1 to i32
      %sign3A_1326 = arith.subi %sign3A_1322, %sign3A_1325 : i32
      %ne3A_1327 = arith.cmpi ne, %sign3A_1319, %sign3A_1326 : i32
      %rem3A_1328 = arith.remsi %add3A_1310, %jit3A_1311 : i32
      %ne3A_1329 = arith.constant 0 : i32
      %ne3A_1330 = arith.cmpi ne, %rem3A_1328, %ne3A_1329 : i32
      %and3A_1331 = arith.andi %ne3A_1327, %ne3A_1330 : i1
      %sub3A_1332 = arith.constant 1 : i32
      %sub3A_1333 = arith.subi %div3A_1312, %sub3A_1332 : i32
      %select_n3A_1334 = arith.select %and3A_1331, %sub3A_1333, %div3A_1312 : i32
      %jit3A_1335 = arith.constant 8 : i32
      %eq3A_1336 = arith.constant 0 : i32
      %eq3A_1337 = arith.cmpi eq, %jit3A_1335, %eq3A_1336 : i32
      %jit3A_1338 = arith.constant 1 : i32
      %select_n3A_1339 = arith.select %eq3A_1337, %jit3A_1338, %jit3A_1335 : i32
      %rem3A_1340 = arith.remsi %add3A_1310, %select_n3A_1339 : i32
      %ne3A_1341 = arith.constant 0 : i32
      %ne3A_1342 = arith.cmpi ne, %rem3A_1340, %ne3A_1341 : i32
      %lt3A_1343 = arith.constant 0 : i32
      %lt3A_1344 = arith.cmpi slt, %rem3A_1340, %lt3A_1343 : i32
      %lt3A_1345 = arith.constant 0 : i32
      %lt3A_1346 = arith.cmpi slt, %select_n3A_1339, %lt3A_1345 : i32
      %ne3A_1347 = arith.xori %lt3A_1344, %lt3A_1346 : i1
      %and3A_1348 = arith.andi %ne3A_1347, %ne3A_1342 : i1
      %add3A_1349 = arith.addi %rem3A_1340, %select_n3A_1339 : i32
      %select_n3A_1350 = arith.select %and3A_1348, %add3A_1349, %rem3A_1340 : i32
      %jit3A_1351 = arith.constant 8 : i32
      %div3A_1352 = arith.divsi %select_n3A_1334, %jit3A_1351 : i32
      %sign3A_1353 = arith.constant 0 : i32
      %sign3A_1354 = arith.cmpi sgt, %select_n3A_1334, %sign3A_1353 : i32
      %sign3A_1355 = arith.extui %sign3A_1354 : i1 to i32
      %sign3A_1356 = arith.constant 0 : i32
      %sign3A_1357 = arith.cmpi slt, %select_n3A_1334, %sign3A_1356 : i32
      %sign3A_1358 = arith.extui %sign3A_1357 : i1 to i32
      %sign3A_1359 = arith.subi %sign3A_1355, %sign3A_1358 : i32
      %sign3A_1360 = arith.constant 0 : i32
      %sign3A_1361 = arith.cmpi sgt, %jit3A_1351, %sign3A_1360 : i32
      %sign3A_1362 = arith.extui %sign3A_1361 : i1 to i32
      %sign3A_1363 = arith.constant 0 : i32
      %sign3A_1364 = arith.cmpi slt, %jit3A_1351, %sign3A_1363 : i32
      %sign3A_1365 = arith.extui %sign3A_1364 : i1 to i32
      %sign3A_1366 = arith.subi %sign3A_1362, %sign3A_1365 : i32
      %ne3A_1367 = arith.cmpi ne, %sign3A_1359, %sign3A_1366 : i32
      %rem3A_1368 = arith.remsi %select_n3A_1334, %jit3A_1351 : i32
      %ne3A_1369 = arith.constant 0 : i32
      %ne3A_1370 = arith.cmpi ne, %rem3A_1368, %ne3A_1369 : i32
      %and3A_1371 = arith.andi %ne3A_1367, %ne3A_1370 : i1
      %sub3A_1372 = arith.constant 1 : i32
      %sub3A_1373 = arith.subi %div3A_1352, %sub3A_1372 : i32
      %select_n3A_1374 = arith.select %and3A_1371, %sub3A_1373, %div3A_1352 : i32
      %sub3A_1375 = arith.subi %select_n3A_1374, %min3A_43 : i32
      %jit3A_1376 = arith.constant 8 : i32
      %eq3A_1377 = arith.constant 0 : i32
      %eq3A_1378 = arith.cmpi eq, %jit3A_1376, %eq3A_1377 : i32
      %jit3A_1379 = arith.constant 1 : i32
      %select_n3A_1380 = arith.select %eq3A_1378, %jit3A_1379, %jit3A_1376 : i32
      %rem3A_1381 = arith.remsi %select_n3A_1334, %select_n3A_1380 : i32
      %ne3A_1382 = arith.constant 0 : i32
      %ne3A_1383 = arith.cmpi ne, %rem3A_1381, %ne3A_1382 : i32
      %lt3A_1384 = arith.constant 0 : i32
      %lt3A_1385 = arith.cmpi slt, %rem3A_1381, %lt3A_1384 : i32
      %lt3A_1386 = arith.constant 0 : i32
      %lt3A_1387 = arith.cmpi slt, %select_n3A_1380, %lt3A_1386 : i32
      %ne3A_1388 = arith.xori %lt3A_1385, %lt3A_1387 : i1
      %and3A_1389 = arith.andi %ne3A_1388, %ne3A_1383 : i1
      %add3A_1390 = arith.addi %rem3A_1381, %select_n3A_1380 : i32
      %select_n3A_1391 = arith.select %and3A_1389, %add3A_1390, %rem3A_1381 : i32
      %dma_wait3A_1392 = arith.constant 3 : i32
      %dma_wait3A_1393 = arith.constant 0 : i32
      %dma_wait3A_1394 = arith.constant 0 : i32
      %dma_wait3A_1395 = tpu.memref_slice %arg6[%dma_wait3A_1392, %dma_wait3A_1393, %dma_wait3A_1394] : memref<5x128x64xf32, #tpu.memory_space<vmem>> -> memref<1x128x64xf32, #tpu.memory_space<vmem>>
      %dma_wait3A_1396 = tpu.memref_squeeze %dma_wait3A_1395 : memref<1x128x64xf32, #tpu.memory_space<vmem>> -> memref<128x64xf32, #tpu.memory_space<vmem>>
      %dma_wait3A_1397 = arith.constant 0 : i32
      %dma_wait3A_1398 = tpu.memref_slice %arg5[%sub3A_1375, %select_n3A_1350, %select_n3A_1391, %dma_wait3A_1397] : memref<2x8x8x128xi32, #tpu.memory_space<vmem>> -> memref<1x1x1x128xi32, #tpu.memory_space<vmem>>
      %dma_wait3A_1399 = tpu.memref_squeeze %dma_wait3A_1398 : memref<1x1x1x128xi32, #tpu.memory_space<vmem>> -> memref<128xi32, #tpu.memory_space<vmem>>
      %dma_wait3A_1400 = arith.constant 0 : i32
      %dma_wait3A_1401 = arith.constant 0 : i32
      %dma_wait3A_1402 = tpu.memref_slice %arg3[%dma_wait3A_1400, %dma_wait3A_1401] : memref<1000000x64xf32, #tpu.memory_space<hbm>> -> memref<1000000x64xf32, #tpu.memory_space<hbm>>
      tpu.wait_indirect_dma semaphore(%arg8 : memref<!tpu.dma_semaphore, #tpu.memory_space<semaphore_mem>>) src(%dma_wait3A_1402 : memref<1000000x64xf32, #tpu.memory_space<hbm>>) dst(%dma_wait3A_1396 : memref<128x64xf32, #tpu.memory_space<vmem>>)
      %mul3A_1403 = arith.constant 5 : i32
      %mul3A_1404 = arith.muli %mul3A_528, %mul3A_1403 : i32
      %add3A_1405 = arith.addi %mul3A_2, %mul3A_1404 : i32
      %add3A_1406 = arith.constant 4 : i32
      %add3A_1407 = arith.addi %add3A_1405, %add3A_1406 : i32
      %jit3A_1408 = arith.constant 8 : i32
      %div3A_1409 = arith.divsi %add3A_1407, %jit3A_1408 : i32
      %sign3A_1410 = arith.constant 0 : i32
      %sign3A_1411 = arith.cmpi sgt, %add3A_1407, %sign3A_1410 : i32
      %sign3A_1412 = arith.extui %sign3A_1411 : i1 to i32
      %sign3A_1413 = arith.constant 0 : i32
      %sign3A_1414 = arith.cmpi slt, %add3A_1407, %sign3A_1413 : i32
      %sign3A_1415 = arith.extui %sign3A_1414 : i1 to i32
      %sign3A_1416 = arith.subi %sign3A_1412, %sign3A_1415 : i32
      %sign3A_1417 = arith.constant 0 : i32
      %sign3A_1418 = arith.cmpi sgt, %jit3A_1408, %sign3A_1417 : i32
      %sign3A_1419 = arith.extui %sign3A_1418 : i1 to i32
      %sign3A_1420 = arith.constant 0 : i32
      %sign3A_1421 = arith.cmpi slt, %jit3A_1408, %sign3A_1420 : i32
      %sign3A_1422 = arith.extui %sign3A_1421 : i1 to i32
      %sign3A_1423 = arith.subi %sign3A_1419, %sign3A_1422 : i32
      %ne3A_1424 = arith.cmpi ne, %sign3A_1416, %sign3A_1423 : i32
      %rem3A_1425 = arith.remsi %add3A_1407, %jit3A_1408 : i32
      %ne3A_1426 = arith.constant 0 : i32
      %ne3A_1427 = arith.cmpi ne, %rem3A_1425, %ne3A_1426 : i32
      %and3A_1428 = arith.andi %ne3A_1424, %ne3A_1427 : i1
      %sub3A_1429 = arith.constant 1 : i32
      %sub3A_1430 = arith.subi %div3A_1409, %sub3A_1429 : i32
      %select_n3A_1431 = arith.select %and3A_1428, %sub3A_1430, %div3A_1409 : i32
      %jit3A_1432 = arith.constant 8 : i32
      %eq3A_1433 = arith.constant 0 : i32
      %eq3A_1434 = arith.cmpi eq, %jit3A_1432, %eq3A_1433 : i32
      %jit3A_1435 = arith.constant 1 : i32
      %select_n3A_1436 = arith.select %eq3A_1434, %jit3A_1435, %jit3A_1432 : i32
      %rem3A_1437 = arith.remsi %add3A_1407, %select_n3A_1436 : i32
      %ne3A_1438 = arith.constant 0 : i32
      %ne3A_1439 = arith.cmpi ne, %rem3A_1437, %ne3A_1438 : i32
      %lt3A_1440 = arith.constant 0 : i32
      %lt3A_1441 = arith.cmpi slt, %rem3A_1437, %lt3A_1440 : i32
      %lt3A_1442 = arith.constant 0 : i32
      %lt3A_1443 = arith.cmpi slt, %select_n3A_1436, %lt3A_1442 : i32
      %ne3A_1444 = arith.xori %lt3A_1441, %lt3A_1443 : i1
      %and3A_1445 = arith.andi %ne3A_1444, %ne3A_1439 : i1
      %add3A_1446 = arith.addi %rem3A_1437, %select_n3A_1436 : i32
      %select_n3A_1447 = arith.select %and3A_1445, %add3A_1446, %rem3A_1437 : i32
      %jit3A_1448 = arith.constant 8 : i32
      %div3A_1449 = arith.divsi %select_n3A_1431, %jit3A_1448 : i32
      %sign3A_1450 = arith.constant 0 : i32
      %sign3A_1451 = arith.cmpi sgt, %select_n3A_1431, %sign3A_1450 : i32
      %sign3A_1452 = arith.extui %sign3A_1451 : i1 to i32
      %sign3A_1453 = arith.constant 0 : i32
      %sign3A_1454 = arith.cmpi slt, %select_n3A_1431, %sign3A_1453 : i32
      %sign3A_1455 = arith.extui %sign3A_1454 : i1 to i32
      %sign3A_1456 = arith.subi %sign3A_1452, %sign3A_1455 : i32
      %sign3A_1457 = arith.constant 0 : i32
      %sign3A_1458 = arith.cmpi sgt, %jit3A_1448, %sign3A_1457 : i32
      %sign3A_1459 = arith.extui %sign3A_1458 : i1 to i32
      %sign3A_1460 = arith.constant 0 : i32
      %sign3A_1461 = arith.cmpi slt, %jit3A_1448, %sign3A_1460 : i32
      %sign3A_1462 = arith.extui %sign3A_1461 : i1 to i32
      %sign3A_1463 = arith.subi %sign3A_1459, %sign3A_1462 : i32
      %ne3A_1464 = arith.cmpi ne, %sign3A_1456, %sign3A_1463 : i32
      %rem3A_1465 = arith.remsi %select_n3A_1431, %jit3A_1448 : i32
      %ne3A_1466 = arith.constant 0 : i32
      %ne3A_1467 = arith.cmpi ne, %rem3A_1465, %ne3A_1466 : i32
      %and3A_1468 = arith.andi %ne3A_1464, %ne3A_1467 : i1
      %sub3A_1469 = arith.constant 1 : i32
      %sub3A_1470 = arith.subi %div3A_1449, %sub3A_1469 : i32
      %select_n3A_1471 = arith.select %and3A_1468, %sub3A_1470, %div3A_1449 : i32
      %sub3A_1472 = arith.subi %select_n3A_1471, %min3A_43 : i32
      %jit3A_1473 = arith.constant 8 : i32
      %eq3A_1474 = arith.constant 0 : i32
      %eq3A_1475 = arith.cmpi eq, %jit3A_1473, %eq3A_1474 : i32
      %jit3A_1476 = arith.constant 1 : i32
      %select_n3A_1477 = arith.select %eq3A_1475, %jit3A_1476, %jit3A_1473 : i32
      %rem3A_1478 = arith.remsi %select_n3A_1431, %select_n3A_1477 : i32
      %ne3A_1479 = arith.constant 0 : i32
      %ne3A_1480 = arith.cmpi ne, %rem3A_1478, %ne3A_1479 : i32
      %lt3A_1481 = arith.constant 0 : i32
      %lt3A_1482 = arith.cmpi slt, %rem3A_1478, %lt3A_1481 : i32
      %lt3A_1483 = arith.constant 0 : i32
      %lt3A_1484 = arith.cmpi slt, %select_n3A_1477, %lt3A_1483 : i32
      %ne3A_1485 = arith.xori %lt3A_1482, %lt3A_1484 : i1
      %and3A_1486 = arith.andi %ne3A_1485, %ne3A_1480 : i1
      %add3A_1487 = arith.addi %rem3A_1478, %select_n3A_1477 : i32
      %select_n3A_1488 = arith.select %and3A_1486, %add3A_1487, %rem3A_1478 : i32
      %dma_wait3A_1489 = arith.constant 4 : i32
      %dma_wait3A_1490 = arith.constant 0 : i32
      %dma_wait3A_1491 = arith.constant 0 : i32
      %dma_wait3A_1492 = tpu.memref_slice %arg6[%dma_wait3A_1489, %dma_wait3A_1490, %dma_wait3A_1491] : memref<5x128x64xf32, #tpu.memory_space<vmem>> -> memref<1x128x64xf32, #tpu.memory_space<vmem>>
      %dma_wait3A_1493 = tpu.memref_squeeze %dma_wait3A_1492 : memref<1x128x64xf32, #tpu.memory_space<vmem>> -> memref<128x64xf32, #tpu.memory_space<vmem>>
      %dma_wait3A_1494 = arith.constant 0 : i32
      %dma_wait3A_1495 = tpu.memref_slice %arg5[%sub3A_1472, %select_n3A_1447, %select_n3A_1488, %dma_wait3A_1494] : memref<2x8x8x128xi32, #tpu.memory_space<vmem>> -> memref<1x1x1x128xi32, #tpu.memory_space<vmem>>
      %dma_wait3A_1496 = tpu.memref_squeeze %dma_wait3A_1495 : memref<1x1x1x128xi32, #tpu.memory_space<vmem>> -> memref<128xi32, #tpu.memory_space<vmem>>
      %dma_wait3A_1497 = arith.constant 0 : i32
      %dma_wait3A_1498 = arith.constant 0 : i32
      %dma_wait3A_1499 = tpu.memref_slice %arg3[%dma_wait3A_1497, %dma_wait3A_1498] : memref<1000000x64xf32, #tpu.memory_space<hbm>> -> memref<1000000x64xf32, #tpu.memory_space<hbm>>
      tpu.wait_indirect_dma semaphore(%arg8 : memref<!tpu.dma_semaphore, #tpu.memory_space<semaphore_mem>>) src(%dma_wait3A_1499 : memref<1000000x64xf32, #tpu.memory_space<hbm>>) dst(%dma_wait3A_1493 : memref<128x64xf32, #tpu.memory_space<vmem>>)
      %mul3A_1500 = arith.constant 5 : i32
      %mul3A_1501 = arith.muli %mul3A_528, %mul3A_1500 : i32
      %add3A_1502 = arith.addi %mul3A_2, %mul3A_1501 : i32
      %add3A_1503 = arith.constant 0 : i32
      %add3A_1504 = arith.addi %add3A_1502, %add3A_1503 : i32
      %jit3A_1505 = arith.constant 8 : i32
      %div3A_1506 = arith.divsi %add3A_1504, %jit3A_1505 : i32
      %sign3A_1507 = arith.constant 0 : i32
      %sign3A_1508 = arith.cmpi sgt, %add3A_1504, %sign3A_1507 : i32
      %sign3A_1509 = arith.extui %sign3A_1508 : i1 to i32
      %sign3A_1510 = arith.constant 0 : i32
      %sign3A_1511 = arith.cmpi slt, %add3A_1504, %sign3A_1510 : i32
      %sign3A_1512 = arith.extui %sign3A_1511 : i1 to i32
      %sign3A_1513 = arith.subi %sign3A_1509, %sign3A_1512 : i32
      %sign3A_1514 = arith.constant 0 : i32
      %sign3A_1515 = arith.cmpi sgt, %jit3A_1505, %sign3A_1514 : i32
      %sign3A_1516 = arith.extui %sign3A_1515 : i1 to i32
      %sign3A_1517 = arith.constant 0 : i32
      %sign3A_1518 = arith.cmpi slt, %jit3A_1505, %sign3A_1517 : i32
      %sign3A_1519 = arith.extui %sign3A_1518 : i1 to i32
      %sign3A_1520 = arith.subi %sign3A_1516, %sign3A_1519 : i32
      %ne3A_1521 = arith.cmpi ne, %sign3A_1513, %sign3A_1520 : i32
      %rem3A_1522 = arith.remsi %add3A_1504, %jit3A_1505 : i32
      %ne3A_1523 = arith.constant 0 : i32
      %ne3A_1524 = arith.cmpi ne, %rem3A_1522, %ne3A_1523 : i32
      %and3A_1525 = arith.andi %ne3A_1521, %ne3A_1524 : i1
      %sub3A_1526 = arith.constant 1 : i32
      %sub3A_1527 = arith.subi %div3A_1506, %sub3A_1526 : i32
      %select_n3A_1528 = arith.select %and3A_1525, %sub3A_1527, %div3A_1506 : i32
      %jit3A_1529 = arith.constant 8 : i32
      %eq3A_1530 = arith.constant 0 : i32
      %eq3A_1531 = arith.cmpi eq, %jit3A_1529, %eq3A_1530 : i32
      %jit3A_1532 = arith.constant 1 : i32
      %select_n3A_1533 = arith.select %eq3A_1531, %jit3A_1532, %jit3A_1529 : i32
      %rem3A_1534 = arith.remsi %add3A_1504, %select_n3A_1533 : i32
      %ne3A_1535 = arith.constant 0 : i32
      %ne3A_1536 = arith.cmpi ne, %rem3A_1534, %ne3A_1535 : i32
      %lt3A_1537 = arith.constant 0 : i32
      %lt3A_1538 = arith.cmpi slt, %rem3A_1534, %lt3A_1537 : i32
      %lt3A_1539 = arith.constant 0 : i32
      %lt3A_1540 = arith.cmpi slt, %select_n3A_1533, %lt3A_1539 : i32
      %ne3A_1541 = arith.xori %lt3A_1538, %lt3A_1540 : i1
      %and3A_1542 = arith.andi %ne3A_1541, %ne3A_1536 : i1
      %add3A_1543 = arith.addi %rem3A_1534, %select_n3A_1533 : i32
      %select_n3A_1544 = arith.select %and3A_1542, %add3A_1543, %rem3A_1534 : i32
      %jit3A_1545 = arith.constant 8 : i32
      %div3A_1546 = arith.divsi %select_n3A_1528, %jit3A_1545 : i32
      %sign3A_1547 = arith.constant 0 : i32
      %sign3A_1548 = arith.cmpi sgt, %select_n3A_1528, %sign3A_1547 : i32
      %sign3A_1549 = arith.extui %sign3A_1548 : i1 to i32
      %sign3A_1550 = arith.constant 0 : i32
      %sign3A_1551 = arith.cmpi slt, %select_n3A_1528, %sign3A_1550 : i32
      %sign3A_1552 = arith.extui %sign3A_1551 : i1 to i32
      %sign3A_1553 = arith.subi %sign3A_1549, %sign3A_1552 : i32
      %sign3A_1554 = arith.constant 0 : i32
      %sign3A_1555 = arith.cmpi sgt, %jit3A_1545, %sign3A_1554 : i32
      %sign3A_1556 = arith.extui %sign3A_1555 : i1 to i32
      %sign3A_1557 = arith.constant 0 : i32
      %sign3A_1558 = arith.cmpi slt, %jit3A_1545, %sign3A_1557 : i32
      %sign3A_1559 = arith.extui %sign3A_1558 : i1 to i32
      %sign3A_1560 = arith.subi %sign3A_1556, %sign3A_1559 : i32
      %ne3A_1561 = arith.cmpi ne, %sign3A_1553, %sign3A_1560 : i32
      %rem3A_1562 = arith.remsi %select_n3A_1528, %jit3A_1545 : i32
      %ne3A_1563 = arith.constant 0 : i32
      %ne3A_1564 = arith.cmpi ne, %rem3A_1562, %ne3A_1563 : i32
      %and3A_1565 = arith.andi %ne3A_1561, %ne3A_1564 : i1
      %sub3A_1566 = arith.constant 1 : i32
      %sub3A_1567 = arith.subi %div3A_1546, %sub3A_1566 : i32
      %select_n3A_1568 = arith.select %and3A_1565, %sub3A_1567, %div3A_1546 : i32
      %sub3A_1569 = arith.subi %select_n3A_1568, %min3A_43 : i32
      %jit3A_1570 = arith.constant 8 : i32
      %eq3A_1571 = arith.constant 0 : i32
      %eq3A_1572 = arith.cmpi eq, %jit3A_1570, %eq3A_1571 : i32
      %jit3A_1573 = arith.constant 1 : i32
      %select_n3A_1574 = arith.select %eq3A_1572, %jit3A_1573, %jit3A_1570 : i32
      %rem3A_1575 = arith.remsi %select_n3A_1528, %select_n3A_1574 : i32
      %ne3A_1576 = arith.constant 0 : i32
      %ne3A_1577 = arith.cmpi ne, %rem3A_1575, %ne3A_1576 : i32
      %lt3A_1578 = arith.constant 0 : i32
      %lt3A_1579 = arith.cmpi slt, %rem3A_1575, %lt3A_1578 : i32
      %lt3A_1580 = arith.constant 0 : i32
      %lt3A_1581 = arith.cmpi slt, %select_n3A_1574, %lt3A_1580 : i32
      %ne3A_1582 = arith.xori %lt3A_1579, %lt3A_1581 : i1
      %and3A_1583 = arith.andi %ne3A_1582, %ne3A_1577 : i1
      %add3A_1584 = arith.addi %rem3A_1575, %select_n3A_1574 : i32
      %select_n3A_1585 = arith.select %and3A_1583, %add3A_1584, %rem3A_1575 : i32
      %mul3A_1586 = arith.constant 128 : i32
      %mul3A_1587 = arith.muli %select_n3A_1544, %mul3A_1586 : i32
      %dma_start3A_1588 = arith.constant 0 : i32
      %dma_start3A_1589 = arith.constant 0 : i32
      %dma_start3A_1590 = arith.constant 0 : i32
      %dma_start3A_1591 = tpu.memref_slice %arg6[%dma_start3A_1588, %dma_start3A_1589, %dma_start3A_1590] : memref<5x128x64xf32, #tpu.memory_space<vmem>> -> memref<1x128x64xf32, #tpu.memory_space<vmem>>
      %dma_start3A_1592 = tpu.memref_squeeze %dma_start3A_1591 : memref<1x128x64xf32, #tpu.memory_space<vmem>> -> memref<128x64xf32, #tpu.memory_space<vmem>>
      %dma_start3A_1593 = arith.constant 0 : i32
      %dma_start3A_1594 = tpu.memref_slice %arg4[%select_n3A_1528, %mul3A_1587, %dma_start3A_1593] : memref<200x1024x64xf32, #tpu.memory_space<hbm>> -> memref<1x128x64xf32, #tpu.memory_space<hbm>>
      %dma_start3A_1595 = tpu.memref_squeeze %dma_start3A_1594 : memref<1x128x64xf32, #tpu.memory_space<hbm>> -> memref<128x64xf32, #tpu.memory_space<hbm>>
      %dma_start3A_1596 = arith.constant 0 : i32
      %dma_start3A_1597 = tpu.memref_slice %arg4[%select_n3A_1528, %mul3A_1587, %dma_start3A_1596] : memref<200x1024x64xf32, #tpu.memory_space<hbm>> -> memref<1x128x64xf32, #tpu.memory_space<hbm>>
      %dma_start3A_1598 = tpu.memref_squeeze %dma_start3A_1597 : memref<1x128x64xf32, #tpu.memory_space<hbm>> -> memref<128x64xf32, #tpu.memory_space<hbm>>
      %dma_start3A_1599 = arith.constant 0 : i32
      %dma_start3A_1600 = arith.constant 0 : i32
      %dma_start3A_1601 = tpu.memref_slice %arg6[%dma_start3A_1588, %dma_start3A_1599, %dma_start3A_1600] : memref<5x128x64xf32, #tpu.memory_space<vmem>> -> memref<1x128x64xf32, #tpu.memory_space<vmem>>
      %dma_start3A_1602 = tpu.memref_squeeze %dma_start3A_1601 : memref<1x128x64xf32, #tpu.memory_space<vmem>> -> memref<128x64xf32, #tpu.memory_space<vmem>>
      tpu.enqueue_dma source(%dma_start3A_1602 : memref<128x64xf32, #tpu.memory_space<vmem>>) target(%dma_start3A_1598 : memref<128x64xf32, #tpu.memory_space<hbm>>) target_semaphore(%arg10 : memref<!tpu.dma_semaphore, #tpu.memory_space<semaphore_mem>>)
      %mul3A_1603 = arith.constant 5 : i32
      %mul3A_1604 = arith.muli %mul3A_528, %mul3A_1603 : i32
      %add3A_1605 = arith.addi %mul3A_2, %mul3A_1604 : i32
      %add3A_1606 = arith.constant 1 : i32
      %add3A_1607 = arith.addi %add3A_1605, %add3A_1606 : i32
      %jit3A_1608 = arith.constant 8 : i32
      %div3A_1609 = arith.divsi %add3A_1607, %jit3A_1608 : i32
      %sign3A_1610 = arith.constant 0 : i32
      %sign3A_1611 = arith.cmpi sgt, %add3A_1607, %sign3A_1610 : i32
      %sign3A_1612 = arith.extui %sign3A_1611 : i1 to i32
      %sign3A_1613 = arith.constant 0 : i32
      %sign3A_1614 = arith.cmpi slt, %add3A_1607, %sign3A_1613 : i32
      %sign3A_1615 = arith.extui %sign3A_1614 : i1 to i32
      %sign3A_1616 = arith.subi %sign3A_1612, %sign3A_1615 : i32
      %sign3A_1617 = arith.constant 0 : i32
      %sign3A_1618 = arith.cmpi sgt, %jit3A_1608, %sign3A_1617 : i32
      %sign3A_1619 = arith.extui %sign3A_1618 : i1 to i32
      %sign3A_1620 = arith.constant 0 : i32
      %sign3A_1621 = arith.cmpi slt, %jit3A_1608, %sign3A_1620 : i32
      %sign3A_1622 = arith.extui %sign3A_1621 : i1 to i32
      %sign3A_1623 = arith.subi %sign3A_1619, %sign3A_1622 : i32
      %ne3A_1624 = arith.cmpi ne, %sign3A_1616, %sign3A_1623 : i32
      %rem3A_1625 = arith.remsi %add3A_1607, %jit3A_1608 : i32
      %ne3A_1626 = arith.constant 0 : i32
      %ne3A_1627 = arith.cmpi ne, %rem3A_1625, %ne3A_1626 : i32
      %and3A_1628 = arith.andi %ne3A_1624, %ne3A_1627 : i1
      %sub3A_1629 = arith.constant 1 : i32
      %sub3A_1630 = arith.subi %div3A_1609, %sub3A_1629 : i32
      %select_n3A_1631 = arith.select %and3A_1628, %sub3A_1630, %div3A_1609 : i32
      %jit3A_1632 = arith.constant 8 : i32
      %eq3A_1633 = arith.constant 0 : i32
      %eq3A_1634 = arith.cmpi eq, %jit3A_1632, %eq3A_1633 : i32
      %jit3A_1635 = arith.constant 1 : i32
      %select_n3A_1636 = arith.select %eq3A_1634, %jit3A_1635, %jit3A_1632 : i32
      %rem3A_1637 = arith.remsi %add3A_1607, %select_n3A_1636 : i32
      %ne3A_1638 = arith.constant 0 : i32
      %ne3A_1639 = arith.cmpi ne, %rem3A_1637, %ne3A_1638 : i32
      %lt3A_1640 = arith.constant 0 : i32
      %lt3A_1641 = arith.cmpi slt, %rem3A_1637, %lt3A_1640 : i32
      %lt3A_1642 = arith.constant 0 : i32
      %lt3A_1643 = arith.cmpi slt, %select_n3A_1636, %lt3A_1642 : i32
      %ne3A_1644 = arith.xori %lt3A_1641, %lt3A_1643 : i1
      %and3A_1645 = arith.andi %ne3A_1644, %ne3A_1639 : i1
      %add3A_1646 = arith.addi %rem3A_1637, %select_n3A_1636 : i32
      %select_n3A_1647 = arith.select %and3A_1645, %add3A_1646, %rem3A_1637 : i32
      %jit3A_1648 = arith.constant 8 : i32
      %div3A_1649 = arith.divsi %select_n3A_1631, %jit3A_1648 : i32
      %sign3A_1650 = arith.constant 0 : i32
      %sign3A_1651 = arith.cmpi sgt, %select_n3A_1631, %sign3A_1650 : i32
      %sign3A_1652 = arith.extui %sign3A_1651 : i1 to i32
      %sign3A_1653 = arith.constant 0 : i32
      %sign3A_1654 = arith.cmpi slt, %select_n3A_1631, %sign3A_1653 : i32
      %sign3A_1655 = arith.extui %sign3A_1654 : i1 to i32
      %sign3A_1656 = arith.subi %sign3A_1652, %sign3A_1655 : i32
      %sign3A_1657 = arith.constant 0 : i32
      %sign3A_1658 = arith.cmpi sgt, %jit3A_1648, %sign3A_1657 : i32
      %sign3A_1659 = arith.extui %sign3A_1658 : i1 to i32
      %sign3A_1660 = arith.constant 0 : i32
      %sign3A_1661 = arith.cmpi slt, %jit3A_1648, %sign3A_1660 : i32
      %sign3A_1662 = arith.extui %sign3A_1661 : i1 to i32
      %sign3A_1663 = arith.subi %sign3A_1659, %sign3A_1662 : i32
      %ne3A_1664 = arith.cmpi ne, %sign3A_1656, %sign3A_1663 : i32
      %rem3A_1665 = arith.remsi %select_n3A_1631, %jit3A_1648 : i32
      %ne3A_1666 = arith.constant 0 : i32
      %ne3A_1667 = arith.cmpi ne, %rem3A_1665, %ne3A_1666 : i32
      %and3A_1668 = arith.andi %ne3A_1664, %ne3A_1667 : i1
      %sub3A_1669 = arith.constant 1 : i32
      %sub3A_1670 = arith.subi %div3A_1649, %sub3A_1669 : i32
      %select_n3A_1671 = arith.select %and3A_1668, %sub3A_1670, %div3A_1649 : i32
      %sub3A_1672 = arith.subi %select_n3A_1671, %min3A_43 : i32
      %jit3A_1673 = arith.constant 8 : i32
      %eq3A_1674 = arith.constant 0 : i32
      %eq3A_1675 = arith.cmpi eq, %jit3A_1673, %eq3A_1674 : i32
      %jit3A_1676 = arith.constant 1 : i32
      %select_n3A_1677 = arith.select %eq3A_1675, %jit3A_1676, %jit3A_1673 : i32
      %rem3A_1678 = arith.remsi %select_n3A_1631, %select_n3A_1677 : i32
      %ne3A_1679 = arith.constant 0 : i32
      %ne3A_1680 = arith.cmpi ne, %rem3A_1678, %ne3A_1679 : i32
      %lt3A_1681 = arith.constant 0 : i32
      %lt3A_1682 = arith.cmpi slt, %rem3A_1678, %lt3A_1681 : i32
      %lt3A_1683 = arith.constant 0 : i32
      %lt3A_1684 = arith.cmpi slt, %select_n3A_1677, %lt3A_1683 : i32
      %ne3A_1685 = arith.xori %lt3A_1682, %lt3A_1684 : i1
      %and3A_1686 = arith.andi %ne3A_1685, %ne3A_1680 : i1
      %add3A_1687 = arith.addi %rem3A_1678, %select_n3A_1677 : i32
      %select_n3A_1688 = arith.select %and3A_1686, %add3A_1687, %rem3A_1678 : i32
      %mul3A_1689 = arith.constant 128 : i32
      %mul3A_1690 = arith.muli %select_n3A_1647, %mul3A_1689 : i32
      %dma_start3A_1691 = arith.constant 1 : i32
      %dma_start3A_1692 = arith.constant 0 : i32
      %dma_start3A_1693 = arith.constant 0 : i32
      %dma_start3A_1694 = tpu.memref_slice %arg6[%dma_start3A_1691, %dma_start3A_1692, %dma_start3A_1693] : memref<5x128x64xf32, #tpu.memory_space<vmem>> -> memref<1x128x64xf32, #tpu.memory_space<vmem>>
      %dma_start3A_1695 = tpu.memref_squeeze %dma_start3A_1694 : memref<1x128x64xf32, #tpu.memory_space<vmem>> -> memref<128x64xf32, #tpu.memory_space<vmem>>
      %dma_start3A_1696 = arith.constant 0 : i32
      %dma_start3A_1697 = tpu.memref_slice %arg4[%select_n3A_1631, %mul3A_1690, %dma_start3A_1696] : memref<200x1024x64xf32, #tpu.memory_space<hbm>> -> memref<1x128x64xf32, #tpu.memory_space<hbm>>
      %dma_start3A_1698 = tpu.memref_squeeze %dma_start3A_1697 : memref<1x128x64xf32, #tpu.memory_space<hbm>> -> memref<128x64xf32, #tpu.memory_space<hbm>>
      %dma_start3A_1699 = arith.constant 0 : i32
      %dma_start3A_1700 = tpu.memref_slice %arg4[%select_n3A_1631, %mul3A_1690, %dma_start3A_1699] : memref<200x1024x64xf32, #tpu.memory_space<hbm>> -> memref<1x128x64xf32, #tpu.memory_space<hbm>>
      %dma_start3A_1701 = tpu.memref_squeeze %dma_start3A_1700 : memref<1x128x64xf32, #tpu.memory_space<hbm>> -> memref<128x64xf32, #tpu.memory_space<hbm>>
      %dma_start3A_1702 = arith.constant 0 : i32
      %dma_start3A_1703 = arith.constant 0 : i32
      %dma_start3A_1704 = tpu.memref_slice %arg6[%dma_start3A_1691, %dma_start3A_1702, %dma_start3A_1703] : memref<5x128x64xf32, #tpu.memory_space<vmem>> -> memref<1x128x64xf32, #tpu.memory_space<vmem>>
      %dma_start3A_1705 = tpu.memref_squeeze %dma_start3A_1704 : memref<1x128x64xf32, #tpu.memory_space<vmem>> -> memref<128x64xf32, #tpu.memory_space<vmem>>
      tpu.enqueue_dma source(%dma_start3A_1705 : memref<128x64xf32, #tpu.memory_space<vmem>>) target(%dma_start3A_1701 : memref<128x64xf32, #tpu.memory_space<hbm>>) target_semaphore(%arg10 : memref<!tpu.dma_semaphore, #tpu.memory_space<semaphore_mem>>)
      %mul3A_1706 = arith.constant 5 : i32
      %mul3A_1707 = arith.muli %mul3A_528, %mul3A_1706 : i32
      %add3A_1708 = arith.addi %mul3A_2, %mul3A_1707 : i32
      %add3A_1709 = arith.constant 2 : i32
      %add3A_1710 = arith.addi %add3A_1708, %add3A_1709 : i32
      %jit3A_1711 = arith.constant 8 : i32
      %div3A_1712 = arith.divsi %add3A_1710, %jit3A_1711 : i32
      %sign3A_1713 = arith.constant 0 : i32
      %sign3A_1714 = arith.cmpi sgt, %add3A_1710, %sign3A_1713 : i32
      %sign3A_1715 = arith.extui %sign3A_1714 : i1 to i32
      %sign3A_1716 = arith.constant 0 : i32
      %sign3A_1717 = arith.cmpi slt, %add3A_1710, %sign3A_1716 : i32
      %sign3A_1718 = arith.extui %sign3A_1717 : i1 to i32
      %sign3A_1719 = arith.subi %sign3A_1715, %sign3A_1718 : i32
      %sign3A_1720 = arith.constant 0 : i32
      %sign3A_1721 = arith.cmpi sgt, %jit3A_1711, %sign3A_1720 : i32
      %sign3A_1722 = arith.extui %sign3A_1721 : i1 to i32
      %sign3A_1723 = arith.constant 0 : i32
      %sign3A_1724 = arith.cmpi slt, %jit3A_1711, %sign3A_1723 : i32
      %sign3A_1725 = arith.extui %sign3A_1724 : i1 to i32
      %sign3A_1726 = arith.subi %sign3A_1722, %sign3A_1725 : i32
      %ne3A_1727 = arith.cmpi ne, %sign3A_1719, %sign3A_1726 : i32
      %rem3A_1728 = arith.remsi %add3A_1710, %jit3A_1711 : i32
      %ne3A_1729 = arith.constant 0 : i32
      %ne3A_1730 = arith.cmpi ne, %rem3A_1728, %ne3A_1729 : i32
      %and3A_1731 = arith.andi %ne3A_1727, %ne3A_1730 : i1
      %sub3A_1732 = arith.constant 1 : i32
      %sub3A_1733 = arith.subi %div3A_1712, %sub3A_1732 : i32
      %select_n3A_1734 = arith.select %and3A_1731, %sub3A_1733, %div3A_1712 : i32
      %jit3A_1735 = arith.constant 8 : i32
      %eq3A_1736 = arith.constant 0 : i32
      %eq3A_1737 = arith.cmpi eq, %jit3A_1735, %eq3A_1736 : i32
      %jit3A_1738 = arith.constant 1 : i32
      %select_n3A_1739 = arith.select %eq3A_1737, %jit3A_1738, %jit3A_1735 : i32
      %rem3A_1740 = arith.remsi %add3A_1710, %select_n3A_1739 : i32
      %ne3A_1741 = arith.constant 0 : i32
      %ne3A_1742 = arith.cmpi ne, %rem3A_1740, %ne3A_1741 : i32
      %lt3A_1743 = arith.constant 0 : i32
      %lt3A_1744 = arith.cmpi slt, %rem3A_1740, %lt3A_1743 : i32
      %lt3A_1745 = arith.constant 0 : i32
      %lt3A_1746 = arith.cmpi slt, %select_n3A_1739, %lt3A_1745 : i32
      %ne3A_1747 = arith.xori %lt3A_1744, %lt3A_1746 : i1
      %and3A_1748 = arith.andi %ne3A_1747, %ne3A_1742 : i1
      %add3A_1749 = arith.addi %rem3A_1740, %select_n3A_1739 : i32
      %select_n3A_1750 = arith.select %and3A_1748, %add3A_1749, %rem3A_1740 : i32
      %jit3A_1751 = arith.constant 8 : i32
      %div3A_1752 = arith.divsi %select_n3A_1734, %jit3A_1751 : i32
      %sign3A_1753 = arith.constant 0 : i32
      %sign3A_1754 = arith.cmpi sgt, %select_n3A_1734, %sign3A_1753 : i32
      %sign3A_1755 = arith.extui %sign3A_1754 : i1 to i32
      %sign3A_1756 = arith.constant 0 : i32
      %sign3A_1757 = arith.cmpi slt, %select_n3A_1734, %sign3A_1756 : i32
      %sign3A_1758 = arith.extui %sign3A_1757 : i1 to i32
      %sign3A_1759 = arith.subi %sign3A_1755, %sign3A_1758 : i32
      %sign3A_1760 = arith.constant 0 : i32
      %sign3A_1761 = arith.cmpi sgt, %jit3A_1751, %sign3A_1760 : i32
      %sign3A_1762 = arith.extui %sign3A_1761 : i1 to i32
      %sign3A_1763 = arith.constant 0 : i32
      %sign3A_1764 = arith.cmpi slt, %jit3A_1751, %sign3A_1763 : i32
      %sign3A_1765 = arith.extui %sign3A_1764 : i1 to i32
      %sign3A_1766 = arith.subi %sign3A_1762, %sign3A_1765 : i32
      %ne3A_1767 = arith.cmpi ne, %sign3A_1759, %sign3A_1766 : i32
      %rem3A_1768 = arith.remsi %select_n3A_1734, %jit3A_1751 : i32
      %ne3A_1769 = arith.constant 0 : i32
      %ne3A_1770 = arith.cmpi ne, %rem3A_1768, %ne3A_1769 : i32
      %and3A_1771 = arith.andi %ne3A_1767, %ne3A_1770 : i1
      %sub3A_1772 = arith.constant 1 : i32
      %sub3A_1773 = arith.subi %div3A_1752, %sub3A_1772 : i32
      %select_n3A_1774 = arith.select %and3A_1771, %sub3A_1773, %div3A_1752 : i32
      %sub3A_1775 = arith.subi %select_n3A_1774, %min3A_43 : i32
      %jit3A_1776 = arith.constant 8 : i32
      %eq3A_1777 = arith.constant 0 : i32
      %eq3A_1778 = arith.cmpi eq, %jit3A_1776, %eq3A_1777 : i32
      %jit3A_1779 = arith.constant 1 : i32
      %select_n3A_1780 = arith.select %eq3A_1778, %jit3A_1779, %jit3A_1776 : i32
      %rem3A_1781 = arith.remsi %select_n3A_1734, %select_n3A_1780 : i32
      %ne3A_1782 = arith.constant 0 : i32
      %ne3A_1783 = arith.cmpi ne, %rem3A_1781, %ne3A_1782 : i32
      %lt3A_1784 = arith.constant 0 : i32
      %lt3A_1785 = arith.cmpi slt, %rem3A_1781, %lt3A_1784 : i32
      %lt3A_1786 = arith.constant 0 : i32
      %lt3A_1787 = arith.cmpi slt, %select_n3A_1780, %lt3A_1786 : i32
      %ne3A_1788 = arith.xori %lt3A_1785, %lt3A_1787 : i1
      %and3A_1789 = arith.andi %ne3A_1788, %ne3A_1783 : i1
      %add3A_1790 = arith.addi %rem3A_1781, %select_n3A_1780 : i32
      %select_n3A_1791 = arith.select %and3A_1789, %add3A_1790, %rem3A_1781 : i32
      %mul3A_1792 = arith.constant 128 : i32
      %mul3A_1793 = arith.muli %select_n3A_1750, %mul3A_1792 : i32
      %dma_start3A_1794 = arith.constant 2 : i32
      %dma_start3A_1795 = arith.constant 0 : i32
      %dma_start3A_1796 = arith.constant 0 : i32
      %dma_start3A_1797 = tpu.memref_slice %arg6[%dma_start3A_1794, %dma_start3A_1795, %dma_start3A_1796] : memref<5x128x64xf32, #tpu.memory_space<vmem>> -> memref<1x128x64xf32, #tpu.memory_space<vmem>>
      %dma_start3A_1798 = tpu.memref_squeeze %dma_start3A_1797 : memref<1x128x64xf32, #tpu.memory_space<vmem>> -> memref<128x64xf32, #tpu.memory_space<vmem>>
      %dma_start3A_1799 = arith.constant 0 : i32
      %dma_start3A_1800 = tpu.memref_slice %arg4[%select_n3A_1734, %mul3A_1793, %dma_start3A_1799] : memref<200x1024x64xf32, #tpu.memory_space<hbm>> -> memref<1x128x64xf32, #tpu.memory_space<hbm>>
      %dma_start3A_1801 = tpu.memref_squeeze %dma_start3A_1800 : memref<1x128x64xf32, #tpu.memory_space<hbm>> -> memref<128x64xf32, #tpu.memory_space<hbm>>
      %dma_start3A_1802 = arith.constant 0 : i32
      %dma_start3A_1803 = tpu.memref_slice %arg4[%select_n3A_1734, %mul3A_1793, %dma_start3A_1802] : memref<200x1024x64xf32, #tpu.memory_space<hbm>> -> memref<1x128x64xf32, #tpu.memory_space<hbm>>
      %dma_start3A_1804 = tpu.memref_squeeze %dma_start3A_1803 : memref<1x128x64xf32, #tpu.memory_space<hbm>> -> memref<128x64xf32, #tpu.memory_space<hbm>>
      %dma_start3A_1805 = arith.constant 0 : i32
      %dma_start3A_1806 = arith.constant 0 : i32
      %dma_start3A_1807 = tpu.memref_slice %arg6[%dma_start3A_1794, %dma_start3A_1805, %dma_start3A_1806] : memref<5x128x64xf32, #tpu.memory_space<vmem>> -> memref<1x128x64xf32, #tpu.memory_space<vmem>>
      %dma_start3A_1808 = tpu.memref_squeeze %dma_start3A_1807 : memref<1x128x64xf32, #tpu.memory_space<vmem>> -> memref<128x64xf32, #tpu.memory_space<vmem>>
      tpu.enqueue_dma source(%dma_start3A_1808 : memref<128x64xf32, #tpu.memory_space<vmem>>) target(%dma_start3A_1804 : memref<128x64xf32, #tpu.memory_space<hbm>>) target_semaphore(%arg10 : memref<!tpu.dma_semaphore, #tpu.memory_space<semaphore_mem>>)
      %mul3A_1809 = arith.constant 5 : i32
      %mul3A_1810 = arith.muli %mul3A_528, %mul3A_1809 : i32
      %add3A_1811 = arith.addi %mul3A_2, %mul3A_1810 : i32
      %add3A_1812 = arith.constant 3 : i32
      %add3A_1813 = arith.addi %add3A_1811, %add3A_1812 : i32
      %jit3A_1814 = arith.constant 8 : i32
      %div3A_1815 = arith.divsi %add3A_1813, %jit3A_1814 : i32
      %sign3A_1816 = arith.constant 0 : i32
      %sign3A_1817 = arith.cmpi sgt, %add3A_1813, %sign3A_1816 : i32
      %sign3A_1818 = arith.extui %sign3A_1817 : i1 to i32
      %sign3A_1819 = arith.constant 0 : i32
      %sign3A_1820 = arith.cmpi slt, %add3A_1813, %sign3A_1819 : i32
      %sign3A_1821 = arith.extui %sign3A_1820 : i1 to i32
      %sign3A_1822 = arith.subi %sign3A_1818, %sign3A_1821 : i32
      %sign3A_1823 = arith.constant 0 : i32
      %sign3A_1824 = arith.cmpi sgt, %jit3A_1814, %sign3A_1823 : i32
      %sign3A_1825 = arith.extui %sign3A_1824 : i1 to i32
      %sign3A_1826 = arith.constant 0 : i32
      %sign3A_1827 = arith.cmpi slt, %jit3A_1814, %sign3A_1826 : i32
      %sign3A_1828 = arith.extui %sign3A_1827 : i1 to i32
      %sign3A_1829 = arith.subi %sign3A_1825, %sign3A_1828 : i32
      %ne3A_1830 = arith.cmpi ne, %sign3A_1822, %sign3A_1829 : i32
      %rem3A_1831 = arith.remsi %add3A_1813, %jit3A_1814 : i32
      %ne3A_1832 = arith.constant 0 : i32
      %ne3A_1833 = arith.cmpi ne, %rem3A_1831, %ne3A_1832 : i32
      %and3A_1834 = arith.andi %ne3A_1830, %ne3A_1833 : i1
      %sub3A_1835 = arith.constant 1 : i32
      %sub3A_1836 = arith.subi %div3A_1815, %sub3A_1835 : i32
      %select_n3A_1837 = arith.select %and3A_1834, %sub3A_1836, %div3A_1815 : i32
      %jit3A_1838 = arith.constant 8 : i32
      %eq3A_1839 = arith.constant 0 : i32
      %eq3A_1840 = arith.cmpi eq, %jit3A_1838, %eq3A_1839 : i32
      %jit3A_1841 = arith.constant 1 : i32
      %select_n3A_1842 = arith.select %eq3A_1840, %jit3A_1841, %jit3A_1838 : i32
      %rem3A_1843 = arith.remsi %add3A_1813, %select_n3A_1842 : i32
      %ne3A_1844 = arith.constant 0 : i32
      %ne3A_1845 = arith.cmpi ne, %rem3A_1843, %ne3A_1844 : i32
      %lt3A_1846 = arith.constant 0 : i32
      %lt3A_1847 = arith.cmpi slt, %rem3A_1843, %lt3A_1846 : i32
      %lt3A_1848 = arith.constant 0 : i32
      %lt3A_1849 = arith.cmpi slt, %select_n3A_1842, %lt3A_1848 : i32
      %ne3A_1850 = arith.xori %lt3A_1847, %lt3A_1849 : i1
      %and3A_1851 = arith.andi %ne3A_1850, %ne3A_1845 : i1
      %add3A_1852 = arith.addi %rem3A_1843, %select_n3A_1842 : i32
      %select_n3A_1853 = arith.select %and3A_1851, %add3A_1852, %rem3A_1843 : i32
      %jit3A_1854 = arith.constant 8 : i32
      %div3A_1855 = arith.divsi %select_n3A_1837, %jit3A_1854 : i32
      %sign3A_1856 = arith.constant 0 : i32
      %sign3A_1857 = arith.cmpi sgt, %select_n3A_1837, %sign3A_1856 : i32
      %sign3A_1858 = arith.extui %sign3A_1857 : i1 to i32
      %sign3A_1859 = arith.constant 0 : i32
      %sign3A_1860 = arith.cmpi slt, %select_n3A_1837, %sign3A_1859 : i32
      %sign3A_1861 = arith.extui %sign3A_1860 : i1 to i32
      %sign3A_1862 = arith.subi %sign3A_1858, %sign3A_1861 : i32
      %sign3A_1863 = arith.constant 0 : i32
      %sign3A_1864 = arith.cmpi sgt, %jit3A_1854, %sign3A_1863 : i32
      %sign3A_1865 = arith.extui %sign3A_1864 : i1 to i32
      %sign3A_1866 = arith.constant 0 : i32
      %sign3A_1867 = arith.cmpi slt, %jit3A_1854, %sign3A_1866 : i32
      %sign3A_1868 = arith.extui %sign3A_1867 : i1 to i32
      %sign3A_1869 = arith.subi %sign3A_1865, %sign3A_1868 : i32
      %ne3A_1870 = arith.cmpi ne, %sign3A_1862, %sign3A_1869 : i32
      %rem3A_1871 = arith.remsi %select_n3A_1837, %jit3A_1854 : i32
      %ne3A_1872 = arith.constant 0 : i32
      %ne3A_1873 = arith.cmpi ne, %rem3A_1871, %ne3A_1872 : i32
      %and3A_1874 = arith.andi %ne3A_1870, %ne3A_1873 : i1
      %sub3A_1875 = arith.constant 1 : i32
      %sub3A_1876 = arith.subi %div3A_1855, %sub3A_1875 : i32
      %select_n3A_1877 = arith.select %and3A_1874, %sub3A_1876, %div3A_1855 : i32
      %sub3A_1878 = arith.subi %select_n3A_1877, %min3A_43 : i32
      %jit3A_1879 = arith.constant 8 : i32
      %eq3A_1880 = arith.constant 0 : i32
      %eq3A_1881 = arith.cmpi eq, %jit3A_1879, %eq3A_1880 : i32
      %jit3A_1882 = arith.constant 1 : i32
      %select_n3A_1883 = arith.select %eq3A_1881, %jit3A_1882, %jit3A_1879 : i32
      %rem3A_1884 = arith.remsi %select_n3A_1837, %select_n3A_1883 : i32
      %ne3A_1885 = arith.constant 0 : i32
      %ne3A_1886 = arith.cmpi ne, %rem3A_1884, %ne3A_1885 : i32
      %lt3A_1887 = arith.constant 0 : i32
      %lt3A_1888 = arith.cmpi slt, %rem3A_1884, %lt3A_1887 : i32
      %lt3A_1889 = arith.constant 0 : i32
      %lt3A_1890 = arith.cmpi slt, %select_n3A_1883, %lt3A_1889 : i32
      %ne3A_1891 = arith.xori %lt3A_1888, %lt3A_1890 : i1
      %and3A_1892 = arith.andi %ne3A_1891, %ne3A_1886 : i1
      %add3A_1893 = arith.addi %rem3A_1884, %select_n3A_1883 : i32
      %select_n3A_1894 = arith.select %and3A_1892, %add3A_1893, %rem3A_1884 : i32
      %mul3A_1895 = arith.constant 128 : i32
      %mul3A_1896 = arith.muli %select_n3A_1853, %mul3A_1895 : i32
      %dma_start3A_1897 = arith.constant 3 : i32
      %dma_start3A_1898 = arith.constant 0 : i32
      %dma_start3A_1899 = arith.constant 0 : i32
      %dma_start3A_1900 = tpu.memref_slice %arg6[%dma_start3A_1897, %dma_start3A_1898, %dma_start3A_1899] : memref<5x128x64xf32, #tpu.memory_space<vmem>> -> memref<1x128x64xf32, #tpu.memory_space<vmem>>
      %dma_start3A_1901 = tpu.memref_squeeze %dma_start3A_1900 : memref<1x128x64xf32, #tpu.memory_space<vmem>> -> memref<128x64xf32, #tpu.memory_space<vmem>>
      %dma_start3A_1902 = arith.constant 0 : i32
      %dma_start3A_1903 = tpu.memref_slice %arg4[%select_n3A_1837, %mul3A_1896, %dma_start3A_1902] : memref<200x1024x64xf32, #tpu.memory_space<hbm>> -> memref<1x128x64xf32, #tpu.memory_space<hbm>>
      %dma_start3A_1904 = tpu.memref_squeeze %dma_start3A_1903 : memref<1x128x64xf32, #tpu.memory_space<hbm>> -> memref<128x64xf32, #tpu.memory_space<hbm>>
      %dma_start3A_1905 = arith.constant 0 : i32
      %dma_start3A_1906 = tpu.memref_slice %arg4[%select_n3A_1837, %mul3A_1896, %dma_start3A_1905] : memref<200x1024x64xf32, #tpu.memory_space<hbm>> -> memref<1x128x64xf32, #tpu.memory_space<hbm>>
      %dma_start3A_1907 = tpu.memref_squeeze %dma_start3A_1906 : memref<1x128x64xf32, #tpu.memory_space<hbm>> -> memref<128x64xf32, #tpu.memory_space<hbm>>
      %dma_start3A_1908 = arith.constant 0 : i32
      %dma_start3A_1909 = arith.constant 0 : i32
      %dma_start3A_1910 = tpu.memref_slice %arg6[%dma_start3A_1897, %dma_start3A_1908, %dma_start3A_1909] : memref<5x128x64xf32, #tpu.memory_space<vmem>> -> memref<1x128x64xf32, #tpu.memory_space<vmem>>
      %dma_start3A_1911 = tpu.memref_squeeze %dma_start3A_1910 : memref<1x128x64xf32, #tpu.memory_space<vmem>> -> memref<128x64xf32, #tpu.memory_space<vmem>>
      tpu.enqueue_dma source(%dma_start3A_1911 : memref<128x64xf32, #tpu.memory_space<vmem>>) target(%dma_start3A_1907 : memref<128x64xf32, #tpu.memory_space<hbm>>) target_semaphore(%arg10 : memref<!tpu.dma_semaphore, #tpu.memory_space<semaphore_mem>>)
      %mul3A_1912 = arith.constant 5 : i32
      %mul3A_1913 = arith.muli %mul3A_528, %mul3A_1912 : i32
      %add3A_1914 = arith.addi %mul3A_2, %mul3A_1913 : i32
      %add3A_1915 = arith.constant 4 : i32
      %add3A_1916 = arith.addi %add3A_1914, %add3A_1915 : i32
      %jit3A_1917 = arith.constant 8 : i32
      %div3A_1918 = arith.divsi %add3A_1916, %jit3A_1917 : i32
      %sign3A_1919 = arith.constant 0 : i32
      %sign3A_1920 = arith.cmpi sgt, %add3A_1916, %sign3A_1919 : i32
      %sign3A_1921 = arith.extui %sign3A_1920 : i1 to i32
      %sign3A_1922 = arith.constant 0 : i32
      %sign3A_1923 = arith.cmpi slt, %add3A_1916, %sign3A_1922 : i32
      %sign3A_1924 = arith.extui %sign3A_1923 : i1 to i32
      %sign3A_1925 = arith.subi %sign3A_1921, %sign3A_1924 : i32
      %sign3A_1926 = arith.constant 0 : i32
      %sign3A_1927 = arith.cmpi sgt, %jit3A_1917, %sign3A_1926 : i32
      %sign3A_1928 = arith.extui %sign3A_1927 : i1 to i32
      %sign3A_1929 = arith.constant 0 : i32
      %sign3A_1930 = arith.cmpi slt, %jit3A_1917, %sign3A_1929 : i32
      %sign3A_1931 = arith.extui %sign3A_1930 : i1 to i32
      %sign3A_1932 = arith.subi %sign3A_1928, %sign3A_1931 : i32
      %ne3A_1933 = arith.cmpi ne, %sign3A_1925, %sign3A_1932 : i32
      %rem3A_1934 = arith.remsi %add3A_1916, %jit3A_1917 : i32
      %ne3A_1935 = arith.constant 0 : i32
      %ne3A_1936 = arith.cmpi ne, %rem3A_1934, %ne3A_1935 : i32
      %and3A_1937 = arith.andi %ne3A_1933, %ne3A_1936 : i1
      %sub3A_1938 = arith.constant 1 : i32
      %sub3A_1939 = arith.subi %div3A_1918, %sub3A_1938 : i32
      %select_n3A_1940 = arith.select %and3A_1937, %sub3A_1939, %div3A_1918 : i32
      %jit3A_1941 = arith.constant 8 : i32
      %eq3A_1942 = arith.constant 0 : i32
      %eq3A_1943 = arith.cmpi eq, %jit3A_1941, %eq3A_1942 : i32
      %jit3A_1944 = arith.constant 1 : i32
      %select_n3A_1945 = arith.select %eq3A_1943, %jit3A_1944, %jit3A_1941 : i32
      %rem3A_1946 = arith.remsi %add3A_1916, %select_n3A_1945 : i32
      %ne3A_1947 = arith.constant 0 : i32
      %ne3A_1948 = arith.cmpi ne, %rem3A_1946, %ne3A_1947 : i32
      %lt3A_1949 = arith.constant 0 : i32
      %lt3A_1950 = arith.cmpi slt, %rem3A_1946, %lt3A_1949 : i32
      %lt3A_1951 = arith.constant 0 : i32
      %lt3A_1952 = arith.cmpi slt, %select_n3A_1945, %lt3A_1951 : i32
      %ne3A_1953 = arith.xori %lt3A_1950, %lt3A_1952 : i1
      %and3A_1954 = arith.andi %ne3A_1953, %ne3A_1948 : i1
      %add3A_1955 = arith.addi %rem3A_1946, %select_n3A_1945 : i32
      %select_n3A_1956 = arith.select %and3A_1954, %add3A_1955, %rem3A_1946 : i32
      %jit3A_1957 = arith.constant 8 : i32
      %div3A_1958 = arith.divsi %select_n3A_1940, %jit3A_1957 : i32
      %sign3A_1959 = arith.constant 0 : i32
      %sign3A_1960 = arith.cmpi sgt, %select_n3A_1940, %sign3A_1959 : i32
      %sign3A_1961 = arith.extui %sign3A_1960 : i1 to i32
      %sign3A_1962 = arith.constant 0 : i32
      %sign3A_1963 = arith.cmpi slt, %select_n3A_1940, %sign3A_1962 : i32
      %sign3A_1964 = arith.extui %sign3A_1963 : i1 to i32
      %sign3A_1965 = arith.subi %sign3A_1961, %sign3A_1964 : i32
      %sign3A_1966 = arith.constant 0 : i32
      %sign3A_1967 = arith.cmpi sgt, %jit3A_1957, %sign3A_1966 : i32
      %sign3A_1968 = arith.extui %sign3A_1967 : i1 to i32
      %sign3A_1969 = arith.constant 0 : i32
      %sign3A_1970 = arith.cmpi slt, %jit3A_1957, %sign3A_1969 : i32
      %sign3A_1971 = arith.extui %sign3A_1970 : i1 to i32
      %sign3A_1972 = arith.subi %sign3A_1968, %sign3A_1971 : i32
      %ne3A_1973 = arith.cmpi ne, %sign3A_1965, %sign3A_1972 : i32
      %rem3A_1974 = arith.remsi %select_n3A_1940, %jit3A_1957 : i32
      %ne3A_1975 = arith.constant 0 : i32
      %ne3A_1976 = arith.cmpi ne, %rem3A_1974, %ne3A_1975 : i32
      %and3A_1977 = arith.andi %ne3A_1973, %ne3A_1976 : i1
      %sub3A_1978 = arith.constant 1 : i32
      %sub3A_1979 = arith.subi %div3A_1958, %sub3A_1978 : i32
      %select_n3A_1980 = arith.select %and3A_1977, %sub3A_1979, %div3A_1958 : i32
      %sub3A_1981 = arith.subi %select_n3A_1980, %min3A_43 : i32
      %jit3A_1982 = arith.constant 8 : i32
      %eq3A_1983 = arith.constant 0 : i32
      %eq3A_1984 = arith.cmpi eq, %jit3A_1982, %eq3A_1983 : i32
      %jit3A_1985 = arith.constant 1 : i32
      %select_n3A_1986 = arith.select %eq3A_1984, %jit3A_1985, %jit3A_1982 : i32
      %rem3A_1987 = arith.remsi %select_n3A_1940, %select_n3A_1986 : i32
      %ne3A_1988 = arith.constant 0 : i32
      %ne3A_1989 = arith.cmpi ne, %rem3A_1987, %ne3A_1988 : i32
      %lt3A_1990 = arith.constant 0 : i32
      %lt3A_1991 = arith.cmpi slt, %rem3A_1987, %lt3A_1990 : i32
      %lt3A_1992 = arith.constant 0 : i32
      %lt3A_1993 = arith.cmpi slt, %select_n3A_1986, %lt3A_1992 : i32
      %ne3A_1994 = arith.xori %lt3A_1991, %lt3A_1993 : i1
      %and3A_1995 = arith.andi %ne3A_1994, %ne3A_1989 : i1
      %add3A_1996 = arith.addi %rem3A_1987, %select_n3A_1986 : i32
      %select_n3A_1997 = arith.select %and3A_1995, %add3A_1996, %rem3A_1987 : i32
      %mul3A_1998 = arith.constant 128 : i32
      %mul3A_1999 = arith.muli %select_n3A_1956, %mul3A_1998 : i32
      %dma_start3A_2000 = arith.constant 4 : i32
      %dma_start3A_2001 = arith.constant 0 : i32
      %dma_start3A_2002 = arith.constant 0 : i32
      %dma_start3A_2003 = tpu.memref_slice %arg6[%dma_start3A_2000, %dma_start3A_2001, %dma_start3A_2002] : memref<5x128x64xf32, #tpu.memory_space<vmem>> -> memref<1x128x64xf32, #tpu.memory_space<vmem>>
      %dma_start3A_2004 = tpu.memref_squeeze %dma_start3A_2003 : memref<1x128x64xf32, #tpu.memory_space<vmem>> -> memref<128x64xf32, #tpu.memory_space<vmem>>
      %dma_start3A_2005 = arith.constant 0 : i32
      %dma_start3A_2006 = tpu.memref_slice %arg4[%select_n3A_1940, %mul3A_1999, %dma_start3A_2005] : memref<200x1024x64xf32, #tpu.memory_space<hbm>> -> memref<1x128x64xf32, #tpu.memory_space<hbm>>
      %dma_start3A_2007 = tpu.memref_squeeze %dma_start3A_2006 : memref<1x128x64xf32, #tpu.memory_space<hbm>> -> memref<128x64xf32, #tpu.memory_space<hbm>>
      %dma_start3A_2008 = arith.constant 0 : i32
      %dma_start3A_2009 = tpu.memref_slice %arg4[%select_n3A_1940, %mul3A_1999, %dma_start3A_2008] : memref<200x1024x64xf32, #tpu.memory_space<hbm>> -> memref<1x128x64xf32, #tpu.memory_space<hbm>>
      %dma_start3A_2010 = tpu.memref_squeeze %dma_start3A_2009 : memref<1x128x64xf32, #tpu.memory_space<hbm>> -> memref<128x64xf32, #tpu.memory_space<hbm>>
      %dma_start3A_2011 = arith.constant 0 : i32
      %dma_start3A_2012 = arith.constant 0 : i32
      %dma_start3A_2013 = tpu.memref_slice %arg6[%dma_start3A_2000, %dma_start3A_2011, %dma_start3A_2012] : memref<5x128x64xf32, #tpu.memory_space<vmem>> -> memref<1x128x64xf32, #tpu.memory_space<vmem>>
      %dma_start3A_2014 = tpu.memref_squeeze %dma_start3A_2013 : memref<1x128x64xf32, #tpu.memory_space<vmem>> -> memref<128x64xf32, #tpu.memory_space<vmem>>
      tpu.enqueue_dma source(%dma_start3A_2014 : memref<128x64xf32, #tpu.memory_space<vmem>>) target(%dma_start3A_2010 : memref<128x64xf32, #tpu.memory_space<hbm>>) target_semaphore(%arg10 : memref<!tpu.dma_semaphore, #tpu.memory_space<semaphore_mem>>)
      %mul3A_2015 = arith.constant 5 : i32
      %mul3A_2016 = arith.muli %mul3A_528, %mul3A_2015 : i32
      %add3A_2017 = arith.addi %mul3A_2, %mul3A_2016 : i32
      %add3A_2018 = arith.constant 0 : i32
      %add3A_2019 = arith.addi %add3A_2017, %add3A_2018 : i32
      %jit3A_2020 = arith.constant 8 : i32
      %div3A_2021 = arith.divsi %add3A_2019, %jit3A_2020 : i32
      %sign3A_2022 = arith.constant 0 : i32
      %sign3A_2023 = arith.cmpi sgt, %add3A_2019, %sign3A_2022 : i32
      %sign3A_2024 = arith.extui %sign3A_2023 : i1 to i32
      %sign3A_2025 = arith.constant 0 : i32
      %sign3A_2026 = arith.cmpi slt, %add3A_2019, %sign3A_2025 : i32
      %sign3A_2027 = arith.extui %sign3A_2026 : i1 to i32
      %sign3A_2028 = arith.subi %sign3A_2024, %sign3A_2027 : i32
      %sign3A_2029 = arith.constant 0 : i32
      %sign3A_2030 = arith.cmpi sgt, %jit3A_2020, %sign3A_2029 : i32
      %sign3A_2031 = arith.extui %sign3A_2030 : i1 to i32
      %sign3A_2032 = arith.constant 0 : i32
      %sign3A_2033 = arith.cmpi slt, %jit3A_2020, %sign3A_2032 : i32
      %sign3A_2034 = arith.extui %sign3A_2033 : i1 to i32
      %sign3A_2035 = arith.subi %sign3A_2031, %sign3A_2034 : i32
      %ne3A_2036 = arith.cmpi ne, %sign3A_2028, %sign3A_2035 : i32
      %rem3A_2037 = arith.remsi %add3A_2019, %jit3A_2020 : i32
      %ne3A_2038 = arith.constant 0 : i32
      %ne3A_2039 = arith.cmpi ne, %rem3A_2037, %ne3A_2038 : i32
      %and3A_2040 = arith.andi %ne3A_2036, %ne3A_2039 : i1
      %sub3A_2041 = arith.constant 1 : i32
      %sub3A_2042 = arith.subi %div3A_2021, %sub3A_2041 : i32
      %select_n3A_2043 = arith.select %and3A_2040, %sub3A_2042, %div3A_2021 : i32
      %jit3A_2044 = arith.constant 8 : i32
      %eq3A_2045 = arith.constant 0 : i32
      %eq3A_2046 = arith.cmpi eq, %jit3A_2044, %eq3A_2045 : i32
      %jit3A_2047 = arith.constant 1 : i32
      %select_n3A_2048 = arith.select %eq3A_2046, %jit3A_2047, %jit3A_2044 : i32
      %rem3A_2049 = arith.remsi %add3A_2019, %select_n3A_2048 : i32
      %ne3A_2050 = arith.constant 0 : i32
      %ne3A_2051 = arith.cmpi ne, %rem3A_2049, %ne3A_2050 : i32
      %lt3A_2052 = arith.constant 0 : i32
      %lt3A_2053 = arith.cmpi slt, %rem3A_2049, %lt3A_2052 : i32
      %lt3A_2054 = arith.constant 0 : i32
      %lt3A_2055 = arith.cmpi slt, %select_n3A_2048, %lt3A_2054 : i32
      %ne3A_2056 = arith.xori %lt3A_2053, %lt3A_2055 : i1
      %and3A_2057 = arith.andi %ne3A_2056, %ne3A_2051 : i1
      %add3A_2058 = arith.addi %rem3A_2049, %select_n3A_2048 : i32
      %select_n3A_2059 = arith.select %and3A_2057, %add3A_2058, %rem3A_2049 : i32
      %jit3A_2060 = arith.constant 8 : i32
      %div3A_2061 = arith.divsi %select_n3A_2043, %jit3A_2060 : i32
      %sign3A_2062 = arith.constant 0 : i32
      %sign3A_2063 = arith.cmpi sgt, %select_n3A_2043, %sign3A_2062 : i32
      %sign3A_2064 = arith.extui %sign3A_2063 : i1 to i32
      %sign3A_2065 = arith.constant 0 : i32
      %sign3A_2066 = arith.cmpi slt, %select_n3A_2043, %sign3A_2065 : i32
      %sign3A_2067 = arith.extui %sign3A_2066 : i1 to i32
      %sign3A_2068 = arith.subi %sign3A_2064, %sign3A_2067 : i32
      %sign3A_2069 = arith.constant 0 : i32
      %sign3A_2070 = arith.cmpi sgt, %jit3A_2060, %sign3A_2069 : i32
      %sign3A_2071 = arith.extui %sign3A_2070 : i1 to i32
      %sign3A_2072 = arith.constant 0 : i32
      %sign3A_2073 = arith.cmpi slt, %jit3A_2060, %sign3A_2072 : i32
      %sign3A_2074 = arith.extui %sign3A_2073 : i1 to i32
      %sign3A_2075 = arith.subi %sign3A_2071, %sign3A_2074 : i32
      %ne3A_2076 = arith.cmpi ne, %sign3A_2068, %sign3A_2075 : i32
      %rem3A_2077 = arith.remsi %select_n3A_2043, %jit3A_2060 : i32
      %ne3A_2078 = arith.constant 0 : i32
      %ne3A_2079 = arith.cmpi ne, %rem3A_2077, %ne3A_2078 : i32
      %and3A_2080 = arith.andi %ne3A_2076, %ne3A_2079 : i1
      %sub3A_2081 = arith.constant 1 : i32
      %sub3A_2082 = arith.subi %div3A_2061, %sub3A_2081 : i32
      %select_n3A_2083 = arith.select %and3A_2080, %sub3A_2082, %div3A_2061 : i32
      %sub3A_2084 = arith.subi %select_n3A_2083, %min3A_43 : i32
      %jit3A_2085 = arith.constant 8 : i32
      %eq3A_2086 = arith.constant 0 : i32
      %eq3A_2087 = arith.cmpi eq, %jit3A_2085, %eq3A_2086 : i32
      %jit3A_2088 = arith.constant 1 : i32
      %select_n3A_2089 = arith.select %eq3A_2087, %jit3A_2088, %jit3A_2085 : i32
      %rem3A_2090 = arith.remsi %select_n3A_2043, %select_n3A_2089 : i32
      %ne3A_2091 = arith.constant 0 : i32
      %ne3A_2092 = arith.cmpi ne, %rem3A_2090, %ne3A_2091 : i32
      %lt3A_2093 = arith.constant 0 : i32
      %lt3A_2094 = arith.cmpi slt, %rem3A_2090, %lt3A_2093 : i32
      %lt3A_2095 = arith.constant 0 : i32
      %lt3A_2096 = arith.cmpi slt, %select_n3A_2089, %lt3A_2095 : i32
      %ne3A_2097 = arith.xori %lt3A_2094, %lt3A_2096 : i1
      %and3A_2098 = arith.andi %ne3A_2097, %ne3A_2092 : i1
      %add3A_2099 = arith.addi %rem3A_2090, %select_n3A_2089 : i32
      %select_n3A_2100 = arith.select %and3A_2098, %add3A_2099, %rem3A_2090 : i32
      %mul3A_2101 = arith.constant 128 : i32
      %mul3A_2102 = arith.muli %select_n3A_2059, %mul3A_2101 : i32
      %dma_wait3A_2103 = arith.constant 0 : i32
      %dma_wait3A_2104 = arith.constant 0 : i32
      %dma_wait3A_2105 = arith.constant 0 : i32
      %dma_wait3A_2106 = tpu.memref_slice %arg6[%dma_wait3A_2103, %dma_wait3A_2104, %dma_wait3A_2105] : memref<5x128x64xf32, #tpu.memory_space<vmem>> -> memref<1x128x64xf32, #tpu.memory_space<vmem>>
      %dma_wait3A_2107 = tpu.memref_squeeze %dma_wait3A_2106 : memref<1x128x64xf32, #tpu.memory_space<vmem>> -> memref<128x64xf32, #tpu.memory_space<vmem>>
      %dma_wait3A_2108 = arith.constant 0 : i32
      %dma_wait3A_2109 = tpu.memref_slice %arg4[%select_n3A_2043, %mul3A_2102, %dma_wait3A_2108] : memref<200x1024x64xf32, #tpu.memory_space<hbm>> -> memref<1x128x64xf32, #tpu.memory_space<hbm>>
      %dma_wait3A_2110 = tpu.memref_squeeze %dma_wait3A_2109 : memref<1x128x64xf32, #tpu.memory_space<hbm>> -> memref<128x64xf32, #tpu.memory_space<hbm>>
      %dma_wait3A_2111 = arith.constant 0 : i32
      %dma_wait3A_2112 = tpu.memref_slice %arg4[%select_n3A_2043, %mul3A_2102, %dma_wait3A_2111] : memref<200x1024x64xf32, #tpu.memory_space<hbm>> -> memref<1x128x64xf32, #tpu.memory_space<hbm>>
      %dma_wait3A_2113 = tpu.memref_squeeze %dma_wait3A_2112 : memref<1x128x64xf32, #tpu.memory_space<hbm>> -> memref<128x64xf32, #tpu.memory_space<hbm>>
      %dma_wait3A_2114 = arith.constant 0 : i32
      %dma_wait3A_2115 = arith.constant 0 : i32
      %dma_wait3A_2116 = tpu.memref_slice %arg6[%dma_wait3A_2103, %dma_wait3A_2114, %dma_wait3A_2115] : memref<5x128x64xf32, #tpu.memory_space<vmem>> -> memref<1x128x64xf32, #tpu.memory_space<vmem>>
      %dma_wait3A_2117 = tpu.memref_squeeze %dma_wait3A_2116 : memref<1x128x64xf32, #tpu.memory_space<vmem>> -> memref<128x64xf32, #tpu.memory_space<vmem>>
      tpu.wait_dma2 semaphore(%arg10 : memref<!tpu.dma_semaphore, #tpu.memory_space<semaphore_mem>>) src(%dma_wait3A_2117 : memref<128x64xf32, #tpu.memory_space<vmem>>) dst(%dma_wait3A_2113 : memref<128x64xf32, #tpu.memory_space<hbm>>)
      %mul3A_2118 = arith.constant 5 : i32
      %mul3A_2119 = arith.muli %mul3A_528, %mul3A_2118 : i32
      %add3A_2120 = arith.addi %mul3A_2, %mul3A_2119 : i32
      %add3A_2121 = arith.constant 1 : i32
      %add3A_2122 = arith.addi %add3A_2120, %add3A_2121 : i32
      %jit3A_2123 = arith.constant 8 : i32
      %div3A_2124 = arith.divsi %add3A_2122, %jit3A_2123 : i32
      %sign3A_2125 = arith.constant 0 : i32
      %sign3A_2126 = arith.cmpi sgt, %add3A_2122, %sign3A_2125 : i32
      %sign3A_2127 = arith.extui %sign3A_2126 : i1 to i32
      %sign3A_2128 = arith.constant 0 : i32
      %sign3A_2129 = arith.cmpi slt, %add3A_2122, %sign3A_2128 : i32
      %sign3A_2130 = arith.extui %sign3A_2129 : i1 to i32
      %sign3A_2131 = arith.subi %sign3A_2127, %sign3A_2130 : i32
      %sign3A_2132 = arith.constant 0 : i32
      %sign3A_2133 = arith.cmpi sgt, %jit3A_2123, %sign3A_2132 : i32
      %sign3A_2134 = arith.extui %sign3A_2133 : i1 to i32
      %sign3A_2135 = arith.constant 0 : i32
      %sign3A_2136 = arith.cmpi slt, %jit3A_2123, %sign3A_2135 : i32
      %sign3A_2137 = arith.extui %sign3A_2136 : i1 to i32
      %sign3A_2138 = arith.subi %sign3A_2134, %sign3A_2137 : i32
      %ne3A_2139 = arith.cmpi ne, %sign3A_2131, %sign3A_2138 : i32
      %rem3A_2140 = arith.remsi %add3A_2122, %jit3A_2123 : i32
      %ne3A_2141 = arith.constant 0 : i32
      %ne3A_2142 = arith.cmpi ne, %rem3A_2140, %ne3A_2141 : i32
      %and3A_2143 = arith.andi %ne3A_2139, %ne3A_2142 : i1
      %sub3A_2144 = arith.constant 1 : i32
      %sub3A_2145 = arith.subi %div3A_2124, %sub3A_2144 : i32
      %select_n3A_2146 = arith.select %and3A_2143, %sub3A_2145, %div3A_2124 : i32
      %jit3A_2147 = arith.constant 8 : i32
      %eq3A_2148 = arith.constant 0 : i32
      %eq3A_2149 = arith.cmpi eq, %jit3A_2147, %eq3A_2148 : i32
      %jit3A_2150 = arith.constant 1 : i32
      %select_n3A_2151 = arith.select %eq3A_2149, %jit3A_2150, %jit3A_2147 : i32
      %rem3A_2152 = arith.remsi %add3A_2122, %select_n3A_2151 : i32
      %ne3A_2153 = arith.constant 0 : i32
      %ne3A_2154 = arith.cmpi ne, %rem3A_2152, %ne3A_2153 : i32
      %lt3A_2155 = arith.constant 0 : i32
      %lt3A_2156 = arith.cmpi slt, %rem3A_2152, %lt3A_2155 : i32
      %lt3A_2157 = arith.constant 0 : i32
      %lt3A_2158 = arith.cmpi slt, %select_n3A_2151, %lt3A_2157 : i32
      %ne3A_2159 = arith.xori %lt3A_2156, %lt3A_2158 : i1
      %and3A_2160 = arith.andi %ne3A_2159, %ne3A_2154 : i1
      %add3A_2161 = arith.addi %rem3A_2152, %select_n3A_2151 : i32
      %select_n3A_2162 = arith.select %and3A_2160, %add3A_2161, %rem3A_2152 : i32
      %jit3A_2163 = arith.constant 8 : i32
      %div3A_2164 = arith.divsi %select_n3A_2146, %jit3A_2163 : i32
      %sign3A_2165 = arith.constant 0 : i32
      %sign3A_2166 = arith.cmpi sgt, %select_n3A_2146, %sign3A_2165 : i32
      %sign3A_2167 = arith.extui %sign3A_2166 : i1 to i32
      %sign3A_2168 = arith.constant 0 : i32
      %sign3A_2169 = arith.cmpi slt, %select_n3A_2146, %sign3A_2168 : i32
      %sign3A_2170 = arith.extui %sign3A_2169 : i1 to i32
      %sign3A_2171 = arith.subi %sign3A_2167, %sign3A_2170 : i32
      %sign3A_2172 = arith.constant 0 : i32
      %sign3A_2173 = arith.cmpi sgt, %jit3A_2163, %sign3A_2172 : i32
      %sign3A_2174 = arith.extui %sign3A_2173 : i1 to i32
      %sign3A_2175 = arith.constant 0 : i32
      %sign3A_2176 = arith.cmpi slt, %jit3A_2163, %sign3A_2175 : i32
      %sign3A_2177 = arith.extui %sign3A_2176 : i1 to i32
      %sign3A_2178 = arith.subi %sign3A_2174, %sign3A_2177 : i32
      %ne3A_2179 = arith.cmpi ne, %sign3A_2171, %sign3A_2178 : i32
      %rem3A_2180 = arith.remsi %select_n3A_2146, %jit3A_2163 : i32
      %ne3A_2181 = arith.constant 0 : i32
      %ne3A_2182 = arith.cmpi ne, %rem3A_2180, %ne3A_2181 : i32
      %and3A_2183 = arith.andi %ne3A_2179, %ne3A_2182 : i1
      %sub3A_2184 = arith.constant 1 : i32
      %sub3A_2185 = arith.subi %div3A_2164, %sub3A_2184 : i32
      %select_n3A_2186 = arith.select %and3A_2183, %sub3A_2185, %div3A_2164 : i32
      %sub3A_2187 = arith.subi %select_n3A_2186, %min3A_43 : i32
      %jit3A_2188 = arith.constant 8 : i32
      %eq3A_2189 = arith.constant 0 : i32
      %eq3A_2190 = arith.cmpi eq, %jit3A_2188, %eq3A_2189 : i32
      %jit3A_2191 = arith.constant 1 : i32
      %select_n3A_2192 = arith.select %eq3A_2190, %jit3A_2191, %jit3A_2188 : i32
      %rem3A_2193 = arith.remsi %select_n3A_2146, %select_n3A_2192 : i32
      %ne3A_2194 = arith.constant 0 : i32
      %ne3A_2195 = arith.cmpi ne, %rem3A_2193, %ne3A_2194 : i32
      %lt3A_2196 = arith.constant 0 : i32
      %lt3A_2197 = arith.cmpi slt, %rem3A_2193, %lt3A_2196 : i32
      %lt3A_2198 = arith.constant 0 : i32
      %lt3A_2199 = arith.cmpi slt, %select_n3A_2192, %lt3A_2198 : i32
      %ne3A_2200 = arith.xori %lt3A_2197, %lt3A_2199 : i1
      %and3A_2201 = arith.andi %ne3A_2200, %ne3A_2195 : i1
      %add3A_2202 = arith.addi %rem3A_2193, %select_n3A_2192 : i32
      %select_n3A_2203 = arith.select %and3A_2201, %add3A_2202, %rem3A_2193 : i32
      %mul3A_2204 = arith.constant 128 : i32
      %mul3A_2205 = arith.muli %select_n3A_2162, %mul3A_2204 : i32
      %dma_wait3A_2206 = arith.constant 1 : i32
      %dma_wait3A_2207 = arith.constant 0 : i32
      %dma_wait3A_2208 = arith.constant 0 : i32
      %dma_wait3A_2209 = tpu.memref_slice %arg6[%dma_wait3A_2206, %dma_wait3A_2207, %dma_wait3A_2208] : memref<5x128x64xf32, #tpu.memory_space<vmem>> -> memref<1x128x64xf32, #tpu.memory_space<vmem>>
      %dma_wait3A_2210 = tpu.memref_squeeze %dma_wait3A_2209 : memref<1x128x64xf32, #tpu.memory_space<vmem>> -> memref<128x64xf32, #tpu.memory_space<vmem>>
      %dma_wait3A_2211 = arith.constant 0 : i32
      %dma_wait3A_2212 = tpu.memref_slice %arg4[%select_n3A_2146, %mul3A_2205, %dma_wait3A_2211] : memref<200x1024x64xf32, #tpu.memory_space<hbm>> -> memref<1x128x64xf32, #tpu.memory_space<hbm>>
      %dma_wait3A_2213 = tpu.memref_squeeze %dma_wait3A_2212 : memref<1x128x64xf32, #tpu.memory_space<hbm>> -> memref<128x64xf32, #tpu.memory_space<hbm>>
      %dma_wait3A_2214 = arith.constant 0 : i32
      %dma_wait3A_2215 = tpu.memref_slice %arg4[%select_n3A_2146, %mul3A_2205, %dma_wait3A_2214] : memref<200x1024x64xf32, #tpu.memory_space<hbm>> -> memref<1x128x64xf32, #tpu.memory_space<hbm>>
      %dma_wait3A_2216 = tpu.memref_squeeze %dma_wait3A_2215 : memref<1x128x64xf32, #tpu.memory_space<hbm>> -> memref<128x64xf32, #tpu.memory_space<hbm>>
      %dma_wait3A_2217 = arith.constant 0 : i32
      %dma_wait3A_2218 = arith.constant 0 : i32
      %dma_wait3A_2219 = tpu.memref_slice %arg6[%dma_wait3A_2206, %dma_wait3A_2217, %dma_wait3A_2218] : memref<5x128x64xf32, #tpu.memory_space<vmem>> -> memref<1x128x64xf32, #tpu.memory_space<vmem>>
      %dma_wait3A_2220 = tpu.memref_squeeze %dma_wait3A_2219 : memref<1x128x64xf32, #tpu.memory_space<vmem>> -> memref<128x64xf32, #tpu.memory_space<vmem>>
      tpu.wait_dma2 semaphore(%arg10 : memref<!tpu.dma_semaphore, #tpu.memory_space<semaphore_mem>>) src(%dma_wait3A_2220 : memref<128x64xf32, #tpu.memory_space<vmem>>) dst(%dma_wait3A_2216 : memref<128x64xf32, #tpu.memory_space<hbm>>)
      %mul3A_2221 = arith.constant 5 : i32
      %mul3A_2222 = arith.muli %mul3A_528, %mul3A_2221 : i32
      %add3A_2223 = arith.addi %mul3A_2, %mul3A_2222 : i32
      %add3A_2224 = arith.constant 2 : i32
      %add3A_2225 = arith.addi %add3A_2223, %add3A_2224 : i32
      %jit3A_2226 = arith.constant 8 : i32
      %div3A_2227 = arith.divsi %add3A_2225, %jit3A_2226 : i32
      %sign3A_2228 = arith.constant 0 : i32
      %sign3A_2229 = arith.cmpi sgt, %add3A_2225, %sign3A_2228 : i32
      %sign3A_2230 = arith.extui %sign3A_2229 : i1 to i32
      %sign3A_2231 = arith.constant 0 : i32
      %sign3A_2232 = arith.cmpi slt, %add3A_2225, %sign3A_2231 : i32
      %sign3A_2233 = arith.extui %sign3A_2232 : i1 to i32
      %sign3A_2234 = arith.subi %sign3A_2230, %sign3A_2233 : i32
      %sign3A_2235 = arith.constant 0 : i32
      %sign3A_2236 = arith.cmpi sgt, %jit3A_2226, %sign3A_2235 : i32
      %sign3A_2237 = arith.extui %sign3A_2236 : i1 to i32
      %sign3A_2238 = arith.constant 0 : i32
      %sign3A_2239 = arith.cmpi slt, %jit3A_2226, %sign3A_2238 : i32
      %sign3A_2240 = arith.extui %sign3A_2239 : i1 to i32
      %sign3A_2241 = arith.subi %sign3A_2237, %sign3A_2240 : i32
      %ne3A_2242 = arith.cmpi ne, %sign3A_2234, %sign3A_2241 : i32
      %rem3A_2243 = arith.remsi %add3A_2225, %jit3A_2226 : i32
      %ne3A_2244 = arith.constant 0 : i32
      %ne3A_2245 = arith.cmpi ne, %rem3A_2243, %ne3A_2244 : i32
      %and3A_2246 = arith.andi %ne3A_2242, %ne3A_2245 : i1
      %sub3A_2247 = arith.constant 1 : i32
      %sub3A_2248 = arith.subi %div3A_2227, %sub3A_2247 : i32
      %select_n3A_2249 = arith.select %and3A_2246, %sub3A_2248, %div3A_2227 : i32
      %jit3A_2250 = arith.constant 8 : i32
      %eq3A_2251 = arith.constant 0 : i32
      %eq3A_2252 = arith.cmpi eq, %jit3A_2250, %eq3A_2251 : i32
      %jit3A_2253 = arith.constant 1 : i32
      %select_n3A_2254 = arith.select %eq3A_2252, %jit3A_2253, %jit3A_2250 : i32
      %rem3A_2255 = arith.remsi %add3A_2225, %select_n3A_2254 : i32
      %ne3A_2256 = arith.constant 0 : i32
      %ne3A_2257 = arith.cmpi ne, %rem3A_2255, %ne3A_2256 : i32
      %lt3A_2258 = arith.constant 0 : i32
      %lt3A_2259 = arith.cmpi slt, %rem3A_2255, %lt3A_2258 : i32
      %lt3A_2260 = arith.constant 0 : i32
      %lt3A_2261 = arith.cmpi slt, %select_n3A_2254, %lt3A_2260 : i32
      %ne3A_2262 = arith.xori %lt3A_2259, %lt3A_2261 : i1
      %and3A_2263 = arith.andi %ne3A_2262, %ne3A_2257 : i1
      %add3A_2264 = arith.addi %rem3A_2255, %select_n3A_2254 : i32
      %select_n3A_2265 = arith.select %and3A_2263, %add3A_2264, %rem3A_2255 : i32
      %jit3A_2266 = arith.constant 8 : i32
      %div3A_2267 = arith.divsi %select_n3A_2249, %jit3A_2266 : i32
      %sign3A_2268 = arith.constant 0 : i32
      %sign3A_2269 = arith.cmpi sgt, %select_n3A_2249, %sign3A_2268 : i32
      %sign3A_2270 = arith.extui %sign3A_2269 : i1 to i32
      %sign3A_2271 = arith.constant 0 : i32
      %sign3A_2272 = arith.cmpi slt, %select_n3A_2249, %sign3A_2271 : i32
      %sign3A_2273 = arith.extui %sign3A_2272 : i1 to i32
      %sign3A_2274 = arith.subi %sign3A_2270, %sign3A_2273 : i32
      %sign3A_2275 = arith.constant 0 : i32
      %sign3A_2276 = arith.cmpi sgt, %jit3A_2266, %sign3A_2275 : i32
      %sign3A_2277 = arith.extui %sign3A_2276 : i1 to i32
      %sign3A_2278 = arith.constant 0 : i32
      %sign3A_2279 = arith.cmpi slt, %jit3A_2266, %sign3A_2278 : i32
      %sign3A_2280 = arith.extui %sign3A_2279 : i1 to i32
      %sign3A_2281 = arith.subi %sign3A_2277, %sign3A_2280 : i32
      %ne3A_2282 = arith.cmpi ne, %sign3A_2274, %sign3A_2281 : i32
      %rem3A_2283 = arith.remsi %select_n3A_2249, %jit3A_2266 : i32
      %ne3A_2284 = arith.constant 0 : i32
      %ne3A_2285 = arith.cmpi ne, %rem3A_2283, %ne3A_2284 : i32
      %and3A_2286 = arith.andi %ne3A_2282, %ne3A_2285 : i1
      %sub3A_2287 = arith.constant 1 : i32
      %sub3A_2288 = arith.subi %div3A_2267, %sub3A_2287 : i32
      %select_n3A_2289 = arith.select %and3A_2286, %sub3A_2288, %div3A_2267 : i32
      %sub3A_2290 = arith.subi %select_n3A_2289, %min3A_43 : i32
      %jit3A_2291 = arith.constant 8 : i32
      %eq3A_2292 = arith.constant 0 : i32
      %eq3A_2293 = arith.cmpi eq, %jit3A_2291, %eq3A_2292 : i32
      %jit3A_2294 = arith.constant 1 : i32
      %select_n3A_2295 = arith.select %eq3A_2293, %jit3A_2294, %jit3A_2291 : i32
      %rem3A_2296 = arith.remsi %select_n3A_2249, %select_n3A_2295 : i32
      %ne3A_2297 = arith.constant 0 : i32
      %ne3A_2298 = arith.cmpi ne, %rem3A_2296, %ne3A_2297 : i32
      %lt3A_2299 = arith.constant 0 : i32
      %lt3A_2300 = arith.cmpi slt, %rem3A_2296, %lt3A_2299 : i32
      %lt3A_2301 = arith.constant 0 : i32
      %lt3A_2302 = arith.cmpi slt, %select_n3A_2295, %lt3A_2301 : i32
      %ne3A_2303 = arith.xori %lt3A_2300, %lt3A_2302 : i1
      %and3A_2304 = arith.andi %ne3A_2303, %ne3A_2298 : i1
      %add3A_2305 = arith.addi %rem3A_2296, %select_n3A_2295 : i32
      %select_n3A_2306 = arith.select %and3A_2304, %add3A_2305, %rem3A_2296 : i32
      %mul3A_2307 = arith.constant 128 : i32
      %mul3A_2308 = arith.muli %select_n3A_2265, %mul3A_2307 : i32
      %dma_wait3A_2309 = arith.constant 2 : i32
      %dma_wait3A_2310 = arith.constant 0 : i32
      %dma_wait3A_2311 = arith.constant 0 : i32
      %dma_wait3A_2312 = tpu.memref_slice %arg6[%dma_wait3A_2309, %dma_wait3A_2310, %dma_wait3A_2311] : memref<5x128x64xf32, #tpu.memory_space<vmem>> -> memref<1x128x64xf32, #tpu.memory_space<vmem>>
      %dma_wait3A_2313 = tpu.memref_squeeze %dma_wait3A_2312 : memref<1x128x64xf32, #tpu.memory_space<vmem>> -> memref<128x64xf32, #tpu.memory_space<vmem>>
      %dma_wait3A_2314 = arith.constant 0 : i32
      %dma_wait3A_2315 = tpu.memref_slice %arg4[%select_n3A_2249, %mul3A_2308, %dma_wait3A_2314] : memref<200x1024x64xf32, #tpu.memory_space<hbm>> -> memref<1x128x64xf32, #tpu.memory_space<hbm>>
      %dma_wait3A_2316 = tpu.memref_squeeze %dma_wait3A_2315 : memref<1x128x64xf32, #tpu.memory_space<hbm>> -> memref<128x64xf32, #tpu.memory_space<hbm>>
      %dma_wait3A_2317 = arith.constant 0 : i32
      %dma_wait3A_2318 = tpu.memref_slice %arg4[%select_n3A_2249, %mul3A_2308, %dma_wait3A_2317] : memref<200x1024x64xf32, #tpu.memory_space<hbm>> -> memref<1x128x64xf32, #tpu.memory_space<hbm>>
      %dma_wait3A_2319 = tpu.memref_squeeze %dma_wait3A_2318 : memref<1x128x64xf32, #tpu.memory_space<hbm>> -> memref<128x64xf32, #tpu.memory_space<hbm>>
      %dma_wait3A_2320 = arith.constant 0 : i32
      %dma_wait3A_2321 = arith.constant 0 : i32
      %dma_wait3A_2322 = tpu.memref_slice %arg6[%dma_wait3A_2309, %dma_wait3A_2320, %dma_wait3A_2321] : memref<5x128x64xf32, #tpu.memory_space<vmem>> -> memref<1x128x64xf32, #tpu.memory_space<vmem>>
      %dma_wait3A_2323 = tpu.memref_squeeze %dma_wait3A_2322 : memref<1x128x64xf32, #tpu.memory_space<vmem>> -> memref<128x64xf32, #tpu.memory_space<vmem>>
      tpu.wait_dma2 semaphore(%arg10 : memref<!tpu.dma_semaphore, #tpu.memory_space<semaphore_mem>>) src(%dma_wait3A_2323 : memref<128x64xf32, #tpu.memory_space<vmem>>) dst(%dma_wait3A_2319 : memref<128x64xf32, #tpu.memory_space<hbm>>)
      %mul3A_2324 = arith.constant 5 : i32
      %mul3A_2325 = arith.muli %mul3A_528, %mul3A_2324 : i32
      %add3A_2326 = arith.addi %mul3A_2, %mul3A_2325 : i32
      %add3A_2327 = arith.constant 3 : i32
      %add3A_2328 = arith.addi %add3A_2326, %add3A_2327 : i32
      %jit3A_2329 = arith.constant 8 : i32
      %div3A_2330 = arith.divsi %add3A_2328, %jit3A_2329 : i32
      %sign3A_2331 = arith.constant 0 : i32
      %sign3A_2332 = arith.cmpi sgt, %add3A_2328, %sign3A_2331 : i32
      %sign3A_2333 = arith.extui %sign3A_2332 : i1 to i32
      %sign3A_2334 = arith.constant 0 : i32
      %sign3A_2335 = arith.cmpi slt, %add3A_2328, %sign3A_2334 : i32
      %sign3A_2336 = arith.extui %sign3A_2335 : i1 to i32
      %sign3A_2337 = arith.subi %sign3A_2333, %sign3A_2336 : i32
      %sign3A_2338 = arith.constant 0 : i32
      %sign3A_2339 = arith.cmpi sgt, %jit3A_2329, %sign3A_2338 : i32
      %sign3A_2340 = arith.extui %sign3A_2339 : i1 to i32
      %sign3A_2341 = arith.constant 0 : i32
      %sign3A_2342 = arith.cmpi slt, %jit3A_2329, %sign3A_2341 : i32
      %sign3A_2343 = arith.extui %sign3A_2342 : i1 to i32
      %sign3A_2344 = arith.subi %sign3A_2340, %sign3A_2343 : i32
      %ne3A_2345 = arith.cmpi ne, %sign3A_2337, %sign3A_2344 : i32
      %rem3A_2346 = arith.remsi %add3A_2328, %jit3A_2329 : i32
      %ne3A_2347 = arith.constant 0 : i32
      %ne3A_2348 = arith.cmpi ne, %rem3A_2346, %ne3A_2347 : i32
      %and3A_2349 = arith.andi %ne3A_2345, %ne3A_2348 : i1
      %sub3A_2350 = arith.constant 1 : i32
      %sub3A_2351 = arith.subi %div3A_2330, %sub3A_2350 : i32
      %select_n3A_2352 = arith.select %and3A_2349, %sub3A_2351, %div3A_2330 : i32
      %jit3A_2353 = arith.constant 8 : i32
      %eq3A_2354 = arith.constant 0 : i32
      %eq3A_2355 = arith.cmpi eq, %jit3A_2353, %eq3A_2354 : i32
      %jit3A_2356 = arith.constant 1 : i32
      %select_n3A_2357 = arith.select %eq3A_2355, %jit3A_2356, %jit3A_2353 : i32
      %rem3A_2358 = arith.remsi %add3A_2328, %select_n3A_2357 : i32
      %ne3A_2359 = arith.constant 0 : i32
      %ne3A_2360 = arith.cmpi ne, %rem3A_2358, %ne3A_2359 : i32
      %lt3A_2361 = arith.constant 0 : i32
      %lt3A_2362 = arith.cmpi slt, %rem3A_2358, %lt3A_2361 : i32
      %lt3A_2363 = arith.constant 0 : i32
      %lt3A_2364 = arith.cmpi slt, %select_n3A_2357, %lt3A_2363 : i32
      %ne3A_2365 = arith.xori %lt3A_2362, %lt3A_2364 : i1
      %and3A_2366 = arith.andi %ne3A_2365, %ne3A_2360 : i1
      %add3A_2367 = arith.addi %rem3A_2358, %select_n3A_2357 : i32
      %select_n3A_2368 = arith.select %and3A_2366, %add3A_2367, %rem3A_2358 : i32
      %jit3A_2369 = arith.constant 8 : i32
      %div3A_2370 = arith.divsi %select_n3A_2352, %jit3A_2369 : i32
      %sign3A_2371 = arith.constant 0 : i32
      %sign3A_2372 = arith.cmpi sgt, %select_n3A_2352, %sign3A_2371 : i32
      %sign3A_2373 = arith.extui %sign3A_2372 : i1 to i32
      %sign3A_2374 = arith.constant 0 : i32
      %sign3A_2375 = arith.cmpi slt, %select_n3A_2352, %sign3A_2374 : i32
      %sign3A_2376 = arith.extui %sign3A_2375 : i1 to i32
      %sign3A_2377 = arith.subi %sign3A_2373, %sign3A_2376 : i32
      %sign3A_2378 = arith.constant 0 : i32
      %sign3A_2379 = arith.cmpi sgt, %jit3A_2369, %sign3A_2378 : i32
      %sign3A_2380 = arith.extui %sign3A_2379 : i1 to i32
      %sign3A_2381 = arith.constant 0 : i32
      %sign3A_2382 = arith.cmpi slt, %jit3A_2369, %sign3A_2381 : i32
      %sign3A_2383 = arith.extui %sign3A_2382 : i1 to i32
      %sign3A_2384 = arith.subi %sign3A_2380, %sign3A_2383 : i32
      %ne3A_2385 = arith.cmpi ne, %sign3A_2377, %sign3A_2384 : i32
      %rem3A_2386 = arith.remsi %select_n3A_2352, %jit3A_2369 : i32
      %ne3A_2387 = arith.constant 0 : i32
      %ne3A_2388 = arith.cmpi ne, %rem3A_2386, %ne3A_2387 : i32
      %and3A_2389 = arith.andi %ne3A_2385, %ne3A_2388 : i1
      %sub3A_2390 = arith.constant 1 : i32
      %sub3A_2391 = arith.subi %div3A_2370, %sub3A_2390 : i32
      %select_n3A_2392 = arith.select %and3A_2389, %sub3A_2391, %div3A_2370 : i32
      %sub3A_2393 = arith.subi %select_n3A_2392, %min3A_43 : i32
      %jit3A_2394 = arith.constant 8 : i32
      %eq3A_2395 = arith.constant 0 : i32
      %eq3A_2396 = arith.cmpi eq, %jit3A_2394, %eq3A_2395 : i32
      %jit3A_2397 = arith.constant 1 : i32
      %select_n3A_2398 = arith.select %eq3A_2396, %jit3A_2397, %jit3A_2394 : i32
      %rem3A_2399 = arith.remsi %select_n3A_2352, %select_n3A_2398 : i32
      %ne3A_2400 = arith.constant 0 : i32
      %ne3A_2401 = arith.cmpi ne, %rem3A_2399, %ne3A_2400 : i32
      %lt3A_2402 = arith.constant 0 : i32
      %lt3A_2403 = arith.cmpi slt, %rem3A_2399, %lt3A_2402 : i32
      %lt3A_2404 = arith.constant 0 : i32
      %lt3A_2405 = arith.cmpi slt, %select_n3A_2398, %lt3A_2404 : i32
      %ne3A_2406 = arith.xori %lt3A_2403, %lt3A_2405 : i1
      %and3A_2407 = arith.andi %ne3A_2406, %ne3A_2401 : i1
      %add3A_2408 = arith.addi %rem3A_2399, %select_n3A_2398 : i32
      %select_n3A_2409 = arith.select %and3A_2407, %add3A_2408, %rem3A_2399 : i32
      %mul3A_2410 = arith.constant 128 : i32
      %mul3A_2411 = arith.muli %select_n3A_2368, %mul3A_2410 : i32
      %dma_wait3A_2412 = arith.constant 3 : i32
      %dma_wait3A_2413 = arith.constant 0 : i32
      %dma_wait3A_2414 = arith.constant 0 : i32
      %dma_wait3A_2415 = tpu.memref_slice %arg6[%dma_wait3A_2412, %dma_wait3A_2413, %dma_wait3A_2414] : memref<5x128x64xf32, #tpu.memory_space<vmem>> -> memref<1x128x64xf32, #tpu.memory_space<vmem>>
      %dma_wait3A_2416 = tpu.memref_squeeze %dma_wait3A_2415 : memref<1x128x64xf32, #tpu.memory_space<vmem>> -> memref<128x64xf32, #tpu.memory_space<vmem>>
      %dma_wait3A_2417 = arith.constant 0 : i32
      %dma_wait3A_2418 = tpu.memref_slice %arg4[%select_n3A_2352, %mul3A_2411, %dma_wait3A_2417] : memref<200x1024x64xf32, #tpu.memory_space<hbm>> -> memref<1x128x64xf32, #tpu.memory_space<hbm>>
      %dma_wait3A_2419 = tpu.memref_squeeze %dma_wait3A_2418 : memref<1x128x64xf32, #tpu.memory_space<hbm>> -> memref<128x64xf32, #tpu.memory_space<hbm>>
      %dma_wait3A_2420 = arith.constant 0 : i32
      %dma_wait3A_2421 = tpu.memref_slice %arg4[%select_n3A_2352, %mul3A_2411, %dma_wait3A_2420] : memref<200x1024x64xf32, #tpu.memory_space<hbm>> -> memref<1x128x64xf32, #tpu.memory_space<hbm>>
      %dma_wait3A_2422 = tpu.memref_squeeze %dma_wait3A_2421 : memref<1x128x64xf32, #tpu.memory_space<hbm>> -> memref<128x64xf32, #tpu.memory_space<hbm>>
      %dma_wait3A_2423 = arith.constant 0 : i32
      %dma_wait3A_2424 = arith.constant 0 : i32
      %dma_wait3A_2425 = tpu.memref_slice %arg6[%dma_wait3A_2412, %dma_wait3A_2423, %dma_wait3A_2424] : memref<5x128x64xf32, #tpu.memory_space<vmem>> -> memref<1x128x64xf32, #tpu.memory_space<vmem>>
      %dma_wait3A_2426 = tpu.memref_squeeze %dma_wait3A_2425 : memref<1x128x64xf32, #tpu.memory_space<vmem>> -> memref<128x64xf32, #tpu.memory_space<vmem>>
      tpu.wait_dma2 semaphore(%arg10 : memref<!tpu.dma_semaphore, #tpu.memory_space<semaphore_mem>>) src(%dma_wait3A_2426 : memref<128x64xf32, #tpu.memory_space<vmem>>) dst(%dma_wait3A_2422 : memref<128x64xf32, #tpu.memory_space<hbm>>)
      %mul3A_2427 = arith.constant 5 : i32
      %mul3A_2428 = arith.muli %mul3A_528, %mul3A_2427 : i32
      %add3A_2429 = arith.addi %mul3A_2, %mul3A_2428 : i32
      %add3A_2430 = arith.constant 4 : i32
      %add3A_2431 = arith.addi %add3A_2429, %add3A_2430 : i32
      %jit3A_2432 = arith.constant 8 : i32
      %div3A_2433 = arith.divsi %add3A_2431, %jit3A_2432 : i32
      %sign3A_2434 = arith.constant 0 : i32
      %sign3A_2435 = arith.cmpi sgt, %add3A_2431, %sign3A_2434 : i32
      %sign3A_2436 = arith.extui %sign3A_2435 : i1 to i32
      %sign3A_2437 = arith.constant 0 : i32
      %sign3A_2438 = arith.cmpi slt, %add3A_2431, %sign3A_2437 : i32
      %sign3A_2439 = arith.extui %sign3A_2438 : i1 to i32
      %sign3A_2440 = arith.subi %sign3A_2436, %sign3A_2439 : i32
      %sign3A_2441 = arith.constant 0 : i32
      %sign3A_2442 = arith.cmpi sgt, %jit3A_2432, %sign3A_2441 : i32
      %sign3A_2443 = arith.extui %sign3A_2442 : i1 to i32
      %sign3A_2444 = arith.constant 0 : i32
      %sign3A_2445 = arith.cmpi slt, %jit3A_2432, %sign3A_2444 : i32
      %sign3A_2446 = arith.extui %sign3A_2445 : i1 to i32
      %sign3A_2447 = arith.subi %sign3A_2443, %sign3A_2446 : i32
      %ne3A_2448 = arith.cmpi ne, %sign3A_2440, %sign3A_2447 : i32
      %rem3A_2449 = arith.remsi %add3A_2431, %jit3A_2432 : i32
      %ne3A_2450 = arith.constant 0 : i32
      %ne3A_2451 = arith.cmpi ne, %rem3A_2449, %ne3A_2450 : i32
      %and3A_2452 = arith.andi %ne3A_2448, %ne3A_2451 : i1
      %sub3A_2453 = arith.constant 1 : i32
      %sub3A_2454 = arith.subi %div3A_2433, %sub3A_2453 : i32
      %select_n3A_2455 = arith.select %and3A_2452, %sub3A_2454, %div3A_2433 : i32
      %jit3A_2456 = arith.constant 8 : i32
      %eq3A_2457 = arith.constant 0 : i32
      %eq3A_2458 = arith.cmpi eq, %jit3A_2456, %eq3A_2457 : i32
      %jit3A_2459 = arith.constant 1 : i32
      %select_n3A_2460 = arith.select %eq3A_2458, %jit3A_2459, %jit3A_2456 : i32
      %rem3A_2461 = arith.remsi %add3A_2431, %select_n3A_2460 : i32
      %ne3A_2462 = arith.constant 0 : i32
      %ne3A_2463 = arith.cmpi ne, %rem3A_2461, %ne3A_2462 : i32
      %lt3A_2464 = arith.constant 0 : i32
      %lt3A_2465 = arith.cmpi slt, %rem3A_2461, %lt3A_2464 : i32
      %lt3A_2466 = arith.constant 0 : i32
      %lt3A_2467 = arith.cmpi slt, %select_n3A_2460, %lt3A_2466 : i32
      %ne3A_2468 = arith.xori %lt3A_2465, %lt3A_2467 : i1
      %and3A_2469 = arith.andi %ne3A_2468, %ne3A_2463 : i1
      %add3A_2470 = arith.addi %rem3A_2461, %select_n3A_2460 : i32
      %select_n3A_2471 = arith.select %and3A_2469, %add3A_2470, %rem3A_2461 : i32
      %jit3A_2472 = arith.constant 8 : i32
      %div3A_2473 = arith.divsi %select_n3A_2455, %jit3A_2472 : i32
      %sign3A_2474 = arith.constant 0 : i32
      %sign3A_2475 = arith.cmpi sgt, %select_n3A_2455, %sign3A_2474 : i32
      %sign3A_2476 = arith.extui %sign3A_2475 : i1 to i32
      %sign3A_2477 = arith.constant 0 : i32
      %sign3A_2478 = arith.cmpi slt, %select_n3A_2455, %sign3A_2477 : i32
      %sign3A_2479 = arith.extui %sign3A_2478 : i1 to i32
      %sign3A_2480 = arith.subi %sign3A_2476, %sign3A_2479 : i32
      %sign3A_2481 = arith.constant 0 : i32
      %sign3A_2482 = arith.cmpi sgt, %jit3A_2472, %sign3A_2481 : i32
      %sign3A_2483 = arith.extui %sign3A_2482 : i1 to i32
      %sign3A_2484 = arith.constant 0 : i32
      %sign3A_2485 = arith.cmpi slt, %jit3A_2472, %sign3A_2484 : i32
      %sign3A_2486 = arith.extui %sign3A_2485 : i1 to i32
      %sign3A_2487 = arith.subi %sign3A_2483, %sign3A_2486 : i32
      %ne3A_2488 = arith.cmpi ne, %sign3A_2480, %sign3A_2487 : i32
      %rem3A_2489 = arith.remsi %select_n3A_2455, %jit3A_2472 : i32
      %ne3A_2490 = arith.constant 0 : i32
      %ne3A_2491 = arith.cmpi ne, %rem3A_2489, %ne3A_2490 : i32
      %and3A_2492 = arith.andi %ne3A_2488, %ne3A_2491 : i1
      %sub3A_2493 = arith.constant 1 : i32
      %sub3A_2494 = arith.subi %div3A_2473, %sub3A_2493 : i32
      %select_n3A_2495 = arith.select %and3A_2492, %sub3A_2494, %div3A_2473 : i32
      %sub3A_2496 = arith.subi %select_n3A_2495, %min3A_43 : i32
      %jit3A_2497 = arith.constant 8 : i32
      %eq3A_2498 = arith.constant 0 : i32
      %eq3A_2499 = arith.cmpi eq, %jit3A_2497, %eq3A_2498 : i32
      %jit3A_2500 = arith.constant 1 : i32
      %select_n3A_2501 = arith.select %eq3A_2499, %jit3A_2500, %jit3A_2497 : i32
      %rem3A_2502 = arith.remsi %select_n3A_2455, %select_n3A_2501 : i32
      %ne3A_2503 = arith.constant 0 : i32
      %ne3A_2504 = arith.cmpi ne, %rem3A_2502, %ne3A_2503 : i32
      %lt3A_2505 = arith.constant 0 : i32
      %lt3A_2506 = arith.cmpi slt, %rem3A_2502, %lt3A_2505 : i32
      %lt3A_2507 = arith.constant 0 : i32
      %lt3A_2508 = arith.cmpi slt, %select_n3A_2501, %lt3A_2507 : i32
      %ne3A_2509 = arith.xori %lt3A_2506, %lt3A_2508 : i1
      %and3A_2510 = arith.andi %ne3A_2509, %ne3A_2504 : i1
      %add3A_2511 = arith.addi %rem3A_2502, %select_n3A_2501 : i32
      %select_n3A_2512 = arith.select %and3A_2510, %add3A_2511, %rem3A_2502 : i32
      %mul3A_2513 = arith.constant 128 : i32
      %mul3A_2514 = arith.muli %select_n3A_2471, %mul3A_2513 : i32
      %dma_wait3A_2515 = arith.constant 4 : i32
      %dma_wait3A_2516 = arith.constant 0 : i32
      %dma_wait3A_2517 = arith.constant 0 : i32
      %dma_wait3A_2518 = tpu.memref_slice %arg6[%dma_wait3A_2515, %dma_wait3A_2516, %dma_wait3A_2517] : memref<5x128x64xf32, #tpu.memory_space<vmem>> -> memref<1x128x64xf32, #tpu.memory_space<vmem>>
      %dma_wait3A_2519 = tpu.memref_squeeze %dma_wait3A_2518 : memref<1x128x64xf32, #tpu.memory_space<vmem>> -> memref<128x64xf32, #tpu.memory_space<vmem>>
      %dma_wait3A_2520 = arith.constant 0 : i32
      %dma_wait3A_2521 = tpu.memref_slice %arg4[%select_n3A_2455, %mul3A_2514, %dma_wait3A_2520] : memref<200x1024x64xf32, #tpu.memory_space<hbm>> -> memref<1x128x64xf32, #tpu.memory_space<hbm>>
      %dma_wait3A_2522 = tpu.memref_squeeze %dma_wait3A_2521 : memref<1x128x64xf32, #tpu.memory_space<hbm>> -> memref<128x64xf32, #tpu.memory_space<hbm>>
      %dma_wait3A_2523 = arith.constant 0 : i32
      %dma_wait3A_2524 = tpu.memref_slice %arg4[%select_n3A_2455, %mul3A_2514, %dma_wait3A_2523] : memref<200x1024x64xf32, #tpu.memory_space<hbm>> -> memref<1x128x64xf32, #tpu.memory_space<hbm>>
      %dma_wait3A_2525 = tpu.memref_squeeze %dma_wait3A_2524 : memref<1x128x64xf32, #tpu.memory_space<hbm>> -> memref<128x64xf32, #tpu.memory_space<hbm>>
      %dma_wait3A_2526 = arith.constant 0 : i32
      %dma_wait3A_2527 = arith.constant 0 : i32
      %dma_wait3A_2528 = tpu.memref_slice %arg6[%dma_wait3A_2515, %dma_wait3A_2526, %dma_wait3A_2527] : memref<5x128x64xf32, #tpu.memory_space<vmem>> -> memref<1x128x64xf32, #tpu.memory_space<vmem>>
      %dma_wait3A_2529 = tpu.memref_squeeze %dma_wait3A_2528 : memref<1x128x64xf32, #tpu.memory_space<vmem>> -> memref<128x64xf32, #tpu.memory_space<vmem>>
      tpu.wait_dma2 semaphore(%arg10 : memref<!tpu.dma_semaphore, #tpu.memory_space<semaphore_mem>>) src(%dma_wait3A_2529 : memref<128x64xf32, #tpu.memory_space<vmem>>) dst(%dma_wait3A_2525 : memref<128x64xf32, #tpu.memory_space<hbm>>)
      %add3A_2530 = arith.constant 2 : i32
      %add3A_2531 = arith.addi %mul3A_528, %add3A_2530 : i32
      %lt3A_2532 = arith.constant 10 : i32
      %lt3A_2533 = arith.cmpi slt, %add3A_2531, %lt3A_2532 : i32
      %convert_element_type3A = arith.extui %lt3A_2533 : i1 to i32
      %cond3A = arith.constant 0 : i32
      %cond3A_2534 = arith.cmpi ne, %convert_element_type3A, %cond3A : i32
      scf.if %cond3A_2534 {
        %add3A_4054 = arith.constant 2 : i32
        %add3A_4055 = arith.addi %mul3A_528, %add3A_4054 : i32
        %mul3A_4056 = arith.constant 5 : i32
        %mul3A_4057 = arith.muli %add3A_4055, %mul3A_4056 : i32
        %add3A_4058 = arith.addi %mul3A_2, %mul3A_4057 : i32
        %add3A_4059 = arith.constant 0 : i32
        %add3A_4060 = arith.addi %add3A_4058, %add3A_4059 : i32
        %jit3A_4061 = arith.constant 8 : i32
        %div3A_4062 = arith.divsi %add3A_4060, %jit3A_4061 : i32
        %sign3A_4063 = arith.constant 0 : i32
        %sign3A_4064 = arith.cmpi sgt, %add3A_4060, %sign3A_4063 : i32
        %sign3A_4065 = arith.extui %sign3A_4064 : i1 to i32
        %sign3A_4066 = arith.constant 0 : i32
        %sign3A_4067 = arith.cmpi slt, %add3A_4060, %sign3A_4066 : i32
        %sign3A_4068 = arith.extui %sign3A_4067 : i1 to i32
        %sign3A_4069 = arith.subi %sign3A_4065, %sign3A_4068 : i32
        %sign3A_4070 = arith.constant 0 : i32
        %sign3A_4071 = arith.cmpi sgt, %jit3A_4061, %sign3A_4070 : i32
        %sign3A_4072 = arith.extui %sign3A_4071 : i1 to i32
        %sign3A_4073 = arith.constant 0 : i32
        %sign3A_4074 = arith.cmpi slt, %jit3A_4061, %sign3A_4073 : i32
        %sign3A_4075 = arith.extui %sign3A_4074 : i1 to i32
        %sign3A_4076 = arith.subi %sign3A_4072, %sign3A_4075 : i32
        %ne3A_4077 = arith.cmpi ne, %sign3A_4069, %sign3A_4076 : i32
        %rem3A_4078 = arith.remsi %add3A_4060, %jit3A_4061 : i32
        %ne3A_4079 = arith.constant 0 : i32
        %ne3A_4080 = arith.cmpi ne, %rem3A_4078, %ne3A_4079 : i32
        %and3A_4081 = arith.andi %ne3A_4077, %ne3A_4080 : i1
        %sub3A_4082 = arith.constant 1 : i32
        %sub3A_4083 = arith.subi %div3A_4062, %sub3A_4082 : i32
        %select_n3A_4084 = arith.select %and3A_4081, %sub3A_4083, %div3A_4062 : i32
        %jit3A_4085 = arith.constant 8 : i32
        %eq3A_4086 = arith.constant 0 : i32
        %eq3A_4087 = arith.cmpi eq, %jit3A_4085, %eq3A_4086 : i32
        %jit3A_4088 = arith.constant 1 : i32
        %select_n3A_4089 = arith.select %eq3A_4087, %jit3A_4088, %jit3A_4085 : i32
        %rem3A_4090 = arith.remsi %add3A_4060, %select_n3A_4089 : i32
        %ne3A_4091 = arith.constant 0 : i32
        %ne3A_4092 = arith.cmpi ne, %rem3A_4090, %ne3A_4091 : i32
        %lt3A_4093 = arith.constant 0 : i32
        %lt3A_4094 = arith.cmpi slt, %rem3A_4090, %lt3A_4093 : i32
        %lt3A_4095 = arith.constant 0 : i32
        %lt3A_4096 = arith.cmpi slt, %select_n3A_4089, %lt3A_4095 : i32
        %ne3A_4097 = arith.xori %lt3A_4094, %lt3A_4096 : i1
        %and3A_4098 = arith.andi %ne3A_4097, %ne3A_4092 : i1
        %add3A_4099 = arith.addi %rem3A_4090, %select_n3A_4089 : i32
        %select_n3A_4100 = arith.select %and3A_4098, %add3A_4099, %rem3A_4090 : i32
        %jit3A_4101 = arith.constant 8 : i32
        %div3A_4102 = arith.divsi %select_n3A_4084, %jit3A_4101 : i32
        %sign3A_4103 = arith.constant 0 : i32
        %sign3A_4104 = arith.cmpi sgt, %select_n3A_4084, %sign3A_4103 : i32
        %sign3A_4105 = arith.extui %sign3A_4104 : i1 to i32
        %sign3A_4106 = arith.constant 0 : i32
        %sign3A_4107 = arith.cmpi slt, %select_n3A_4084, %sign3A_4106 : i32
        %sign3A_4108 = arith.extui %sign3A_4107 : i1 to i32
        %sign3A_4109 = arith.subi %sign3A_4105, %sign3A_4108 : i32
        %sign3A_4110 = arith.constant 0 : i32
        %sign3A_4111 = arith.cmpi sgt, %jit3A_4101, %sign3A_4110 : i32
        %sign3A_4112 = arith.extui %sign3A_4111 : i1 to i32
        %sign3A_4113 = arith.constant 0 : i32
        %sign3A_4114 = arith.cmpi slt, %jit3A_4101, %sign3A_4113 : i32
        %sign3A_4115 = arith.extui %sign3A_4114 : i1 to i32
        %sign3A_4116 = arith.subi %sign3A_4112, %sign3A_4115 : i32
        %ne3A_4117 = arith.cmpi ne, %sign3A_4109, %sign3A_4116 : i32
        %rem3A_4118 = arith.remsi %select_n3A_4084, %jit3A_4101 : i32
        %ne3A_4119 = arith.constant 0 : i32
        %ne3A_4120 = arith.cmpi ne, %rem3A_4118, %ne3A_4119 : i32
        %and3A_4121 = arith.andi %ne3A_4117, %ne3A_4120 : i1
        %sub3A_4122 = arith.constant 1 : i32
        %sub3A_4123 = arith.subi %div3A_4102, %sub3A_4122 : i32
        %select_n3A_4124 = arith.select %and3A_4121, %sub3A_4123, %div3A_4102 : i32
        %sub3A_4125 = arith.subi %select_n3A_4124, %min3A_43 : i32
        %jit3A_4126 = arith.constant 8 : i32
        %eq3A_4127 = arith.constant 0 : i32
        %eq3A_4128 = arith.cmpi eq, %jit3A_4126, %eq3A_4127 : i32
        %jit3A_4129 = arith.constant 1 : i32
        %select_n3A_4130 = arith.select %eq3A_4128, %jit3A_4129, %jit3A_4126 : i32
        %rem3A_4131 = arith.remsi %select_n3A_4084, %select_n3A_4130 : i32
        %ne3A_4132 = arith.constant 0 : i32
        %ne3A_4133 = arith.cmpi ne, %rem3A_4131, %ne3A_4132 : i32
        %lt3A_4134 = arith.constant 0 : i32
        %lt3A_4135 = arith.cmpi slt, %rem3A_4131, %lt3A_4134 : i32
        %lt3A_4136 = arith.constant 0 : i32
        %lt3A_4137 = arith.cmpi slt, %select_n3A_4130, %lt3A_4136 : i32
        %ne3A_4138 = arith.xori %lt3A_4135, %lt3A_4137 : i1
        %and3A_4139 = arith.andi %ne3A_4138, %ne3A_4133 : i1
        %add3A_4140 = arith.addi %rem3A_4131, %select_n3A_4130 : i32
        %select_n3A_4141 = arith.select %and3A_4139, %add3A_4140, %rem3A_4131 : i32
        %dma_start3A_4142 = arith.constant 0 : i32
        %dma_start3A_4143 = arith.constant 0 : i32
        %dma_start3A_4144 = arith.constant 0 : i32
        %dma_start3A_4145 = tpu.memref_slice %arg6[%dma_start3A_4142, %dma_start3A_4143, %dma_start3A_4144] : memref<5x128x64xf32, #tpu.memory_space<vmem>> -> memref<1x128x64xf32, #tpu.memory_space<vmem>>
        %dma_start3A_4146 = tpu.memref_squeeze %dma_start3A_4145 : memref<1x128x64xf32, #tpu.memory_space<vmem>> -> memref<128x64xf32, #tpu.memory_space<vmem>>
        %dma_start3A_4147 = arith.constant 0 : i32
        %dma_start3A_4148 = tpu.memref_slice %arg5[%sub3A_4125, %select_n3A_4100, %select_n3A_4141, %dma_start3A_4147] : memref<2x8x8x128xi32, #tpu.memory_space<vmem>> -> memref<1x1x1x128xi32, #tpu.memory_space<vmem>>
        %dma_start3A_4149 = tpu.memref_squeeze %dma_start3A_4148 : memref<1x1x1x128xi32, #tpu.memory_space<vmem>> -> memref<128xi32, #tpu.memory_space<vmem>>
        %dma_start3A_4150 = arith.constant 0 : i32
        %dma_start3A_4151 = arith.constant 0 : i32
        %dma_start3A_4152 = tpu.memref_slice %arg3[%dma_start3A_4150, %dma_start3A_4151] : memref<1000000x64xf32, #tpu.memory_space<hbm>> -> memref<1000000x64xf32, #tpu.memory_space<hbm>>
        tpu.enqueue_indirect_dma source(%dma_start3A_4152 : memref<1000000x64xf32, #tpu.memory_space<hbm>>) target(%dma_start3A_4146 : memref<128x64xf32, #tpu.memory_space<vmem>>) offsets(%dma_start3A_4149 : memref<128xi32, #tpu.memory_space<vmem>>) semaphore(%arg8 : memref<!tpu.dma_semaphore, #tpu.memory_space<semaphore_mem>>)
        %mul3A_4153 = arith.constant 5 : i32
        %mul3A_4154 = arith.muli %add3A_4055, %mul3A_4153 : i32
        %add3A_4155 = arith.addi %mul3A_2, %mul3A_4154 : i32
        %add3A_4156 = arith.constant 1 : i32
        %add3A_4157 = arith.addi %add3A_4155, %add3A_4156 : i32
        %jit3A_4158 = arith.constant 8 : i32
        %div3A_4159 = arith.divsi %add3A_4157, %jit3A_4158 : i32
        %sign3A_4160 = arith.constant 0 : i32
        %sign3A_4161 = arith.cmpi sgt, %add3A_4157, %sign3A_4160 : i32
        %sign3A_4162 = arith.extui %sign3A_4161 : i1 to i32
        %sign3A_4163 = arith.constant 0 : i32
        %sign3A_4164 = arith.cmpi slt, %add3A_4157, %sign3A_4163 : i32
        %sign3A_4165 = arith.extui %sign3A_4164 : i1 to i32
        %sign3A_4166 = arith.subi %sign3A_4162, %sign3A_4165 : i32
        %sign3A_4167 = arith.constant 0 : i32
        %sign3A_4168 = arith.cmpi sgt, %jit3A_4158, %sign3A_4167 : i32
        %sign3A_4169 = arith.extui %sign3A_4168 : i1 to i32
        %sign3A_4170 = arith.constant 0 : i32
        %sign3A_4171 = arith.cmpi slt, %jit3A_4158, %sign3A_4170 : i32
        %sign3A_4172 = arith.extui %sign3A_4171 : i1 to i32
        %sign3A_4173 = arith.subi %sign3A_4169, %sign3A_4172 : i32
        %ne3A_4174 = arith.cmpi ne, %sign3A_4166, %sign3A_4173 : i32
        %rem3A_4175 = arith.remsi %add3A_4157, %jit3A_4158 : i32
        %ne3A_4176 = arith.constant 0 : i32
        %ne3A_4177 = arith.cmpi ne, %rem3A_4175, %ne3A_4176 : i32
        %and3A_4178 = arith.andi %ne3A_4174, %ne3A_4177 : i1
        %sub3A_4179 = arith.constant 1 : i32
        %sub3A_4180 = arith.subi %div3A_4159, %sub3A_4179 : i32
        %select_n3A_4181 = arith.select %and3A_4178, %sub3A_4180, %div3A_4159 : i32
        %jit3A_4182 = arith.constant 8 : i32
        %eq3A_4183 = arith.constant 0 : i32
        %eq3A_4184 = arith.cmpi eq, %jit3A_4182, %eq3A_4183 : i32
        %jit3A_4185 = arith.constant 1 : i32
        %select_n3A_4186 = arith.select %eq3A_4184, %jit3A_4185, %jit3A_4182 : i32
        %rem3A_4187 = arith.remsi %add3A_4157, %select_n3A_4186 : i32
        %ne3A_4188 = arith.constant 0 : i32
        %ne3A_4189 = arith.cmpi ne, %rem3A_4187, %ne3A_4188 : i32
        %lt3A_4190 = arith.constant 0 : i32
        %lt3A_4191 = arith.cmpi slt, %rem3A_4187, %lt3A_4190 : i32
        %lt3A_4192 = arith.constant 0 : i32
        %lt3A_4193 = arith.cmpi slt, %select_n3A_4186, %lt3A_4192 : i32
        %ne3A_4194 = arith.xori %lt3A_4191, %lt3A_4193 : i1
        %and3A_4195 = arith.andi %ne3A_4194, %ne3A_4189 : i1
        %add3A_4196 = arith.addi %rem3A_4187, %select_n3A_4186 : i32
        %select_n3A_4197 = arith.select %and3A_4195, %add3A_4196, %rem3A_4187 : i32
        %jit3A_4198 = arith.constant 8 : i32
        %div3A_4199 = arith.divsi %select_n3A_4181, %jit3A_4198 : i32
        %sign3A_4200 = arith.constant 0 : i32
        %sign3A_4201 = arith.cmpi sgt, %select_n3A_4181, %sign3A_4200 : i32
        %sign3A_4202 = arith.extui %sign3A_4201 : i1 to i32
        %sign3A_4203 = arith.constant 0 : i32
        %sign3A_4204 = arith.cmpi slt, %select_n3A_4181, %sign3A_4203 : i32
        %sign3A_4205 = arith.extui %sign3A_4204 : i1 to i32
        %sign3A_4206 = arith.subi %sign3A_4202, %sign3A_4205 : i32
        %sign3A_4207 = arith.constant 0 : i32
        %sign3A_4208 = arith.cmpi sgt, %jit3A_4198, %sign3A_4207 : i32
        %sign3A_4209 = arith.extui %sign3A_4208 : i1 to i32
        %sign3A_4210 = arith.constant 0 : i32
        %sign3A_4211 = arith.cmpi slt, %jit3A_4198, %sign3A_4210 : i32
        %sign3A_4212 = arith.extui %sign3A_4211 : i1 to i32
        %sign3A_4213 = arith.subi %sign3A_4209, %sign3A_4212 : i32
        %ne3A_4214 = arith.cmpi ne, %sign3A_4206, %sign3A_4213 : i32
        %rem3A_4215 = arith.remsi %select_n3A_4181, %jit3A_4198 : i32
        %ne3A_4216 = arith.constant 0 : i32
        %ne3A_4217 = arith.cmpi ne, %rem3A_4215, %ne3A_4216 : i32
        %and3A_4218 = arith.andi %ne3A_4214, %ne3A_4217 : i1
        %sub3A_4219 = arith.constant 1 : i32
        %sub3A_4220 = arith.subi %div3A_4199, %sub3A_4219 : i32
        %select_n3A_4221 = arith.select %and3A_4218, %sub3A_4220, %div3A_4199 : i32
        %sub3A_4222 = arith.subi %select_n3A_4221, %min3A_43 : i32
        %jit3A_4223 = arith.constant 8 : i32
        %eq3A_4224 = arith.constant 0 : i32
        %eq3A_4225 = arith.cmpi eq, %jit3A_4223, %eq3A_4224 : i32
        %jit3A_4226 = arith.constant 1 : i32
        %select_n3A_4227 = arith.select %eq3A_4225, %jit3A_4226, %jit3A_4223 : i32
        %rem3A_4228 = arith.remsi %select_n3A_4181, %select_n3A_4227 : i32
        %ne3A_4229 = arith.constant 0 : i32
        %ne3A_4230 = arith.cmpi ne, %rem3A_4228, %ne3A_4229 : i32
        %lt3A_4231 = arith.constant 0 : i32
        %lt3A_4232 = arith.cmpi slt, %rem3A_4228, %lt3A_4231 : i32
        %lt3A_4233 = arith.constant 0 : i32
        %lt3A_4234 = arith.cmpi slt, %select_n3A_4227, %lt3A_4233 : i32
        %ne3A_4235 = arith.xori %lt3A_4232, %lt3A_4234 : i1
        %and3A_4236 = arith.andi %ne3A_4235, %ne3A_4230 : i1
        %add3A_4237 = arith.addi %rem3A_4228, %select_n3A_4227 : i32
        %select_n3A_4238 = arith.select %and3A_4236, %add3A_4237, %rem3A_4228 : i32
        %dma_start3A_4239 = arith.constant 1 : i32
        %dma_start3A_4240 = arith.constant 0 : i32
        %dma_start3A_4241 = arith.constant 0 : i32
        %dma_start3A_4242 = tpu.memref_slice %arg6[%dma_start3A_4239, %dma_start3A_4240, %dma_start3A_4241] : memref<5x128x64xf32, #tpu.memory_space<vmem>> -> memref<1x128x64xf32, #tpu.memory_space<vmem>>
        %dma_start3A_4243 = tpu.memref_squeeze %dma_start3A_4242 : memref<1x128x64xf32, #tpu.memory_space<vmem>> -> memref<128x64xf32, #tpu.memory_space<vmem>>
        %dma_start3A_4244 = arith.constant 0 : i32
        %dma_start3A_4245 = tpu.memref_slice %arg5[%sub3A_4222, %select_n3A_4197, %select_n3A_4238, %dma_start3A_4244] : memref<2x8x8x128xi32, #tpu.memory_space<vmem>> -> memref<1x1x1x128xi32, #tpu.memory_space<vmem>>
        %dma_start3A_4246 = tpu.memref_squeeze %dma_start3A_4245 : memref<1x1x1x128xi32, #tpu.memory_space<vmem>> -> memref<128xi32, #tpu.memory_space<vmem>>
        %dma_start3A_4247 = arith.constant 0 : i32
        %dma_start3A_4248 = arith.constant 0 : i32
        %dma_start3A_4249 = tpu.memref_slice %arg3[%dma_start3A_4247, %dma_start3A_4248] : memref<1000000x64xf32, #tpu.memory_space<hbm>> -> memref<1000000x64xf32, #tpu.memory_space<hbm>>
        tpu.enqueue_indirect_dma source(%dma_start3A_4249 : memref<1000000x64xf32, #tpu.memory_space<hbm>>) target(%dma_start3A_4243 : memref<128x64xf32, #tpu.memory_space<vmem>>) offsets(%dma_start3A_4246 : memref<128xi32, #tpu.memory_space<vmem>>) semaphore(%arg8 : memref<!tpu.dma_semaphore, #tpu.memory_space<semaphore_mem>>)
        %mul3A_4250 = arith.constant 5 : i32
        %mul3A_4251 = arith.muli %add3A_4055, %mul3A_4250 : i32
        %add3A_4252 = arith.addi %mul3A_2, %mul3A_4251 : i32
        %add3A_4253 = arith.constant 2 : i32
        %add3A_4254 = arith.addi %add3A_4252, %add3A_4253 : i32
        %jit3A_4255 = arith.constant 8 : i32
        %div3A_4256 = arith.divsi %add3A_4254, %jit3A_4255 : i32
        %sign3A_4257 = arith.constant 0 : i32
        %sign3A_4258 = arith.cmpi sgt, %add3A_4254, %sign3A_4257 : i32
        %sign3A_4259 = arith.extui %sign3A_4258 : i1 to i32
        %sign3A_4260 = arith.constant 0 : i32
        %sign3A_4261 = arith.cmpi slt, %add3A_4254, %sign3A_4260 : i32
        %sign3A_4262 = arith.extui %sign3A_4261 : i1 to i32
        %sign3A_4263 = arith.subi %sign3A_4259, %sign3A_4262 : i32
        %sign3A_4264 = arith.constant 0 : i32
        %sign3A_4265 = arith.cmpi sgt, %jit3A_4255, %sign3A_4264 : i32
        %sign3A_4266 = arith.extui %sign3A_4265 : i1 to i32
        %sign3A_4267 = arith.constant 0 : i32
        %sign3A_4268 = arith.cmpi slt, %jit3A_4255, %sign3A_4267 : i32
        %sign3A_4269 = arith.extui %sign3A_4268 : i1 to i32
        %sign3A_4270 = arith.subi %sign3A_4266, %sign3A_4269 : i32
        %ne3A_4271 = arith.cmpi ne, %sign3A_4263, %sign3A_4270 : i32
        %rem3A_4272 = arith.remsi %add3A_4254, %jit3A_4255 : i32
        %ne3A_4273 = arith.constant 0 : i32
        %ne3A_4274 = arith.cmpi ne, %rem3A_4272, %ne3A_4273 : i32
        %and3A_4275 = arith.andi %ne3A_4271, %ne3A_4274 : i1
        %sub3A_4276 = arith.constant 1 : i32
        %sub3A_4277 = arith.subi %div3A_4256, %sub3A_4276 : i32
        %select_n3A_4278 = arith.select %and3A_4275, %sub3A_4277, %div3A_4256 : i32
        %jit3A_4279 = arith.constant 8 : i32
        %eq3A_4280 = arith.constant 0 : i32
        %eq3A_4281 = arith.cmpi eq, %jit3A_4279, %eq3A_4280 : i32
        %jit3A_4282 = arith.constant 1 : i32
        %select_n3A_4283 = arith.select %eq3A_4281, %jit3A_4282, %jit3A_4279 : i32
        %rem3A_4284 = arith.remsi %add3A_4254, %select_n3A_4283 : i32
        %ne3A_4285 = arith.constant 0 : i32
        %ne3A_4286 = arith.cmpi ne, %rem3A_4284, %ne3A_4285 : i32
        %lt3A_4287 = arith.constant 0 : i32
        %lt3A_4288 = arith.cmpi slt, %rem3A_4284, %lt3A_4287 : i32
        %lt3A_4289 = arith.constant 0 : i32
        %lt3A_4290 = arith.cmpi slt, %select_n3A_4283, %lt3A_4289 : i32
        %ne3A_4291 = arith.xori %lt3A_4288, %lt3A_4290 : i1
        %and3A_4292 = arith.andi %ne3A_4291, %ne3A_4286 : i1
        %add3A_4293 = arith.addi %rem3A_4284, %select_n3A_4283 : i32
        %select_n3A_4294 = arith.select %and3A_4292, %add3A_4293, %rem3A_4284 : i32
        %jit3A_4295 = arith.constant 8 : i32
        %div3A_4296 = arith.divsi %select_n3A_4278, %jit3A_4295 : i32
        %sign3A_4297 = arith.constant 0 : i32
        %sign3A_4298 = arith.cmpi sgt, %select_n3A_4278, %sign3A_4297 : i32
        %sign3A_4299 = arith.extui %sign3A_4298 : i1 to i32
        %sign3A_4300 = arith.constant 0 : i32
        %sign3A_4301 = arith.cmpi slt, %select_n3A_4278, %sign3A_4300 : i32
        %sign3A_4302 = arith.extui %sign3A_4301 : i1 to i32
        %sign3A_4303 = arith.subi %sign3A_4299, %sign3A_4302 : i32
        %sign3A_4304 = arith.constant 0 : i32
        %sign3A_4305 = arith.cmpi sgt, %jit3A_4295, %sign3A_4304 : i32
        %sign3A_4306 = arith.extui %sign3A_4305 : i1 to i32
        %sign3A_4307 = arith.constant 0 : i32
        %sign3A_4308 = arith.cmpi slt, %jit3A_4295, %sign3A_4307 : i32
        %sign3A_4309 = arith.extui %sign3A_4308 : i1 to i32
        %sign3A_4310 = arith.subi %sign3A_4306, %sign3A_4309 : i32
        %ne3A_4311 = arith.cmpi ne, %sign3A_4303, %sign3A_4310 : i32
        %rem3A_4312 = arith.remsi %select_n3A_4278, %jit3A_4295 : i32
        %ne3A_4313 = arith.constant 0 : i32
        %ne3A_4314 = arith.cmpi ne, %rem3A_4312, %ne3A_4313 : i32
        %and3A_4315 = arith.andi %ne3A_4311, %ne3A_4314 : i1
        %sub3A_4316 = arith.constant 1 : i32
        %sub3A_4317 = arith.subi %div3A_4296, %sub3A_4316 : i32
        %select_n3A_4318 = arith.select %and3A_4315, %sub3A_4317, %div3A_4296 : i32
        %sub3A_4319 = arith.subi %select_n3A_4318, %min3A_43 : i32
        %jit3A_4320 = arith.constant 8 : i32
        %eq3A_4321 = arith.constant 0 : i32
        %eq3A_4322 = arith.cmpi eq, %jit3A_4320, %eq3A_4321 : i32
        %jit3A_4323 = arith.constant 1 : i32
        %select_n3A_4324 = arith.select %eq3A_4322, %jit3A_4323, %jit3A_4320 : i32
        %rem3A_4325 = arith.remsi %select_n3A_4278, %select_n3A_4324 : i32
        %ne3A_4326 = arith.constant 0 : i32
        %ne3A_4327 = arith.cmpi ne, %rem3A_4325, %ne3A_4326 : i32
        %lt3A_4328 = arith.constant 0 : i32
        %lt3A_4329 = arith.cmpi slt, %rem3A_4325, %lt3A_4328 : i32
        %lt3A_4330 = arith.constant 0 : i32
        %lt3A_4331 = arith.cmpi slt, %select_n3A_4324, %lt3A_4330 : i32
        %ne3A_4332 = arith.xori %lt3A_4329, %lt3A_4331 : i1
        %and3A_4333 = arith.andi %ne3A_4332, %ne3A_4327 : i1
        %add3A_4334 = arith.addi %rem3A_4325, %select_n3A_4324 : i32
        %select_n3A_4335 = arith.select %and3A_4333, %add3A_4334, %rem3A_4325 : i32
        %dma_start3A_4336 = arith.constant 2 : i32
        %dma_start3A_4337 = arith.constant 0 : i32
        %dma_start3A_4338 = arith.constant 0 : i32
        %dma_start3A_4339 = tpu.memref_slice %arg6[%dma_start3A_4336, %dma_start3A_4337, %dma_start3A_4338] : memref<5x128x64xf32, #tpu.memory_space<vmem>> -> memref<1x128x64xf32, #tpu.memory_space<vmem>>
        %dma_start3A_4340 = tpu.memref_squeeze %dma_start3A_4339 : memref<1x128x64xf32, #tpu.memory_space<vmem>> -> memref<128x64xf32, #tpu.memory_space<vmem>>
        %dma_start3A_4341 = arith.constant 0 : i32
        %dma_start3A_4342 = tpu.memref_slice %arg5[%sub3A_4319, %select_n3A_4294, %select_n3A_4335, %dma_start3A_4341] : memref<2x8x8x128xi32, #tpu.memory_space<vmem>> -> memref<1x1x1x128xi32, #tpu.memory_space<vmem>>
        %dma_start3A_4343 = tpu.memref_squeeze %dma_start3A_4342 : memref<1x1x1x128xi32, #tpu.memory_space<vmem>> -> memref<128xi32, #tpu.memory_space<vmem>>
        %dma_start3A_4344 = arith.constant 0 : i32
        %dma_start3A_4345 = arith.constant 0 : i32
        %dma_start3A_4346 = tpu.memref_slice %arg3[%dma_start3A_4344, %dma_start3A_4345] : memref<1000000x64xf32, #tpu.memory_space<hbm>> -> memref<1000000x64xf32, #tpu.memory_space<hbm>>
        tpu.enqueue_indirect_dma source(%dma_start3A_4346 : memref<1000000x64xf32, #tpu.memory_space<hbm>>) target(%dma_start3A_4340 : memref<128x64xf32, #tpu.memory_space<vmem>>) offsets(%dma_start3A_4343 : memref<128xi32, #tpu.memory_space<vmem>>) semaphore(%arg8 : memref<!tpu.dma_semaphore, #tpu.memory_space<semaphore_mem>>)
        %mul3A_4347 = arith.constant 5 : i32
        %mul3A_4348 = arith.muli %add3A_4055, %mul3A_4347 : i32
        %add3A_4349 = arith.addi %mul3A_2, %mul3A_4348 : i32
        %add3A_4350 = arith.constant 3 : i32
        %add3A_4351 = arith.addi %add3A_4349, %add3A_4350 : i32
        %jit3A_4352 = arith.constant 8 : i32
        %div3A_4353 = arith.divsi %add3A_4351, %jit3A_4352 : i32
        %sign3A_4354 = arith.constant 0 : i32
        %sign3A_4355 = arith.cmpi sgt, %add3A_4351, %sign3A_4354 : i32
        %sign3A_4356 = arith.extui %sign3A_4355 : i1 to i32
        %sign3A_4357 = arith.constant 0 : i32
        %sign3A_4358 = arith.cmpi slt, %add3A_4351, %sign3A_4357 : i32
        %sign3A_4359 = arith.extui %sign3A_4358 : i1 to i32
        %sign3A_4360 = arith.subi %sign3A_4356, %sign3A_4359 : i32
        %sign3A_4361 = arith.constant 0 : i32
        %sign3A_4362 = arith.cmpi sgt, %jit3A_4352, %sign3A_4361 : i32
        %sign3A_4363 = arith.extui %sign3A_4362 : i1 to i32
        %sign3A_4364 = arith.constant 0 : i32
        %sign3A_4365 = arith.cmpi slt, %jit3A_4352, %sign3A_4364 : i32
        %sign3A_4366 = arith.extui %sign3A_4365 : i1 to i32
        %sign3A_4367 = arith.subi %sign3A_4363, %sign3A_4366 : i32
        %ne3A_4368 = arith.cmpi ne, %sign3A_4360, %sign3A_4367 : i32
        %rem3A_4369 = arith.remsi %add3A_4351, %jit3A_4352 : i32
        %ne3A_4370 = arith.constant 0 : i32
        %ne3A_4371 = arith.cmpi ne, %rem3A_4369, %ne3A_4370 : i32
        %and3A_4372 = arith.andi %ne3A_4368, %ne3A_4371 : i1
        %sub3A_4373 = arith.constant 1 : i32
        %sub3A_4374 = arith.subi %div3A_4353, %sub3A_4373 : i32
        %select_n3A_4375 = arith.select %and3A_4372, %sub3A_4374, %div3A_4353 : i32
        %jit3A_4376 = arith.constant 8 : i32
        %eq3A_4377 = arith.constant 0 : i32
        %eq3A_4378 = arith.cmpi eq, %jit3A_4376, %eq3A_4377 : i32
        %jit3A_4379 = arith.constant 1 : i32
        %select_n3A_4380 = arith.select %eq3A_4378, %jit3A_4379, %jit3A_4376 : i32
        %rem3A_4381 = arith.remsi %add3A_4351, %select_n3A_4380 : i32
        %ne3A_4382 = arith.constant 0 : i32
        %ne3A_4383 = arith.cmpi ne, %rem3A_4381, %ne3A_4382 : i32
        %lt3A_4384 = arith.constant 0 : i32
        %lt3A_4385 = arith.cmpi slt, %rem3A_4381, %lt3A_4384 : i32
        %lt3A_4386 = arith.constant 0 : i32
        %lt3A_4387 = arith.cmpi slt, %select_n3A_4380, %lt3A_4386 : i32
        %ne3A_4388 = arith.xori %lt3A_4385, %lt3A_4387 : i1
        %and3A_4389 = arith.andi %ne3A_4388, %ne3A_4383 : i1
        %add3A_4390 = arith.addi %rem3A_4381, %select_n3A_4380 : i32
        %select_n3A_4391 = arith.select %and3A_4389, %add3A_4390, %rem3A_4381 : i32
        %jit3A_4392 = arith.constant 8 : i32
        %div3A_4393 = arith.divsi %select_n3A_4375, %jit3A_4392 : i32
        %sign3A_4394 = arith.constant 0 : i32
        %sign3A_4395 = arith.cmpi sgt, %select_n3A_4375, %sign3A_4394 : i32
        %sign3A_4396 = arith.extui %sign3A_4395 : i1 to i32
        %sign3A_4397 = arith.constant 0 : i32
        %sign3A_4398 = arith.cmpi slt, %select_n3A_4375, %sign3A_4397 : i32
        %sign3A_4399 = arith.extui %sign3A_4398 : i1 to i32
        %sign3A_4400 = arith.subi %sign3A_4396, %sign3A_4399 : i32
        %sign3A_4401 = arith.constant 0 : i32
        %sign3A_4402 = arith.cmpi sgt, %jit3A_4392, %sign3A_4401 : i32
        %sign3A_4403 = arith.extui %sign3A_4402 : i1 to i32
        %sign3A_4404 = arith.constant 0 : i32
        %sign3A_4405 = arith.cmpi slt, %jit3A_4392, %sign3A_4404 : i32
        %sign3A_4406 = arith.extui %sign3A_4405 : i1 to i32
        %sign3A_4407 = arith.subi %sign3A_4403, %sign3A_4406 : i32
        %ne3A_4408 = arith.cmpi ne, %sign3A_4400, %sign3A_4407 : i32
        %rem3A_4409 = arith.remsi %select_n3A_4375, %jit3A_4392 : i32
        %ne3A_4410 = arith.constant 0 : i32
        %ne3A_4411 = arith.cmpi ne, %rem3A_4409, %ne3A_4410 : i32
        %and3A_4412 = arith.andi %ne3A_4408, %ne3A_4411 : i1
        %sub3A_4413 = arith.constant 1 : i32
        %sub3A_4414 = arith.subi %div3A_4393, %sub3A_4413 : i32
        %select_n3A_4415 = arith.select %and3A_4412, %sub3A_4414, %div3A_4393 : i32
        %sub3A_4416 = arith.subi %select_n3A_4415, %min3A_43 : i32
        %jit3A_4417 = arith.constant 8 : i32
        %eq3A_4418 = arith.constant 0 : i32
        %eq3A_4419 = arith.cmpi eq, %jit3A_4417, %eq3A_4418 : i32
        %jit3A_4420 = arith.constant 1 : i32
        %select_n3A_4421 = arith.select %eq3A_4419, %jit3A_4420, %jit3A_4417 : i32
        %rem3A_4422 = arith.remsi %select_n3A_4375, %select_n3A_4421 : i32
        %ne3A_4423 = arith.constant 0 : i32
        %ne3A_4424 = arith.cmpi ne, %rem3A_4422, %ne3A_4423 : i32
        %lt3A_4425 = arith.constant 0 : i32
        %lt3A_4426 = arith.cmpi slt, %rem3A_4422, %lt3A_4425 : i32
        %lt3A_4427 = arith.constant 0 : i32
        %lt3A_4428 = arith.cmpi slt, %select_n3A_4421, %lt3A_4427 : i32
        %ne3A_4429 = arith.xori %lt3A_4426, %lt3A_4428 : i1
        %and3A_4430 = arith.andi %ne3A_4429, %ne3A_4424 : i1
        %add3A_4431 = arith.addi %rem3A_4422, %select_n3A_4421 : i32
        %select_n3A_4432 = arith.select %and3A_4430, %add3A_4431, %rem3A_4422 : i32
        %dma_start3A_4433 = arith.constant 3 : i32
        %dma_start3A_4434 = arith.constant 0 : i32
        %dma_start3A_4435 = arith.constant 0 : i32
        %dma_start3A_4436 = tpu.memref_slice %arg6[%dma_start3A_4433, %dma_start3A_4434, %dma_start3A_4435] : memref<5x128x64xf32, #tpu.memory_space<vmem>> -> memref<1x128x64xf32, #tpu.memory_space<vmem>>
        %dma_start3A_4437 = tpu.memref_squeeze %dma_start3A_4436 : memref<1x128x64xf32, #tpu.memory_space<vmem>> -> memref<128x64xf32, #tpu.memory_space<vmem>>
        %dma_start3A_4438 = arith.constant 0 : i32
        %dma_start3A_4439 = tpu.memref_slice %arg5[%sub3A_4416, %select_n3A_4391, %select_n3A_4432, %dma_start3A_4438] : memref<2x8x8x128xi32, #tpu.memory_space<vmem>> -> memref<1x1x1x128xi32, #tpu.memory_space<vmem>>
        %dma_start3A_4440 = tpu.memref_squeeze %dma_start3A_4439 : memref<1x1x1x128xi32, #tpu.memory_space<vmem>> -> memref<128xi32, #tpu.memory_space<vmem>>
        %dma_start3A_4441 = arith.constant 0 : i32
        %dma_start3A_4442 = arith.constant 0 : i32
        %dma_start3A_4443 = tpu.memref_slice %arg3[%dma_start3A_4441, %dma_start3A_4442] : memref<1000000x64xf32, #tpu.memory_space<hbm>> -> memref<1000000x64xf32, #tpu.memory_space<hbm>>
        tpu.enqueue_indirect_dma source(%dma_start3A_4443 : memref<1000000x64xf32, #tpu.memory_space<hbm>>) target(%dma_start3A_4437 : memref<128x64xf32, #tpu.memory_space<vmem>>) offsets(%dma_start3A_4440 : memref<128xi32, #tpu.memory_space<vmem>>) semaphore(%arg8 : memref<!tpu.dma_semaphore, #tpu.memory_space<semaphore_mem>>)
        %mul3A_4444 = arith.constant 5 : i32
        %mul3A_4445 = arith.muli %add3A_4055, %mul3A_4444 : i32
        %add3A_4446 = arith.addi %mul3A_2, %mul3A_4445 : i32
        %add3A_4447 = arith.constant 4 : i32
        %add3A_4448 = arith.addi %add3A_4446, %add3A_4447 : i32
        %jit3A_4449 = arith.constant 8 : i32
        %div3A_4450 = arith.divsi %add3A_4448, %jit3A_4449 : i32
        %sign3A_4451 = arith.constant 0 : i32
        %sign3A_4452 = arith.cmpi sgt, %add3A_4448, %sign3A_4451 : i32
        %sign3A_4453 = arith.extui %sign3A_4452 : i1 to i32
        %sign3A_4454 = arith.constant 0 : i32
        %sign3A_4455 = arith.cmpi slt, %add3A_4448, %sign3A_4454 : i32
        %sign3A_4456 = arith.extui %sign3A_4455 : i1 to i32
        %sign3A_4457 = arith.subi %sign3A_4453, %sign3A_4456 : i32
        %sign3A_4458 = arith.constant 0 : i32
        %sign3A_4459 = arith.cmpi sgt, %jit3A_4449, %sign3A_4458 : i32
        %sign3A_4460 = arith.extui %sign3A_4459 : i1 to i32
        %sign3A_4461 = arith.constant 0 : i32
        %sign3A_4462 = arith.cmpi slt, %jit3A_4449, %sign3A_4461 : i32
        %sign3A_4463 = arith.extui %sign3A_4462 : i1 to i32
        %sign3A_4464 = arith.subi %sign3A_4460, %sign3A_4463 : i32
        %ne3A_4465 = arith.cmpi ne, %sign3A_4457, %sign3A_4464 : i32
        %rem3A_4466 = arith.remsi %add3A_4448, %jit3A_4449 : i32
        %ne3A_4467 = arith.constant 0 : i32
        %ne3A_4468 = arith.cmpi ne, %rem3A_4466, %ne3A_4467 : i32
        %and3A_4469 = arith.andi %ne3A_4465, %ne3A_4468 : i1
        %sub3A_4470 = arith.constant 1 : i32
        %sub3A_4471 = arith.subi %div3A_4450, %sub3A_4470 : i32
        %select_n3A_4472 = arith.select %and3A_4469, %sub3A_4471, %div3A_4450 : i32
        %jit3A_4473 = arith.constant 8 : i32
        %eq3A_4474 = arith.constant 0 : i32
        %eq3A_4475 = arith.cmpi eq, %jit3A_4473, %eq3A_4474 : i32
        %jit3A_4476 = arith.constant 1 : i32
        %select_n3A_4477 = arith.select %eq3A_4475, %jit3A_4476, %jit3A_4473 : i32
        %rem3A_4478 = arith.remsi %add3A_4448, %select_n3A_4477 : i32
        %ne3A_4479 = arith.constant 0 : i32
        %ne3A_4480 = arith.cmpi ne, %rem3A_4478, %ne3A_4479 : i32
        %lt3A_4481 = arith.constant 0 : i32
        %lt3A_4482 = arith.cmpi slt, %rem3A_4478, %lt3A_4481 : i32
        %lt3A_4483 = arith.constant 0 : i32
        %lt3A_4484 = arith.cmpi slt, %select_n3A_4477, %lt3A_4483 : i32
        %ne3A_4485 = arith.xori %lt3A_4482, %lt3A_4484 : i1
        %and3A_4486 = arith.andi %ne3A_4485, %ne3A_4480 : i1
        %add3A_4487 = arith.addi %rem3A_4478, %select_n3A_4477 : i32
        %select_n3A_4488 = arith.select %and3A_4486, %add3A_4487, %rem3A_4478 : i32
        %jit3A_4489 = arith.constant 8 : i32
        %div3A_4490 = arith.divsi %select_n3A_4472, %jit3A_4489 : i32
        %sign3A_4491 = arith.constant 0 : i32
        %sign3A_4492 = arith.cmpi sgt, %select_n3A_4472, %sign3A_4491 : i32
        %sign3A_4493 = arith.extui %sign3A_4492 : i1 to i32
        %sign3A_4494 = arith.constant 0 : i32
        %sign3A_4495 = arith.cmpi slt, %select_n3A_4472, %sign3A_4494 : i32
        %sign3A_4496 = arith.extui %sign3A_4495 : i1 to i32
        %sign3A_4497 = arith.subi %sign3A_4493, %sign3A_4496 : i32
        %sign3A_4498 = arith.constant 0 : i32
        %sign3A_4499 = arith.cmpi sgt, %jit3A_4489, %sign3A_4498 : i32
        %sign3A_4500 = arith.extui %sign3A_4499 : i1 to i32
        %sign3A_4501 = arith.constant 0 : i32
        %sign3A_4502 = arith.cmpi slt, %jit3A_4489, %sign3A_4501 : i32
        %sign3A_4503 = arith.extui %sign3A_4502 : i1 to i32
        %sign3A_4504 = arith.subi %sign3A_4500, %sign3A_4503 : i32
        %ne3A_4505 = arith.cmpi ne, %sign3A_4497, %sign3A_4504 : i32
        %rem3A_4506 = arith.remsi %select_n3A_4472, %jit3A_4489 : i32
        %ne3A_4507 = arith.constant 0 : i32
        %ne3A_4508 = arith.cmpi ne, %rem3A_4506, %ne3A_4507 : i32
        %and3A_4509 = arith.andi %ne3A_4505, %ne3A_4508 : i1
        %sub3A_4510 = arith.constant 1 : i32
        %sub3A_4511 = arith.subi %div3A_4490, %sub3A_4510 : i32
        %select_n3A_4512 = arith.select %and3A_4509, %sub3A_4511, %div3A_4490 : i32
        %sub3A_4513 = arith.subi %select_n3A_4512, %min3A_43 : i32
        %jit3A_4514 = arith.constant 8 : i32
        %eq3A_4515 = arith.constant 0 : i32
        %eq3A_4516 = arith.cmpi eq, %jit3A_4514, %eq3A_4515 : i32
        %jit3A_4517 = arith.constant 1 : i32
        %select_n3A_4518 = arith.select %eq3A_4516, %jit3A_4517, %jit3A_4514 : i32
        %rem3A_4519 = arith.remsi %select_n3A_4472, %select_n3A_4518 : i32
        %ne3A_4520 = arith.constant 0 : i32
        %ne3A_4521 = arith.cmpi ne, %rem3A_4519, %ne3A_4520 : i32
        %lt3A_4522 = arith.constant 0 : i32
        %lt3A_4523 = arith.cmpi slt, %rem3A_4519, %lt3A_4522 : i32
        %lt3A_4524 = arith.constant 0 : i32
        %lt3A_4525 = arith.cmpi slt, %select_n3A_4518, %lt3A_4524 : i32
        %ne3A_4526 = arith.xori %lt3A_4523, %lt3A_4525 : i1
        %and3A_4527 = arith.andi %ne3A_4526, %ne3A_4521 : i1
        %add3A_4528 = arith.addi %rem3A_4519, %select_n3A_4518 : i32
        %select_n3A_4529 = arith.select %and3A_4527, %add3A_4528, %rem3A_4519 : i32
        %dma_start3A_4530 = arith.constant 4 : i32
        %dma_start3A_4531 = arith.constant 0 : i32
        %dma_start3A_4532 = arith.constant 0 : i32
        %dma_start3A_4533 = tpu.memref_slice %arg6[%dma_start3A_4530, %dma_start3A_4531, %dma_start3A_4532] : memref<5x128x64xf32, #tpu.memory_space<vmem>> -> memref<1x128x64xf32, #tpu.memory_space<vmem>>
        %dma_start3A_4534 = tpu.memref_squeeze %dma_start3A_4533 : memref<1x128x64xf32, #tpu.memory_space<vmem>> -> memref<128x64xf32, #tpu.memory_space<vmem>>
        %dma_start3A_4535 = arith.constant 0 : i32
        %dma_start3A_4536 = tpu.memref_slice %arg5[%sub3A_4513, %select_n3A_4488, %select_n3A_4529, %dma_start3A_4535] : memref<2x8x8x128xi32, #tpu.memory_space<vmem>> -> memref<1x1x1x128xi32, #tpu.memory_space<vmem>>
        %dma_start3A_4537 = tpu.memref_squeeze %dma_start3A_4536 : memref<1x1x1x128xi32, #tpu.memory_space<vmem>> -> memref<128xi32, #tpu.memory_space<vmem>>
        %dma_start3A_4538 = arith.constant 0 : i32
        %dma_start3A_4539 = arith.constant 0 : i32
        %dma_start3A_4540 = tpu.memref_slice %arg3[%dma_start3A_4538, %dma_start3A_4539] : memref<1000000x64xf32, #tpu.memory_space<hbm>> -> memref<1000000x64xf32, #tpu.memory_space<hbm>>
        tpu.enqueue_indirect_dma source(%dma_start3A_4540 : memref<1000000x64xf32, #tpu.memory_space<hbm>>) target(%dma_start3A_4534 : memref<128x64xf32, #tpu.memory_space<vmem>>) offsets(%dma_start3A_4537 : memref<128xi32, #tpu.memory_space<vmem>>) semaphore(%arg8 : memref<!tpu.dma_semaphore, #tpu.memory_space<semaphore_mem>>)
      } else {
      }
      %add3A_2535 = arith.constant 1 : i32
      %add3A_2536 = arith.addi %mul3A_528, %add3A_2535 : i32
      %mul3A_2537 = arith.constant 5 : i32
      %mul3A_2538 = arith.muli %add3A_2536, %mul3A_2537 : i32
      %add3A_2539 = arith.addi %mul3A_2, %mul3A_2538 : i32
      %add3A_2540 = arith.constant 0 : i32
      %add3A_2541 = arith.addi %add3A_2539, %add3A_2540 : i32
      %jit3A_2542 = arith.constant 8 : i32
      %div3A_2543 = arith.divsi %add3A_2541, %jit3A_2542 : i32
      %sign3A_2544 = arith.constant 0 : i32
      %sign3A_2545 = arith.cmpi sgt, %add3A_2541, %sign3A_2544 : i32
      %sign3A_2546 = arith.extui %sign3A_2545 : i1 to i32
      %sign3A_2547 = arith.constant 0 : i32
      %sign3A_2548 = arith.cmpi slt, %add3A_2541, %sign3A_2547 : i32
      %sign3A_2549 = arith.extui %sign3A_2548 : i1 to i32
      %sign3A_2550 = arith.subi %sign3A_2546, %sign3A_2549 : i32
      %sign3A_2551 = arith.constant 0 : i32
      %sign3A_2552 = arith.cmpi sgt, %jit3A_2542, %sign3A_2551 : i32
      %sign3A_2553 = arith.extui %sign3A_2552 : i1 to i32
      %sign3A_2554 = arith.constant 0 : i32
      %sign3A_2555 = arith.cmpi slt, %jit3A_2542, %sign3A_2554 : i32
      %sign3A_2556 = arith.extui %sign3A_2555 : i1 to i32
      %sign3A_2557 = arith.subi %sign3A_2553, %sign3A_2556 : i32
      %ne3A_2558 = arith.cmpi ne, %sign3A_2550, %sign3A_2557 : i32
      %rem3A_2559 = arith.remsi %add3A_2541, %jit3A_2542 : i32
      %ne3A_2560 = arith.constant 0 : i32
      %ne3A_2561 = arith.cmpi ne, %rem3A_2559, %ne3A_2560 : i32
      %and3A_2562 = arith.andi %ne3A_2558, %ne3A_2561 : i1
      %sub3A_2563 = arith.constant 1 : i32
      %sub3A_2564 = arith.subi %div3A_2543, %sub3A_2563 : i32
      %select_n3A_2565 = arith.select %and3A_2562, %sub3A_2564, %div3A_2543 : i32
      %jit3A_2566 = arith.constant 8 : i32
      %eq3A_2567 = arith.constant 0 : i32
      %eq3A_2568 = arith.cmpi eq, %jit3A_2566, %eq3A_2567 : i32
      %jit3A_2569 = arith.constant 1 : i32
      %select_n3A_2570 = arith.select %eq3A_2568, %jit3A_2569, %jit3A_2566 : i32
      %rem3A_2571 = arith.remsi %add3A_2541, %select_n3A_2570 : i32
      %ne3A_2572 = arith.constant 0 : i32
      %ne3A_2573 = arith.cmpi ne, %rem3A_2571, %ne3A_2572 : i32
      %lt3A_2574 = arith.constant 0 : i32
      %lt3A_2575 = arith.cmpi slt, %rem3A_2571, %lt3A_2574 : i32
      %lt3A_2576 = arith.constant 0 : i32
      %lt3A_2577 = arith.cmpi slt, %select_n3A_2570, %lt3A_2576 : i32
      %ne3A_2578 = arith.xori %lt3A_2575, %lt3A_2577 : i1
      %and3A_2579 = arith.andi %ne3A_2578, %ne3A_2573 : i1
      %add3A_2580 = arith.addi %rem3A_2571, %select_n3A_2570 : i32
      %select_n3A_2581 = arith.select %and3A_2579, %add3A_2580, %rem3A_2571 : i32
      %jit3A_2582 = arith.constant 8 : i32
      %div3A_2583 = arith.divsi %select_n3A_2565, %jit3A_2582 : i32
      %sign3A_2584 = arith.constant 0 : i32
      %sign3A_2585 = arith.cmpi sgt, %select_n3A_2565, %sign3A_2584 : i32
      %sign3A_2586 = arith.extui %sign3A_2585 : i1 to i32
      %sign3A_2587 = arith.constant 0 : i32
      %sign3A_2588 = arith.cmpi slt, %select_n3A_2565, %sign3A_2587 : i32
      %sign3A_2589 = arith.extui %sign3A_2588 : i1 to i32
      %sign3A_2590 = arith.subi %sign3A_2586, %sign3A_2589 : i32
      %sign3A_2591 = arith.constant 0 : i32
      %sign3A_2592 = arith.cmpi sgt, %jit3A_2582, %sign3A_2591 : i32
      %sign3A_2593 = arith.extui %sign3A_2592 : i1 to i32
      %sign3A_2594 = arith.constant 0 : i32
      %sign3A_2595 = arith.cmpi slt, %jit3A_2582, %sign3A_2594 : i32
      %sign3A_2596 = arith.extui %sign3A_2595 : i1 to i32
      %sign3A_2597 = arith.subi %sign3A_2593, %sign3A_2596 : i32
      %ne3A_2598 = arith.cmpi ne, %sign3A_2590, %sign3A_2597 : i32
      %rem3A_2599 = arith.remsi %select_n3A_2565, %jit3A_2582 : i32
      %ne3A_2600 = arith.constant 0 : i32
      %ne3A_2601 = arith.cmpi ne, %rem3A_2599, %ne3A_2600 : i32
      %and3A_2602 = arith.andi %ne3A_2598, %ne3A_2601 : i1
      %sub3A_2603 = arith.constant 1 : i32
      %sub3A_2604 = arith.subi %div3A_2583, %sub3A_2603 : i32
      %select_n3A_2605 = arith.select %and3A_2602, %sub3A_2604, %div3A_2583 : i32
      %sub3A_2606 = arith.subi %select_n3A_2605, %min3A_43 : i32
      %jit3A_2607 = arith.constant 8 : i32
      %eq3A_2608 = arith.constant 0 : i32
      %eq3A_2609 = arith.cmpi eq, %jit3A_2607, %eq3A_2608 : i32
      %jit3A_2610 = arith.constant 1 : i32
      %select_n3A_2611 = arith.select %eq3A_2609, %jit3A_2610, %jit3A_2607 : i32
      %rem3A_2612 = arith.remsi %select_n3A_2565, %select_n3A_2611 : i32
      %ne3A_2613 = arith.constant 0 : i32
      %ne3A_2614 = arith.cmpi ne, %rem3A_2612, %ne3A_2613 : i32
      %lt3A_2615 = arith.constant 0 : i32
      %lt3A_2616 = arith.cmpi slt, %rem3A_2612, %lt3A_2615 : i32
      %lt3A_2617 = arith.constant 0 : i32
      %lt3A_2618 = arith.cmpi slt, %select_n3A_2611, %lt3A_2617 : i32
      %ne3A_2619 = arith.xori %lt3A_2616, %lt3A_2618 : i1
      %and3A_2620 = arith.andi %ne3A_2619, %ne3A_2614 : i1
      %add3A_2621 = arith.addi %rem3A_2612, %select_n3A_2611 : i32
      %select_n3A_2622 = arith.select %and3A_2620, %add3A_2621, %rem3A_2612 : i32
      %dma_wait3A_2623 = arith.constant 0 : i32
      %dma_wait3A_2624 = arith.constant 0 : i32
      %dma_wait3A_2625 = arith.constant 0 : i32
      %dma_wait3A_2626 = tpu.memref_slice %arg7[%dma_wait3A_2623, %dma_wait3A_2624, %dma_wait3A_2625] : memref<5x128x64xf32, #tpu.memory_space<vmem>> -> memref<1x128x64xf32, #tpu.memory_space<vmem>>
      %dma_wait3A_2627 = tpu.memref_squeeze %dma_wait3A_2626 : memref<1x128x64xf32, #tpu.memory_space<vmem>> -> memref<128x64xf32, #tpu.memory_space<vmem>>
      %dma_wait3A_2628 = arith.constant 0 : i32
      %dma_wait3A_2629 = tpu.memref_slice %arg5[%sub3A_2606, %select_n3A_2581, %select_n3A_2622, %dma_wait3A_2628] : memref<2x8x8x128xi32, #tpu.memory_space<vmem>> -> memref<1x1x1x128xi32, #tpu.memory_space<vmem>>
      %dma_wait3A_2630 = tpu.memref_squeeze %dma_wait3A_2629 : memref<1x1x1x128xi32, #tpu.memory_space<vmem>> -> memref<128xi32, #tpu.memory_space<vmem>>
      %dma_wait3A_2631 = arith.constant 0 : i32
      %dma_wait3A_2632 = arith.constant 0 : i32
      %dma_wait3A_2633 = tpu.memref_slice %arg3[%dma_wait3A_2631, %dma_wait3A_2632] : memref<1000000x64xf32, #tpu.memory_space<hbm>> -> memref<1000000x64xf32, #tpu.memory_space<hbm>>
      tpu.wait_indirect_dma semaphore(%arg9 : memref<!tpu.dma_semaphore, #tpu.memory_space<semaphore_mem>>) src(%dma_wait3A_2633 : memref<1000000x64xf32, #tpu.memory_space<hbm>>) dst(%dma_wait3A_2627 : memref<128x64xf32, #tpu.memory_space<vmem>>)
      %mul3A_2634 = arith.constant 5 : i32
      %mul3A_2635 = arith.muli %add3A_2536, %mul3A_2634 : i32
      %add3A_2636 = arith.addi %mul3A_2, %mul3A_2635 : i32
      %add3A_2637 = arith.constant 1 : i32
      %add3A_2638 = arith.addi %add3A_2636, %add3A_2637 : i32
      %jit3A_2639 = arith.constant 8 : i32
      %div3A_2640 = arith.divsi %add3A_2638, %jit3A_2639 : i32
      %sign3A_2641 = arith.constant 0 : i32
      %sign3A_2642 = arith.cmpi sgt, %add3A_2638, %sign3A_2641 : i32
      %sign3A_2643 = arith.extui %sign3A_2642 : i1 to i32
      %sign3A_2644 = arith.constant 0 : i32
      %sign3A_2645 = arith.cmpi slt, %add3A_2638, %sign3A_2644 : i32
      %sign3A_2646 = arith.extui %sign3A_2645 : i1 to i32
      %sign3A_2647 = arith.subi %sign3A_2643, %sign3A_2646 : i32
      %sign3A_2648 = arith.constant 0 : i32
      %sign3A_2649 = arith.cmpi sgt, %jit3A_2639, %sign3A_2648 : i32
      %sign3A_2650 = arith.extui %sign3A_2649 : i1 to i32
      %sign3A_2651 = arith.constant 0 : i32
      %sign3A_2652 = arith.cmpi slt, %jit3A_2639, %sign3A_2651 : i32
      %sign3A_2653 = arith.extui %sign3A_2652 : i1 to i32
      %sign3A_2654 = arith.subi %sign3A_2650, %sign3A_2653 : i32
      %ne3A_2655 = arith.cmpi ne, %sign3A_2647, %sign3A_2654 : i32
      %rem3A_2656 = arith.remsi %add3A_2638, %jit3A_2639 : i32
      %ne3A_2657 = arith.constant 0 : i32
      %ne3A_2658 = arith.cmpi ne, %rem3A_2656, %ne3A_2657 : i32
      %and3A_2659 = arith.andi %ne3A_2655, %ne3A_2658 : i1
      %sub3A_2660 = arith.constant 1 : i32
      %sub3A_2661 = arith.subi %div3A_2640, %sub3A_2660 : i32
      %select_n3A_2662 = arith.select %and3A_2659, %sub3A_2661, %div3A_2640 : i32
      %jit3A_2663 = arith.constant 8 : i32
      %eq3A_2664 = arith.constant 0 : i32
      %eq3A_2665 = arith.cmpi eq, %jit3A_2663, %eq3A_2664 : i32
      %jit3A_2666 = arith.constant 1 : i32
      %select_n3A_2667 = arith.select %eq3A_2665, %jit3A_2666, %jit3A_2663 : i32
      %rem3A_2668 = arith.remsi %add3A_2638, %select_n3A_2667 : i32
      %ne3A_2669 = arith.constant 0 : i32
      %ne3A_2670 = arith.cmpi ne, %rem3A_2668, %ne3A_2669 : i32
      %lt3A_2671 = arith.constant 0 : i32
      %lt3A_2672 = arith.cmpi slt, %rem3A_2668, %lt3A_2671 : i32
      %lt3A_2673 = arith.constant 0 : i32
      %lt3A_2674 = arith.cmpi slt, %select_n3A_2667, %lt3A_2673 : i32
      %ne3A_2675 = arith.xori %lt3A_2672, %lt3A_2674 : i1
      %and3A_2676 = arith.andi %ne3A_2675, %ne3A_2670 : i1
      %add3A_2677 = arith.addi %rem3A_2668, %select_n3A_2667 : i32
      %select_n3A_2678 = arith.select %and3A_2676, %add3A_2677, %rem3A_2668 : i32
      %jit3A_2679 = arith.constant 8 : i32
      %div3A_2680 = arith.divsi %select_n3A_2662, %jit3A_2679 : i32
      %sign3A_2681 = arith.constant 0 : i32
      %sign3A_2682 = arith.cmpi sgt, %select_n3A_2662, %sign3A_2681 : i32
      %sign3A_2683 = arith.extui %sign3A_2682 : i1 to i32
      %sign3A_2684 = arith.constant 0 : i32
      %sign3A_2685 = arith.cmpi slt, %select_n3A_2662, %sign3A_2684 : i32
      %sign3A_2686 = arith.extui %sign3A_2685 : i1 to i32
      %sign3A_2687 = arith.subi %sign3A_2683, %sign3A_2686 : i32
      %sign3A_2688 = arith.constant 0 : i32
      %sign3A_2689 = arith.cmpi sgt, %jit3A_2679, %sign3A_2688 : i32
      %sign3A_2690 = arith.extui %sign3A_2689 : i1 to i32
      %sign3A_2691 = arith.constant 0 : i32
      %sign3A_2692 = arith.cmpi slt, %jit3A_2679, %sign3A_2691 : i32
      %sign3A_2693 = arith.extui %sign3A_2692 : i1 to i32
      %sign3A_2694 = arith.subi %sign3A_2690, %sign3A_2693 : i32
      %ne3A_2695 = arith.cmpi ne, %sign3A_2687, %sign3A_2694 : i32
      %rem3A_2696 = arith.remsi %select_n3A_2662, %jit3A_2679 : i32
      %ne3A_2697 = arith.constant 0 : i32
      %ne3A_2698 = arith.cmpi ne, %rem3A_2696, %ne3A_2697 : i32
      %and3A_2699 = arith.andi %ne3A_2695, %ne3A_2698 : i1
      %sub3A_2700 = arith.constant 1 : i32
      %sub3A_2701 = arith.subi %div3A_2680, %sub3A_2700 : i32
      %select_n3A_2702 = arith.select %and3A_2699, %sub3A_2701, %div3A_2680 : i32
      %sub3A_2703 = arith.subi %select_n3A_2702, %min3A_43 : i32
      %jit3A_2704 = arith.constant 8 : i32
      %eq3A_2705 = arith.constant 0 : i32
      %eq3A_2706 = arith.cmpi eq, %jit3A_2704, %eq3A_2705 : i32
      %jit3A_2707 = arith.constant 1 : i32
      %select_n3A_2708 = arith.select %eq3A_2706, %jit3A_2707, %jit3A_2704 : i32
      %rem3A_2709 = arith.remsi %select_n3A_2662, %select_n3A_2708 : i32
      %ne3A_2710 = arith.constant 0 : i32
      %ne3A_2711 = arith.cmpi ne, %rem3A_2709, %ne3A_2710 : i32
      %lt3A_2712 = arith.constant 0 : i32
      %lt3A_2713 = arith.cmpi slt, %rem3A_2709, %lt3A_2712 : i32
      %lt3A_2714 = arith.constant 0 : i32
      %lt3A_2715 = arith.cmpi slt, %select_n3A_2708, %lt3A_2714 : i32
      %ne3A_2716 = arith.xori %lt3A_2713, %lt3A_2715 : i1
      %and3A_2717 = arith.andi %ne3A_2716, %ne3A_2711 : i1
      %add3A_2718 = arith.addi %rem3A_2709, %select_n3A_2708 : i32
      %select_n3A_2719 = arith.select %and3A_2717, %add3A_2718, %rem3A_2709 : i32
      %dma_wait3A_2720 = arith.constant 1 : i32
      %dma_wait3A_2721 = arith.constant 0 : i32
      %dma_wait3A_2722 = arith.constant 0 : i32
      %dma_wait3A_2723 = tpu.memref_slice %arg7[%dma_wait3A_2720, %dma_wait3A_2721, %dma_wait3A_2722] : memref<5x128x64xf32, #tpu.memory_space<vmem>> -> memref<1x128x64xf32, #tpu.memory_space<vmem>>
      %dma_wait3A_2724 = tpu.memref_squeeze %dma_wait3A_2723 : memref<1x128x64xf32, #tpu.memory_space<vmem>> -> memref<128x64xf32, #tpu.memory_space<vmem>>
      %dma_wait3A_2725 = arith.constant 0 : i32
      %dma_wait3A_2726 = tpu.memref_slice %arg5[%sub3A_2703, %select_n3A_2678, %select_n3A_2719, %dma_wait3A_2725] : memref<2x8x8x128xi32, #tpu.memory_space<vmem>> -> memref<1x1x1x128xi32, #tpu.memory_space<vmem>>
      %dma_wait3A_2727 = tpu.memref_squeeze %dma_wait3A_2726 : memref<1x1x1x128xi32, #tpu.memory_space<vmem>> -> memref<128xi32, #tpu.memory_space<vmem>>
      %dma_wait3A_2728 = arith.constant 0 : i32
      %dma_wait3A_2729 = arith.constant 0 : i32
      %dma_wait3A_2730 = tpu.memref_slice %arg3[%dma_wait3A_2728, %dma_wait3A_2729] : memref<1000000x64xf32, #tpu.memory_space<hbm>> -> memref<1000000x64xf32, #tpu.memory_space<hbm>>
      tpu.wait_indirect_dma semaphore(%arg9 : memref<!tpu.dma_semaphore, #tpu.memory_space<semaphore_mem>>) src(%dma_wait3A_2730 : memref<1000000x64xf32, #tpu.memory_space<hbm>>) dst(%dma_wait3A_2724 : memref<128x64xf32, #tpu.memory_space<vmem>>)
      %mul3A_2731 = arith.constant 5 : i32
      %mul3A_2732 = arith.muli %add3A_2536, %mul3A_2731 : i32
      %add3A_2733 = arith.addi %mul3A_2, %mul3A_2732 : i32
      %add3A_2734 = arith.constant 2 : i32
      %add3A_2735 = arith.addi %add3A_2733, %add3A_2734 : i32
      %jit3A_2736 = arith.constant 8 : i32
      %div3A_2737 = arith.divsi %add3A_2735, %jit3A_2736 : i32
      %sign3A_2738 = arith.constant 0 : i32
      %sign3A_2739 = arith.cmpi sgt, %add3A_2735, %sign3A_2738 : i32
      %sign3A_2740 = arith.extui %sign3A_2739 : i1 to i32
      %sign3A_2741 = arith.constant 0 : i32
      %sign3A_2742 = arith.cmpi slt, %add3A_2735, %sign3A_2741 : i32
      %sign3A_2743 = arith.extui %sign3A_2742 : i1 to i32
      %sign3A_2744 = arith.subi %sign3A_2740, %sign3A_2743 : i32
      %sign3A_2745 = arith.constant 0 : i32
      %sign3A_2746 = arith.cmpi sgt, %jit3A_2736, %sign3A_2745 : i32
      %sign3A_2747 = arith.extui %sign3A_2746 : i1 to i32
      %sign3A_2748 = arith.constant 0 : i32
      %sign3A_2749 = arith.cmpi slt, %jit3A_2736, %sign3A_2748 : i32
      %sign3A_2750 = arith.extui %sign3A_2749 : i1 to i32
      %sign3A_2751 = arith.subi %sign3A_2747, %sign3A_2750 : i32
      %ne3A_2752 = arith.cmpi ne, %sign3A_2744, %sign3A_2751 : i32
      %rem3A_2753 = arith.remsi %add3A_2735, %jit3A_2736 : i32
      %ne3A_2754 = arith.constant 0 : i32
      %ne3A_2755 = arith.cmpi ne, %rem3A_2753, %ne3A_2754 : i32
      %and3A_2756 = arith.andi %ne3A_2752, %ne3A_2755 : i1
      %sub3A_2757 = arith.constant 1 : i32
      %sub3A_2758 = arith.subi %div3A_2737, %sub3A_2757 : i32
      %select_n3A_2759 = arith.select %and3A_2756, %sub3A_2758, %div3A_2737 : i32
      %jit3A_2760 = arith.constant 8 : i32
      %eq3A_2761 = arith.constant 0 : i32
      %eq3A_2762 = arith.cmpi eq, %jit3A_2760, %eq3A_2761 : i32
      %jit3A_2763 = arith.constant 1 : i32
      %select_n3A_2764 = arith.select %eq3A_2762, %jit3A_2763, %jit3A_2760 : i32
      %rem3A_2765 = arith.remsi %add3A_2735, %select_n3A_2764 : i32
      %ne3A_2766 = arith.constant 0 : i32
      %ne3A_2767 = arith.cmpi ne, %rem3A_2765, %ne3A_2766 : i32
      %lt3A_2768 = arith.constant 0 : i32
      %lt3A_2769 = arith.cmpi slt, %rem3A_2765, %lt3A_2768 : i32
      %lt3A_2770 = arith.constant 0 : i32
      %lt3A_2771 = arith.cmpi slt, %select_n3A_2764, %lt3A_2770 : i32
      %ne3A_2772 = arith.xori %lt3A_2769, %lt3A_2771 : i1
      %and3A_2773 = arith.andi %ne3A_2772, %ne3A_2767 : i1
      %add3A_2774 = arith.addi %rem3A_2765, %select_n3A_2764 : i32
      %select_n3A_2775 = arith.select %and3A_2773, %add3A_2774, %rem3A_2765 : i32
      %jit3A_2776 = arith.constant 8 : i32
      %div3A_2777 = arith.divsi %select_n3A_2759, %jit3A_2776 : i32
      %sign3A_2778 = arith.constant 0 : i32
      %sign3A_2779 = arith.cmpi sgt, %select_n3A_2759, %sign3A_2778 : i32
      %sign3A_2780 = arith.extui %sign3A_2779 : i1 to i32
      %sign3A_2781 = arith.constant 0 : i32
      %sign3A_2782 = arith.cmpi slt, %select_n3A_2759, %sign3A_2781 : i32
      %sign3A_2783 = arith.extui %sign3A_2782 : i1 to i32
      %sign3A_2784 = arith.subi %sign3A_2780, %sign3A_2783 : i32
      %sign3A_2785 = arith.constant 0 : i32
      %sign3A_2786 = arith.cmpi sgt, %jit3A_2776, %sign3A_2785 : i32
      %sign3A_2787 = arith.extui %sign3A_2786 : i1 to i32
      %sign3A_2788 = arith.constant 0 : i32
      %sign3A_2789 = arith.cmpi slt, %jit3A_2776, %sign3A_2788 : i32
      %sign3A_2790 = arith.extui %sign3A_2789 : i1 to i32
      %sign3A_2791 = arith.subi %sign3A_2787, %sign3A_2790 : i32
      %ne3A_2792 = arith.cmpi ne, %sign3A_2784, %sign3A_2791 : i32
      %rem3A_2793 = arith.remsi %select_n3A_2759, %jit3A_2776 : i32
      %ne3A_2794 = arith.constant 0 : i32
      %ne3A_2795 = arith.cmpi ne, %rem3A_2793, %ne3A_2794 : i32
      %and3A_2796 = arith.andi %ne3A_2792, %ne3A_2795 : i1
      %sub3A_2797 = arith.constant 1 : i32
      %sub3A_2798 = arith.subi %div3A_2777, %sub3A_2797 : i32
      %select_n3A_2799 = arith.select %and3A_2796, %sub3A_2798, %div3A_2777 : i32
      %sub3A_2800 = arith.subi %select_n3A_2799, %min3A_43 : i32
      %jit3A_2801 = arith.constant 8 : i32
      %eq3A_2802 = arith.constant 0 : i32
      %eq3A_2803 = arith.cmpi eq, %jit3A_2801, %eq3A_2802 : i32
      %jit3A_2804 = arith.constant 1 : i32
      %select_n3A_2805 = arith.select %eq3A_2803, %jit3A_2804, %jit3A_2801 : i32
      %rem3A_2806 = arith.remsi %select_n3A_2759, %select_n3A_2805 : i32
      %ne3A_2807 = arith.constant 0 : i32
      %ne3A_2808 = arith.cmpi ne, %rem3A_2806, %ne3A_2807 : i32
      %lt3A_2809 = arith.constant 0 : i32
      %lt3A_2810 = arith.cmpi slt, %rem3A_2806, %lt3A_2809 : i32
      %lt3A_2811 = arith.constant 0 : i32
      %lt3A_2812 = arith.cmpi slt, %select_n3A_2805, %lt3A_2811 : i32
      %ne3A_2813 = arith.xori %lt3A_2810, %lt3A_2812 : i1
      %and3A_2814 = arith.andi %ne3A_2813, %ne3A_2808 : i1
      %add3A_2815 = arith.addi %rem3A_2806, %select_n3A_2805 : i32
      %select_n3A_2816 = arith.select %and3A_2814, %add3A_2815, %rem3A_2806 : i32
      %dma_wait3A_2817 = arith.constant 2 : i32
      %dma_wait3A_2818 = arith.constant 0 : i32
      %dma_wait3A_2819 = arith.constant 0 : i32
      %dma_wait3A_2820 = tpu.memref_slice %arg7[%dma_wait3A_2817, %dma_wait3A_2818, %dma_wait3A_2819] : memref<5x128x64xf32, #tpu.memory_space<vmem>> -> memref<1x128x64xf32, #tpu.memory_space<vmem>>
      %dma_wait3A_2821 = tpu.memref_squeeze %dma_wait3A_2820 : memref<1x128x64xf32, #tpu.memory_space<vmem>> -> memref<128x64xf32, #tpu.memory_space<vmem>>
      %dma_wait3A_2822 = arith.constant 0 : i32
      %dma_wait3A_2823 = tpu.memref_slice %arg5[%sub3A_2800, %select_n3A_2775, %select_n3A_2816, %dma_wait3A_2822] : memref<2x8x8x128xi32, #tpu.memory_space<vmem>> -> memref<1x1x1x128xi32, #tpu.memory_space<vmem>>
      %dma_wait3A_2824 = tpu.memref_squeeze %dma_wait3A_2823 : memref<1x1x1x128xi32, #tpu.memory_space<vmem>> -> memref<128xi32, #tpu.memory_space<vmem>>
      %dma_wait3A_2825 = arith.constant 0 : i32
      %dma_wait3A_2826 = arith.constant 0 : i32
      %dma_wait3A_2827 = tpu.memref_slice %arg3[%dma_wait3A_2825, %dma_wait3A_2826] : memref<1000000x64xf32, #tpu.memory_space<hbm>> -> memref<1000000x64xf32, #tpu.memory_space<hbm>>
      tpu.wait_indirect_dma semaphore(%arg9 : memref<!tpu.dma_semaphore, #tpu.memory_space<semaphore_mem>>) src(%dma_wait3A_2827 : memref<1000000x64xf32, #tpu.memory_space<hbm>>) dst(%dma_wait3A_2821 : memref<128x64xf32, #tpu.memory_space<vmem>>)
      %mul3A_2828 = arith.constant 5 : i32
      %mul3A_2829 = arith.muli %add3A_2536, %mul3A_2828 : i32
      %add3A_2830 = arith.addi %mul3A_2, %mul3A_2829 : i32
      %add3A_2831 = arith.constant 3 : i32
      %add3A_2832 = arith.addi %add3A_2830, %add3A_2831 : i32
      %jit3A_2833 = arith.constant 8 : i32
      %div3A_2834 = arith.divsi %add3A_2832, %jit3A_2833 : i32
      %sign3A_2835 = arith.constant 0 : i32
      %sign3A_2836 = arith.cmpi sgt, %add3A_2832, %sign3A_2835 : i32
      %sign3A_2837 = arith.extui %sign3A_2836 : i1 to i32
      %sign3A_2838 = arith.constant 0 : i32
      %sign3A_2839 = arith.cmpi slt, %add3A_2832, %sign3A_2838 : i32
      %sign3A_2840 = arith.extui %sign3A_2839 : i1 to i32
      %sign3A_2841 = arith.subi %sign3A_2837, %sign3A_2840 : i32
      %sign3A_2842 = arith.constant 0 : i32
      %sign3A_2843 = arith.cmpi sgt, %jit3A_2833, %sign3A_2842 : i32
      %sign3A_2844 = arith.extui %sign3A_2843 : i1 to i32
      %sign3A_2845 = arith.constant 0 : i32
      %sign3A_2846 = arith.cmpi slt, %jit3A_2833, %sign3A_2845 : i32
      %sign3A_2847 = arith.extui %sign3A_2846 : i1 to i32
      %sign3A_2848 = arith.subi %sign3A_2844, %sign3A_2847 : i32
      %ne3A_2849 = arith.cmpi ne, %sign3A_2841, %sign3A_2848 : i32
      %rem3A_2850 = arith.remsi %add3A_2832, %jit3A_2833 : i32
      %ne3A_2851 = arith.constant 0 : i32
      %ne3A_2852 = arith.cmpi ne, %rem3A_2850, %ne3A_2851 : i32
      %and3A_2853 = arith.andi %ne3A_2849, %ne3A_2852 : i1
      %sub3A_2854 = arith.constant 1 : i32
      %sub3A_2855 = arith.subi %div3A_2834, %sub3A_2854 : i32
      %select_n3A_2856 = arith.select %and3A_2853, %sub3A_2855, %div3A_2834 : i32
      %jit3A_2857 = arith.constant 8 : i32
      %eq3A_2858 = arith.constant 0 : i32
      %eq3A_2859 = arith.cmpi eq, %jit3A_2857, %eq3A_2858 : i32
      %jit3A_2860 = arith.constant 1 : i32
      %select_n3A_2861 = arith.select %eq3A_2859, %jit3A_2860, %jit3A_2857 : i32
      %rem3A_2862 = arith.remsi %add3A_2832, %select_n3A_2861 : i32
      %ne3A_2863 = arith.constant 0 : i32
      %ne3A_2864 = arith.cmpi ne, %rem3A_2862, %ne3A_2863 : i32
      %lt3A_2865 = arith.constant 0 : i32
      %lt3A_2866 = arith.cmpi slt, %rem3A_2862, %lt3A_2865 : i32
      %lt3A_2867 = arith.constant 0 : i32
      %lt3A_2868 = arith.cmpi slt, %select_n3A_2861, %lt3A_2867 : i32
      %ne3A_2869 = arith.xori %lt3A_2866, %lt3A_2868 : i1
      %and3A_2870 = arith.andi %ne3A_2869, %ne3A_2864 : i1
      %add3A_2871 = arith.addi %rem3A_2862, %select_n3A_2861 : i32
      %select_n3A_2872 = arith.select %and3A_2870, %add3A_2871, %rem3A_2862 : i32
      %jit3A_2873 = arith.constant 8 : i32
      %div3A_2874 = arith.divsi %select_n3A_2856, %jit3A_2873 : i32
      %sign3A_2875 = arith.constant 0 : i32
      %sign3A_2876 = arith.cmpi sgt, %select_n3A_2856, %sign3A_2875 : i32
      %sign3A_2877 = arith.extui %sign3A_2876 : i1 to i32
      %sign3A_2878 = arith.constant 0 : i32
      %sign3A_2879 = arith.cmpi slt, %select_n3A_2856, %sign3A_2878 : i32
      %sign3A_2880 = arith.extui %sign3A_2879 : i1 to i32
      %sign3A_2881 = arith.subi %sign3A_2877, %sign3A_2880 : i32
      %sign3A_2882 = arith.constant 0 : i32
      %sign3A_2883 = arith.cmpi sgt, %jit3A_2873, %sign3A_2882 : i32
      %sign3A_2884 = arith.extui %sign3A_2883 : i1 to i32
      %sign3A_2885 = arith.constant 0 : i32
      %sign3A_2886 = arith.cmpi slt, %jit3A_2873, %sign3A_2885 : i32
      %sign3A_2887 = arith.extui %sign3A_2886 : i1 to i32
      %sign3A_2888 = arith.subi %sign3A_2884, %sign3A_2887 : i32
      %ne3A_2889 = arith.cmpi ne, %sign3A_2881, %sign3A_2888 : i32
      %rem3A_2890 = arith.remsi %select_n3A_2856, %jit3A_2873 : i32
      %ne3A_2891 = arith.constant 0 : i32
      %ne3A_2892 = arith.cmpi ne, %rem3A_2890, %ne3A_2891 : i32
      %and3A_2893 = arith.andi %ne3A_2889, %ne3A_2892 : i1
      %sub3A_2894 = arith.constant 1 : i32
      %sub3A_2895 = arith.subi %div3A_2874, %sub3A_2894 : i32
      %select_n3A_2896 = arith.select %and3A_2893, %sub3A_2895, %div3A_2874 : i32
      %sub3A_2897 = arith.subi %select_n3A_2896, %min3A_43 : i32
      %jit3A_2898 = arith.constant 8 : i32
      %eq3A_2899 = arith.constant 0 : i32
      %eq3A_2900 = arith.cmpi eq, %jit3A_2898, %eq3A_2899 : i32
      %jit3A_2901 = arith.constant 1 : i32
      %select_n3A_2902 = arith.select %eq3A_2900, %jit3A_2901, %jit3A_2898 : i32
      %rem3A_2903 = arith.remsi %select_n3A_2856, %select_n3A_2902 : i32
      %ne3A_2904 = arith.constant 0 : i32
      %ne3A_2905 = arith.cmpi ne, %rem3A_2903, %ne3A_2904 : i32
      %lt3A_2906 = arith.constant 0 : i32
      %lt3A_2907 = arith.cmpi slt, %rem3A_2903, %lt3A_2906 : i32
      %lt3A_2908 = arith.constant 0 : i32
      %lt3A_2909 = arith.cmpi slt, %select_n3A_2902, %lt3A_2908 : i32
      %ne3A_2910 = arith.xori %lt3A_2907, %lt3A_2909 : i1
      %and3A_2911 = arith.andi %ne3A_2910, %ne3A_2905 : i1
      %add3A_2912 = arith.addi %rem3A_2903, %select_n3A_2902 : i32
      %select_n3A_2913 = arith.select %and3A_2911, %add3A_2912, %rem3A_2903 : i32
      %dma_wait3A_2914 = arith.constant 3 : i32
      %dma_wait3A_2915 = arith.constant 0 : i32
      %dma_wait3A_2916 = arith.constant 0 : i32
      %dma_wait3A_2917 = tpu.memref_slice %arg7[%dma_wait3A_2914, %dma_wait3A_2915, %dma_wait3A_2916] : memref<5x128x64xf32, #tpu.memory_space<vmem>> -> memref<1x128x64xf32, #tpu.memory_space<vmem>>
      %dma_wait3A_2918 = tpu.memref_squeeze %dma_wait3A_2917 : memref<1x128x64xf32, #tpu.memory_space<vmem>> -> memref<128x64xf32, #tpu.memory_space<vmem>>
      %dma_wait3A_2919 = arith.constant 0 : i32
      %dma_wait3A_2920 = tpu.memref_slice %arg5[%sub3A_2897, %select_n3A_2872, %select_n3A_2913, %dma_wait3A_2919] : memref<2x8x8x128xi32, #tpu.memory_space<vmem>> -> memref<1x1x1x128xi32, #tpu.memory_space<vmem>>
      %dma_wait3A_2921 = tpu.memref_squeeze %dma_wait3A_2920 : memref<1x1x1x128xi32, #tpu.memory_space<vmem>> -> memref<128xi32, #tpu.memory_space<vmem>>
      %dma_wait3A_2922 = arith.constant 0 : i32
      %dma_wait3A_2923 = arith.constant 0 : i32
      %dma_wait3A_2924 = tpu.memref_slice %arg3[%dma_wait3A_2922, %dma_wait3A_2923] : memref<1000000x64xf32, #tpu.memory_space<hbm>> -> memref<1000000x64xf32, #tpu.memory_space<hbm>>
      tpu.wait_indirect_dma semaphore(%arg9 : memref<!tpu.dma_semaphore, #tpu.memory_space<semaphore_mem>>) src(%dma_wait3A_2924 : memref<1000000x64xf32, #tpu.memory_space<hbm>>) dst(%dma_wait3A_2918 : memref<128x64xf32, #tpu.memory_space<vmem>>)
      %mul3A_2925 = arith.constant 5 : i32
      %mul3A_2926 = arith.muli %add3A_2536, %mul3A_2925 : i32
      %add3A_2927 = arith.addi %mul3A_2, %mul3A_2926 : i32
      %add3A_2928 = arith.constant 4 : i32
      %add3A_2929 = arith.addi %add3A_2927, %add3A_2928 : i32
      %jit3A_2930 = arith.constant 8 : i32
      %div3A_2931 = arith.divsi %add3A_2929, %jit3A_2930 : i32
      %sign3A_2932 = arith.constant 0 : i32
      %sign3A_2933 = arith.cmpi sgt, %add3A_2929, %sign3A_2932 : i32
      %sign3A_2934 = arith.extui %sign3A_2933 : i1 to i32
      %sign3A_2935 = arith.constant 0 : i32
      %sign3A_2936 = arith.cmpi slt, %add3A_2929, %sign3A_2935 : i32
      %sign3A_2937 = arith.extui %sign3A_2936 : i1 to i32
      %sign3A_2938 = arith.subi %sign3A_2934, %sign3A_2937 : i32
      %sign3A_2939 = arith.constant 0 : i32
      %sign3A_2940 = arith.cmpi sgt, %jit3A_2930, %sign3A_2939 : i32
      %sign3A_2941 = arith.extui %sign3A_2940 : i1 to i32
      %sign3A_2942 = arith.constant 0 : i32
      %sign3A_2943 = arith.cmpi slt, %jit3A_2930, %sign3A_2942 : i32
      %sign3A_2944 = arith.extui %sign3A_2943 : i1 to i32
      %sign3A_2945 = arith.subi %sign3A_2941, %sign3A_2944 : i32
      %ne3A_2946 = arith.cmpi ne, %sign3A_2938, %sign3A_2945 : i32
      %rem3A_2947 = arith.remsi %add3A_2929, %jit3A_2930 : i32
      %ne3A_2948 = arith.constant 0 : i32
      %ne3A_2949 = arith.cmpi ne, %rem3A_2947, %ne3A_2948 : i32
      %and3A_2950 = arith.andi %ne3A_2946, %ne3A_2949 : i1
      %sub3A_2951 = arith.constant 1 : i32
      %sub3A_2952 = arith.subi %div3A_2931, %sub3A_2951 : i32
      %select_n3A_2953 = arith.select %and3A_2950, %sub3A_2952, %div3A_2931 : i32
      %jit3A_2954 = arith.constant 8 : i32
      %eq3A_2955 = arith.constant 0 : i32
      %eq3A_2956 = arith.cmpi eq, %jit3A_2954, %eq3A_2955 : i32
      %jit3A_2957 = arith.constant 1 : i32
      %select_n3A_2958 = arith.select %eq3A_2956, %jit3A_2957, %jit3A_2954 : i32
      %rem3A_2959 = arith.remsi %add3A_2929, %select_n3A_2958 : i32
      %ne3A_2960 = arith.constant 0 : i32
      %ne3A_2961 = arith.cmpi ne, %rem3A_2959, %ne3A_2960 : i32
      %lt3A_2962 = arith.constant 0 : i32
      %lt3A_2963 = arith.cmpi slt, %rem3A_2959, %lt3A_2962 : i32
      %lt3A_2964 = arith.constant 0 : i32
      %lt3A_2965 = arith.cmpi slt, %select_n3A_2958, %lt3A_2964 : i32
      %ne3A_2966 = arith.xori %lt3A_2963, %lt3A_2965 : i1
      %and3A_2967 = arith.andi %ne3A_2966, %ne3A_2961 : i1
      %add3A_2968 = arith.addi %rem3A_2959, %select_n3A_2958 : i32
      %select_n3A_2969 = arith.select %and3A_2967, %add3A_2968, %rem3A_2959 : i32
      %jit3A_2970 = arith.constant 8 : i32
      %div3A_2971 = arith.divsi %select_n3A_2953, %jit3A_2970 : i32
      %sign3A_2972 = arith.constant 0 : i32
      %sign3A_2973 = arith.cmpi sgt, %select_n3A_2953, %sign3A_2972 : i32
      %sign3A_2974 = arith.extui %sign3A_2973 : i1 to i32
      %sign3A_2975 = arith.constant 0 : i32
      %sign3A_2976 = arith.cmpi slt, %select_n3A_2953, %sign3A_2975 : i32
      %sign3A_2977 = arith.extui %sign3A_2976 : i1 to i32
      %sign3A_2978 = arith.subi %sign3A_2974, %sign3A_2977 : i32
      %sign3A_2979 = arith.constant 0 : i32
      %sign3A_2980 = arith.cmpi sgt, %jit3A_2970, %sign3A_2979 : i32
      %sign3A_2981 = arith.extui %sign3A_2980 : i1 to i32
      %sign3A_2982 = arith.constant 0 : i32
      %sign3A_2983 = arith.cmpi slt, %jit3A_2970, %sign3A_2982 : i32
      %sign3A_2984 = arith.extui %sign3A_2983 : i1 to i32
      %sign3A_2985 = arith.subi %sign3A_2981, %sign3A_2984 : i32
      %ne3A_2986 = arith.cmpi ne, %sign3A_2978, %sign3A_2985 : i32
      %rem3A_2987 = arith.remsi %select_n3A_2953, %jit3A_2970 : i32
      %ne3A_2988 = arith.constant 0 : i32
      %ne3A_2989 = arith.cmpi ne, %rem3A_2987, %ne3A_2988 : i32
      %and3A_2990 = arith.andi %ne3A_2986, %ne3A_2989 : i1
      %sub3A_2991 = arith.constant 1 : i32
      %sub3A_2992 = arith.subi %div3A_2971, %sub3A_2991 : i32
      %select_n3A_2993 = arith.select %and3A_2990, %sub3A_2992, %div3A_2971 : i32
      %sub3A_2994 = arith.subi %select_n3A_2993, %min3A_43 : i32
      %jit3A_2995 = arith.constant 8 : i32
      %eq3A_2996 = arith.constant 0 : i32
      %eq3A_2997 = arith.cmpi eq, %jit3A_2995, %eq3A_2996 : i32
      %jit3A_2998 = arith.constant 1 : i32
      %select_n3A_2999 = arith.select %eq3A_2997, %jit3A_2998, %jit3A_2995 : i32
      %rem3A_3000 = arith.remsi %select_n3A_2953, %select_n3A_2999 : i32
      %ne3A_3001 = arith.constant 0 : i32
      %ne3A_3002 = arith.cmpi ne, %rem3A_3000, %ne3A_3001 : i32
      %lt3A_3003 = arith.constant 0 : i32
      %lt3A_3004 = arith.cmpi slt, %rem3A_3000, %lt3A_3003 : i32
      %lt3A_3005 = arith.constant 0 : i32
      %lt3A_3006 = arith.cmpi slt, %select_n3A_2999, %lt3A_3005 : i32
      %ne3A_3007 = arith.xori %lt3A_3004, %lt3A_3006 : i1
      %and3A_3008 = arith.andi %ne3A_3007, %ne3A_3002 : i1
      %add3A_3009 = arith.addi %rem3A_3000, %select_n3A_2999 : i32
      %select_n3A_3010 = arith.select %and3A_3008, %add3A_3009, %rem3A_3000 : i32
      %dma_wait3A_3011 = arith.constant 4 : i32
      %dma_wait3A_3012 = arith.constant 0 : i32
      %dma_wait3A_3013 = arith.constant 0 : i32
      %dma_wait3A_3014 = tpu.memref_slice %arg7[%dma_wait3A_3011, %dma_wait3A_3012, %dma_wait3A_3013] : memref<5x128x64xf32, #tpu.memory_space<vmem>> -> memref<1x128x64xf32, #tpu.memory_space<vmem>>
      %dma_wait3A_3015 = tpu.memref_squeeze %dma_wait3A_3014 : memref<1x128x64xf32, #tpu.memory_space<vmem>> -> memref<128x64xf32, #tpu.memory_space<vmem>>
      %dma_wait3A_3016 = arith.constant 0 : i32
      %dma_wait3A_3017 = tpu.memref_slice %arg5[%sub3A_2994, %select_n3A_2969, %select_n3A_3010, %dma_wait3A_3016] : memref<2x8x8x128xi32, #tpu.memory_space<vmem>> -> memref<1x1x1x128xi32, #tpu.memory_space<vmem>>
      %dma_wait3A_3018 = tpu.memref_squeeze %dma_wait3A_3017 : memref<1x1x1x128xi32, #tpu.memory_space<vmem>> -> memref<128xi32, #tpu.memory_space<vmem>>
      %dma_wait3A_3019 = arith.constant 0 : i32
      %dma_wait3A_3020 = arith.constant 0 : i32
      %dma_wait3A_3021 = tpu.memref_slice %arg3[%dma_wait3A_3019, %dma_wait3A_3020] : memref<1000000x64xf32, #tpu.memory_space<hbm>> -> memref<1000000x64xf32, #tpu.memory_space<hbm>>
      tpu.wait_indirect_dma semaphore(%arg9 : memref<!tpu.dma_semaphore, #tpu.memory_space<semaphore_mem>>) src(%dma_wait3A_3021 : memref<1000000x64xf32, #tpu.memory_space<hbm>>) dst(%dma_wait3A_3015 : memref<128x64xf32, #tpu.memory_space<vmem>>)
      %mul3A_3022 = arith.constant 5 : i32
      %mul3A_3023 = arith.muli %add3A_2536, %mul3A_3022 : i32
      %add3A_3024 = arith.addi %mul3A_2, %mul3A_3023 : i32
      %add3A_3025 = arith.constant 0 : i32
      %add3A_3026 = arith.addi %add3A_3024, %add3A_3025 : i32
      %jit3A_3027 = arith.constant 8 : i32
      %div3A_3028 = arith.divsi %add3A_3026, %jit3A_3027 : i32
      %sign3A_3029 = arith.constant 0 : i32
      %sign3A_3030 = arith.cmpi sgt, %add3A_3026, %sign3A_3029 : i32
      %sign3A_3031 = arith.extui %sign3A_3030 : i1 to i32
      %sign3A_3032 = arith.constant 0 : i32
      %sign3A_3033 = arith.cmpi slt, %add3A_3026, %sign3A_3032 : i32
      %sign3A_3034 = arith.extui %sign3A_3033 : i1 to i32
      %sign3A_3035 = arith.subi %sign3A_3031, %sign3A_3034 : i32
      %sign3A_3036 = arith.constant 0 : i32
      %sign3A_3037 = arith.cmpi sgt, %jit3A_3027, %sign3A_3036 : i32
      %sign3A_3038 = arith.extui %sign3A_3037 : i1 to i32
      %sign3A_3039 = arith.constant 0 : i32
      %sign3A_3040 = arith.cmpi slt, %jit3A_3027, %sign3A_3039 : i32
      %sign3A_3041 = arith.extui %sign3A_3040 : i1 to i32
      %sign3A_3042 = arith.subi %sign3A_3038, %sign3A_3041 : i32
      %ne3A_3043 = arith.cmpi ne, %sign3A_3035, %sign3A_3042 : i32
      %rem3A_3044 = arith.remsi %add3A_3026, %jit3A_3027 : i32
      %ne3A_3045 = arith.constant 0 : i32
      %ne3A_3046 = arith.cmpi ne, %rem3A_3044, %ne3A_3045 : i32
      %and3A_3047 = arith.andi %ne3A_3043, %ne3A_3046 : i1
      %sub3A_3048 = arith.constant 1 : i32
      %sub3A_3049 = arith.subi %div3A_3028, %sub3A_3048 : i32
      %select_n3A_3050 = arith.select %and3A_3047, %sub3A_3049, %div3A_3028 : i32
      %jit3A_3051 = arith.constant 8 : i32
      %eq3A_3052 = arith.constant 0 : i32
      %eq3A_3053 = arith.cmpi eq, %jit3A_3051, %eq3A_3052 : i32
      %jit3A_3054 = arith.constant 1 : i32
      %select_n3A_3055 = arith.select %eq3A_3053, %jit3A_3054, %jit3A_3051 : i32
      %rem3A_3056 = arith.remsi %add3A_3026, %select_n3A_3055 : i32
      %ne3A_3057 = arith.constant 0 : i32
      %ne3A_3058 = arith.cmpi ne, %rem3A_3056, %ne3A_3057 : i32
      %lt3A_3059 = arith.constant 0 : i32
      %lt3A_3060 = arith.cmpi slt, %rem3A_3056, %lt3A_3059 : i32
      %lt3A_3061 = arith.constant 0 : i32
      %lt3A_3062 = arith.cmpi slt, %select_n3A_3055, %lt3A_3061 : i32
      %ne3A_3063 = arith.xori %lt3A_3060, %lt3A_3062 : i1
      %and3A_3064 = arith.andi %ne3A_3063, %ne3A_3058 : i1
      %add3A_3065 = arith.addi %rem3A_3056, %select_n3A_3055 : i32
      %select_n3A_3066 = arith.select %and3A_3064, %add3A_3065, %rem3A_3056 : i32
      %jit3A_3067 = arith.constant 8 : i32
      %div3A_3068 = arith.divsi %select_n3A_3050, %jit3A_3067 : i32
      %sign3A_3069 = arith.constant 0 : i32
      %sign3A_3070 = arith.cmpi sgt, %select_n3A_3050, %sign3A_3069 : i32
      %sign3A_3071 = arith.extui %sign3A_3070 : i1 to i32
      %sign3A_3072 = arith.constant 0 : i32
      %sign3A_3073 = arith.cmpi slt, %select_n3A_3050, %sign3A_3072 : i32
      %sign3A_3074 = arith.extui %sign3A_3073 : i1 to i32
      %sign3A_3075 = arith.subi %sign3A_3071, %sign3A_3074 : i32
      %sign3A_3076 = arith.constant 0 : i32
      %sign3A_3077 = arith.cmpi sgt, %jit3A_3067, %sign3A_3076 : i32
      %sign3A_3078 = arith.extui %sign3A_3077 : i1 to i32
      %sign3A_3079 = arith.constant 0 : i32
      %sign3A_3080 = arith.cmpi slt, %jit3A_3067, %sign3A_3079 : i32
      %sign3A_3081 = arith.extui %sign3A_3080 : i1 to i32
      %sign3A_3082 = arith.subi %sign3A_3078, %sign3A_3081 : i32
      %ne3A_3083 = arith.cmpi ne, %sign3A_3075, %sign3A_3082 : i32
      %rem3A_3084 = arith.remsi %select_n3A_3050, %jit3A_3067 : i32
      %ne3A_3085 = arith.constant 0 : i32
      %ne3A_3086 = arith.cmpi ne, %rem3A_3084, %ne3A_3085 : i32
      %and3A_3087 = arith.andi %ne3A_3083, %ne3A_3086 : i1
      %sub3A_3088 = arith.constant 1 : i32
      %sub3A_3089 = arith.subi %div3A_3068, %sub3A_3088 : i32
      %select_n3A_3090 = arith.select %and3A_3087, %sub3A_3089, %div3A_3068 : i32
      %sub3A_3091 = arith.subi %select_n3A_3090, %min3A_43 : i32
      %jit3A_3092 = arith.constant 8 : i32
      %eq3A_3093 = arith.constant 0 : i32
      %eq3A_3094 = arith.cmpi eq, %jit3A_3092, %eq3A_3093 : i32
      %jit3A_3095 = arith.constant 1 : i32
      %select_n3A_3096 = arith.select %eq3A_3094, %jit3A_3095, %jit3A_3092 : i32
      %rem3A_3097 = arith.remsi %select_n3A_3050, %select_n3A_3096 : i32
      %ne3A_3098 = arith.constant 0 : i32
      %ne3A_3099 = arith.cmpi ne, %rem3A_3097, %ne3A_3098 : i32
      %lt3A_3100 = arith.constant 0 : i32
      %lt3A_3101 = arith.cmpi slt, %rem3A_3097, %lt3A_3100 : i32
      %lt3A_3102 = arith.constant 0 : i32
      %lt3A_3103 = arith.cmpi slt, %select_n3A_3096, %lt3A_3102 : i32
      %ne3A_3104 = arith.xori %lt3A_3101, %lt3A_3103 : i1
      %and3A_3105 = arith.andi %ne3A_3104, %ne3A_3099 : i1
      %add3A_3106 = arith.addi %rem3A_3097, %select_n3A_3096 : i32
      %select_n3A_3107 = arith.select %and3A_3105, %add3A_3106, %rem3A_3097 : i32
      %mul3A_3108 = arith.constant 128 : i32
      %mul3A_3109 = arith.muli %select_n3A_3066, %mul3A_3108 : i32
      %dma_start3A_3110 = arith.constant 0 : i32
      %dma_start3A_3111 = arith.constant 0 : i32
      %dma_start3A_3112 = arith.constant 0 : i32
      %dma_start3A_3113 = tpu.memref_slice %arg7[%dma_start3A_3110, %dma_start3A_3111, %dma_start3A_3112] : memref<5x128x64xf32, #tpu.memory_space<vmem>> -> memref<1x128x64xf32, #tpu.memory_space<vmem>>
      %dma_start3A_3114 = tpu.memref_squeeze %dma_start3A_3113 : memref<1x128x64xf32, #tpu.memory_space<vmem>> -> memref<128x64xf32, #tpu.memory_space<vmem>>
      %dma_start3A_3115 = arith.constant 0 : i32
      %dma_start3A_3116 = tpu.memref_slice %arg4[%select_n3A_3050, %mul3A_3109, %dma_start3A_3115] : memref<200x1024x64xf32, #tpu.memory_space<hbm>> -> memref<1x128x64xf32, #tpu.memory_space<hbm>>
      %dma_start3A_3117 = tpu.memref_squeeze %dma_start3A_3116 : memref<1x128x64xf32, #tpu.memory_space<hbm>> -> memref<128x64xf32, #tpu.memory_space<hbm>>
      %dma_start3A_3118 = arith.constant 0 : i32
      %dma_start3A_3119 = tpu.memref_slice %arg4[%select_n3A_3050, %mul3A_3109, %dma_start3A_3118] : memref<200x1024x64xf32, #tpu.memory_space<hbm>> -> memref<1x128x64xf32, #tpu.memory_space<hbm>>
      %dma_start3A_3120 = tpu.memref_squeeze %dma_start3A_3119 : memref<1x128x64xf32, #tpu.memory_space<hbm>> -> memref<128x64xf32, #tpu.memory_space<hbm>>
      %dma_start3A_3121 = arith.constant 0 : i32
      %dma_start3A_3122 = arith.constant 0 : i32
      %dma_start3A_3123 = tpu.memref_slice %arg7[%dma_start3A_3110, %dma_start3A_3121, %dma_start3A_3122] : memref<5x128x64xf32, #tpu.memory_space<vmem>> -> memref<1x128x64xf32, #tpu.memory_space<vmem>>
      %dma_start3A_3124 = tpu.memref_squeeze %dma_start3A_3123 : memref<1x128x64xf32, #tpu.memory_space<vmem>> -> memref<128x64xf32, #tpu.memory_space<vmem>>
      tpu.enqueue_dma source(%dma_start3A_3124 : memref<128x64xf32, #tpu.memory_space<vmem>>) target(%dma_start3A_3120 : memref<128x64xf32, #tpu.memory_space<hbm>>) target_semaphore(%arg11 : memref<!tpu.dma_semaphore, #tpu.memory_space<semaphore_mem>>)
      %mul3A_3125 = arith.constant 5 : i32
      %mul3A_3126 = arith.muli %add3A_2536, %mul3A_3125 : i32
      %add3A_3127 = arith.addi %mul3A_2, %mul3A_3126 : i32
      %add3A_3128 = arith.constant 1 : i32
      %add3A_3129 = arith.addi %add3A_3127, %add3A_3128 : i32
      %jit3A_3130 = arith.constant 8 : i32
      %div3A_3131 = arith.divsi %add3A_3129, %jit3A_3130 : i32
      %sign3A_3132 = arith.constant 0 : i32
      %sign3A_3133 = arith.cmpi sgt, %add3A_3129, %sign3A_3132 : i32
      %sign3A_3134 = arith.extui %sign3A_3133 : i1 to i32
      %sign3A_3135 = arith.constant 0 : i32
      %sign3A_3136 = arith.cmpi slt, %add3A_3129, %sign3A_3135 : i32
      %sign3A_3137 = arith.extui %sign3A_3136 : i1 to i32
      %sign3A_3138 = arith.subi %sign3A_3134, %sign3A_3137 : i32
      %sign3A_3139 = arith.constant 0 : i32
      %sign3A_3140 = arith.cmpi sgt, %jit3A_3130, %sign3A_3139 : i32
      %sign3A_3141 = arith.extui %sign3A_3140 : i1 to i32
      %sign3A_3142 = arith.constant 0 : i32
      %sign3A_3143 = arith.cmpi slt, %jit3A_3130, %sign3A_3142 : i32
      %sign3A_3144 = arith.extui %sign3A_3143 : i1 to i32
      %sign3A_3145 = arith.subi %sign3A_3141, %sign3A_3144 : i32
      %ne3A_3146 = arith.cmpi ne, %sign3A_3138, %sign3A_3145 : i32
      %rem3A_3147 = arith.remsi %add3A_3129, %jit3A_3130 : i32
      %ne3A_3148 = arith.constant 0 : i32
      %ne3A_3149 = arith.cmpi ne, %rem3A_3147, %ne3A_3148 : i32
      %and3A_3150 = arith.andi %ne3A_3146, %ne3A_3149 : i1
      %sub3A_3151 = arith.constant 1 : i32
      %sub3A_3152 = arith.subi %div3A_3131, %sub3A_3151 : i32
      %select_n3A_3153 = arith.select %and3A_3150, %sub3A_3152, %div3A_3131 : i32
      %jit3A_3154 = arith.constant 8 : i32
      %eq3A_3155 = arith.constant 0 : i32
      %eq3A_3156 = arith.cmpi eq, %jit3A_3154, %eq3A_3155 : i32
      %jit3A_3157 = arith.constant 1 : i32
      %select_n3A_3158 = arith.select %eq3A_3156, %jit3A_3157, %jit3A_3154 : i32
      %rem3A_3159 = arith.remsi %add3A_3129, %select_n3A_3158 : i32
      %ne3A_3160 = arith.constant 0 : i32
      %ne3A_3161 = arith.cmpi ne, %rem3A_3159, %ne3A_3160 : i32
      %lt3A_3162 = arith.constant 0 : i32
      %lt3A_3163 = arith.cmpi slt, %rem3A_3159, %lt3A_3162 : i32
      %lt3A_3164 = arith.constant 0 : i32
      %lt3A_3165 = arith.cmpi slt, %select_n3A_3158, %lt3A_3164 : i32
      %ne3A_3166 = arith.xori %lt3A_3163, %lt3A_3165 : i1
      %and3A_3167 = arith.andi %ne3A_3166, %ne3A_3161 : i1
      %add3A_3168 = arith.addi %rem3A_3159, %select_n3A_3158 : i32
      %select_n3A_3169 = arith.select %and3A_3167, %add3A_3168, %rem3A_3159 : i32
      %jit3A_3170 = arith.constant 8 : i32
      %div3A_3171 = arith.divsi %select_n3A_3153, %jit3A_3170 : i32
      %sign3A_3172 = arith.constant 0 : i32
      %sign3A_3173 = arith.cmpi sgt, %select_n3A_3153, %sign3A_3172 : i32
      %sign3A_3174 = arith.extui %sign3A_3173 : i1 to i32
      %sign3A_3175 = arith.constant 0 : i32
      %sign3A_3176 = arith.cmpi slt, %select_n3A_3153, %sign3A_3175 : i32
      %sign3A_3177 = arith.extui %sign3A_3176 : i1 to i32
      %sign3A_3178 = arith.subi %sign3A_3174, %sign3A_3177 : i32
      %sign3A_3179 = arith.constant 0 : i32
      %sign3A_3180 = arith.cmpi sgt, %jit3A_3170, %sign3A_3179 : i32
      %sign3A_3181 = arith.extui %sign3A_3180 : i1 to i32
      %sign3A_3182 = arith.constant 0 : i32
      %sign3A_3183 = arith.cmpi slt, %jit3A_3170, %sign3A_3182 : i32
      %sign3A_3184 = arith.extui %sign3A_3183 : i1 to i32
      %sign3A_3185 = arith.subi %sign3A_3181, %sign3A_3184 : i32
      %ne3A_3186 = arith.cmpi ne, %sign3A_3178, %sign3A_3185 : i32
      %rem3A_3187 = arith.remsi %select_n3A_3153, %jit3A_3170 : i32
      %ne3A_3188 = arith.constant 0 : i32
      %ne3A_3189 = arith.cmpi ne, %rem3A_3187, %ne3A_3188 : i32
      %and3A_3190 = arith.andi %ne3A_3186, %ne3A_3189 : i1
      %sub3A_3191 = arith.constant 1 : i32
      %sub3A_3192 = arith.subi %div3A_3171, %sub3A_3191 : i32
      %select_n3A_3193 = arith.select %and3A_3190, %sub3A_3192, %div3A_3171 : i32
      %sub3A_3194 = arith.subi %select_n3A_3193, %min3A_43 : i32
      %jit3A_3195 = arith.constant 8 : i32
      %eq3A_3196 = arith.constant 0 : i32
      %eq3A_3197 = arith.cmpi eq, %jit3A_3195, %eq3A_3196 : i32
      %jit3A_3198 = arith.constant 1 : i32
      %select_n3A_3199 = arith.select %eq3A_3197, %jit3A_3198, %jit3A_3195 : i32
      %rem3A_3200 = arith.remsi %select_n3A_3153, %select_n3A_3199 : i32
      %ne3A_3201 = arith.constant 0 : i32
      %ne3A_3202 = arith.cmpi ne, %rem3A_3200, %ne3A_3201 : i32
      %lt3A_3203 = arith.constant 0 : i32
      %lt3A_3204 = arith.cmpi slt, %rem3A_3200, %lt3A_3203 : i32
      %lt3A_3205 = arith.constant 0 : i32
      %lt3A_3206 = arith.cmpi slt, %select_n3A_3199, %lt3A_3205 : i32
      %ne3A_3207 = arith.xori %lt3A_3204, %lt3A_3206 : i1
      %and3A_3208 = arith.andi %ne3A_3207, %ne3A_3202 : i1
      %add3A_3209 = arith.addi %rem3A_3200, %select_n3A_3199 : i32
      %select_n3A_3210 = arith.select %and3A_3208, %add3A_3209, %rem3A_3200 : i32
      %mul3A_3211 = arith.constant 128 : i32
      %mul3A_3212 = arith.muli %select_n3A_3169, %mul3A_3211 : i32
      %dma_start3A_3213 = arith.constant 1 : i32
      %dma_start3A_3214 = arith.constant 0 : i32
      %dma_start3A_3215 = arith.constant 0 : i32
      %dma_start3A_3216 = tpu.memref_slice %arg7[%dma_start3A_3213, %dma_start3A_3214, %dma_start3A_3215] : memref<5x128x64xf32, #tpu.memory_space<vmem>> -> memref<1x128x64xf32, #tpu.memory_space<vmem>>
      %dma_start3A_3217 = tpu.memref_squeeze %dma_start3A_3216 : memref<1x128x64xf32, #tpu.memory_space<vmem>> -> memref<128x64xf32, #tpu.memory_space<vmem>>
      %dma_start3A_3218 = arith.constant 0 : i32
      %dma_start3A_3219 = tpu.memref_slice %arg4[%select_n3A_3153, %mul3A_3212, %dma_start3A_3218] : memref<200x1024x64xf32, #tpu.memory_space<hbm>> -> memref<1x128x64xf32, #tpu.memory_space<hbm>>
      %dma_start3A_3220 = tpu.memref_squeeze %dma_start3A_3219 : memref<1x128x64xf32, #tpu.memory_space<hbm>> -> memref<128x64xf32, #tpu.memory_space<hbm>>
      %dma_start3A_3221 = arith.constant 0 : i32
      %dma_start3A_3222 = tpu.memref_slice %arg4[%select_n3A_3153, %mul3A_3212, %dma_start3A_3221] : memref<200x1024x64xf32, #tpu.memory_space<hbm>> -> memref<1x128x64xf32, #tpu.memory_space<hbm>>
      %dma_start3A_3223 = tpu.memref_squeeze %dma_start3A_3222 : memref<1x128x64xf32, #tpu.memory_space<hbm>> -> memref<128x64xf32, #tpu.memory_space<hbm>>
      %dma_start3A_3224 = arith.constant 0 : i32
      %dma_start3A_3225 = arith.constant 0 : i32
      %dma_start3A_3226 = tpu.memref_slice %arg7[%dma_start3A_3213, %dma_start3A_3224, %dma_start3A_3225] : memref<5x128x64xf32, #tpu.memory_space<vmem>> -> memref<1x128x64xf32, #tpu.memory_space<vmem>>
      %dma_start3A_3227 = tpu.memref_squeeze %dma_start3A_3226 : memref<1x128x64xf32, #tpu.memory_space<vmem>> -> memref<128x64xf32, #tpu.memory_space<vmem>>
      tpu.enqueue_dma source(%dma_start3A_3227 : memref<128x64xf32, #tpu.memory_space<vmem>>) target(%dma_start3A_3223 : memref<128x64xf32, #tpu.memory_space<hbm>>) target_semaphore(%arg11 : memref<!tpu.dma_semaphore, #tpu.memory_space<semaphore_mem>>)
      %mul3A_3228 = arith.constant 5 : i32
      %mul3A_3229 = arith.muli %add3A_2536, %mul3A_3228 : i32
      %add3A_3230 = arith.addi %mul3A_2, %mul3A_3229 : i32
      %add3A_3231 = arith.constant 2 : i32
      %add3A_3232 = arith.addi %add3A_3230, %add3A_3231 : i32
      %jit3A_3233 = arith.constant 8 : i32
      %div3A_3234 = arith.divsi %add3A_3232, %jit3A_3233 : i32
      %sign3A_3235 = arith.constant 0 : i32
      %sign3A_3236 = arith.cmpi sgt, %add3A_3232, %sign3A_3235 : i32
      %sign3A_3237 = arith.extui %sign3A_3236 : i1 to i32
      %sign3A_3238 = arith.constant 0 : i32
      %sign3A_3239 = arith.cmpi slt, %add3A_3232, %sign3A_3238 : i32
      %sign3A_3240 = arith.extui %sign3A_3239 : i1 to i32
      %sign3A_3241 = arith.subi %sign3A_3237, %sign3A_3240 : i32
      %sign3A_3242 = arith.constant 0 : i32
      %sign3A_3243 = arith.cmpi sgt, %jit3A_3233, %sign3A_3242 : i32
      %sign3A_3244 = arith.extui %sign3A_3243 : i1 to i32
      %sign3A_3245 = arith.constant 0 : i32
      %sign3A_3246 = arith.cmpi slt, %jit3A_3233, %sign3A_3245 : i32
      %sign3A_3247 = arith.extui %sign3A_3246 : i1 to i32
      %sign3A_3248 = arith.subi %sign3A_3244, %sign3A_3247 : i32
      %ne3A_3249 = arith.cmpi ne, %sign3A_3241, %sign3A_3248 : i32
      %rem3A_3250 = arith.remsi %add3A_3232, %jit3A_3233 : i32
      %ne3A_3251 = arith.constant 0 : i32
      %ne3A_3252 = arith.cmpi ne, %rem3A_3250, %ne3A_3251 : i32
      %and3A_3253 = arith.andi %ne3A_3249, %ne3A_3252 : i1
      %sub3A_3254 = arith.constant 1 : i32
      %sub3A_3255 = arith.subi %div3A_3234, %sub3A_3254 : i32
      %select_n3A_3256 = arith.select %and3A_3253, %sub3A_3255, %div3A_3234 : i32
      %jit3A_3257 = arith.constant 8 : i32
      %eq3A_3258 = arith.constant 0 : i32
      %eq3A_3259 = arith.cmpi eq, %jit3A_3257, %eq3A_3258 : i32
      %jit3A_3260 = arith.constant 1 : i32
      %select_n3A_3261 = arith.select %eq3A_3259, %jit3A_3260, %jit3A_3257 : i32
      %rem3A_3262 = arith.remsi %add3A_3232, %select_n3A_3261 : i32
      %ne3A_3263 = arith.constant 0 : i32
      %ne3A_3264 = arith.cmpi ne, %rem3A_3262, %ne3A_3263 : i32
      %lt3A_3265 = arith.constant 0 : i32
      %lt3A_3266 = arith.cmpi slt, %rem3A_3262, %lt3A_3265 : i32
      %lt3A_3267 = arith.constant 0 : i32
      %lt3A_3268 = arith.cmpi slt, %select_n3A_3261, %lt3A_3267 : i32
      %ne3A_3269 = arith.xori %lt3A_3266, %lt3A_3268 : i1
      %and3A_3270 = arith.andi %ne3A_3269, %ne3A_3264 : i1
      %add3A_3271 = arith.addi %rem3A_3262, %select_n3A_3261 : i32
      %select_n3A_3272 = arith.select %and3A_3270, %add3A_3271, %rem3A_3262 : i32
      %jit3A_3273 = arith.constant 8 : i32
      %div3A_3274 = arith.divsi %select_n3A_3256, %jit3A_3273 : i32
      %sign3A_3275 = arith.constant 0 : i32
      %sign3A_3276 = arith.cmpi sgt, %select_n3A_3256, %sign3A_3275 : i32
      %sign3A_3277 = arith.extui %sign3A_3276 : i1 to i32
      %sign3A_3278 = arith.constant 0 : i32
      %sign3A_3279 = arith.cmpi slt, %select_n3A_3256, %sign3A_3278 : i32
      %sign3A_3280 = arith.extui %sign3A_3279 : i1 to i32
      %sign3A_3281 = arith.subi %sign3A_3277, %sign3A_3280 : i32
      %sign3A_3282 = arith.constant 0 : i32
      %sign3A_3283 = arith.cmpi sgt, %jit3A_3273, %sign3A_3282 : i32
      %sign3A_3284 = arith.extui %sign3A_3283 : i1 to i32
      %sign3A_3285 = arith.constant 0 : i32
      %sign3A_3286 = arith.cmpi slt, %jit3A_3273, %sign3A_3285 : i32
      %sign3A_3287 = arith.extui %sign3A_3286 : i1 to i32
      %sign3A_3288 = arith.subi %sign3A_3284, %sign3A_3287 : i32
      %ne3A_3289 = arith.cmpi ne, %sign3A_3281, %sign3A_3288 : i32
      %rem3A_3290 = arith.remsi %select_n3A_3256, %jit3A_3273 : i32
      %ne3A_3291 = arith.constant 0 : i32
      %ne3A_3292 = arith.cmpi ne, %rem3A_3290, %ne3A_3291 : i32
      %and3A_3293 = arith.andi %ne3A_3289, %ne3A_3292 : i1
      %sub3A_3294 = arith.constant 1 : i32
      %sub3A_3295 = arith.subi %div3A_3274, %sub3A_3294 : i32
      %select_n3A_3296 = arith.select %and3A_3293, %sub3A_3295, %div3A_3274 : i32
      %sub3A_3297 = arith.subi %select_n3A_3296, %min3A_43 : i32
      %jit3A_3298 = arith.constant 8 : i32
      %eq3A_3299 = arith.constant 0 : i32
      %eq3A_3300 = arith.cmpi eq, %jit3A_3298, %eq3A_3299 : i32
      %jit3A_3301 = arith.constant 1 : i32
      %select_n3A_3302 = arith.select %eq3A_3300, %jit3A_3301, %jit3A_3298 : i32
      %rem3A_3303 = arith.remsi %select_n3A_3256, %select_n3A_3302 : i32
      %ne3A_3304 = arith.constant 0 : i32
      %ne3A_3305 = arith.cmpi ne, %rem3A_3303, %ne3A_3304 : i32
      %lt3A_3306 = arith.constant 0 : i32
      %lt3A_3307 = arith.cmpi slt, %rem3A_3303, %lt3A_3306 : i32
      %lt3A_3308 = arith.constant 0 : i32
      %lt3A_3309 = arith.cmpi slt, %select_n3A_3302, %lt3A_3308 : i32
      %ne3A_3310 = arith.xori %lt3A_3307, %lt3A_3309 : i1
      %and3A_3311 = arith.andi %ne3A_3310, %ne3A_3305 : i1
      %add3A_3312 = arith.addi %rem3A_3303, %select_n3A_3302 : i32
      %select_n3A_3313 = arith.select %and3A_3311, %add3A_3312, %rem3A_3303 : i32
      %mul3A_3314 = arith.constant 128 : i32
      %mul3A_3315 = arith.muli %select_n3A_3272, %mul3A_3314 : i32
      %dma_start3A_3316 = arith.constant 2 : i32
      %dma_start3A_3317 = arith.constant 0 : i32
      %dma_start3A_3318 = arith.constant 0 : i32
      %dma_start3A_3319 = tpu.memref_slice %arg7[%dma_start3A_3316, %dma_start3A_3317, %dma_start3A_3318] : memref<5x128x64xf32, #tpu.memory_space<vmem>> -> memref<1x128x64xf32, #tpu.memory_space<vmem>>
      %dma_start3A_3320 = tpu.memref_squeeze %dma_start3A_3319 : memref<1x128x64xf32, #tpu.memory_space<vmem>> -> memref<128x64xf32, #tpu.memory_space<vmem>>
      %dma_start3A_3321 = arith.constant 0 : i32
      %dma_start3A_3322 = tpu.memref_slice %arg4[%select_n3A_3256, %mul3A_3315, %dma_start3A_3321] : memref<200x1024x64xf32, #tpu.memory_space<hbm>> -> memref<1x128x64xf32, #tpu.memory_space<hbm>>
      %dma_start3A_3323 = tpu.memref_squeeze %dma_start3A_3322 : memref<1x128x64xf32, #tpu.memory_space<hbm>> -> memref<128x64xf32, #tpu.memory_space<hbm>>
      %dma_start3A_3324 = arith.constant 0 : i32
      %dma_start3A_3325 = tpu.memref_slice %arg4[%select_n3A_3256, %mul3A_3315, %dma_start3A_3324] : memref<200x1024x64xf32, #tpu.memory_space<hbm>> -> memref<1x128x64xf32, #tpu.memory_space<hbm>>
      %dma_start3A_3326 = tpu.memref_squeeze %dma_start3A_3325 : memref<1x128x64xf32, #tpu.memory_space<hbm>> -> memref<128x64xf32, #tpu.memory_space<hbm>>
      %dma_start3A_3327 = arith.constant 0 : i32
      %dma_start3A_3328 = arith.constant 0 : i32
      %dma_start3A_3329 = tpu.memref_slice %arg7[%dma_start3A_3316, %dma_start3A_3327, %dma_start3A_3328] : memref<5x128x64xf32, #tpu.memory_space<vmem>> -> memref<1x128x64xf32, #tpu.memory_space<vmem>>
      %dma_start3A_3330 = tpu.memref_squeeze %dma_start3A_3329 : memref<1x128x64xf32, #tpu.memory_space<vmem>> -> memref<128x64xf32, #tpu.memory_space<vmem>>
      tpu.enqueue_dma source(%dma_start3A_3330 : memref<128x64xf32, #tpu.memory_space<vmem>>) target(%dma_start3A_3326 : memref<128x64xf32, #tpu.memory_space<hbm>>) target_semaphore(%arg11 : memref<!tpu.dma_semaphore, #tpu.memory_space<semaphore_mem>>)
      %mul3A_3331 = arith.constant 5 : i32
      %mul3A_3332 = arith.muli %add3A_2536, %mul3A_3331 : i32
      %add3A_3333 = arith.addi %mul3A_2, %mul3A_3332 : i32
      %add3A_3334 = arith.constant 3 : i32
      %add3A_3335 = arith.addi %add3A_3333, %add3A_3334 : i32
      %jit3A_3336 = arith.constant 8 : i32
      %div3A_3337 = arith.divsi %add3A_3335, %jit3A_3336 : i32
      %sign3A_3338 = arith.constant 0 : i32
      %sign3A_3339 = arith.cmpi sgt, %add3A_3335, %sign3A_3338 : i32
      %sign3A_3340 = arith.extui %sign3A_3339 : i1 to i32
      %sign3A_3341 = arith.constant 0 : i32
      %sign3A_3342 = arith.cmpi slt, %add3A_3335, %sign3A_3341 : i32
      %sign3A_3343 = arith.extui %sign3A_3342 : i1 to i32
      %sign3A_3344 = arith.subi %sign3A_3340, %sign3A_3343 : i32
      %sign3A_3345 = arith.constant 0 : i32
      %sign3A_3346 = arith.cmpi sgt, %jit3A_3336, %sign3A_3345 : i32
      %sign3A_3347 = arith.extui %sign3A_3346 : i1 to i32
      %sign3A_3348 = arith.constant 0 : i32
      %sign3A_3349 = arith.cmpi slt, %jit3A_3336, %sign3A_3348 : i32
      %sign3A_3350 = arith.extui %sign3A_3349 : i1 to i32
      %sign3A_3351 = arith.subi %sign3A_3347, %sign3A_3350 : i32
      %ne3A_3352 = arith.cmpi ne, %sign3A_3344, %sign3A_3351 : i32
      %rem3A_3353 = arith.remsi %add3A_3335, %jit3A_3336 : i32
      %ne3A_3354 = arith.constant 0 : i32
      %ne3A_3355 = arith.cmpi ne, %rem3A_3353, %ne3A_3354 : i32
      %and3A_3356 = arith.andi %ne3A_3352, %ne3A_3355 : i1
      %sub3A_3357 = arith.constant 1 : i32
      %sub3A_3358 = arith.subi %div3A_3337, %sub3A_3357 : i32
      %select_n3A_3359 = arith.select %and3A_3356, %sub3A_3358, %div3A_3337 : i32
      %jit3A_3360 = arith.constant 8 : i32
      %eq3A_3361 = arith.constant 0 : i32
      %eq3A_3362 = arith.cmpi eq, %jit3A_3360, %eq3A_3361 : i32
      %jit3A_3363 = arith.constant 1 : i32
      %select_n3A_3364 = arith.select %eq3A_3362, %jit3A_3363, %jit3A_3360 : i32
      %rem3A_3365 = arith.remsi %add3A_3335, %select_n3A_3364 : i32
      %ne3A_3366 = arith.constant 0 : i32
      %ne3A_3367 = arith.cmpi ne, %rem3A_3365, %ne3A_3366 : i32
      %lt3A_3368 = arith.constant 0 : i32
      %lt3A_3369 = arith.cmpi slt, %rem3A_3365, %lt3A_3368 : i32
      %lt3A_3370 = arith.constant 0 : i32
      %lt3A_3371 = arith.cmpi slt, %select_n3A_3364, %lt3A_3370 : i32
      %ne3A_3372 = arith.xori %lt3A_3369, %lt3A_3371 : i1
      %and3A_3373 = arith.andi %ne3A_3372, %ne3A_3367 : i1
      %add3A_3374 = arith.addi %rem3A_3365, %select_n3A_3364 : i32
      %select_n3A_3375 = arith.select %and3A_3373, %add3A_3374, %rem3A_3365 : i32
      %jit3A_3376 = arith.constant 8 : i32
      %div3A_3377 = arith.divsi %select_n3A_3359, %jit3A_3376 : i32
      %sign3A_3378 = arith.constant 0 : i32
      %sign3A_3379 = arith.cmpi sgt, %select_n3A_3359, %sign3A_3378 : i32
      %sign3A_3380 = arith.extui %sign3A_3379 : i1 to i32
      %sign3A_3381 = arith.constant 0 : i32
      %sign3A_3382 = arith.cmpi slt, %select_n3A_3359, %sign3A_3381 : i32
      %sign3A_3383 = arith.extui %sign3A_3382 : i1 to i32
      %sign3A_3384 = arith.subi %sign3A_3380, %sign3A_3383 : i32
      %sign3A_3385 = arith.constant 0 : i32
      %sign3A_3386 = arith.cmpi sgt, %jit3A_3376, %sign3A_3385 : i32
      %sign3A_3387 = arith.extui %sign3A_3386 : i1 to i32
      %sign3A_3388 = arith.constant 0 : i32
      %sign3A_3389 = arith.cmpi slt, %jit3A_3376, %sign3A_3388 : i32
      %sign3A_3390 = arith.extui %sign3A_3389 : i1 to i32
      %sign3A_3391 = arith.subi %sign3A_3387, %sign3A_3390 : i32
      %ne3A_3392 = arith.cmpi ne, %sign3A_3384, %sign3A_3391 : i32
      %rem3A_3393 = arith.remsi %select_n3A_3359, %jit3A_3376 : i32
      %ne3A_3394 = arith.constant 0 : i32
      %ne3A_3395 = arith.cmpi ne, %rem3A_3393, %ne3A_3394 : i32
      %and3A_3396 = arith.andi %ne3A_3392, %ne3A_3395 : i1
      %sub3A_3397 = arith.constant 1 : i32
      %sub3A_3398 = arith.subi %div3A_3377, %sub3A_3397 : i32
      %select_n3A_3399 = arith.select %and3A_3396, %sub3A_3398, %div3A_3377 : i32
      %sub3A_3400 = arith.subi %select_n3A_3399, %min3A_43 : i32
      %jit3A_3401 = arith.constant 8 : i32
      %eq3A_3402 = arith.constant 0 : i32
      %eq3A_3403 = arith.cmpi eq, %jit3A_3401, %eq3A_3402 : i32
      %jit3A_3404 = arith.constant 1 : i32
      %select_n3A_3405 = arith.select %eq3A_3403, %jit3A_3404, %jit3A_3401 : i32
      %rem3A_3406 = arith.remsi %select_n3A_3359, %select_n3A_3405 : i32
      %ne3A_3407 = arith.constant 0 : i32
      %ne3A_3408 = arith.cmpi ne, %rem3A_3406, %ne3A_3407 : i32
      %lt3A_3409 = arith.constant 0 : i32
      %lt3A_3410 = arith.cmpi slt, %rem3A_3406, %lt3A_3409 : i32
      %lt3A_3411 = arith.constant 0 : i32
      %lt3A_3412 = arith.cmpi slt, %select_n3A_3405, %lt3A_3411 : i32
      %ne3A_3413 = arith.xori %lt3A_3410, %lt3A_3412 : i1
      %and3A_3414 = arith.andi %ne3A_3413, %ne3A_3408 : i1
      %add3A_3415 = arith.addi %rem3A_3406, %select_n3A_3405 : i32
      %select_n3A_3416 = arith.select %and3A_3414, %add3A_3415, %rem3A_3406 : i32
      %mul3A_3417 = arith.constant 128 : i32
      %mul3A_3418 = arith.muli %select_n3A_3375, %mul3A_3417 : i32
      %dma_start3A_3419 = arith.constant 3 : i32
      %dma_start3A_3420 = arith.constant 0 : i32
      %dma_start3A_3421 = arith.constant 0 : i32
      %dma_start3A_3422 = tpu.memref_slice %arg7[%dma_start3A_3419, %dma_start3A_3420, %dma_start3A_3421] : memref<5x128x64xf32, #tpu.memory_space<vmem>> -> memref<1x128x64xf32, #tpu.memory_space<vmem>>
      %dma_start3A_3423 = tpu.memref_squeeze %dma_start3A_3422 : memref<1x128x64xf32, #tpu.memory_space<vmem>> -> memref<128x64xf32, #tpu.memory_space<vmem>>
      %dma_start3A_3424 = arith.constant 0 : i32
      %dma_start3A_3425 = tpu.memref_slice %arg4[%select_n3A_3359, %mul3A_3418, %dma_start3A_3424] : memref<200x1024x64xf32, #tpu.memory_space<hbm>> -> memref<1x128x64xf32, #tpu.memory_space<hbm>>
      %dma_start3A_3426 = tpu.memref_squeeze %dma_start3A_3425 : memref<1x128x64xf32, #tpu.memory_space<hbm>> -> memref<128x64xf32, #tpu.memory_space<hbm>>
      %dma_start3A_3427 = arith.constant 0 : i32
      %dma_start3A_3428 = tpu.memref_slice %arg4[%select_n3A_3359, %mul3A_3418, %dma_start3A_3427] : memref<200x1024x64xf32, #tpu.memory_space<hbm>> -> memref<1x128x64xf32, #tpu.memory_space<hbm>>
      %dma_start3A_3429 = tpu.memref_squeeze %dma_start3A_3428 : memref<1x128x64xf32, #tpu.memory_space<hbm>> -> memref<128x64xf32, #tpu.memory_space<hbm>>
      %dma_start3A_3430 = arith.constant 0 : i32
      %dma_start3A_3431 = arith.constant 0 : i32
      %dma_start3A_3432 = tpu.memref_slice %arg7[%dma_start3A_3419, %dma_start3A_3430, %dma_start3A_3431] : memref<5x128x64xf32, #tpu.memory_space<vmem>> -> memref<1x128x64xf32, #tpu.memory_space<vmem>>
      %dma_start3A_3433 = tpu.memref_squeeze %dma_start3A_3432 : memref<1x128x64xf32, #tpu.memory_space<vmem>> -> memref<128x64xf32, #tpu.memory_space<vmem>>
      tpu.enqueue_dma source(%dma_start3A_3433 : memref<128x64xf32, #tpu.memory_space<vmem>>) target(%dma_start3A_3429 : memref<128x64xf32, #tpu.memory_space<hbm>>) target_semaphore(%arg11 : memref<!tpu.dma_semaphore, #tpu.memory_space<semaphore_mem>>)
      %mul3A_3434 = arith.constant 5 : i32
      %mul3A_3435 = arith.muli %add3A_2536, %mul3A_3434 : i32
      %add3A_3436 = arith.addi %mul3A_2, %mul3A_3435 : i32
      %add3A_3437 = arith.constant 4 : i32
      %add3A_3438 = arith.addi %add3A_3436, %add3A_3437 : i32
      %jit3A_3439 = arith.constant 8 : i32
      %div3A_3440 = arith.divsi %add3A_3438, %jit3A_3439 : i32
      %sign3A_3441 = arith.constant 0 : i32
      %sign3A_3442 = arith.cmpi sgt, %add3A_3438, %sign3A_3441 : i32
      %sign3A_3443 = arith.extui %sign3A_3442 : i1 to i32
      %sign3A_3444 = arith.constant 0 : i32
      %sign3A_3445 = arith.cmpi slt, %add3A_3438, %sign3A_3444 : i32
      %sign3A_3446 = arith.extui %sign3A_3445 : i1 to i32
      %sign3A_3447 = arith.subi %sign3A_3443, %sign3A_3446 : i32
      %sign3A_3448 = arith.constant 0 : i32
      %sign3A_3449 = arith.cmpi sgt, %jit3A_3439, %sign3A_3448 : i32
      %sign3A_3450 = arith.extui %sign3A_3449 : i1 to i32
      %sign3A_3451 = arith.constant 0 : i32
      %sign3A_3452 = arith.cmpi slt, %jit3A_3439, %sign3A_3451 : i32
      %sign3A_3453 = arith.extui %sign3A_3452 : i1 to i32
      %sign3A_3454 = arith.subi %sign3A_3450, %sign3A_3453 : i32
      %ne3A_3455 = arith.cmpi ne, %sign3A_3447, %sign3A_3454 : i32
      %rem3A_3456 = arith.remsi %add3A_3438, %jit3A_3439 : i32
      %ne3A_3457 = arith.constant 0 : i32
      %ne3A_3458 = arith.cmpi ne, %rem3A_3456, %ne3A_3457 : i32
      %and3A_3459 = arith.andi %ne3A_3455, %ne3A_3458 : i1
      %sub3A_3460 = arith.constant 1 : i32
      %sub3A_3461 = arith.subi %div3A_3440, %sub3A_3460 : i32
      %select_n3A_3462 = arith.select %and3A_3459, %sub3A_3461, %div3A_3440 : i32
      %jit3A_3463 = arith.constant 8 : i32
      %eq3A_3464 = arith.constant 0 : i32
      %eq3A_3465 = arith.cmpi eq, %jit3A_3463, %eq3A_3464 : i32
      %jit3A_3466 = arith.constant 1 : i32
      %select_n3A_3467 = arith.select %eq3A_3465, %jit3A_3466, %jit3A_3463 : i32
      %rem3A_3468 = arith.remsi %add3A_3438, %select_n3A_3467 : i32
      %ne3A_3469 = arith.constant 0 : i32
      %ne3A_3470 = arith.cmpi ne, %rem3A_3468, %ne3A_3469 : i32
      %lt3A_3471 = arith.constant 0 : i32
      %lt3A_3472 = arith.cmpi slt, %rem3A_3468, %lt3A_3471 : i32
      %lt3A_3473 = arith.constant 0 : i32
      %lt3A_3474 = arith.cmpi slt, %select_n3A_3467, %lt3A_3473 : i32
      %ne3A_3475 = arith.xori %lt3A_3472, %lt3A_3474 : i1
      %and3A_3476 = arith.andi %ne3A_3475, %ne3A_3470 : i1
      %add3A_3477 = arith.addi %rem3A_3468, %select_n3A_3467 : i32
      %select_n3A_3478 = arith.select %and3A_3476, %add3A_3477, %rem3A_3468 : i32
      %jit3A_3479 = arith.constant 8 : i32
      %div3A_3480 = arith.divsi %select_n3A_3462, %jit3A_3479 : i32
      %sign3A_3481 = arith.constant 0 : i32
      %sign3A_3482 = arith.cmpi sgt, %select_n3A_3462, %sign3A_3481 : i32
      %sign3A_3483 = arith.extui %sign3A_3482 : i1 to i32
      %sign3A_3484 = arith.constant 0 : i32
      %sign3A_3485 = arith.cmpi slt, %select_n3A_3462, %sign3A_3484 : i32
      %sign3A_3486 = arith.extui %sign3A_3485 : i1 to i32
      %sign3A_3487 = arith.subi %sign3A_3483, %sign3A_3486 : i32
      %sign3A_3488 = arith.constant 0 : i32
      %sign3A_3489 = arith.cmpi sgt, %jit3A_3479, %sign3A_3488 : i32
      %sign3A_3490 = arith.extui %sign3A_3489 : i1 to i32
      %sign3A_3491 = arith.constant 0 : i32
      %sign3A_3492 = arith.cmpi slt, %jit3A_3479, %sign3A_3491 : i32
      %sign3A_3493 = arith.extui %sign3A_3492 : i1 to i32
      %sign3A_3494 = arith.subi %sign3A_3490, %sign3A_3493 : i32
      %ne3A_3495 = arith.cmpi ne, %sign3A_3487, %sign3A_3494 : i32
      %rem3A_3496 = arith.remsi %select_n3A_3462, %jit3A_3479 : i32
      %ne3A_3497 = arith.constant 0 : i32
      %ne3A_3498 = arith.cmpi ne, %rem3A_3496, %ne3A_3497 : i32
      %and3A_3499 = arith.andi %ne3A_3495, %ne3A_3498 : i1
      %sub3A_3500 = arith.constant 1 : i32
      %sub3A_3501 = arith.subi %div3A_3480, %sub3A_3500 : i32
      %select_n3A_3502 = arith.select %and3A_3499, %sub3A_3501, %div3A_3480 : i32
      %sub3A_3503 = arith.subi %select_n3A_3502, %min3A_43 : i32
      %jit3A_3504 = arith.constant 8 : i32
      %eq3A_3505 = arith.constant 0 : i32
      %eq3A_3506 = arith.cmpi eq, %jit3A_3504, %eq3A_3505 : i32
      %jit3A_3507 = arith.constant 1 : i32
      %select_n3A_3508 = arith.select %eq3A_3506, %jit3A_3507, %jit3A_3504 : i32
      %rem3A_3509 = arith.remsi %select_n3A_3462, %select_n3A_3508 : i32
      %ne3A_3510 = arith.constant 0 : i32
      %ne3A_3511 = arith.cmpi ne, %rem3A_3509, %ne3A_3510 : i32
      %lt3A_3512 = arith.constant 0 : i32
      %lt3A_3513 = arith.cmpi slt, %rem3A_3509, %lt3A_3512 : i32
      %lt3A_3514 = arith.constant 0 : i32
      %lt3A_3515 = arith.cmpi slt, %select_n3A_3508, %lt3A_3514 : i32
      %ne3A_3516 = arith.xori %lt3A_3513, %lt3A_3515 : i1
      %and3A_3517 = arith.andi %ne3A_3516, %ne3A_3511 : i1
      %add3A_3518 = arith.addi %rem3A_3509, %select_n3A_3508 : i32
      %select_n3A_3519 = arith.select %and3A_3517, %add3A_3518, %rem3A_3509 : i32
      %mul3A_3520 = arith.constant 128 : i32
      %mul3A_3521 = arith.muli %select_n3A_3478, %mul3A_3520 : i32
      %dma_start3A_3522 = arith.constant 4 : i32
      %dma_start3A_3523 = arith.constant 0 : i32
      %dma_start3A_3524 = arith.constant 0 : i32
      %dma_start3A_3525 = tpu.memref_slice %arg7[%dma_start3A_3522, %dma_start3A_3523, %dma_start3A_3524] : memref<5x128x64xf32, #tpu.memory_space<vmem>> -> memref<1x128x64xf32, #tpu.memory_space<vmem>>
      %dma_start3A_3526 = tpu.memref_squeeze %dma_start3A_3525 : memref<1x128x64xf32, #tpu.memory_space<vmem>> -> memref<128x64xf32, #tpu.memory_space<vmem>>
      %dma_start3A_3527 = arith.constant 0 : i32
      %dma_start3A_3528 = tpu.memref_slice %arg4[%select_n3A_3462, %mul3A_3521, %dma_start3A_3527] : memref<200x1024x64xf32, #tpu.memory_space<hbm>> -> memref<1x128x64xf32, #tpu.memory_space<hbm>>
      %dma_start3A_3529 = tpu.memref_squeeze %dma_start3A_3528 : memref<1x128x64xf32, #tpu.memory_space<hbm>> -> memref<128x64xf32, #tpu.memory_space<hbm>>
      %dma_start3A_3530 = arith.constant 0 : i32
      %dma_start3A_3531 = tpu.memref_slice %arg4[%select_n3A_3462, %mul3A_3521, %dma_start3A_3530] : memref<200x1024x64xf32, #tpu.memory_space<hbm>> -> memref<1x128x64xf32, #tpu.memory_space<hbm>>
      %dma_start3A_3532 = tpu.memref_squeeze %dma_start3A_3531 : memref<1x128x64xf32, #tpu.memory_space<hbm>> -> memref<128x64xf32, #tpu.memory_space<hbm>>
      %dma_start3A_3533 = arith.constant 0 : i32
      %dma_start3A_3534 = arith.constant 0 : i32
      %dma_start3A_3535 = tpu.memref_slice %arg7[%dma_start3A_3522, %dma_start3A_3533, %dma_start3A_3534] : memref<5x128x64xf32, #tpu.memory_space<vmem>> -> memref<1x128x64xf32, #tpu.memory_space<vmem>>
      %dma_start3A_3536 = tpu.memref_squeeze %dma_start3A_3535 : memref<1x128x64xf32, #tpu.memory_space<vmem>> -> memref<128x64xf32, #tpu.memory_space<vmem>>
      tpu.enqueue_dma source(%dma_start3A_3536 : memref<128x64xf32, #tpu.memory_space<vmem>>) target(%dma_start3A_3532 : memref<128x64xf32, #tpu.memory_space<hbm>>) target_semaphore(%arg11 : memref<!tpu.dma_semaphore, #tpu.memory_space<semaphore_mem>>)
      %add3A_3537 = arith.constant 1 : i32
      %add3A_3538 = arith.addi %mul3A_528, %add3A_3537 : i32
      %mul3A_3539 = arith.constant 5 : i32
      %mul3A_3540 = arith.muli %add3A_3538, %mul3A_3539 : i32
      %add3A_3541 = arith.addi %mul3A_2, %mul3A_3540 : i32
      %add3A_3542 = arith.constant 0 : i32
      %add3A_3543 = arith.addi %add3A_3541, %add3A_3542 : i32
      %jit3A_3544 = arith.constant 8 : i32
      %div3A_3545 = arith.divsi %add3A_3543, %jit3A_3544 : i32
      %sign3A_3546 = arith.constant 0 : i32
      %sign3A_3547 = arith.cmpi sgt, %add3A_3543, %sign3A_3546 : i32
      %sign3A_3548 = arith.extui %sign3A_3547 : i1 to i32
      %sign3A_3549 = arith.constant 0 : i32
      %sign3A_3550 = arith.cmpi slt, %add3A_3543, %sign3A_3549 : i32
      %sign3A_3551 = arith.extui %sign3A_3550 : i1 to i32
      %sign3A_3552 = arith.subi %sign3A_3548, %sign3A_3551 : i32
      %sign3A_3553 = arith.constant 0 : i32
      %sign3A_3554 = arith.cmpi sgt, %jit3A_3544, %sign3A_3553 : i32
      %sign3A_3555 = arith.extui %sign3A_3554 : i1 to i32
      %sign3A_3556 = arith.constant 0 : i32
      %sign3A_3557 = arith.cmpi slt, %jit3A_3544, %sign3A_3556 : i32
      %sign3A_3558 = arith.extui %sign3A_3557 : i1 to i32
      %sign3A_3559 = arith.subi %sign3A_3555, %sign3A_3558 : i32
      %ne3A_3560 = arith.cmpi ne, %sign3A_3552, %sign3A_3559 : i32
      %rem3A_3561 = arith.remsi %add3A_3543, %jit3A_3544 : i32
      %ne3A_3562 = arith.constant 0 : i32
      %ne3A_3563 = arith.cmpi ne, %rem3A_3561, %ne3A_3562 : i32
      %and3A_3564 = arith.andi %ne3A_3560, %ne3A_3563 : i1
      %sub3A_3565 = arith.constant 1 : i32
      %sub3A_3566 = arith.subi %div3A_3545, %sub3A_3565 : i32
      %select_n3A_3567 = arith.select %and3A_3564, %sub3A_3566, %div3A_3545 : i32
      %jit3A_3568 = arith.constant 8 : i32
      %eq3A_3569 = arith.constant 0 : i32
      %eq3A_3570 = arith.cmpi eq, %jit3A_3568, %eq3A_3569 : i32
      %jit3A_3571 = arith.constant 1 : i32
      %select_n3A_3572 = arith.select %eq3A_3570, %jit3A_3571, %jit3A_3568 : i32
      %rem3A_3573 = arith.remsi %add3A_3543, %select_n3A_3572 : i32
      %ne3A_3574 = arith.constant 0 : i32
      %ne3A_3575 = arith.cmpi ne, %rem3A_3573, %ne3A_3574 : i32
      %lt3A_3576 = arith.constant 0 : i32
      %lt3A_3577 = arith.cmpi slt, %rem3A_3573, %lt3A_3576 : i32
      %lt3A_3578 = arith.constant 0 : i32
      %lt3A_3579 = arith.cmpi slt, %select_n3A_3572, %lt3A_3578 : i32
      %ne3A_3580 = arith.xori %lt3A_3577, %lt3A_3579 : i1
      %and3A_3581 = arith.andi %ne3A_3580, %ne3A_3575 : i1
      %add3A_3582 = arith.addi %rem3A_3573, %select_n3A_3572 : i32
      %select_n3A_3583 = arith.select %and3A_3581, %add3A_3582, %rem3A_3573 : i32
      %jit3A_3584 = arith.constant 8 : i32
      %div3A_3585 = arith.divsi %select_n3A_3567, %jit3A_3584 : i32
      %sign3A_3586 = arith.constant 0 : i32
      %sign3A_3587 = arith.cmpi sgt, %select_n3A_3567, %sign3A_3586 : i32
      %sign3A_3588 = arith.extui %sign3A_3587 : i1 to i32
      %sign3A_3589 = arith.constant 0 : i32
      %sign3A_3590 = arith.cmpi slt, %select_n3A_3567, %sign3A_3589 : i32
      %sign3A_3591 = arith.extui %sign3A_3590 : i1 to i32
      %sign3A_3592 = arith.subi %sign3A_3588, %sign3A_3591 : i32
      %sign3A_3593 = arith.constant 0 : i32
      %sign3A_3594 = arith.cmpi sgt, %jit3A_3584, %sign3A_3593 : i32
      %sign3A_3595 = arith.extui %sign3A_3594 : i1 to i32
      %sign3A_3596 = arith.constant 0 : i32
      %sign3A_3597 = arith.cmpi slt, %jit3A_3584, %sign3A_3596 : i32
      %sign3A_3598 = arith.extui %sign3A_3597 : i1 to i32
      %sign3A_3599 = arith.subi %sign3A_3595, %sign3A_3598 : i32
      %ne3A_3600 = arith.cmpi ne, %sign3A_3592, %sign3A_3599 : i32
      %rem3A_3601 = arith.remsi %select_n3A_3567, %jit3A_3584 : i32
      %ne3A_3602 = arith.constant 0 : i32
      %ne3A_3603 = arith.cmpi ne, %rem3A_3601, %ne3A_3602 : i32
      %and3A_3604 = arith.andi %ne3A_3600, %ne3A_3603 : i1
      %sub3A_3605 = arith.constant 1 : i32
      %sub3A_3606 = arith.subi %div3A_3585, %sub3A_3605 : i32
      %select_n3A_3607 = arith.select %and3A_3604, %sub3A_3606, %div3A_3585 : i32
      %sub3A_3608 = arith.subi %select_n3A_3607, %min3A_43 : i32
      %jit3A_3609 = arith.constant 8 : i32
      %eq3A_3610 = arith.constant 0 : i32
      %eq3A_3611 = arith.cmpi eq, %jit3A_3609, %eq3A_3610 : i32
      %jit3A_3612 = arith.constant 1 : i32
      %select_n3A_3613 = arith.select %eq3A_3611, %jit3A_3612, %jit3A_3609 : i32
      %rem3A_3614 = arith.remsi %select_n3A_3567, %select_n3A_3613 : i32
      %ne3A_3615 = arith.constant 0 : i32
      %ne3A_3616 = arith.cmpi ne, %rem3A_3614, %ne3A_3615 : i32
      %lt3A_3617 = arith.constant 0 : i32
      %lt3A_3618 = arith.cmpi slt, %rem3A_3614, %lt3A_3617 : i32
      %lt3A_3619 = arith.constant 0 : i32
      %lt3A_3620 = arith.cmpi slt, %select_n3A_3613, %lt3A_3619 : i32
      %ne3A_3621 = arith.xori %lt3A_3618, %lt3A_3620 : i1
      %and3A_3622 = arith.andi %ne3A_3621, %ne3A_3616 : i1
      %add3A_3623 = arith.addi %rem3A_3614, %select_n3A_3613 : i32
      %select_n3A_3624 = arith.select %and3A_3622, %add3A_3623, %rem3A_3614 : i32
      %mul3A_3625 = arith.constant 128 : i32
      %mul3A_3626 = arith.muli %select_n3A_3583, %mul3A_3625 : i32
      %dma_wait3A_3627 = arith.constant 0 : i32
      %dma_wait3A_3628 = arith.constant 0 : i32
      %dma_wait3A_3629 = arith.constant 0 : i32
      %dma_wait3A_3630 = tpu.memref_slice %arg7[%dma_wait3A_3627, %dma_wait3A_3628, %dma_wait3A_3629] : memref<5x128x64xf32, #tpu.memory_space<vmem>> -> memref<1x128x64xf32, #tpu.memory_space<vmem>>
      %dma_wait3A_3631 = tpu.memref_squeeze %dma_wait3A_3630 : memref<1x128x64xf32, #tpu.memory_space<vmem>> -> memref<128x64xf32, #tpu.memory_space<vmem>>
      %dma_wait3A_3632 = arith.constant 0 : i32
      %dma_wait3A_3633 = tpu.memref_slice %arg4[%select_n3A_3567, %mul3A_3626, %dma_wait3A_3632] : memref<200x1024x64xf32, #tpu.memory_space<hbm>> -> memref<1x128x64xf32, #tpu.memory_space<hbm>>
      %dma_wait3A_3634 = tpu.memref_squeeze %dma_wait3A_3633 : memref<1x128x64xf32, #tpu.memory_space<hbm>> -> memref<128x64xf32, #tpu.memory_space<hbm>>
      %dma_wait3A_3635 = arith.constant 0 : i32
      %dma_wait3A_3636 = tpu.memref_slice %arg4[%select_n3A_3567, %mul3A_3626, %dma_wait3A_3635] : memref<200x1024x64xf32, #tpu.memory_space<hbm>> -> memref<1x128x64xf32, #tpu.memory_space<hbm>>
      %dma_wait3A_3637 = tpu.memref_squeeze %dma_wait3A_3636 : memref<1x128x64xf32, #tpu.memory_space<hbm>> -> memref<128x64xf32, #tpu.memory_space<hbm>>
      %dma_wait3A_3638 = arith.constant 0 : i32
      %dma_wait3A_3639 = arith.constant 0 : i32
      %dma_wait3A_3640 = tpu.memref_slice %arg7[%dma_wait3A_3627, %dma_wait3A_3638, %dma_wait3A_3639] : memref<5x128x64xf32, #tpu.memory_space<vmem>> -> memref<1x128x64xf32, #tpu.memory_space<vmem>>
      %dma_wait3A_3641 = tpu.memref_squeeze %dma_wait3A_3640 : memref<1x128x64xf32, #tpu.memory_space<vmem>> -> memref<128x64xf32, #tpu.memory_space<vmem>>
      tpu.wait_dma2 semaphore(%arg11 : memref<!tpu.dma_semaphore, #tpu.memory_space<semaphore_mem>>) src(%dma_wait3A_3641 : memref<128x64xf32, #tpu.memory_space<vmem>>) dst(%dma_wait3A_3637 : memref<128x64xf32, #tpu.memory_space<hbm>>)
      %mul3A_3642 = arith.constant 5 : i32
      %mul3A_3643 = arith.muli %add3A_3538, %mul3A_3642 : i32
      %add3A_3644 = arith.addi %mul3A_2, %mul3A_3643 : i32
      %add3A_3645 = arith.constant 1 : i32
      %add3A_3646 = arith.addi %add3A_3644, %add3A_3645 : i32
      %jit3A_3647 = arith.constant 8 : i32
      %div3A_3648 = arith.divsi %add3A_3646, %jit3A_3647 : i32
      %sign3A_3649 = arith.constant 0 : i32
      %sign3A_3650 = arith.cmpi sgt, %add3A_3646, %sign3A_3649 : i32
      %sign3A_3651 = arith.extui %sign3A_3650 : i1 to i32
      %sign3A_3652 = arith.constant 0 : i32
      %sign3A_3653 = arith.cmpi slt, %add3A_3646, %sign3A_3652 : i32
      %sign3A_3654 = arith.extui %sign3A_3653 : i1 to i32
      %sign3A_3655 = arith.subi %sign3A_3651, %sign3A_3654 : i32
      %sign3A_3656 = arith.constant 0 : i32
      %sign3A_3657 = arith.cmpi sgt, %jit3A_3647, %sign3A_3656 : i32
      %sign3A_3658 = arith.extui %sign3A_3657 : i1 to i32
      %sign3A_3659 = arith.constant 0 : i32
      %sign3A_3660 = arith.cmpi slt, %jit3A_3647, %sign3A_3659 : i32
      %sign3A_3661 = arith.extui %sign3A_3660 : i1 to i32
      %sign3A_3662 = arith.subi %sign3A_3658, %sign3A_3661 : i32
      %ne3A_3663 = arith.cmpi ne, %sign3A_3655, %sign3A_3662 : i32
      %rem3A_3664 = arith.remsi %add3A_3646, %jit3A_3647 : i32
      %ne3A_3665 = arith.constant 0 : i32
      %ne3A_3666 = arith.cmpi ne, %rem3A_3664, %ne3A_3665 : i32
      %and3A_3667 = arith.andi %ne3A_3663, %ne3A_3666 : i1
      %sub3A_3668 = arith.constant 1 : i32
      %sub3A_3669 = arith.subi %div3A_3648, %sub3A_3668 : i32
      %select_n3A_3670 = arith.select %and3A_3667, %sub3A_3669, %div3A_3648 : i32
      %jit3A_3671 = arith.constant 8 : i32
      %eq3A_3672 = arith.constant 0 : i32
      %eq3A_3673 = arith.cmpi eq, %jit3A_3671, %eq3A_3672 : i32
      %jit3A_3674 = arith.constant 1 : i32
      %select_n3A_3675 = arith.select %eq3A_3673, %jit3A_3674, %jit3A_3671 : i32
      %rem3A_3676 = arith.remsi %add3A_3646, %select_n3A_3675 : i32
      %ne3A_3677 = arith.constant 0 : i32
      %ne3A_3678 = arith.cmpi ne, %rem3A_3676, %ne3A_3677 : i32
      %lt3A_3679 = arith.constant 0 : i32
      %lt3A_3680 = arith.cmpi slt, %rem3A_3676, %lt3A_3679 : i32
      %lt3A_3681 = arith.constant 0 : i32
      %lt3A_3682 = arith.cmpi slt, %select_n3A_3675, %lt3A_3681 : i32
      %ne3A_3683 = arith.xori %lt3A_3680, %lt3A_3682 : i1
      %and3A_3684 = arith.andi %ne3A_3683, %ne3A_3678 : i1
      %add3A_3685 = arith.addi %rem3A_3676, %select_n3A_3675 : i32
      %select_n3A_3686 = arith.select %and3A_3684, %add3A_3685, %rem3A_3676 : i32
      %jit3A_3687 = arith.constant 8 : i32
      %div3A_3688 = arith.divsi %select_n3A_3670, %jit3A_3687 : i32
      %sign3A_3689 = arith.constant 0 : i32
      %sign3A_3690 = arith.cmpi sgt, %select_n3A_3670, %sign3A_3689 : i32
      %sign3A_3691 = arith.extui %sign3A_3690 : i1 to i32
      %sign3A_3692 = arith.constant 0 : i32
      %sign3A_3693 = arith.cmpi slt, %select_n3A_3670, %sign3A_3692 : i32
      %sign3A_3694 = arith.extui %sign3A_3693 : i1 to i32
      %sign3A_3695 = arith.subi %sign3A_3691, %sign3A_3694 : i32
      %sign3A_3696 = arith.constant 0 : i32
      %sign3A_3697 = arith.cmpi sgt, %jit3A_3687, %sign3A_3696 : i32
      %sign3A_3698 = arith.extui %sign3A_3697 : i1 to i32
      %sign3A_3699 = arith.constant 0 : i32
      %sign3A_3700 = arith.cmpi slt, %jit3A_3687, %sign3A_3699 : i32
      %sign3A_3701 = arith.extui %sign3A_3700 : i1 to i32
      %sign3A_3702 = arith.subi %sign3A_3698, %sign3A_3701 : i32
      %ne3A_3703 = arith.cmpi ne, %sign3A_3695, %sign3A_3702 : i32
      %rem3A_3704 = arith.remsi %select_n3A_3670, %jit3A_3687 : i32
      %ne3A_3705 = arith.constant 0 : i32
      %ne3A_3706 = arith.cmpi ne, %rem3A_3704, %ne3A_3705 : i32
      %and3A_3707 = arith.andi %ne3A_3703, %ne3A_3706 : i1
      %sub3A_3708 = arith.constant 1 : i32
      %sub3A_3709 = arith.subi %div3A_3688, %sub3A_3708 : i32
      %select_n3A_3710 = arith.select %and3A_3707, %sub3A_3709, %div3A_3688 : i32
      %sub3A_3711 = arith.subi %select_n3A_3710, %min3A_43 : i32
      %jit3A_3712 = arith.constant 8 : i32
      %eq3A_3713 = arith.constant 0 : i32
      %eq3A_3714 = arith.cmpi eq, %jit3A_3712, %eq3A_3713 : i32
      %jit3A_3715 = arith.constant 1 : i32
      %select_n3A_3716 = arith.select %eq3A_3714, %jit3A_3715, %jit3A_3712 : i32
      %rem3A_3717 = arith.remsi %select_n3A_3670, %select_n3A_3716 : i32
      %ne3A_3718 = arith.constant 0 : i32
      %ne3A_3719 = arith.cmpi ne, %rem3A_3717, %ne3A_3718 : i32
      %lt3A_3720 = arith.constant 0 : i32
      %lt3A_3721 = arith.cmpi slt, %rem3A_3717, %lt3A_3720 : i32
      %lt3A_3722 = arith.constant 0 : i32
      %lt3A_3723 = arith.cmpi slt, %select_n3A_3716, %lt3A_3722 : i32
      %ne3A_3724 = arith.xori %lt3A_3721, %lt3A_3723 : i1
      %and3A_3725 = arith.andi %ne3A_3724, %ne3A_3719 : i1
      %add3A_3726 = arith.addi %rem3A_3717, %select_n3A_3716 : i32
      %select_n3A_3727 = arith.select %and3A_3725, %add3A_3726, %rem3A_3717 : i32
      %mul3A_3728 = arith.constant 128 : i32
      %mul3A_3729 = arith.muli %select_n3A_3686, %mul3A_3728 : i32
      %dma_wait3A_3730 = arith.constant 1 : i32
      %dma_wait3A_3731 = arith.constant 0 : i32
      %dma_wait3A_3732 = arith.constant 0 : i32
      %dma_wait3A_3733 = tpu.memref_slice %arg7[%dma_wait3A_3730, %dma_wait3A_3731, %dma_wait3A_3732] : memref<5x128x64xf32, #tpu.memory_space<vmem>> -> memref<1x128x64xf32, #tpu.memory_space<vmem>>
      %dma_wait3A_3734 = tpu.memref_squeeze %dma_wait3A_3733 : memref<1x128x64xf32, #tpu.memory_space<vmem>> -> memref<128x64xf32, #tpu.memory_space<vmem>>
      %dma_wait3A_3735 = arith.constant 0 : i32
      %dma_wait3A_3736 = tpu.memref_slice %arg4[%select_n3A_3670, %mul3A_3729, %dma_wait3A_3735] : memref<200x1024x64xf32, #tpu.memory_space<hbm>> -> memref<1x128x64xf32, #tpu.memory_space<hbm>>
      %dma_wait3A_3737 = tpu.memref_squeeze %dma_wait3A_3736 : memref<1x128x64xf32, #tpu.memory_space<hbm>> -> memref<128x64xf32, #tpu.memory_space<hbm>>
      %dma_wait3A_3738 = arith.constant 0 : i32
      %dma_wait3A_3739 = tpu.memref_slice %arg4[%select_n3A_3670, %mul3A_3729, %dma_wait3A_3738] : memref<200x1024x64xf32, #tpu.memory_space<hbm>> -> memref<1x128x64xf32, #tpu.memory_space<hbm>>
      %dma_wait3A_3740 = tpu.memref_squeeze %dma_wait3A_3739 : memref<1x128x64xf32, #tpu.memory_space<hbm>> -> memref<128x64xf32, #tpu.memory_space<hbm>>
      %dma_wait3A_3741 = arith.constant 0 : i32
      %dma_wait3A_3742 = arith.constant 0 : i32
      %dma_wait3A_3743 = tpu.memref_slice %arg7[%dma_wait3A_3730, %dma_wait3A_3741, %dma_wait3A_3742] : memref<5x128x64xf32, #tpu.memory_space<vmem>> -> memref<1x128x64xf32, #tpu.memory_space<vmem>>
      %dma_wait3A_3744 = tpu.memref_squeeze %dma_wait3A_3743 : memref<1x128x64xf32, #tpu.memory_space<vmem>> -> memref<128x64xf32, #tpu.memory_space<vmem>>
      tpu.wait_dma2 semaphore(%arg11 : memref<!tpu.dma_semaphore, #tpu.memory_space<semaphore_mem>>) src(%dma_wait3A_3744 : memref<128x64xf32, #tpu.memory_space<vmem>>) dst(%dma_wait3A_3740 : memref<128x64xf32, #tpu.memory_space<hbm>>)
      %mul3A_3745 = arith.constant 5 : i32
      %mul3A_3746 = arith.muli %add3A_3538, %mul3A_3745 : i32
      %add3A_3747 = arith.addi %mul3A_2, %mul3A_3746 : i32
      %add3A_3748 = arith.constant 2 : i32
      %add3A_3749 = arith.addi %add3A_3747, %add3A_3748 : i32
      %jit3A_3750 = arith.constant 8 : i32
      %div3A_3751 = arith.divsi %add3A_3749, %jit3A_3750 : i32
      %sign3A_3752 = arith.constant 0 : i32
      %sign3A_3753 = arith.cmpi sgt, %add3A_3749, %sign3A_3752 : i32
      %sign3A_3754 = arith.extui %sign3A_3753 : i1 to i32
      %sign3A_3755 = arith.constant 0 : i32
      %sign3A_3756 = arith.cmpi slt, %add3A_3749, %sign3A_3755 : i32
      %sign3A_3757 = arith.extui %sign3A_3756 : i1 to i32
      %sign3A_3758 = arith.subi %sign3A_3754, %sign3A_3757 : i32
      %sign3A_3759 = arith.constant 0 : i32
      %sign3A_3760 = arith.cmpi sgt, %jit3A_3750, %sign3A_3759 : i32
      %sign3A_3761 = arith.extui %sign3A_3760 : i1 to i32
      %sign3A_3762 = arith.constant 0 : i32
      %sign3A_3763 = arith.cmpi slt, %jit3A_3750, %sign3A_3762 : i32
      %sign3A_3764 = arith.extui %sign3A_3763 : i1 to i32
      %sign3A_3765 = arith.subi %sign3A_3761, %sign3A_3764 : i32
      %ne3A_3766 = arith.cmpi ne, %sign3A_3758, %sign3A_3765 : i32
      %rem3A_3767 = arith.remsi %add3A_3749, %jit3A_3750 : i32
      %ne3A_3768 = arith.constant 0 : i32
      %ne3A_3769 = arith.cmpi ne, %rem3A_3767, %ne3A_3768 : i32
      %and3A_3770 = arith.andi %ne3A_3766, %ne3A_3769 : i1
      %sub3A_3771 = arith.constant 1 : i32
      %sub3A_3772 = arith.subi %div3A_3751, %sub3A_3771 : i32
      %select_n3A_3773 = arith.select %and3A_3770, %sub3A_3772, %div3A_3751 : i32
      %jit3A_3774 = arith.constant 8 : i32
      %eq3A_3775 = arith.constant 0 : i32
      %eq3A_3776 = arith.cmpi eq, %jit3A_3774, %eq3A_3775 : i32
      %jit3A_3777 = arith.constant 1 : i32
      %select_n3A_3778 = arith.select %eq3A_3776, %jit3A_3777, %jit3A_3774 : i32
      %rem3A_3779 = arith.remsi %add3A_3749, %select_n3A_3778 : i32
      %ne3A_3780 = arith.constant 0 : i32
      %ne3A_3781 = arith.cmpi ne, %rem3A_3779, %ne3A_3780 : i32
      %lt3A_3782 = arith.constant 0 : i32
      %lt3A_3783 = arith.cmpi slt, %rem3A_3779, %lt3A_3782 : i32
      %lt3A_3784 = arith.constant 0 : i32
      %lt3A_3785 = arith.cmpi slt, %select_n3A_3778, %lt3A_3784 : i32
      %ne3A_3786 = arith.xori %lt3A_3783, %lt3A_3785 : i1
      %and3A_3787 = arith.andi %ne3A_3786, %ne3A_3781 : i1
      %add3A_3788 = arith.addi %rem3A_3779, %select_n3A_3778 : i32
      %select_n3A_3789 = arith.select %and3A_3787, %add3A_3788, %rem3A_3779 : i32
      %jit3A_3790 = arith.constant 8 : i32
      %div3A_3791 = arith.divsi %select_n3A_3773, %jit3A_3790 : i32
      %sign3A_3792 = arith.constant 0 : i32
      %sign3A_3793 = arith.cmpi sgt, %select_n3A_3773, %sign3A_3792 : i32
      %sign3A_3794 = arith.extui %sign3A_3793 : i1 to i32
      %sign3A_3795 = arith.constant 0 : i32
      %sign3A_3796 = arith.cmpi slt, %select_n3A_3773, %sign3A_3795 : i32
      %sign3A_3797 = arith.extui %sign3A_3796 : i1 to i32
      %sign3A_3798 = arith.subi %sign3A_3794, %sign3A_3797 : i32
      %sign3A_3799 = arith.constant 0 : i32
      %sign3A_3800 = arith.cmpi sgt, %jit3A_3790, %sign3A_3799 : i32
      %sign3A_3801 = arith.extui %sign3A_3800 : i1 to i32
      %sign3A_3802 = arith.constant 0 : i32
      %sign3A_3803 = arith.cmpi slt, %jit3A_3790, %sign3A_3802 : i32
      %sign3A_3804 = arith.extui %sign3A_3803 : i1 to i32
      %sign3A_3805 = arith.subi %sign3A_3801, %sign3A_3804 : i32
      %ne3A_3806 = arith.cmpi ne, %sign3A_3798, %sign3A_3805 : i32
      %rem3A_3807 = arith.remsi %select_n3A_3773, %jit3A_3790 : i32
      %ne3A_3808 = arith.constant 0 : i32
      %ne3A_3809 = arith.cmpi ne, %rem3A_3807, %ne3A_3808 : i32
      %and3A_3810 = arith.andi %ne3A_3806, %ne3A_3809 : i1
      %sub3A_3811 = arith.constant 1 : i32
      %sub3A_3812 = arith.subi %div3A_3791, %sub3A_3811 : i32
      %select_n3A_3813 = arith.select %and3A_3810, %sub3A_3812, %div3A_3791 : i32
      %sub3A_3814 = arith.subi %select_n3A_3813, %min3A_43 : i32
      %jit3A_3815 = arith.constant 8 : i32
      %eq3A_3816 = arith.constant 0 : i32
      %eq3A_3817 = arith.cmpi eq, %jit3A_3815, %eq3A_3816 : i32
      %jit3A_3818 = arith.constant 1 : i32
      %select_n3A_3819 = arith.select %eq3A_3817, %jit3A_3818, %jit3A_3815 : i32
      %rem3A_3820 = arith.remsi %select_n3A_3773, %select_n3A_3819 : i32
      %ne3A_3821 = arith.constant 0 : i32
      %ne3A_3822 = arith.cmpi ne, %rem3A_3820, %ne3A_3821 : i32
      %lt3A_3823 = arith.constant 0 : i32
      %lt3A_3824 = arith.cmpi slt, %rem3A_3820, %lt3A_3823 : i32
      %lt3A_3825 = arith.constant 0 : i32
      %lt3A_3826 = arith.cmpi slt, %select_n3A_3819, %lt3A_3825 : i32
      %ne3A_3827 = arith.xori %lt3A_3824, %lt3A_3826 : i1
      %and3A_3828 = arith.andi %ne3A_3827, %ne3A_3822 : i1
      %add3A_3829 = arith.addi %rem3A_3820, %select_n3A_3819 : i32
      %select_n3A_3830 = arith.select %and3A_3828, %add3A_3829, %rem3A_3820 : i32
      %mul3A_3831 = arith.constant 128 : i32
      %mul3A_3832 = arith.muli %select_n3A_3789, %mul3A_3831 : i32
      %dma_wait3A_3833 = arith.constant 2 : i32
      %dma_wait3A_3834 = arith.constant 0 : i32
      %dma_wait3A_3835 = arith.constant 0 : i32
      %dma_wait3A_3836 = tpu.memref_slice %arg7[%dma_wait3A_3833, %dma_wait3A_3834, %dma_wait3A_3835] : memref<5x128x64xf32, #tpu.memory_space<vmem>> -> memref<1x128x64xf32, #tpu.memory_space<vmem>>
      %dma_wait3A_3837 = tpu.memref_squeeze %dma_wait3A_3836 : memref<1x128x64xf32, #tpu.memory_space<vmem>> -> memref<128x64xf32, #tpu.memory_space<vmem>>
      %dma_wait3A_3838 = arith.constant 0 : i32
      %dma_wait3A_3839 = tpu.memref_slice %arg4[%select_n3A_3773, %mul3A_3832, %dma_wait3A_3838] : memref<200x1024x64xf32, #tpu.memory_space<hbm>> -> memref<1x128x64xf32, #tpu.memory_space<hbm>>
      %dma_wait3A_3840 = tpu.memref_squeeze %dma_wait3A_3839 : memref<1x128x64xf32, #tpu.memory_space<hbm>> -> memref<128x64xf32, #tpu.memory_space<hbm>>
      %dma_wait3A_3841 = arith.constant 0 : i32
      %dma_wait3A_3842 = tpu.memref_slice %arg4[%select_n3A_3773, %mul3A_3832, %dma_wait3A_3841] : memref<200x1024x64xf32, #tpu.memory_space<hbm>> -> memref<1x128x64xf32, #tpu.memory_space<hbm>>
      %dma_wait3A_3843 = tpu.memref_squeeze %dma_wait3A_3842 : memref<1x128x64xf32, #tpu.memory_space<hbm>> -> memref<128x64xf32, #tpu.memory_space<hbm>>
      %dma_wait3A_3844 = arith.constant 0 : i32
      %dma_wait3A_3845 = arith.constant 0 : i32
      %dma_wait3A_3846 = tpu.memref_slice %arg7[%dma_wait3A_3833, %dma_wait3A_3844, %dma_wait3A_3845] : memref<5x128x64xf32, #tpu.memory_space<vmem>> -> memref<1x128x64xf32, #tpu.memory_space<vmem>>
      %dma_wait3A_3847 = tpu.memref_squeeze %dma_wait3A_3846 : memref<1x128x64xf32, #tpu.memory_space<vmem>> -> memref<128x64xf32, #tpu.memory_space<vmem>>
      tpu.wait_dma2 semaphore(%arg11 : memref<!tpu.dma_semaphore, #tpu.memory_space<semaphore_mem>>) src(%dma_wait3A_3847 : memref<128x64xf32, #tpu.memory_space<vmem>>) dst(%dma_wait3A_3843 : memref<128x64xf32, #tpu.memory_space<hbm>>)
      %mul3A_3848 = arith.constant 5 : i32
      %mul3A_3849 = arith.muli %add3A_3538, %mul3A_3848 : i32
      %add3A_3850 = arith.addi %mul3A_2, %mul3A_3849 : i32
      %add3A_3851 = arith.constant 3 : i32
      %add3A_3852 = arith.addi %add3A_3850, %add3A_3851 : i32
      %jit3A_3853 = arith.constant 8 : i32
      %div3A_3854 = arith.divsi %add3A_3852, %jit3A_3853 : i32
      %sign3A_3855 = arith.constant 0 : i32
      %sign3A_3856 = arith.cmpi sgt, %add3A_3852, %sign3A_3855 : i32
      %sign3A_3857 = arith.extui %sign3A_3856 : i1 to i32
      %sign3A_3858 = arith.constant 0 : i32
      %sign3A_3859 = arith.cmpi slt, %add3A_3852, %sign3A_3858 : i32
      %sign3A_3860 = arith.extui %sign3A_3859 : i1 to i32
      %sign3A_3861 = arith.subi %sign3A_3857, %sign3A_3860 : i32
      %sign3A_3862 = arith.constant 0 : i32
      %sign3A_3863 = arith.cmpi sgt, %jit3A_3853, %sign3A_3862 : i32
      %sign3A_3864 = arith.extui %sign3A_3863 : i1 to i32
      %sign3A_3865 = arith.constant 0 : i32
      %sign3A_3866 = arith.cmpi slt, %jit3A_3853, %sign3A_3865 : i32
      %sign3A_3867 = arith.extui %sign3A_3866 : i1 to i32
      %sign3A_3868 = arith.subi %sign3A_3864, %sign3A_3867 : i32
      %ne3A_3869 = arith.cmpi ne, %sign3A_3861, %sign3A_3868 : i32
      %rem3A_3870 = arith.remsi %add3A_3852, %jit3A_3853 : i32
      %ne3A_3871 = arith.constant 0 : i32
      %ne3A_3872 = arith.cmpi ne, %rem3A_3870, %ne3A_3871 : i32
      %and3A_3873 = arith.andi %ne3A_3869, %ne3A_3872 : i1
      %sub3A_3874 = arith.constant 1 : i32
      %sub3A_3875 = arith.subi %div3A_3854, %sub3A_3874 : i32
      %select_n3A_3876 = arith.select %and3A_3873, %sub3A_3875, %div3A_3854 : i32
      %jit3A_3877 = arith.constant 8 : i32
      %eq3A_3878 = arith.constant 0 : i32
      %eq3A_3879 = arith.cmpi eq, %jit3A_3877, %eq3A_3878 : i32
      %jit3A_3880 = arith.constant 1 : i32
      %select_n3A_3881 = arith.select %eq3A_3879, %jit3A_3880, %jit3A_3877 : i32
      %rem3A_3882 = arith.remsi %add3A_3852, %select_n3A_3881 : i32
      %ne3A_3883 = arith.constant 0 : i32
      %ne3A_3884 = arith.cmpi ne, %rem3A_3882, %ne3A_3883 : i32
      %lt3A_3885 = arith.constant 0 : i32
      %lt3A_3886 = arith.cmpi slt, %rem3A_3882, %lt3A_3885 : i32
      %lt3A_3887 = arith.constant 0 : i32
      %lt3A_3888 = arith.cmpi slt, %select_n3A_3881, %lt3A_3887 : i32
      %ne3A_3889 = arith.xori %lt3A_3886, %lt3A_3888 : i1
      %and3A_3890 = arith.andi %ne3A_3889, %ne3A_3884 : i1
      %add3A_3891 = arith.addi %rem3A_3882, %select_n3A_3881 : i32
      %select_n3A_3892 = arith.select %and3A_3890, %add3A_3891, %rem3A_3882 : i32
      %jit3A_3893 = arith.constant 8 : i32
      %div3A_3894 = arith.divsi %select_n3A_3876, %jit3A_3893 : i32
      %sign3A_3895 = arith.constant 0 : i32
      %sign3A_3896 = arith.cmpi sgt, %select_n3A_3876, %sign3A_3895 : i32
      %sign3A_3897 = arith.extui %sign3A_3896 : i1 to i32
      %sign3A_3898 = arith.constant 0 : i32
      %sign3A_3899 = arith.cmpi slt, %select_n3A_3876, %sign3A_3898 : i32
      %sign3A_3900 = arith.extui %sign3A_3899 : i1 to i32
      %sign3A_3901 = arith.subi %sign3A_3897, %sign3A_3900 : i32
      %sign3A_3902 = arith.constant 0 : i32
      %sign3A_3903 = arith.cmpi sgt, %jit3A_3893, %sign3A_3902 : i32
      %sign3A_3904 = arith.extui %sign3A_3903 : i1 to i32
      %sign3A_3905 = arith.constant 0 : i32
      %sign3A_3906 = arith.cmpi slt, %jit3A_3893, %sign3A_3905 : i32
      %sign3A_3907 = arith.extui %sign3A_3906 : i1 to i32
      %sign3A_3908 = arith.subi %sign3A_3904, %sign3A_3907 : i32
      %ne3A_3909 = arith.cmpi ne, %sign3A_3901, %sign3A_3908 : i32
      %rem3A_3910 = arith.remsi %select_n3A_3876, %jit3A_3893 : i32
      %ne3A_3911 = arith.constant 0 : i32
      %ne3A_3912 = arith.cmpi ne, %rem3A_3910, %ne3A_3911 : i32
      %and3A_3913 = arith.andi %ne3A_3909, %ne3A_3912 : i1
      %sub3A_3914 = arith.constant 1 : i32
      %sub3A_3915 = arith.subi %div3A_3894, %sub3A_3914 : i32
      %select_n3A_3916 = arith.select %and3A_3913, %sub3A_3915, %div3A_3894 : i32
      %sub3A_3917 = arith.subi %select_n3A_3916, %min3A_43 : i32
      %jit3A_3918 = arith.constant 8 : i32
      %eq3A_3919 = arith.constant 0 : i32
      %eq3A_3920 = arith.cmpi eq, %jit3A_3918, %eq3A_3919 : i32
      %jit3A_3921 = arith.constant 1 : i32
      %select_n3A_3922 = arith.select %eq3A_3920, %jit3A_3921, %jit3A_3918 : i32
      %rem3A_3923 = arith.remsi %select_n3A_3876, %select_n3A_3922 : i32
      %ne3A_3924 = arith.constant 0 : i32
      %ne3A_3925 = arith.cmpi ne, %rem3A_3923, %ne3A_3924 : i32
      %lt3A_3926 = arith.constant 0 : i32
      %lt3A_3927 = arith.cmpi slt, %rem3A_3923, %lt3A_3926 : i32
      %lt3A_3928 = arith.constant 0 : i32
      %lt3A_3929 = arith.cmpi slt, %select_n3A_3922, %lt3A_3928 : i32
      %ne3A_3930 = arith.xori %lt3A_3927, %lt3A_3929 : i1
      %and3A_3931 = arith.andi %ne3A_3930, %ne3A_3925 : i1
      %add3A_3932 = arith.addi %rem3A_3923, %select_n3A_3922 : i32
      %select_n3A_3933 = arith.select %and3A_3931, %add3A_3932, %rem3A_3923 : i32
      %mul3A_3934 = arith.constant 128 : i32
      %mul3A_3935 = arith.muli %select_n3A_3892, %mul3A_3934 : i32
      %dma_wait3A_3936 = arith.constant 3 : i32
      %dma_wait3A_3937 = arith.constant 0 : i32
      %dma_wait3A_3938 = arith.constant 0 : i32
      %dma_wait3A_3939 = tpu.memref_slice %arg7[%dma_wait3A_3936, %dma_wait3A_3937, %dma_wait3A_3938] : memref<5x128x64xf32, #tpu.memory_space<vmem>> -> memref<1x128x64xf32, #tpu.memory_space<vmem>>
      %dma_wait3A_3940 = tpu.memref_squeeze %dma_wait3A_3939 : memref<1x128x64xf32, #tpu.memory_space<vmem>> -> memref<128x64xf32, #tpu.memory_space<vmem>>
      %dma_wait3A_3941 = arith.constant 0 : i32
      %dma_wait3A_3942 = tpu.memref_slice %arg4[%select_n3A_3876, %mul3A_3935, %dma_wait3A_3941] : memref<200x1024x64xf32, #tpu.memory_space<hbm>> -> memref<1x128x64xf32, #tpu.memory_space<hbm>>
      %dma_wait3A_3943 = tpu.memref_squeeze %dma_wait3A_3942 : memref<1x128x64xf32, #tpu.memory_space<hbm>> -> memref<128x64xf32, #tpu.memory_space<hbm>>
      %dma_wait3A_3944 = arith.constant 0 : i32
      %dma_wait3A_3945 = tpu.memref_slice %arg4[%select_n3A_3876, %mul3A_3935, %dma_wait3A_3944] : memref<200x1024x64xf32, #tpu.memory_space<hbm>> -> memref<1x128x64xf32, #tpu.memory_space<hbm>>
      %dma_wait3A_3946 = tpu.memref_squeeze %dma_wait3A_3945 : memref<1x128x64xf32, #tpu.memory_space<hbm>> -> memref<128x64xf32, #tpu.memory_space<hbm>>
      %dma_wait3A_3947 = arith.constant 0 : i32
      %dma_wait3A_3948 = arith.constant 0 : i32
      %dma_wait3A_3949 = tpu.memref_slice %arg7[%dma_wait3A_3936, %dma_wait3A_3947, %dma_wait3A_3948] : memref<5x128x64xf32, #tpu.memory_space<vmem>> -> memref<1x128x64xf32, #tpu.memory_space<vmem>>
      %dma_wait3A_3950 = tpu.memref_squeeze %dma_wait3A_3949 : memref<1x128x64xf32, #tpu.memory_space<vmem>> -> memref<128x64xf32, #tpu.memory_space<vmem>>
      tpu.wait_dma2 semaphore(%arg11 : memref<!tpu.dma_semaphore, #tpu.memory_space<semaphore_mem>>) src(%dma_wait3A_3950 : memref<128x64xf32, #tpu.memory_space<vmem>>) dst(%dma_wait3A_3946 : memref<128x64xf32, #tpu.memory_space<hbm>>)
      %mul3A_3951 = arith.constant 5 : i32
      %mul3A_3952 = arith.muli %add3A_3538, %mul3A_3951 : i32
      %add3A_3953 = arith.addi %mul3A_2, %mul3A_3952 : i32
      %add3A_3954 = arith.constant 4 : i32
      %add3A_3955 = arith.addi %add3A_3953, %add3A_3954 : i32
      %jit3A_3956 = arith.constant 8 : i32
      %div3A_3957 = arith.divsi %add3A_3955, %jit3A_3956 : i32
      %sign3A_3958 = arith.constant 0 : i32
      %sign3A_3959 = arith.cmpi sgt, %add3A_3955, %sign3A_3958 : i32
      %sign3A_3960 = arith.extui %sign3A_3959 : i1 to i32
      %sign3A_3961 = arith.constant 0 : i32
      %sign3A_3962 = arith.cmpi slt, %add3A_3955, %sign3A_3961 : i32
      %sign3A_3963 = arith.extui %sign3A_3962 : i1 to i32
      %sign3A_3964 = arith.subi %sign3A_3960, %sign3A_3963 : i32
      %sign3A_3965 = arith.constant 0 : i32
      %sign3A_3966 = arith.cmpi sgt, %jit3A_3956, %sign3A_3965 : i32
      %sign3A_3967 = arith.extui %sign3A_3966 : i1 to i32
      %sign3A_3968 = arith.constant 0 : i32
      %sign3A_3969 = arith.cmpi slt, %jit3A_3956, %sign3A_3968 : i32
      %sign3A_3970 = arith.extui %sign3A_3969 : i1 to i32
      %sign3A_3971 = arith.subi %sign3A_3967, %sign3A_3970 : i32
      %ne3A_3972 = arith.cmpi ne, %sign3A_3964, %sign3A_3971 : i32
      %rem3A_3973 = arith.remsi %add3A_3955, %jit3A_3956 : i32
      %ne3A_3974 = arith.constant 0 : i32
      %ne3A_3975 = arith.cmpi ne, %rem3A_3973, %ne3A_3974 : i32
      %and3A_3976 = arith.andi %ne3A_3972, %ne3A_3975 : i1
      %sub3A_3977 = arith.constant 1 : i32
      %sub3A_3978 = arith.subi %div3A_3957, %sub3A_3977 : i32
      %select_n3A_3979 = arith.select %and3A_3976, %sub3A_3978, %div3A_3957 : i32
      %jit3A_3980 = arith.constant 8 : i32
      %eq3A_3981 = arith.constant 0 : i32
      %eq3A_3982 = arith.cmpi eq, %jit3A_3980, %eq3A_3981 : i32
      %jit3A_3983 = arith.constant 1 : i32
      %select_n3A_3984 = arith.select %eq3A_3982, %jit3A_3983, %jit3A_3980 : i32
      %rem3A_3985 = arith.remsi %add3A_3955, %select_n3A_3984 : i32
      %ne3A_3986 = arith.constant 0 : i32
      %ne3A_3987 = arith.cmpi ne, %rem3A_3985, %ne3A_3986 : i32
      %lt3A_3988 = arith.constant 0 : i32
      %lt3A_3989 = arith.cmpi slt, %rem3A_3985, %lt3A_3988 : i32
      %lt3A_3990 = arith.constant 0 : i32
      %lt3A_3991 = arith.cmpi slt, %select_n3A_3984, %lt3A_3990 : i32
      %ne3A_3992 = arith.xori %lt3A_3989, %lt3A_3991 : i1
      %and3A_3993 = arith.andi %ne3A_3992, %ne3A_3987 : i1
      %add3A_3994 = arith.addi %rem3A_3985, %select_n3A_3984 : i32
      %select_n3A_3995 = arith.select %and3A_3993, %add3A_3994, %rem3A_3985 : i32
      %jit3A_3996 = arith.constant 8 : i32
      %div3A_3997 = arith.divsi %select_n3A_3979, %jit3A_3996 : i32
      %sign3A_3998 = arith.constant 0 : i32
      %sign3A_3999 = arith.cmpi sgt, %select_n3A_3979, %sign3A_3998 : i32
      %sign3A_4000 = arith.extui %sign3A_3999 : i1 to i32
      %sign3A_4001 = arith.constant 0 : i32
      %sign3A_4002 = arith.cmpi slt, %select_n3A_3979, %sign3A_4001 : i32
      %sign3A_4003 = arith.extui %sign3A_4002 : i1 to i32
      %sign3A_4004 = arith.subi %sign3A_4000, %sign3A_4003 : i32
      %sign3A_4005 = arith.constant 0 : i32
      %sign3A_4006 = arith.cmpi sgt, %jit3A_3996, %sign3A_4005 : i32
      %sign3A_4007 = arith.extui %sign3A_4006 : i1 to i32
      %sign3A_4008 = arith.constant 0 : i32
      %sign3A_4009 = arith.cmpi slt, %jit3A_3996, %sign3A_4008 : i32
      %sign3A_4010 = arith.extui %sign3A_4009 : i1 to i32
      %sign3A_4011 = arith.subi %sign3A_4007, %sign3A_4010 : i32
      %ne3A_4012 = arith.cmpi ne, %sign3A_4004, %sign3A_4011 : i32
      %rem3A_4013 = arith.remsi %select_n3A_3979, %jit3A_3996 : i32
      %ne3A_4014 = arith.constant 0 : i32
      %ne3A_4015 = arith.cmpi ne, %rem3A_4013, %ne3A_4014 : i32
      %and3A_4016 = arith.andi %ne3A_4012, %ne3A_4015 : i1
      %sub3A_4017 = arith.constant 1 : i32
      %sub3A_4018 = arith.subi %div3A_3997, %sub3A_4017 : i32
      %select_n3A_4019 = arith.select %and3A_4016, %sub3A_4018, %div3A_3997 : i32
      %sub3A_4020 = arith.subi %select_n3A_4019, %min3A_43 : i32
      %jit3A_4021 = arith.constant 8 : i32
      %eq3A_4022 = arith.constant 0 : i32
      %eq3A_4023 = arith.cmpi eq, %jit3A_4021, %eq3A_4022 : i32
      %jit3A_4024 = arith.constant 1 : i32
      %select_n3A_4025 = arith.select %eq3A_4023, %jit3A_4024, %jit3A_4021 : i32
      %rem3A_4026 = arith.remsi %select_n3A_3979, %select_n3A_4025 : i32
      %ne3A_4027 = arith.constant 0 : i32
      %ne3A_4028 = arith.cmpi ne, %rem3A_4026, %ne3A_4027 : i32
      %lt3A_4029 = arith.constant 0 : i32
      %lt3A_4030 = arith.cmpi slt, %rem3A_4026, %lt3A_4029 : i32
      %lt3A_4031 = arith.constant 0 : i32
      %lt3A_4032 = arith.cmpi slt, %select_n3A_4025, %lt3A_4031 : i32
      %ne3A_4033 = arith.xori %lt3A_4030, %lt3A_4032 : i1
      %and3A_4034 = arith.andi %ne3A_4033, %ne3A_4028 : i1
      %add3A_4035 = arith.addi %rem3A_4026, %select_n3A_4025 : i32
      %select_n3A_4036 = arith.select %and3A_4034, %add3A_4035, %rem3A_4026 : i32
      %mul3A_4037 = arith.constant 128 : i32
      %mul3A_4038 = arith.muli %select_n3A_3995, %mul3A_4037 : i32
      %dma_wait3A_4039 = arith.constant 4 : i32
      %dma_wait3A_4040 = arith.constant 0 : i32
      %dma_wait3A_4041 = arith.constant 0 : i32
      %dma_wait3A_4042 = tpu.memref_slice %arg7[%dma_wait3A_4039, %dma_wait3A_4040, %dma_wait3A_4041] : memref<5x128x64xf32, #tpu.memory_space<vmem>> -> memref<1x128x64xf32, #tpu.memory_space<vmem>>
      %dma_wait3A_4043 = tpu.memref_squeeze %dma_wait3A_4042 : memref<1x128x64xf32, #tpu.memory_space<vmem>> -> memref<128x64xf32, #tpu.memory_space<vmem>>
      %dma_wait3A_4044 = arith.constant 0 : i32
      %dma_wait3A_4045 = tpu.memref_slice %arg4[%select_n3A_3979, %mul3A_4038, %dma_wait3A_4044] : memref<200x1024x64xf32, #tpu.memory_space<hbm>> -> memref<1x128x64xf32, #tpu.memory_space<hbm>>
      %dma_wait3A_4046 = tpu.memref_squeeze %dma_wait3A_4045 : memref<1x128x64xf32, #tpu.memory_space<hbm>> -> memref<128x64xf32, #tpu.memory_space<hbm>>
      %dma_wait3A_4047 = arith.constant 0 : i32
      %dma_wait3A_4048 = tpu.memref_slice %arg4[%select_n3A_3979, %mul3A_4038, %dma_wait3A_4047] : memref<200x1024x64xf32, #tpu.memory_space<hbm>> -> memref<1x128x64xf32, #tpu.memory_space<hbm>>
      %dma_wait3A_4049 = tpu.memref_squeeze %dma_wait3A_4048 : memref<1x128x64xf32, #tpu.memory_space<hbm>> -> memref<128x64xf32, #tpu.memory_space<hbm>>
      %dma_wait3A_4050 = arith.constant 0 : i32
      %dma_wait3A_4051 = arith.constant 0 : i32
      %dma_wait3A_4052 = tpu.memref_slice %arg7[%dma_wait3A_4039, %dma_wait3A_4050, %dma_wait3A_4051] : memref<5x128x64xf32, #tpu.memory_space<vmem>> -> memref<1x128x64xf32, #tpu.memory_space<vmem>>
      %dma_wait3A_4053 = tpu.memref_squeeze %dma_wait3A_4052 : memref<1x128x64xf32, #tpu.memory_space<vmem>> -> memref<128x64xf32, #tpu.memory_space<vmem>>
      tpu.wait_dma2 semaphore(%arg11 : memref<!tpu.dma_semaphore, #tpu.memory_space<semaphore_mem>>) src(%dma_wait3A_4053 : memref<128x64xf32, #tpu.memory_space<vmem>>) dst(%dma_wait3A_4049 : memref<128x64xf32, #tpu.memory_space<hbm>>)
    }
    %scan3A_525 = arith.constant 5 : i32
    return
  }
}

</mosaic_0001>

<sc_bundles>
// kernel: kernel.3.cloned.1.call-start
scs
__scs_entry_jumppad:
0x0: {  	(pc) =	sbr.rel $0x88, $3  }
0x1: {  	(tag) =	ssettag $0x0;
	lr =	simm.s32 $0x1  }
0x2: {  	[smem:$0x3F9F] =	sst lr;
	_ =	strace $0xD0000000  }
0x3: {  	_ = 	snop  }
0x4: {  	_ = 	snop  }
0x5: {  	_ = 	snop  }
0x6: {  	_ = 	snop  }
0x7: {  	_ = 	snop  }
__scs_overlays_trampoline_lowered:
0x8: {  	[smem:$0x3FAE] =	sst s0  }
0x9: {  	[smem:$0x3FAF] =	sst s1  }
0xa: {  	[smem:$0x3FB0] =	sst s2  }
0xb: {  	[smem:$0x3FB1] =	sst s3  }
0xc: {  	[smem:$0x3FB2] =	sst s4  }
0xd: {  	[smem:$0x3FB3] =	sst s5  }
0xe: {  	[smem:$0x3FB4] =	sst s6  }
0xf: {  	[smem:$0x3FB5] =	sst s7  }
0x10: {  	[smem:$0x3FB6] =	sst s8  }
0x11: {  	[smem:$0x3FB7] =	sst s9;
	s0 =	simm.s32 @!p0 $0x0  }
0x12: {  	s1 =	sld [smem:$0x3F9D];
	s0 =	simm.s32 @p0 $0x1  }
0x13: {  	[smem:$0x3FB8] =	sst s0;
	s0 =	simm.s32 @!p1 $0x0  }
0x14: {  	s2 =	sld [smem:$0x3F9C];
	s0 =	simm.s32 @p1 $0x1  }
0x15: {  	[smem:$0x3FB9] =	sst s0;
	s0 =	simm.s32 @!p2 $0x0  }
0x16: {  	s3 =	sld [smem:$0x3FDB];
	s0 =	simm.s32 @p2 $0x1  }
0x17: {  	s4 =	simm.s32 $0x1BF5;
	[smem:$0x3FBB] =	sst s0  }
0x18: {  	s0 =	sld [smem:$0x3F9E];
	_ =	swait.ge [sflag:s4], $0x0  }
0x19: {  	s7 =	sld [smem:$0x3F9F]  }
0x1a: {  	s8 =	sadd.s32 $0xFFFFE003, lr  }
0x1b: {  	s9 =	sadd.s32 $0xFFFFFEF7, lr;
	s5 =	simm.s32 $0xFFFFFFFF;
	p2 =	slt.u32 s8, $0xFFFFF086  }
0x1c: {  	p1 =	slt.u32 s9, $0xF7A;
	s5 =	simm.s32 @!p2 $0x0  }
0x1d: {  	s5 =	simm.s32 @p1 $0x1;
	p0 =	seq.s32 s7, s2  }
0x1e: {  	s7 =	smul.u32 @!p0 $0xF7A, s2;
	p2 =	seq.s32 @!p0 s5, $0x0  }
0x1f: {  	s9 =	smul.u32 $0xF7A, s1;
	s8 =	simm.s32 @!p0 $0x1BF5;
	p2 =	por !p2, p0  }
0x20: {  	[sflag:s8] =	ssyncset.s32 @!p0 $0xFFFFF086;
	s6 =	sadd.s32 @!p0 s3, s7;
	s7 =	simm.s32 @!p0 $0x108  }
0x21: {  	s3 =	sadd.s32 s3, s9;
	s6 =	sadd.s32 @!p0 $0x88, s6;
	s7 =	simm.s32 @p2 $0x1082  }
0x22: {  	[simem:s7], [sflag:s8] =	dma.local @!p0 [hbm:s6], $0xF7A  }
0x23: {  	s9 =	sor.u32 $0xD0000000, s2;
	s6 =	simm.s32 $0x108;
	_ =	swait.ge @!p0 [sflag:s8], $0x0  }
0x24: {  	s3 =	sadd.s32 $0x88, s3;
	s6 =	simm.s32 @!p1 $0x1082;
	[sflag:s4] =	ssyncset.s32 $0xFFFFF086  }
0x25: {  	[simem:s6], [sflag:s4] =	dma.local [hbm:s3], $0xF7A  }
0x26: {  	[smem:$0x3F9F] =	sst s1;
	(tag) =	ssettag s2;
	_ =	strace s9  }
0x27: {  	s1 =	sld [smem:$0x3FAF]  }
0x28: {  	s2 =	sld [smem:$0x3FB0]  }
0x29: {  	s4 =	sld [smem:$0x3FB2]  }
0x2a: {  	p0 =	seq.s32 s5, $0x0;
	s5 =	sld [smem:$0x3FB3]  }
0x2b: {  	s6 =	sld [smem:$0x3FB4]  }
0x2c: {  	s7 =	sld [smem:$0x3FB5]  }
0x2d: {  	s3 =	simm.s32 $0x108;
	s8 =	sld [smem:$0x3FB6]  }
0x2e: {  	s3 =	simm.s32 @!p0 $0x1082;
	s9 =	sld [smem:$0x3FB7]  }
0x2f: {  	lr =	sadd.s32 s0, s3;
	s0 =	sld [smem:$0x3FAE]  }
0x30: {  	s3 =	sld [smem:$0x3FB1]  }
0x31: {  	[smem:$0x3FBA] =	sst s10  }
0x32: {  	s10 =	sld [smem:$0x3FB8];
	_ =	sdelay $0x3  }
0x33: {  	p0 =	seq.s32 s10, $0x1;
	s10 =	sld [smem:$0x3FBA];
	_ =	sdelay $0x3  }
0x34: {  	[smem:$0x3FBA] =	sst s10  }
0x35: {  	s10 =	sld [smem:$0x3FB9];
	_ =	sdelay $0x3  }
0x36: {  	p1 =	seq.s32 s10, $0x1;
	s10 =	sld [smem:$0x3FBA];
	_ =	sdelay $0x3  }
0x37: {  	[smem:$0x3FBA] =	sst s10  }
0x38: {  	s10 =	sld [smem:$0x3FBB]  }
0x39: {  	_ = 	snop;
	(pc) =	sbr.ind lr, $3  }
0x3a: {  	_ = 	snop  }
0x3b: {  	_ = 	snop  }
0x3c: {  	p2 =	seq.s32 s10, $0x1;
	s10 =	sld [smem:$0x3FBA]  }
0x3d: {  	_ =	shalt  }
0x3e: {  	_ =	shalt  }
0x3f: {  	_ =	shalt  }
0x40: {  	_ =	shalt  }
0x41: {  	_ =	shalt  }
0x42: {  	_ =	shalt  }
0x43: {  	_ =	shalt  }
0x44: {  	_ =	shalt  }
0x45: {  	_ =	shalt  }
0x46: {  	_ =	shalt  }
0x47: {  	_ =	shalt  }
0x48: {  	_ =	shalt  }
0x49: {  	_ =	shalt  }
0x4a: {  	_ =	shalt  }
0x4b: {  	_ =	shalt  }
0x4c: {  	_ =	shalt  }
0x4d: {  	_ =	shalt  }
0x4e: {  	_ =	shalt  }
0x4f: {  	_ =	shalt  }
0x50: {  	_ =	shalt  }
0x51: {  	_ =	shalt  }
0x52: {  	_ =	shalt  }
0x53: {  	_ =	shalt  }
0x54: {  	_ =	shalt  }
0x55: {  	_ =	shalt  }
0x56: {  	_ =	shalt  }
0x57: {  	_ =	shalt  }
0x58: {  	_ =	shalt  }
0x59: {  	_ =	shalt  }
0x5a: {  	_ =	shalt  }
0x5b: {  	_ =	shalt  }
0x5c: {  	_ =	shalt  }
0x5d: {  	_ =	shalt  }
0x5e: {  	_ =	shalt  }
0x5f: {  	_ =	shalt  }
0x60: {  	_ =	shalt  }
0x61: {  	_ =	shalt  }
0x62: {  	_ =	shalt  }
0x63: {  	_ =	shalt  }
0x64: {  	_ =	shalt  }
0x65: {  	_ =	shalt  }
0x66: {  	_ =	shalt  }
0x67: {  	_ =	shalt  }
0x68: {  	_ =	shalt  }
0x69: {  	_ =	shalt  }
0x6a: {  	_ =	shalt  }
0x6b: {  	_ =	shalt  }
0x6c: {  	_ =	shalt  }
0x6d: {  	_ =	shalt  }
0x6e: {  	_ =	shalt  }
0x6f: {  	_ =	shalt  }
0x70: {  	_ =	shalt  }
0x71: {  	_ =	shalt  }
0x72: {  	_ =	shalt  }
0x73: {  	_ =	shalt  }
0x74: {  	_ =	shalt  }
0x75: {  	_ =	shalt  }
0x76: {  	_ =	shalt  }
0x77: {  	_ =	shalt  }
0x78: {  	_ =	shalt  }
0x79: {  	_ =	shalt  }
0x7a: {  	_ =	shalt  }
0x7b: {  	_ =	shalt  }
0x7c: {  	_ =	shalt  }
0x7d: {  	_ =	shalt  }
0x7e: {  	_ =	shalt  }
0x7f: {  	_ =	shalt  }
0x80: {  	_ =	shalt  }
0x81: {  	_ =	shalt  }
0x82: {  	_ =	shalt  }
0x83: {  	_ =	shalt  }
0x84: {  	_ =	shalt  }
0x85: {  	_ =	shalt  }
0x86: {  	_ =	shalt  }
0x87: {  	_ =	shalt  }
.Lfunc_end0:
.L_simem_size_0:
called_computation.1_lowered:
.L_overlay_start_0:
0x88: {  	s2 =	sld [smem:$0x3FD9]  }
0x89: {  	s3 =	sld [smem:$0x3FFE];
	_ =	sdelay $0x1  }
0x8a: {  	s1 =	srdreg.scid  }
0x8b: {  	s0 =	sand.u32 $0x1, s1  }
0x8c: {  	s17 =	sshll.u32 s0, $0xA;
	s2 =	sadd.s32 s3, s2  }
0x8d: {  	s2 =	sadd.s32 s2, s17  }
0x8e: {  	[smem:$0x3FC6] =	sst s2  }
0x8f: {  	_ = 	snop  }
0x90: {  	s2 =	sld [smem:$0x3FC9]  }
0x91: {  	s18 =	sld [smem:$0x3FD0];
	(tm) =	ssettm $0x1  }
0x92: {  	s4 =	sld [smem:$0x3FFB];
	_ =	sdelay $0x3  }
0x93: {  	_ =	strace s4  }
0x94: {  	s4 =	sld [smem:$0x3FFC];
	_ =	sdelay $0x3  }
0x95: {  	_ =	strace s4  }
0x96: {  	s4 =	sld [smem:$0x3FFD];
	_ =	sdelay $0x3  }
0x97: {  	_ =	strace s4  }
0x98: {  	_ =	strace $0x8FFFFFFF  }
0x99: {  	s19 =	sld [smem:$0x3FDB];
	_ =	sdelay $0x1  }
0x9a: {  	s5 =	simm.s32 $_scs_section_size  }
0x9b: {  	s6 =	simm.s32 $_size__tile_overlayer_lowered;
	s7 =	simm.s32 $_tile_overlayer_lowered  }
0x9c: {  	s22 =	simm.s32 $0x1BFF;
	s21 =	sshll.u32 s7, $0x1;
	s4 =	sadd.s32 s5, s19  }
0x9d: {  	s8 =	simm.s32 $0x0;
	s20 =	sshll.u32 s6, $0x1;
	s6 =	sadd.s32 s21, s4  }
0x9e: {  	[timem:s8], [sflag:s22] =	dma.local [hbm:s6], s20  }
0x9f: {  	_ =	swait.ge [sflag:s22], s20  }
0xa0: {  	s5 =	ssub.s32 $0x0, s20;
	[sflag:s22] =	ssyncset.done $0x0  }
0xa1: {  	[sflag:s22] =	ssyncadd.s32 s5;
	_ =	sdelay $0x1  }
0xa2: {  	s23 =	simm.s32 $0x1B8B  }
0xa3: {  	_ =	swait.ge [sflag:s23], $0x1  }
0xa4: {  	[sflag:s23] =	ssyncset.done $0x0  }
0xa5: {  	s25 =	simm.s32 $0x1B8E;
	s24 =	sld [smem:$0x3FFE];
	[sflag:s23] =	ssyncadd.s32 $0xFFFFFFFF  }
0xa6: {  	s26 =	simm.s32 $execute0_lowered;
	[smem:$0x3FD2] =	sst s25  }
0xa7: {  	s6 =	sshll.u32 s26, $0x1;
	_ =	strace $0x80000046;
	[dreg:$0x1] =	wrdreg $0xFFFFFFFF  }
0xa8: {  	s28 =	simm.s32 $_size_execute0_lowered;
	s4 =	sadd.s32 s4, s6;
	[dreg:$0x0] =	wrdreg $0x0  }
0xa9: {  	s6 =	sshll.u32 s28, $0x1;
	[dreg:$0x2] =	wrdreg s4  }
0xaa: {  	[dreg:$0x3] =	wrdreg s6  }
0xab: {  	[dreg:$0x4] =	wrdreg $0xC0  }
0xac: {  	_ =	task [dreg:s8], $0x5FFFF  }
0xad: {  	[dreg:$0x1] =	wrdreg $0xFFFFFFFF  }
0xae: {  	[dreg:$0x0] =	wrdreg $0x60  }
0xaf: {  	[dreg:$0x2] =	wrdreg s2  }
0xb0: {  	[dreg:$0x3] =	wrdreg s24  }
0xb1: {  	[dreg:$0x4] =	wrdreg s18  }
0xb2: {  	[dreg:$0x5] =	wrdreg $0x9  }
0xb3: {  	_ =	task.clear_ibuf [dreg:s8], $0x6FFFF;
	_ =	strace $0x90000046  }
0xb4: {  	s29 =	simm.s32 $0x9;
	_ =	strace $0x80000048  }
0xb5: {  	_ =	swait.ge [sflag:s29], $0x1  }
0xb6: {  	[sflag:s29] =	ssyncadd.s32 $0xFFFFFFFF  }
0xb7: {  	_ =	strace $0x90000048  }
0xb8: {  	_ =	sfence  }
0xb9: {  	s30 =	sld [smem:$0x0];
	_ =	sdelay $0x2  }
0xba: {  	s31 =	sshll.u32 s1, $0xD;
	s1 =	sshrl.u32 s1, $0x2  }
0xbb: {  	s3 =	sand.u32 $0x4000, s31;
	s1 =	sadd.s32 s1, s30  }
0xbc: {  	s0 =	sor.u32 s3, s0;
	s1 =	sshll.u32 s1, $0x11  }
0xbd: {  	s0 =	sor.u32 s1, s0  }
0xbe: {  	s0 =	sadd.s32 $0x8F2B, s0  }
0xbf: {  	[sflag:s0] =	ssyncadd.remote.s32 $0x1  }
0xc0: {  	_ =	sfence.sel $0xFFFF  }
0xc1: {  	[dreg:$0x0] =	wrdreg $0xFFFFFFFF;
	(pc) =	sbr.abs _section_cstart, $3  }
0xc2: {  	[dreg:$0x1] =	wrdreg $0xFFFFFFFF  }
0xc3: {  	_ =	task.clear_ibuf [dreg:s8], $0x2FFFF;
	_ =	strace $0x9FFFFFFF  }
0xc4: {  	(tm) =	ssettm $0x7FFFFFFF  }
0xc5: {  	_ =	shalt  }
tec
execute0_lowered:
.L_overlay_start_1:
0x0: {  	(tag) =	ssettag $0x1  }
0x1: {  	s0 =	srdreg.scid;
	s1 =	rddreg [dreg:$0x0]  }
0x2: {  	s12 =	stileid.u32;
	s3 =	rddreg [dreg:$0x1]  }
0x3: {  	s13 =	rddreg [dreg:$0x2];
	s4 =	simm.s32 $0x0;
	s0 =	sand.u32 $0x1, s0  }
0x4: {  	s2 =	sshll.u32 s12, $0x1;
	[smem:$0x7FF] =	sst s4;
	s3 =	sadd.s32 $0xF42C00, s3  }
0x5: {  	s23 =	smul.u32 $0x640, s12;
	s2 =	sor.u32 s0, s2;
	_ =	strace $0x80000047  }
0x6: {  	s8 =	ssub.s32 $0x2, s0;
	[dreg:$0x6] =	wrdreg s3;
	s6 =	smul.u32 $0x32, s2  }
0x7: {  	s29 =	sshrl.u32 s8, $0x1;
	s31 =	sshll.u32 s2, $0xB;
	s2 =	smul.u32 $0x320, s2  }
0x8: {  	s25 =	smul.u32 $0x32, s0;
	s3 =	ssub.s32 s8, s29;
	s7 =	sshrl.u32 s6, $0x6  }
0x9: {  	s5 =	sadd.s32 $0x2, s6;
	s2 =	sand.u32 $0x380, s2;
	s17 =	sadd.s32 $0x3, s6  }
0xa: {  	s6 =	sadd.s32 $0x4, s6;
	s28 =	smin.u32 s7, $0x17;
	s14 =	sshll.u32 s5, $0xA  }
0xb: {  	s16 =	sshll.u32 s5, $0x4;
	s18 =	sshrl.u32 s17, $0x6;
	s20 =	sshll.u32 s17, $0xA  }
0xc: {  	s21 =	sshll.u32 s17, $0x4;
	s22 =	sshrl.u32 s6, $0x6;
	s24 =	sshll.u32 s6, $0xA  }
0xd: {  	s6 =	sshll.u32 s6, $0x4;
	s9 =	sshll.u32 s28, $0xA;
	s30 =	ssub.s32 s7, s28  }
0xe: {  	s7 =	sand.u32 $0x1800, s31;
	[dreg:$0x5] =	wrdreg s28;
	s1 =	sadd.s32 s1, s9  }
0xf: {  	s19 =	ssub.s32 s18, s28;
	[smem:$0x7F5] =	sst s1;
	s1 =	sshll.u32 s30, $0xF  }
0x10: {  	s6 =	sand.u32 $0x380, s6;
	s9 =	sshrl.u32 s5, $0x6;
	s1 =	sshra.s32 s1, $0x2  }
0x11: {  	s11 =	ssub.s32 s9, s28;
	s9 =	sand.u32 $0x1800, s24;
	s1 =	sor.u32 s7, s1  }
0x12: {  	s10 =	sor.u32 s2, s1;
	s1 =	sshll.u32 s11, $0xF;
	s11 =	smul.u32 $0xC800, s0  }
0x13: {  	s7 =	sand.u32 $0x380, s16;
	s2 =	sand.u32 $0x1800, s14;
	s0 =	smul.u32 $0x320, s0  }
0x14: {  	[smem:$0x7F6] =	sst s10;
	s15 =	sor.u32 $0x400, s10;
	s10 =	smul.u32 $0x19000, s12  }
0x15: {  	s1 =	sshra.s32 s1, $0x2;
	s12 =	smul.u32 $0x64, s12;
	[smem:$0x7F7] =	sst s15  }
0x16: {  	s1 =	sor.u32 s2, s1;
	s2 =	sand.u32 $0x1C00, s20;
	s0 =	sadd.s32 s0, s23  }
0x17: {  	s1 =	sor.u32 s7, s1;
	s29 =	sadd.s32 s25, s12;
	[smem:$0x7FC] =	sst s0  }
0x18: {  	[smem:$0x7F8] =	sst s1;
	s1 =	sshll.u32 s19, $0xF;
	s30 =	sadd.s32 $0xE, s29  }
0x19: {  	s7 =	sand.u32 $0x380, s21;
	s1 =	sshra.s32 s1, $0x2;
	[smem:$0x7FD] =	sst s30  }
0x1a: {  	s1 =	sor.u32 s2, s1;
	s2 =	ssub.s32 s22, s28;
	s28 =	smax.u32 s3, $0x1  }
0x1b: {  	s22 =	sadd.s32 s11, s10;
	s2 =	sshll.u32 s2, $0xF;
	[smem:$0x7FB] =	sst s28  }
0x1c: {  	s1 =	sor.u32 s7, s1;
	[dreg:$0x7] =	wrdreg s22;
	s2 =	sshra.s32 s2, $0x2  }
0x1d: {  	s31 =	sadd.s32 s13, s22;
	[smem:$0x7F9] =	sst s1;
	s2 =	sor.u32 s9, s2  }
0x1e: {  	s16 =	simm.s32 $0xE000;
	[dreg:$0x4] =	wrdreg s31;
	s26 =	sor.u32 s6, s2  }
0x1f: {  	s20 =	simm.s32 $0x10000;
	s1 =	simm.s32 $0x0;
	[smem:$0x7FA] =	sst s26  }
.LBB2_1:
0x20: {  	s0 =	sld [smem:$0x7F5];
	_ =	sdelay $0x1  }
0x21: {  	[smem:$0x7F2] =	sst s1;
	s9 =	simm.s32 $0x0;
	s10 =	simm.s32 $0x5  }
0x22: {  	[tilespmem:s9], [sflag:$0x5] =	stream.linear.gather [hbm4b:s0+s9], $0x4000, $0x38;
	[tilespmem:$0x18000] =	vst v63  }
0x23: {  	_ =	swait.ge [sflag:s10], $0x4000  }
0x24: {  	s11 =	sld [smem:$0x7F6]  }
0x25: {  	s5 =	rddreg [dreg:$0x6]  }
0x26: {  	s31 =	simm.s32 $0x80;
	s13 =	sld [smem:$0x7F7]  }
0x27: {  	s12 =	simm.s32 $0x4000;
	s14 =	simm.s32 $0x6000;
	s15 =	sld [smem:$0x7F8]  }
0x28: {  	s17 =	simm.s32 $0x8000;
	s19 =	simm.s32 $0xA000;
	s18 =	sld [smem:$0x7F9]  }
0x29: {  	s23 =	simm.s32 $0xC000;
	p1 =	por $0x0, $0x0;
	s21 =	sld [smem:$0x7FA]  }
0x2a: {  	p0 =	por $0x0, $0x0;
	[sflag:s10] =	ssyncset.done $0x0;
	s29 =	sld [smem:$0x7FD]  }
0x2b: {  	s6 =	sadd.s32 @!p1 $0x0, s22;
	s30 =	sld [smem:$0x7FC];
	[sflag:s10] =	ssyncadd.s32 $0xFFFFC000  }
0x2c: {  	[tilespmem:s12], [sflag:$0x1] =	stream.indirect.gather [hbm4b:s5+s31], $0x40, s11, s31, $0xb8;
	[tilespmem:$0x18000] =	vst v63  }
0x2d: {  	s26 =	rddreg [dreg:$0x5];
	s28 =	sadd.s32 $0xFFFFFFF7, s29;
	s2 =	sadd.s32 $0xFFFFFFFB, s29  }
0x2e: {  	s12 =	sadd.s32 $0xFFFFFFF9, s29;
	s11 =	sadd.s32 $0xFFFFFFF8, s29;
	s7 =	sshrl.u32 @!p1 s29, $0x6  }
0x2f: {  	s10 =	sadd.s32 @!p1 $0xE0, s30;
	s24 =	sshrl.u32 s28, $0x6;
	s3 =	sshrl.u32 s11, $0x6  }
0x30: {  	s8 =	sshrl.u32 s11, $0x3;
	s25 =	sshrl.u32 s2, $0x3;
	s9 =	sand.u32 $0x7, s2  }
0x31: {  	[tilespmem:s14], [sflag:$0x1] =	stream.indirect.gather [hbm4b:s5+s31], $0x40, s13, s31, $0xb8;
	[tilespmem:$0x18000] =	vst v63  }
0x32: {  	[dreg:$0x12] =	wrdreg s28;
	s14 =	sand.u32 $0x7, s12;
	s0 =	ssub.s32 s24, s26  }
0x33: {  	s1 =	sshll.u32 s25, $0x10;
	s4 =	sshll.u32 s9, $0xD;
	s8 =	sshll.u32 s8, $0x10  }
0x34: {  	[tilespmem:s17], [sflag:$0x1] =	stream.indirect.gather [hbm4b:s5+s31], $0x40, s15, s31, $0xb8;
	[tilespmem:$0x18000] =	vst v63  }
0x35: {  	s9 =	sshll.u32 s9, $0xA;
	s13 =	sor.u32 s4, s1;
	s15 =	sshll.u32 s14, $0xD  }
0x36: {  	[tilespmem:s19], [sflag:$0x1] =	stream.indirect.gather [hbm4b:s5+s31], $0x40, s18, s31, $0xb8;
	[tilespmem:$0x18000] =	vst v63  }
0x37: {  	s17 =	sadd.s32 $0xFFFFFFFA, s29;
	s14 =	sshll.u32 s14, $0xA;
	s18 =	sshrl.u32 s12, $0x6  }
0x38: {  	[tilespmem:s23], [sflag:$0x1] =	stream.indirect.gather [hbm4b:s5+s31], $0x40, s21, s31, $0xb8;
	[tilespmem:$0x18000] =	vst v63  }
0x39: {  	s19 =	sshrl.u32 s17, $0x3;
	s21 =	sshll.u32 s0, $0xF;
	s0 =	ssub.s32 @!p1 s7, s26  }
0x3a: {  	s18 =	ssub.s32 s18, s26;
	s7 =	sadd.s32 @!p1 $0x3800, s6;
	s0 =	sshll.u32 @!p1 s0, $0xF  }
0x3b: {  	s23 =	sand.u32 $0x6, s17;
	s7 =	sand.u32 @!p1 $0x1800, s7;
	s0 =	sshra.s32 @!p1 s0, $0x2  }
0x3c: {  	s21 =	sshra.s32 s21, $0x2;
	s0 =	sor.u32 @!p1 s7, s0;
	s7 =	sand.u32 @!p1 $0x380, s10  }
0x3d: {  	s10 =	sshrl.u32 s17, $0x6;
	s17 =	sshll.u32 s17, $0x4;
	s0 =	sor.u32 @!p1 s7, s0  }
0x3e: {  	s7 =	sshrl.u32 s12, $0x3;
	s1 =	ssub.s32 s10, s26;
	s10 =	sshll.u32 s23, $0xA  }
0x3f: {  	s12 =	sshll.u32 s12, $0x4;
	s17 =	sand.u32 $0x380, s17;
	[dreg:$0x9] =	wrdreg s0  }
0x40: {  	s0 =	sshll.u32 s7, $0x10;
	s7 =	sshll.u32 s19, $0x10;
	s1 =	sshll.u32 s1, $0xF  }
0x41: {  	s19 =	sshll.u32 s23, $0xD;
	s23 =	ssub.s32 s3, s26;
	s12 =	sand.u32 $0x380, s12  }
0x42: {  	s1 =	sshra.s32 s1, $0x2;
	s15 =	sor.u32 s15, s0;
	s24 =	sor.u32 s19, s7  }
0x43: {  	s7 =	sadd.s32 $0xA0, s30;
	s23 =	sshll.u32 s23, $0xF;
	[smem:$0x7F3] =	sst s24  }
0x44: {  	s4 =	sor.u32 s10, s1;
	[smem:$0x7F4] =	sst s7;
	s10 =	sadd.s32 $0xA, s29  }
0x45: {  	s1 =	sadd.s32 @!p0 $0x2800, s22;
	s22 =	sand.u32 $0x6, s11;
	s23 =	sshra.s32 s23, $0x2  }
0x46: {  	s11 =	sshll.u32 s11, $0x4;
	s0 =	sadd.s32 $0xFFFFFFFB, s10;
	s25 =	sshll.u32 s22, $0xD  }
0x47: {  	s3 =	sshrl.u32 @!p0 s10, $0x6;
	s19 =	sadd.s32 @!p0 $0x3800, s1;
	s22 =	sshll.u32 s22, $0xA  }
0x48: {  	s11 =	sand.u32 $0x380, s11;
	s17 =	sor.u32 s17, s4;
	s24 =	sshrl.u32 s0, $0x3  }
0x49: {  	s3 =	ssub.s32 @!p0 s3, s26;
	s8 =	sor.u32 s25, s8;
	s19 =	sand.u32 @!p0 $0x1800, s19  }
0x4a: {  	s25 =	sadd.s32 @!p0 $0xE0, s7;
	s22 =	sor.u32 s22, s23;
	s3 =	sshll.u32 @!p0 s3, $0xF  }
0x4b: {  	s7 =	sshll.u32 s28, $0x4;
	s25 =	sand.u32 @!p0 $0x380, s25;
	s3 =	sshra.s32 @!p0 s3, $0x2  }
0x4c: {  	s24 =	sshll.u32 s24, $0x10;
	s23 =	sand.u32 $0x380, s7;
	s3 =	sor.u32 @!p0 s19, s3  }
0x4d: {  	s22 =	sor.u32 s11, s22;
	s19 =	sand.u32 $0x7, s0;
	s3 =	sor.u32 @!p0 s25, s3  }
0x4e: {  	[dreg:$0x11] =	wrdreg s19;
	s19 =	sshll.u32 s19, $0xD;
	s25 =	sand.u32 $0x7, s28  }
0x4f: {  	[dreg:$0xc] =	wrdreg s3;
	s3 =	sor.u32 s19, s24;
	s28 =	sshll.u32 s25, $0xA  }
0x50: {  	s24 =	sshll.u32 s18, $0xF;
	s18 =	sadd.s32 $0xFFFFFFF9, s10;
	s21 =	sor.u32 s28, s21  }
0x51: {  	s19 =	sand.u32 $0x7, s18;
	s7 =	sshra.s32 s24, $0x2;
	s24 =	sld [smem:$0x7F3]  }
0x52: {  	s21 =	sor.u32 s23, s21;
	s23 =	sshrl.u32 s18, $0x3;
	[dreg:$0xa] =	wrdreg s19  }
0x53: {  	s25 =	sshll.u32 s19, $0xD;
	s14 =	sor.u32 s14, s7;
	s7 =	sshrl.u32 s18, $0x6  }
0x54: {  	[tilespmem:s16], [sflag:$0x2] =	stream.indirect.gather [hbm4b:s5+s31], $0x40, s21, s31, $0xb8;
	[tilespmem:$0x18000] =	vst v63  }
0x55: {  	s21 =	sshll.u32 s23, $0x10;
	s16 =	sshrl.u32 s2, $0x6;
	s23 =	sadd.s32 @!p1 $0xFFFFFFFE, s29  }
0x56: {  	s12 =	sor.u32 s12, s14;
	s14 =	sadd.s32 @!p1 $0xFFFFFFFC, s29;
	s2 =	sshll.u32 s2, $0x4  }
0x57: {  	s11 =	sor.u32 s25, s21;
	s19 =	ssub.s32 s16, s26;
	s14 =	sshrl.u32 @!p1 s14, $0x6  }
0x58: {  	s2 =	sand.u32 $0x380, s2;
	s4 =	sshrl.u32 s24, $0x3;
	s25 =	simm.s32 $0x14000  }
0x59: {  	[tilespmem:s20], [sflag:$0x2] =	stream.indirect.gather [hbm4b:s5+s31], $0x40, s22, s31, $0xb8;
	[tilespmem:$0x18000] =	vst v63  }
0x5a: {  	s22 =	sshrl.u32 @!p1 s23, $0x6;
	s21 =	sshll.u32 s19, $0xF;
	s20 =	simm.s32 $0x12000  }
0x5b: {  	s14 =	ssub.s32 @!p1 s14, s26;
	s23 =	sshrl.u32 s13, $0x3;
	s19 =	sshrl.u32 s15, $0x3  }
0x5c: {  	[dreg:$0xe] =	wrdreg s4;
	s22 =	ssub.s32 @!p1 s22, s26;
	s21 =	sshra.s32 s21, $0x2  }
0x5d: {  	[dreg:$0xd] =	wrdreg s23;
	s14 =	sshll.u32 @!p1 s14, $0xF;
	s22 =	sshll.u32 @!p1 s22, $0xF  }
0x5e: {  	[tilespmem:s20], [sflag:$0x2] =	stream.indirect.gather [hbm4b:s5+s31], $0x40, s12, s31, $0xb8;
	[tilespmem:$0x18000] =	vst v63  }
0x5f: {  	s12 =	sadd.s32 @!p1 $0x2800, s6;
	s20 =	sadd.s32 @!p1 $0xA0, s30;
	s9 =	sor.u32 s9, s21  }
0x60: {  	s21 =	sadd.s32 @!p1 $0x3000, s6;
	s6 =	sadd.s32 @!p1 $0x3400, s6;
	s22 =	sshra.s32 @!p1 s22, $0x2  }
0x61: {  	s12 =	sand.u32 @!p1 $0x1800, s12;
	s6 =	sand.u32 @!p1 $0x1C00, s6;
	s13 =	sand.u32 @!p1 $0x380, s20  }
0x62: {  	p1 =	por p1, p1;
	s2 =	sor.u32 s2, s9;
	s9 =	simm.s32 $0x16000  }
0x63: {  	[tilespmem:s25], [sflag:$0x2] =	stream.indirect.gather [hbm4b:s5+s31], $0x40, s17, s31, $0xb8;
	[tilespmem:$0x18000] =	vst v63  }
0x64: {  	s20 =	sadd.s32 $0xFFFFFFFA, s10;
	s16 =	sand.u32 @!p1 $0x1800, s21;
	s21 =	ssub.s32 s7, s26  }
0x65: {  	[tilespmem:s9], [sflag:$0x2] =	stream.indirect.gather [hbm4b:s5+s31], $0x40, s2, s31, $0xb8;
	[tilespmem:$0x18000] =	vst v63  }
0x66: {  	s7 =	sshll.u32 s18, $0x4;
	s2 =	sor.u32 @!p1 s16, s22;
	s9 =	sshra.s32 @!p1 s14, $0x2  }
0x67: {  	s14 =	sadd.s32 @!p1 $0xC0, s30;
	s16 =	sadd.s32 @!p1 $0xFFFFFFFF, s29;
	s29 =	sand.u32 $0x6, s20  }
0x68: {  	s5 =	sadd.s32 $0xFFFFFFF7, s10;
	s22 =	sshll.u32 s21, $0xF;
	s21 =	sshrl.u32 s8, $0x3  }
0x69: {  	s8 =	sadd.s32 @!p0 $0x2800, s1;
	s9 =	sor.u32 @!p1 s12, s9;
	s12 =	sand.u32 @!p1 $0x380, s14  }
0x6a: {  	s17 =	sshll.u32 s29, $0xD;
	s25 =	sshrl.u32 s5, $0x6;
	s14 =	sshrl.u32 s0, $0x6  }
0x6b: {  	s23 =	sor.u32 @!p1 s13, s9;
	s13 =	sor.u32 @!p1 s12, s2;
	s2 =	sshrl.u32 @!p1 s16, $0x6  }
0x6c: {  	s0 =	sshll.u32 s0, $0x4;
	s16 =	sshrl.u32 s20, $0x3;
	s2 =	ssub.s32 @!p1 s2, s26  }
0x6d: {  	s12 =	sshrl.u32 s11, $0x3;
	s0 =	sand.u32 $0x380, s0;
	s2 =	sshll.u32 @!p1 s2, $0xF  }
0x6e: {  	s11 =	simm.s32 $0x2800;
	s9 =	sshll.u32 s16, $0x10;
	s2 =	sshra.s32 @!p1 s2, $0x2  }
0x6f: {  	s15 =	sor.u32 s17, s9;
	s24 =	sor.u32 @!p1 s6, s2;
	s6 =	sshra.s32 s22, $0x2  }
0x70: {  	s9 =	simm.s32 $0x1;
	s2 =	ssub.s32 s25, s26;
	[dreg:$0x15] =	wrdreg s6  }
0x71: {  	s2 =	sshll.u32 s2, $0xF;
	s6 =	sand.u32 $0x380, s7;
	_ =	swait.ge [sflag:s9], $0x2000  }
0x72: {  	[dreg:$0x16] =	wrdreg s6;
	s18 =	sshra.s32 s2, $0x2;
	[sflag:s9] =	ssyncset.done $0x0  }
0x73: {  	s6 =	sadd.s32 @!p0 $0xFFFFFFFE, s10;
	s2 =	ssub.s32 s14, s26;
	[sflag:s9] =	ssyncadd.s32 $0xFFFFE000  }
0x74: {  	s6 =	sshrl.u32 @!p0 s6, $0x6;
	s2 =	sshll.u32 s2, $0xF;
	_ =	swait.ge [sflag:s9], $0x2000  }
0x75: {  	s6 =	ssub.s32 @!p0 s6, s26;
	s2 =	sshra.s32 s2, $0x2;
	[sflag:s9] =	ssyncset.done $0x0  }
0x76: {  	[dreg:$0x1c] =	wrdreg s2;
	s2 =	sshll.u32 @!p0 s6, $0xF;
	[sflag:s9] =	ssyncadd.s32 $0xFFFFE000  }
0x77: {  	s16 =	sshrl.u32 s3, $0x3;
	s2 =	sshra.s32 @!p0 s2, $0x2;
	_ =	swait.ge [sflag:s9], $0x2000  }
0x78: {  	[dreg:$0x19] =	wrdreg s2;
	s2 =	sand.u32 @!p0 $0x1800, s8;
	[sflag:s9] =	ssyncset.done $0x0  }
0x79: {  	[dreg:$0x1a] =	wrdreg s2;
	s2 =	sadd.s32 @!p0 $0x3000, s1;
	[sflag:s9] =	ssyncadd.s32 $0xFFFFE000  }
0x7a: {  	s25 =	sshll.u32 s20, $0x4;
	_ =	swait.ge [sflag:s9], $0x2000;
	[dreg:$0x1b] =	wrdreg s2  }
0x7b: {  	s6 =	sadd.s32 @!p0 $0xFFFFFFFC, s10;
	[dreg:$0x18] =	wrdreg s16;
	[sflag:s9] =	ssyncset.done $0x0  }
0x7c: {  	s6 =	sshrl.u32 @!p0 s6, $0x6;
	s7 =	sld [smem:$0x7F4];
	[sflag:s9] =	ssyncadd.s32 $0xFFFFE000  }
0x7d: {  	s6 =	ssub.s32 @!p0 s6, s26;
	_ =	swait.ge [sflag:s9], $0x2000;
	[dreg:$0x13] =	wrdreg s25  }
0x7e: {  	s31 =	sor.u32 @!p1 $0x400, s23;
	s6 =	sshll.u32 @!p0 s6, $0xF;
	[dreg:$0x17] =	wrdreg s0  }
0x7f: {  	s8 =	simm.s32 $0x0;
	s1 =	sadd.s32 @!p0 $0x3400, s1;
	[dreg:$0x10] =	wrdreg s11  }
0x80: {  	s17 =	sand.u32 @!p0 $0x1C00, s1;
	s2 =	sshrl.u32 s20, $0x6;
	[dreg:$0x8] =	wrdreg s5  }
0x81: {  	s20 =	sand.u32 $0x7, s5;
	[dreg:$0xb] =	wrdreg s10;
	s1 =	sadd.s32 @!p0 $0xA0, s7  }
0x82: {  	s22 =	rddreg [dreg:$0x4];
	[sflag:s9] =	ssyncset.done $0x0;
	s16 =	sand.u32 @!p0 $0x380, s1  }
0x83: {  	s1 =	sadd.s32 @!p1 $0xD0, s30;
	[sflag:s9] =	ssyncadd.s32 $0xFFFFE000;
	s25 =	sadd.s32 $0x0, s22  }
0x84: {  	s9 =	simm.s32 $0x4000;
	s22 =	sshrl.u32 s15, $0x3;
	s15 =	smov.u32 s7  }
0x85: {  	[hbm4b:s25+s8] =	stream.linear.scatter [tilespmem:s9], [sflag:$0x3], $0x2000, $0x38;
	[tilespmem:$0x18000] =	vst v63  }
0x86: {  	s30 =	sand.u32 @!p1 $0x380, s1;
	s1 =	ssub.s32 s2, s26;
	s26 =	sadd.s32 $0xFFFFFFF8, s10  }
0x87: {  	s11 =	simm.s32 $0x5000;
	[dreg:$0xf] =	wrdreg s15;
	s14 =	sshrl.u32 s26, $0x6  }
0x88: {  	s5 =	smov.u32 s7;
	s3 =	sshrl.u32 s26, $0x3;
	[dreg:$0x14] =	wrdreg s14  }
.LBB2_2:
0x89: {  	[smem:$0x7E4] =	sst s20  }
0x8a: {  	s7 =	rddreg [dreg:$0x11]  }
0x8b: {  	s2 =	sadd.s32 $0x400, s25;
	s8 =	rddreg [dreg:$0x1c]  }
0x8c: {  	s0 =	smov.u32 s18;
	s14 =	simm.s32 $0x6000;
	s18 =	rddreg [dreg:$0x19]  }
0x8d: {  	s15 =	sadd.s32 $0x800, s25;
	[smem:$0x7E5] =	sst s0;
	s4 =	smov.u32 s7  }
0x8e: {  	s1 =	sshll.u32 s1, $0xF;
	s9 =	smov.u32 s8;
	[dreg:$0x1f] =	wrdreg s4  }
0x8f: {  	s7 =	smov.u32 s18;
	[dreg:$0x1e] =	wrdreg s9;
	s4 =	simm.s32 $0x0  }
0x90: {  	[hbm4b:s2+s4] =	stream.linear.scatter [tilespmem:s14], [sflag:$0x3], $0x2000, $0x38;
	[tilespmem:$0x18000] =	vst v63  }
0x91: {  	s8 =	simm.s32 $0x8000;
	[smem:$0x7E7] =	sst s7;
	s9 =	simm.s32 $0xA000  }
0x92: {  	[hbm4b:s15+s4] =	stream.linear.scatter [tilespmem:s8], [sflag:$0x3], $0x2000, $0x38;
	[tilespmem:$0x18000] =	vst v63  }
0x93: {  	s2 =	sshll.u32 s29, $0xA;
	s14 =	sadd.s32 $0xC00, s25;
	s15 =	sshra.s32 s1, $0x2  }
0x94: {  	[hbm4b:s14+s4] =	stream.linear.scatter [tilespmem:s9], [sflag:$0x3], $0x2000, $0x38;
	[tilespmem:$0x18000] =	vst v63  }
0x95: {  	s7 =	sadd.s32 $0x1000, s25;
	s8 =	simm.s32 $0xC000;
	s9 =	sor.u32 s2, s15  }
0x96: {  	[hbm4b:s7+s4] =	stream.linear.scatter [tilespmem:s8], [sflag:$0x3], $0x2000, $0x38;
	[tilespmem:$0x18000] =	vst v63  }
0x97: {  	s0 =	simm.s32 $0x3;
	[smem:$0x7E9] =	sst s9;
	s8 =	smov.u32 s17  }
0x98: {  	_ =	swait.ge [sflag:s0], $0x2000;
	[dreg:$0x1d] =	wrdreg s8  }
0x99: {  	s14 =	rddreg [dreg:$0x1a]  }
0x9a: {  	s18 =	rddreg [dreg:$0x1b]  }
0x9b: {  	s25 =	rddreg [dreg:$0x9]  }
0x9c: {  	p3 =	por p1, p1;
	s2 =	rddreg [dreg:$0xc];
	s15 =	smov.u32 s14  }
0x9d: {  	s1 =	sor.u32 @!p3 s30, s24;
	s24 =	smov.u32 s18;
	[smem:$0x7EB] =	sst s15  }
0x9e: {  	[sflag:s0] =	ssyncset.done $0x0;
	s7 =	smov.u32 s2;
	[smem:$0x7E6] =	sst s24  }
0x9f: {  	s20 =	smov.u32 s3;
	[sflag:s0] =	ssyncadd.s32 $0xFFFFE000;
	[dreg:$0x9] =	wrdreg s7  }
0xa0: {  	s3 =	smov.u32 s11;
	p1 =	por p0, p0;
	_ =	swait.ge [sflag:s0], $0x2000  }
0xa1: {  	s10 =	sadd.s32 $0xA, s10;
	p0 =	seq.s32 s3, $0xA000;
	s9 =	rddreg [dreg:$0xd]  }
0xa2: {  	s14 =	smov.u32 s25;
	s25 =	smov.u32 s16;
	s15 =	rddreg [dreg:$0x18]  }
0xa3: {  	s17 =	simm.s32 @!p3 $0x6000;
	s7 =	smov.u32 s6;
	[smem:$0x7EC] =	sst s25  }
0xa4: {  	[sflag:s0] =	ssyncset.done $0x0;
	[smem:$0x7EA] =	sst s7;
	s24 =	smov.u32 s15  }
0xa5: {  	s4 =	sadd.s32 $0xA0, s5;
	[sflag:s0] =	ssyncadd.s32 $0xFFFFE000;
	[dreg:$0xd] =	wrdreg s24  }
0xa6: {  	s8 =	smov.u32 s19;
	s16 =	smov.u32 s12;
	_ =	swait.ge [sflag:s0], $0x2000  }
0xa7: {  	s18 =	simm.s32 @!p3 $0x4000;
	s6 =	sand.u32 $0x6, s26;
	[smem:$0x7E8] =	sst s16  }
0xa8: {  	s24 =	smov.u32 s22;
	[sflag:s0] =	ssyncset.done $0x0;
	s19 =	rddreg [dreg:$0xe]  }
0xa9: {  	s2 =	smov.u32 s9;
	[dreg:$0xe] =	wrdreg s24;
	[sflag:s0] =	ssyncadd.s32 $0xFFFFE000  }
0xaa: {  	s24 =	simm.s32 @!p3 $0x80;
	s9 =	smov.u32 s19;
	_ =	swait.ge [sflag:s0], $0x2000  }
0xab: {  	s19 =	simm.s32 @!p3 $0xC000;
	s25 =	rddreg [dreg:$0x12];
	[sflag:s0] =	ssyncset.done $0x0  }
0xac: {  	s7 =	sshrl.u32 s25, $0x3;
	s15 =	rddreg [dreg:$0x2];
	[sflag:s0] =	ssyncadd.s32 $0xFFFFE000  }
0xad: {  	s25 =	simm.s32 @!p3 $0xA000;
	s8 =	sadd.s32 s15, s8;
	_ =	swait.ge [sflag:s0], $0x2000  }
0xae: {  	s12 =	sadd.s32 s15, s9;
	s22 =	sshll.u32 s7, $0xD;
	s7 =	rddreg [dreg:$0x6]  }
0xaf: {  	s9 =	sadd.s32 s15, s2;
	[sflag:s0] =	ssyncset.done $0x0;
	[smem:$0x7F1] =	sst s3  }
0xb0: {  	s21 =	sadd.s32 s15, s21;
	s5 =	rddreg [dreg:$0x14];
	[sflag:s0] =	ssyncadd.s32 $0xFFFFE000  }
0xb1: {  	s0 =	sadd.s32 s15, s28;
	s28 =	sadd.s32 $0xFFFFFFF9, s10;
	s15 =	simm.s32 $0xE000  }
0xb2: {  	[tilespmem:s18], [sflag:$0x1] =	stream.indirect.gather @!p3 [hbm4b:s7+s24], $0x40, s23, s24, $0xb8;
	[tilespmem:$0x18000] =	vst v63  }
0xb3: {  	s18 =	simm.s32 @!p3 $0x8000;
	s2 =	sadd.s32 s22, s0;
	s0 =	rddreg [dreg:$0x7]  }
0xb4: {  	s22 =	sadd.s32 $0xFFFFFFFB, s10;
	s23 =	sadd.s32 $0xFFFFFFF8, s10;
	s16 =	sadd.s32 @!p0 s3, s0  }
0xb5: {  	[tilespmem:s17], [sflag:$0x1] =	stream.indirect.gather @!p3 [hbm4b:s7+s24], $0x40, s31, s24, $0xb8;
	[tilespmem:$0x18000] =	vst v63  }
0xb6: {  	s0 =	rddreg [dreg:$0x5];
	s3 =	sshrl.u32 s23, $0x6;
	s17 =	sshll.u32 s6, $0xD  }
0xb7: {  	[tilespmem:s18], [sflag:$0x1] =	stream.indirect.gather @!p3 [hbm4b:s7+s24], $0x40, s13, s24, $0xb8;
	[tilespmem:$0x18000] =	vst v63  }
0xb8: {  	s31 =	sand.u32 $0x7, s28;
	s30 =	sadd.s32 @!p0 $0x3800, s16;
	s13 =	sadd.s32 $0xFFFFFFF7, s10  }
0xb9: {  	[tilespmem:s25], [sflag:$0x1] =	stream.indirect.gather @!p3 [hbm4b:s7+s24], $0x40, s1, s24, $0xb8;
	[tilespmem:$0x18000] =	vst v63  }
0xba: {  	s6 =	sshll.u32 s6, $0xA;
	s18 =	sshrl.u32 s13, $0x6;
	s1 =	ssub.s32 s5, s0  }
0xbb: {  	s5 =	simm.s32 $0x2;
	s25 =	sshrl.u32 s28, $0x6;
	s1 =	sshll.u32 s1, $0xF  }
0xbc: {  	[tilespmem:s19], [sflag:$0x1] =	stream.indirect.gather @!p3 [hbm4b:s7+s24], $0x40, s14, s24, $0xb8;
	[tilespmem:$0x18000] =	vst v63  }
0xbd: {  	s18 =	ssub.s32 s18, s0;
	s14 =	ssub.s32 s25, s0;
	s24 =	sshra.s32 s1, $0x2  }
0xbe: {  	s19 =	sshrl.u32 s22, $0x3;
	s1 =	sshll.u32 s20, $0x10;
	s25 =	sshll.u32 s28, $0x4  }
0xbf: {  	s20 =	sshll.u32 s18, $0xF;
	s18 =	sand.u32 $0x7, s13;
	_ =	swait.ge [sflag:s5], $0x2000  }
0xc0: {  	[dreg:$0x14] =	wrdreg s3;
	s14 =	sshll.u32 s14, $0xF;
	[sflag:s5] =	ssyncset.done $0x0  }
0xc1: {  	s3 =	sshll.u32 s19, $0x10;
	s17 =	sor.u32 s17, s1;
	[sflag:s5] =	ssyncadd.s32 $0xFFFFE000  }
0xc2: {  	s20 =	sshra.s32 s20, $0x2;
	s14 =	sshra.s32 s14, $0x2;
	_ =	swait.ge [sflag:s5], $0x2000  }
0xc3: {  	s19 =	sshrl.u32 s17, $0x3;
	[smem:$0x7ED] =	sst s14;
	[sflag:s5] =	ssyncset.done $0x0  }
0xc4: {  	s6 =	sor.u32 s6, s24;
	[smem:$0x7EE] =	sst s19;
	[sflag:s5] =	ssyncadd.s32 $0xFFFFE000  }
0xc5: {  	s17 =	sand.u32 $0x380, s25;
	s19 =	sshrl.u32 s22, $0x6;
	_ =	swait.ge [sflag:s5], $0x2000  }
0xc6: {  	s14 =	ssub.s32 s19, s0;
	[smem:$0x7EF] =	sst s17;
	[sflag:s5] =	ssyncset.done $0x0  }
0xc7: {  	s19 =	simm.s32 $0x12000;
	[smem:$0x7F0] =	sst s18;
	[sflag:s5] =	ssyncadd.s32 $0xFFFFE000  }
0xc8: {  	s14 =	sshll.u32 s14, $0xF;
	s18 =	sand.u32 $0x7, s22;
	_ =	swait.ge [sflag:s5], $0x2000  }
0xc9: {  	s17 =	sadd.s32 @!p0 $0xFFFFFFFE, s10;
	s25 =	sshra.s32 s14, $0x2;
	[sflag:s5] =	ssyncset.done $0x0  }
0xca: {  	s17 =	sshrl.u32 @!p0 s17, $0x6;
	[dreg:$0x1c] =	wrdreg s25;
	[sflag:s5] =	ssyncadd.s32 $0xFFFFE000  }
0xcb: {  	s14 =	simm.s32 $0x0;
	s17 =	ssub.s32 @!p0 s17, s0;
	_ =	swait.ge [sflag:s5], $0x2000  }
0xcc: {  	s25 =	sshrl.u32 @!p0 s10, $0x6;
	s17 =	sshll.u32 @!p0 s17, $0xF;
	[sflag:s5] =	ssyncset.done $0x0  }
0xcd: {  	s1 =	sshra.s32 @!p0 s17, $0x2;
	s17 =	sand.u32 @!p0 $0x1800, s30;
	[sflag:s5] =	ssyncadd.s32 $0xFFFFE000  }
0xce: {  	[hbm4b:s2+s14] =	stream.linear.scatter [tilespmem:s15], [sflag:$0x4], $0x2000, $0x38;
	[tilespmem:$0x18000] =	vst v63  }
0xcf: {  	s30 =	sadd.s32 @!p0 $0xE0, s4;
	s2 =	ssub.s32 @!p0 s25, s0;
	s25 =	sadd.s32 @!p0 $0x2800, s16  }
0xd0: {  	[dreg:$0x19] =	wrdreg s1;
	s1 =	simm.s32 $0x10000;
	s5 =	sand.u32 @!p0 $0x1800, s25  }
0xd1: {  	[hbm4b:s21+s14] =	stream.linear.scatter [tilespmem:s1], [sflag:$0x4], $0x2000, $0x38;
	[tilespmem:$0x18000] =	vst v63  }
0xd2: {  	s2 =	sshll.u32 @!p0 s2, $0xF;
	s21 =	sadd.s32 @!p0 $0xFFFFFFFC, s10;
	[dreg:$0x1a] =	wrdreg s5  }
0xd3: {  	[hbm4b:s8+s14] =	stream.linear.scatter [tilespmem:s19], [sflag:$0x4], $0x2000, $0x38;
	[tilespmem:$0x18000] =	vst v63  }
0xd4: {  	s2 =	sshra.s32 @!p0 s2, $0x2;
	s5 =	simm.s32 $0x0;
	s8 =	simm.s32 $0x14000  }
0xd5: {  	[hbm4b:s12+s14] =	stream.linear.scatter [tilespmem:s8], [sflag:$0x4], $0x2000, $0x38;
	[tilespmem:$0x18000] =	vst v63  }
0xd6: {  	s21 =	sshrl.u32 @!p0 s21, $0x6;
	s2 =	sor.u32 @!p0 s17, s2;
	s14 =	simm.s32 $0x16000  }
0xd7: {  	[hbm4b:s9+s5] =	stream.linear.scatter [tilespmem:s14], [sflag:$0x4], $0x2000, $0x38;
	[tilespmem:$0x18000] =	vst v63  }
0xd8: {  	s17 =	sand.u32 @!p0 $0x380, s30;
	s9 =	simm.s32 $0x4;
	s5 =	sadd.s32 @!p0 $0x3000, s16  }
0xd9: {  	s2 =	sor.u32 @!p0 s17, s2;
	_ =	swait.ge [sflag:s9], $0x2000;
	[dreg:$0x1b] =	wrdreg s5  }
0xda: {  	s12 =	ssub.s32 @!p0 s21, s0;
	[dreg:$0xc] =	wrdreg s2;
	[sflag:s9] =	ssyncset.done $0x0  }
0xdb: {  	[dreg:$0x11] =	wrdreg s18;
	s5 =	sshll.u32 s18, $0xD;
	[sflag:s9] =	ssyncadd.s32 $0xFFFFE000  }
0xdc: {  	s21 =	sadd.s32 @!p0 $0xA0, s4;
	s2 =	sor.u32 s5, s3;
	_ =	swait.ge [sflag:s9], $0x2000  }
0xdd: {  	s16 =	sadd.s32 @!p0 $0x3400, s16;
	s2 =	sshrl.u32 s2, $0x3;
	[sflag:s9] =	ssyncset.done $0x0  }
0xde: {  	s17 =	sand.u32 @!p0 $0x1C00, s16;
	[dreg:$0x18] =	wrdreg s2;
	[sflag:s9] =	ssyncadd.s32 $0xFFFFE000  }
0xdf: {  	s18 =	smov.u32 s20;
	s5 =	rddreg [dreg:$0x8];
	_ =	swait.ge [sflag:s9], $0x2000  }
0xe0: {  	s20 =	sshll.u32 s26, $0x4;
	s16 =	sshll.u32 s5, $0x4;
	[sflag:s9] =	ssyncset.done $0x0  }
0xe1: {  	s26 =	sand.u32 $0x380, s20;
	s2 =	sand.u32 $0x380, s16;
	[sflag:s9] =	ssyncadd.s32 $0xFFFFE000  }
0xe2: {  	s16 =	sand.u32 @!p0 $0x380, s21;
	s21 =	sld [smem:$0x7E4];
	_ =	swait.ge [sflag:s9], $0x2000  }
0xe3: {  	s25 =	sshll.u32 s31, $0xD;
	s20 =	sor.u32 s26, s6;
	[sflag:s9] =	ssyncset.done $0x0  }
0xe4: {  	s26 =	smov.u32 s5;
	s24 =	sld [smem:$0x7E5];
	[sflag:s9] =	ssyncadd.s32 $0xFFFFE000  }
0xe5: {  	s3 =	sshrl.u32 s28, $0x3;
	_ =	swait.ge [sflag:s9], $0x2000;
	[dreg:$0x12] =	wrdreg s26  }
0xe6: {  	s3 =	sshll.u32 s3, $0x10;
	s28 =	sshll.u32 s21, $0xA;
	s21 =	rddreg [dreg:$0xa]  }
0xe7: {  	s6 =	sshll.u32 @!p0 s12, $0xF;
	s3 =	sor.u32 s25, s3;
	s5 =	sld [smem:$0x7E6]  }
0xe8: {  	s12 =	sor.u32 s28, s24;
	[sflag:s9] =	ssyncset.done $0x0;
	s25 =	rddreg [dreg:$0x15]  }
0xe9: {  	s2 =	sor.u32 s2, s12;
	s24 =	sshll.u32 s21, $0xA;
	[sflag:s9] =	ssyncadd.s32 $0xFFFFE000  }
0xea: {  	s9 =	smov.u32 s13;
	s13 =	rddreg [dreg:$0x13];
	s26 =	sor.u32 s24, s25  }
0xeb: {  	s25 =	simm.s32 $0x80;
	s21 =	sand.u32 @!p1 $0x1800, s5;
	s5 =	sld [smem:$0x7E7]  }
0xec: {  	[tilespmem:s15], [sflag:$0x2] =	stream.indirect.gather [hbm4b:s7+s25], $0x40, s2, s25, $0xb8;
	[tilespmem:$0x18000] =	vst v63  }
0xed: {  	[dreg:$0x8] =	wrdreg s9  }
0xee: {  	[tilespmem:s1], [sflag:$0x2] =	stream.indirect.gather [hbm4b:s7+s25], $0x40, s20, s25, $0xb8;
	[tilespmem:$0x18000] =	vst v63  }
0xef: {  	s21 =	sor.u32 @!p1 s21, s5;
	s5 =	rddreg [dreg:$0x16]  }
0xf0: {  	s9 =	rddreg [dreg:$0x1e];
	s2 =	sor.u32 s5, s26  }
0xf1: {  	[tilespmem:s19], [sflag:$0x2] =	stream.indirect.gather [hbm4b:s7+s25], $0x40, s2, s25, $0xb8;
	[tilespmem:$0x18000] =	vst v63  }
0xf2: {  	s2 =	sld [smem:$0x7E9]  }
0xf3: {  	s29 =	sshrl.u32 s23, $0x3;
	s15 =	sand.u32 $0x380, s13;
	s20 =	rddreg [dreg:$0x1f]  }
0xf4: {  	s1 =	rddreg [dreg:$0xb];
	s24 =	sshll.u32 s20, $0xA;
	s20 =	smov.u32 s31  }
0xf5: {  	s26 =	smov.u32 s23;
	[dreg:$0xa] =	wrdreg s20;
	s5 =	sor.u32 s15, s2  }
0xf6: {  	[tilespmem:s8], [sflag:$0x2] =	stream.indirect.gather [hbm4b:s7+s25], $0x40, s5, s25, $0xb8;
	[tilespmem:$0x18000] =	vst v63  }
0xf7: {  	s23 =	rddreg [dreg:$0x17];
	s15 =	sor.u32 s24, s9;
	s5 =	smov.u32 s10  }
0xf8: {  	s24 =	sor.u32 s23, s15;
	s8 =	simm.s32 $0x1;
	[dreg:$0xb] =	wrdreg s5  }
0xf9: {  	[tilespmem:s14], [sflag:$0x2] =	stream.indirect.gather [hbm4b:s7+s25], $0x40, s24, s25, $0xb8;
	[tilespmem:$0x18000] =	vst v63  }
0xfa: {  	s19 =	sld [smem:$0x7E8];
	_ =	swait.ge [sflag:s8], $0x2000  }
0xfb: {  	s12 =	sshrl.u32 s3, $0x3;
	s3 =	sadd.s32 @!p1 $0xFFFFFFFF, s1;
	s1 =	sld [smem:$0x7EA]  }
0xfc: {  	_ =	sdelay $0x1  }
0xfd: {  	s2 =	sshra.s32 @!p1 s1, $0x2;
	s1 =	sld [smem:$0x7EB]  }
0xfe: {  	[sflag:s8] =	ssyncset.done $0x0  }
0xff: {  	s7 =	sadd.s32 $0xFFFFFFFA, s10;
	s5 =	rddreg [dreg:$0xf];
	[sflag:s8] =	ssyncadd.s32 $0xFFFFE000  }
0x100: {  	s2 =	sor.u32 @!p1 s1, s2;
	s1 =	sld [smem:$0x7EC];
	_ =	swait.ge [sflag:s8], $0x2000  }
0x101: {  	s14 =	sshll.u32 s22, $0x4;
	s9 =	sshll.u32 s7, $0x4;
	[sflag:s8] =	ssyncset.done $0x0  }
0x102: {  	s22 =	sshrl.u32 s7, $0x3;
	[dreg:$0x13] =	wrdreg s9;
	[sflag:s8] =	ssyncadd.s32 $0xFFFFE000  }
0x103: {  	s24 =	sshll.u32 s22, $0x10;
	_ =	swait.ge [sflag:s8], $0x2000  }
0x104: {  	s13 =	sadd.s32 @!p1 $0xC0, s5;
	s15 =	sadd.s32 @!p1 $0xD0, s5;
	[sflag:s8] =	ssyncset.done $0x0  }
0x105: {  	s5 =	sand.u32 $0x380, s14;
	s23 =	sor.u32 @!p1 s1, s2;
	[sflag:s8] =	ssyncadd.s32 $0xFFFFE000  }
0x106: {  	s2 =	sshrl.u32 @!p1 s3, $0x6;
	s3 =	smov.u32 s29;
	_ =	swait.ge [sflag:s8], $0x2000  }
0x107: {  	s29 =	sand.u32 $0x6, s7;
	s1 =	sshrl.u32 s7, $0x6;
	[sflag:s8] =	ssyncset.done $0x0  }
0x108: {  	s7 =	smov.u32 s4;
	[dreg:$0x17] =	wrdreg s5;
	[sflag:s8] =	ssyncadd.s32 $0xFFFFE000  }
0x109: {  	s2 =	ssub.s32 @!p1 s2, s0;
	_ =	swait.ge [sflag:s8], $0x2000;
	[dreg:$0xf] =	wrdreg s7  }
0x10a: {  	s1 =	ssub.s32 s1, s0;
	s25 =	sshll.u32 s29, $0xD;
	s0 =	rddreg [dreg:$0x1d]  }
0x10b: {  	s30 =	sand.u32 @!p1 $0x380, s15;
	s15 =	sor.u32 s25, s24;
	s9 =	sld [smem:$0x7ED]  }
0x10c: {  	s11 =	sadd.s32 $0x2800, s11;
	s22 =	sshrl.u32 s15, $0x3;
	s15 =	sld [smem:$0x7EE]  }
0x10d: {  	p2 =	sne.s32 s11, $0xC800;
	s13 =	sand.u32 @!p1 $0x380, s13;
	s20 =	sld [smem:$0x7EF]  }
0x10e: {  	s2 =	sshll.u32 @!p1 s2, $0xF;
	s5 =	smov.u32 s4;
	s4 =	sld [smem:$0x7F0]  }
0x10f: {  	s13 =	sor.u32 @!p1 s13, s21;
	s2 =	sshra.s32 @!p1 s2, $0x2;
	s7 =	rddreg [dreg:$0x10]  }
0x110: {  	[sflag:s8] =	ssyncset.done $0x0;
	s24 =	sor.u32 @!p1 s0, s2;
	s2 =	rddreg [dreg:$0x4]  }
0x111: {  	s31 =	sor.u32 @!p1 $0x400, s23;
	[sflag:s8] =	ssyncadd.s32 $0xFFFFE000;
	s8 =	sld [smem:$0x7F1]  }
.Ltmp0:
0x112: {  	s14 =	smov.u32 s9;
	s21 =	smov.u32 s15;
	(pc) =	sbr.rel @p2 .LBB2_2-.Ltmp0, $4  }
0x113: {  	s25 =	smov.u32 s20;
	s20 =	smov.u32 s4;
	[dreg:$0x15] =	wrdreg s14  }
0x114: {  	s15 =	simm.s32 $0x0;
	[dreg:$0x16] =	wrdreg s25;
	s9 =	smov.u32 s8  }
0x115: {  	s25 =	sadd.s32 s7, s2;
	s14 =	simm.s32 $0x4000;
	[dreg:$0x10] =	wrdreg s9  }
0x116: {  	[hbm4b:s25+s15] =	stream.linear.scatter [tilespmem:s14], [sflag:$0x3], $0x2000, $0x38;
	[tilespmem:$0x18000] =	vst v63  }
0x117: {  	s0 =	sadd.s32 $0x400, s25;
	s4 =	simm.s32 $0x0;
	s2 =	simm.s32 $0x6000  }
0x118: {  	[hbm4b:s0+s4] =	stream.linear.scatter [tilespmem:s2], [sflag:$0x3], $0x2000, $0x38;
	[tilespmem:$0x18000] =	vst v63  }
0x119: {  	s8 =	sadd.s32 $0x800, s25;
	s9 =	simm.s32 $0x8000  }
0x11a: {  	[hbm4b:s8+s4] =	stream.linear.scatter [tilespmem:s9], [sflag:$0x3], $0x2000, $0x38;
	[tilespmem:$0x18000] =	vst v63  }
0x11b: {  	s10 =	sadd.s32 $0xC00, s25;
	s11 =	simm.s32 $0xA000  }
0x11c: {  	[hbm4b:s10+s4] =	stream.linear.scatter [tilespmem:s11], [sflag:$0x3], $0x2000, $0x38;
	[tilespmem:$0x18000] =	vst v63  }
0x11d: {  	s14 =	sadd.s32 $0x1000, s25;
	s25 =	simm.s32 $0xC000;
	s8 =	simm.s32 $0x3  }
0x11e: {  	[hbm4b:s14+s4] =	stream.linear.scatter [tilespmem:s25], [sflag:$0x3], $0x2000, $0x38;
	[tilespmem:$0x18000] =	vst v63  }
0x11f: {  	_ =	swait.ge [sflag:s8], $0x2000  }
0x120: {  	[sflag:s8] =	ssyncset.done $0x0  }
0x121: {  	[sflag:s8] =	ssyncadd.s32 $0xFFFFE000  }
0x122: {  	_ =	swait.ge [sflag:s8], $0x2000  }
0x123: {  	[sflag:s8] =	ssyncset.done $0x0  }
0x124: {  	[sflag:s8] =	ssyncadd.s32 $0xFFFFE000  }
0x125: {  	_ =	swait.ge [sflag:s8], $0x2000  }
0x126: {  	[sflag:s8] =	ssyncset.done $0x0  }
0x127: {  	[sflag:s8] =	ssyncadd.s32 $0xFFFFE000  }
0x128: {  	_ =	swait.ge [sflag:s8], $0x2000  }
0x129: {  	[sflag:s8] =	ssyncset.done $0x0  }
0x12a: {  	[sflag:s8] =	ssyncadd.s32 $0xFFFFE000  }
0x12b: {  	p1 =	por p1, p1;
	_ =	swait.ge [sflag:s8], $0x2000  }
0x12c: {  	s0 =	simm.s32 @!p1 $0x4000;
	[sflag:s8] =	ssyncset.done $0x0  }
0x12d: {  	s2 =	simm.s32 @!p1 $0x80;
	s5 =	rddreg [dreg:$0x6];
	[sflag:s8] =	ssyncadd.s32 $0xFFFFE000  }
0x12e: {  	[tilespmem:s0], [sflag:$0x1] =	stream.indirect.gather @!p1 [hbm4b:s5+s2], $0x40, s23, s2, $0xb8;
	[tilespmem:$0x18000] =	vst v63  }
0x12f: {  	s0 =	simm.s32 @!p1 $0x6000  }
0x130: {  	[tilespmem:s0], [sflag:$0x1] =	stream.indirect.gather @!p1 [hbm4b:s5+s2], $0x40, s31, s2, $0xb8;
	[tilespmem:$0x18000] =	vst v63  }
0x131: {  	s0 =	simm.s32 @!p1 $0x8000  }
0x132: {  	[tilespmem:s0], [sflag:$0x1] =	stream.indirect.gather @!p1 [hbm4b:s5+s2], $0x40, s13, s2, $0xb8;
	[tilespmem:$0x18000] =	vst v63  }
0x133: {  	s7 =	simm.s32 @!p1 $0xA000;
	s0 =	sor.u32 @!p1 s30, s24  }
0x134: {  	[tilespmem:s7], [sflag:$0x1] =	stream.indirect.gather @!p1 [hbm4b:s5+s2], $0x40, s0, s2, $0xb8;
	[tilespmem:$0x18000] =	vst v63  }
0x135: {  	s24 =	simm.s32 $0x2;
	s0 =	simm.s32 @!p1 $0xC000;
	s7 =	rddreg [dreg:$0x9]  }
0x136: {  	[tilespmem:s0], [sflag:$0x1] =	stream.indirect.gather @!p1 [hbm4b:s5+s2], $0x40, s7, s2, $0xb8;
	[tilespmem:$0x18000] =	vst v63  }
0x137: {  	_ =	swait.ge [sflag:s24], $0x2000  }
0x138: {  	[sflag:s24] =	ssyncset.done $0x0  }
0x139: {  	[sflag:s24] =	ssyncadd.s32 $0xFFFFE000  }
0x13a: {  	_ =	swait.ge [sflag:s24], $0x2000  }
0x13b: {  	[sflag:s24] =	ssyncset.done $0x0  }
0x13c: {  	[sflag:s24] =	ssyncadd.s32 $0xFFFFE000  }
0x13d: {  	_ =	swait.ge [sflag:s24], $0x2000  }
0x13e: {  	[sflag:s24] =	ssyncset.done $0x0  }
0x13f: {  	[sflag:s24] =	ssyncadd.s32 $0xFFFFE000  }
0x140: {  	_ =	swait.ge [sflag:s24], $0x2000  }
0x141: {  	[sflag:s24] =	ssyncset.done $0x0  }
0x142: {  	[sflag:s24] =	ssyncadd.s32 $0xFFFFE000  }
0x143: {  	s15 =	rddreg [dreg:$0x12];
	_ =	swait.ge [sflag:s24], $0x2000  }
0x144: {  	s0 =	sshrl.u32 s15, $0x3;
	s9 =	rddreg [dreg:$0x2]  }
0x145: {  	s0 =	sshll.u32 s0, $0xD;
	[sflag:s24] =	ssyncset.done $0x0;
	s23 =	sadd.s32 s9, s28  }
0x146: {  	[sflag:s24] =	ssyncadd.s32 $0xFFFFE000;
	s0 =	sadd.s32 s0, s23;
	s23 =	simm.s32 $0xE000  }
0x147: {  	[hbm4b:s0+s4] =	stream.linear.scatter [tilespmem:s23], [sflag:$0x4], $0x2000, $0x38;
	[tilespmem:$0x18000] =	vst v63  }
0x148: {  	s15 =	simm.s32 $0x10000;
	s28 =	sadd.s32 s9, s21  }
0x149: {  	[hbm4b:s28+s4] =	stream.linear.scatter [tilespmem:s15], [sflag:$0x4], $0x2000, $0x38;
	[tilespmem:$0x18000] =	vst v63  }
0x14a: {  	s31 =	rddreg [dreg:$0xe];
	s30 =	sadd.s32 s9, s19;
	s21 =	simm.s32 $0x12000  }
0x14b: {  	[hbm4b:s30+s4] =	stream.linear.scatter [tilespmem:s21], [sflag:$0x4], $0x2000, $0x38;
	[tilespmem:$0x18000] =	vst v63  }
0x14c: {  	s2 =	rddreg [dreg:$0xd];
	s19 =	simm.s32 $0x14000;
	s0 =	sadd.s32 s9, s31  }
0x14d: {  	[hbm4b:s0+s4] =	stream.linear.scatter [tilespmem:s19], [sflag:$0x4], $0x2000, $0x38;
	[tilespmem:$0x18000] =	vst v63  }
0x14e: {  	s14 =	simm.s32 $0x4;
	s28 =	simm.s32 $0x16000;
	s0 =	sadd.s32 s9, s2  }
0x14f: {  	[hbm4b:s0+s4] =	stream.linear.scatter [tilespmem:s28], [sflag:$0x4], $0x2000, $0x38;
	[tilespmem:$0x18000] =	vst v63  }
0x150: {  	_ =	swait.ge [sflag:s14], $0x2000  }
0x151: {  	[sflag:s14] =	ssyncset.done $0x0  }
0x152: {  	[sflag:s14] =	ssyncadd.s32 $0xFFFFE000  }
0x153: {  	_ =	swait.ge [sflag:s14], $0x2000  }
0x154: {  	[sflag:s14] =	ssyncset.done $0x0  }
0x155: {  	[sflag:s14] =	ssyncadd.s32 $0xFFFFE000  }
0x156: {  	_ =	swait.ge [sflag:s14], $0x2000  }
0x157: {  	[sflag:s14] =	ssyncset.done $0x0  }
0x158: {  	[sflag:s14] =	ssyncadd.s32 $0xFFFFE000  }
0x159: {  	_ =	swait.ge [sflag:s14], $0x2000  }
0x15a: {  	[sflag:s14] =	ssyncset.done $0x0  }
0x15b: {  	[sflag:s14] =	ssyncadd.s32 $0xFFFFE000  }
0x15c: {  	_ =	swait.ge [sflag:s14], $0x2000  }
0x15d: {  	s0 =	sshll.u32 s20, $0xA;
	s20 =	rddreg [dreg:$0x8]  }
0x15e: {  	s10 =	sor.u32 s0, s18;
	s18 =	simm.s32 $0x80;
	s7 =	sshll.u32 s20, $0x4  }
0x15f: {  	[sflag:s14] =	ssyncset.done $0x0;
	s13 =	rddreg [dreg:$0x5];
	s2 =	sand.u32 $0x380, s7  }
0x160: {  	s11 =	rddreg [dreg:$0x14];
	[sflag:s14] =	ssyncadd.s32 $0xFFFFE000;
	s2 =	sor.u32 s2, s10  }
0x161: {  	[tilespmem:s23], [sflag:$0x2] =	stream.indirect.gather [hbm4b:s5+s18], $0x40, s2, s18, $0xb8;
	[tilespmem:$0x18000] =	vst v63  }
0x162: {  	s1 =	sshll.u32 s1, $0xF;
	s30 =	rddreg [dreg:$0x15];
	s2 =	ssub.s32 s11, s13  }
0x163: {  	s31 =	rddreg [dreg:$0x16];
	s7 =	sand.u32 $0x6, s26;
	s2 =	sshll.u32 s2, $0xF  }
0x164: {  	s10 =	sshll.u32 s26, $0x4;
	s11 =	sshll.u32 s7, $0xA;
	s2 =	sshra.s32 s2, $0x2  }
0x165: {  	s26 =	rddreg [dreg:$0xa];
	s10 =	sand.u32 $0x380, s10;
	s2 =	sor.u32 s11, s2  }
0x166: {  	s11 =	sshll.u32 s26, $0xA;
	s26 =	rddreg [dreg:$0x13];
	s2 =	sor.u32 s10, s2  }
0x167: {  	s10 =	sor.u32 s11, s30;
	s11 =	sshll.u32 s29, $0xA;
	s29 =	rddreg [dreg:$0x11]  }
0x168: {  	[tilespmem:s15], [sflag:$0x2] =	stream.indirect.gather [hbm4b:s5+s18], $0x40, s2, s18, $0xb8;
	[tilespmem:$0x18000] =	vst v63  }
0x169: {  	s1 =	sshra.s32 s1, $0x2;
	s30 =	rddreg [dreg:$0x1c];
	s2 =	sor.u32 s31, s10  }
0x16a: {  	[tilespmem:s21], [sflag:$0x2] =	stream.indirect.gather [hbm4b:s5+s18], $0x40, s2, s18, $0xb8;
	[tilespmem:$0x18000] =	vst v63  }
0x16b: {  	s1 =	sor.u32 s11, s1;
	s10 =	sshll.u32 s29, $0xA;
	s2 =	sand.u32 $0x380, s26  }
0x16c: {  	s31 =	rddreg [dreg:$0x17];
	s1 =	sor.u32 s2, s1;
	s2 =	sor.u32 s10, s30  }
0x16d: {  	[tilespmem:s19], [sflag:$0x2] =	stream.indirect.gather [hbm4b:s5+s18], $0x40, s1, s18, $0xb8;
	[tilespmem:$0x18000] =	vst v63  }
0x16e: {  	s1 =	sor.u32 s31, s2  }
0x16f: {  	[tilespmem:s28], [sflag:$0x2] =	stream.indirect.gather [hbm4b:s5+s18], $0x40, s1, s18, $0xb8;
	[tilespmem:$0x18000] =	vst v63  }
0x170: {  	s1 =	simm.s32 $0x1  }
0x171: {  	_ =	swait.ge [sflag:s1], $0x2000  }
0x172: {  	[sflag:s1] =	ssyncset.done $0x0  }
0x173: {  	[sflag:s1] =	ssyncadd.s32 $0xFFFFE000  }
0x174: {  	_ =	swait.ge [sflag:s1], $0x2000  }
0x175: {  	[sflag:s1] =	ssyncset.done $0x0  }
0x176: {  	[sflag:s1] =	ssyncadd.s32 $0xFFFFE000  }
0x177: {  	_ =	swait.ge [sflag:s1], $0x2000  }
0x178: {  	[sflag:s1] =	ssyncset.done $0x0  }
0x179: {  	[sflag:s1] =	ssyncadd.s32 $0xFFFFE000  }
0x17a: {  	_ =	swait.ge [sflag:s1], $0x2000  }
0x17b: {  	[sflag:s1] =	ssyncset.done $0x0  }
0x17c: {  	[sflag:s1] =	ssyncadd.s32 $0xFFFFE000  }
0x17d: {  	_ =	swait.ge [sflag:s1], $0x2000  }
0x17e: {  	s10 =	rddreg [dreg:$0x4]  }
0x17f: {  	[sflag:s1] =	ssyncset.done $0x0;
	s11 =	rddreg [dreg:$0x10]  }
0x180: {  	s18 =	simm.s32 $0x4000;
	[sflag:s1] =	ssyncadd.s32 $0xFFFFE000;
	s1 =	sadd.s32 s11, s10  }
0x181: {  	[hbm4b:s1+s4] =	stream.linear.scatter [tilespmem:s18], [sflag:$0x3], $0x2000, $0x38;
	[tilespmem:$0x18000] =	vst v63  }
0x182: {  	s29 =	simm.s32 $0x6000;
	s26 =	sadd.s32 $0x400, s1  }
0x183: {  	[hbm4b:s26+s4] =	stream.linear.scatter [tilespmem:s29], [sflag:$0x3], $0x2000, $0x38;
	[tilespmem:$0x18000] =	vst v63  }
0x184: {  	s31 =	simm.s32 $0x8000;
	s30 =	sadd.s32 $0x800, s1  }
0x185: {  	[hbm4b:s30+s4] =	stream.linear.scatter [tilespmem:s31], [sflag:$0x3], $0x2000, $0x38;
	[tilespmem:$0x18000] =	vst v63  }
0x186: {  	s11 =	simm.s32 $0xA000;
	s10 =	sadd.s32 $0xC00, s1  }
0x187: {  	[hbm4b:s10+s4] =	stream.linear.scatter [tilespmem:s11], [sflag:$0x3], $0x2000, $0x38;
	[tilespmem:$0x18000] =	vst v63  }
0x188: {  	s1 =	sadd.s32 $0x1000, s1  }
0x189: {  	[hbm4b:s1+s4] =	stream.linear.scatter [tilespmem:s25], [sflag:$0x3], $0x2000, $0x38;
	[tilespmem:$0x18000] =	vst v63  }
0x18a: {  	_ =	swait.ge [sflag:s8], $0x2000  }
0x18b: {  	[sflag:s8] =	ssyncset.done $0x0  }
0x18c: {  	[sflag:s8] =	ssyncadd.s32 $0xFFFFE000  }
0x18d: {  	_ =	swait.ge [sflag:s8], $0x2000  }
0x18e: {  	[sflag:s8] =	ssyncset.done $0x0  }
0x18f: {  	[sflag:s8] =	ssyncadd.s32 $0xFFFFE000  }
0x190: {  	_ =	swait.ge [sflag:s8], $0x2000  }
0x191: {  	[sflag:s8] =	ssyncset.done $0x0  }
0x192: {  	[sflag:s8] =	ssyncadd.s32 $0xFFFFE000  }
0x193: {  	_ =	swait.ge [sflag:s8], $0x2000  }
0x194: {  	p0 =	por p0, p0;
	[sflag:s8] =	ssyncset.done $0x0  }
0x195: {  	p1 =	por p0, p0;
	[sflag:s8] =	ssyncadd.s32 $0xFFFFE000  }
0x196: {  	s1 =	sshra.s32 @!p0 s6, $0x2;
	s2 =	rddreg [dreg:$0x1a];
	_ =	swait.ge [sflag:s8], $0x2000  }
0x197: {  	s6 =	simm.s32 @!p1 $0x80;
	s1 =	sor.u32 @!p0 s2, s1;
	[sflag:s8] =	ssyncset.done $0x0  }
0x198: {  	s2 =	simm.s32 @!p1 $0x4000;
	s1 =	sor.u32 @!p0 s16, s1;
	[sflag:s8] =	ssyncadd.s32 $0xFFFFE000  }
0x199: {  	[tilespmem:s2], [sflag:$0x1] =	stream.indirect.gather @!p1 [hbm4b:s5+s6], $0x40, s1, s6, $0xb8;
	[tilespmem:$0x18000] =	vst v63  }
0x19a: {  	s8 =	rddreg [dreg:$0xf];
	s1 =	sor.u32 @!p0 $0x400, s1;
	s2 =	simm.s32 @!p1 $0x6000  }
0x19b: {  	[tilespmem:s2], [sflag:$0x1] =	stream.indirect.gather @!p1 [hbm4b:s5+s6], $0x40, s1, s6, $0xb8;
	[tilespmem:$0x18000] =	vst v63  }
0x19c: {  	s1 =	rddreg [dreg:$0x1b]  }
0x19d: {  	s10 =	rddreg [dreg:$0x19];
	s2 =	sadd.s32 @!p0 $0xC0, s8;
	s1 =	sand.u32 @!p0 $0x1800, s1  }
0x19e: {  	s2 =	sand.u32 @!p0 $0x380, s2;
	s1 =	sor.u32 @!p0 s1, s10  }
0x19f: {  	s1 =	sor.u32 @!p0 s2, s1;
	s2 =	simm.s32 @!p1 $0x8000  }
0x1a0: {  	[tilespmem:s2], [sflag:$0x1] =	stream.indirect.gather @!p1 [hbm4b:s5+s6], $0x40, s1, s6, $0xb8;
	[tilespmem:$0x18000] =	vst v63  }
0x1a1: {  	s1 =	rddreg [dreg:$0xb]  }
0x1a2: {  	s1 =	sadd.s32 @!p0 $0xFFFFFFFF, s1  }
0x1a3: {  	s1 =	sshrl.u32 @!p0 s1, $0x6  }
0x1a4: {  	s1 =	ssub.s32 @!p0 s1, s13  }
0x1a5: {  	s1 =	sshll.u32 @!p0 s1, $0xF  }
0x1a6: {  	s2 =	sadd.s32 @!p0 $0xD0, s8;
	s1 =	sshra.s32 @!p0 s1, $0x2  }
0x1a7: {  	s2 =	sand.u32 @!p0 $0x380, s2;
	s1 =	sor.u32 @!p0 s17, s1  }
0x1a8: {  	s1 =	sor.u32 @!p1 s2, s1;
	s2 =	simm.s32 @!p1 $0xA000  }
0x1a9: {  	[tilespmem:s2], [sflag:$0x1] =	stream.indirect.gather @!p1 [hbm4b:s5+s6], $0x40, s1, s6, $0xb8;
	[tilespmem:$0x18000] =	vst v63  }
0x1aa: {  	s1 =	simm.s32 @!p1 $0xC000;
	s2 =	rddreg [dreg:$0xc]  }
0x1ab: {  	[tilespmem:s1], [sflag:$0x1] =	stream.indirect.gather @!p1 [hbm4b:s5+s6], $0x40, s2, s6, $0xb8;
	[tilespmem:$0x18000] =	vst v63  }
0x1ac: {  	_ =	swait.ge [sflag:s24], $0x2000  }
0x1ad: {  	[sflag:s24] =	ssyncset.done $0x0  }
0x1ae: {  	[sflag:s24] =	ssyncadd.s32 $0xFFFFE000  }
0x1af: {  	_ =	swait.ge [sflag:s24], $0x2000  }
0x1b0: {  	[sflag:s24] =	ssyncset.done $0x0  }
0x1b1: {  	[sflag:s24] =	ssyncadd.s32 $0xFFFFE000  }
0x1b2: {  	_ =	swait.ge [sflag:s24], $0x2000  }
0x1b3: {  	[sflag:s24] =	ssyncset.done $0x0  }
0x1b4: {  	[sflag:s24] =	ssyncadd.s32 $0xFFFFE000  }
0x1b5: {  	_ =	swait.ge [sflag:s24], $0x2000  }
0x1b6: {  	[sflag:s24] =	ssyncset.done $0x0  }
0x1b7: {  	s0 =	sadd.s32 s9, s0;
	s20 =	sshrl.u32 s20, $0x3;
	[sflag:s24] =	ssyncadd.s32 $0xFFFFE000  }
0x1b8: {  	s18 =	sshll.u32 s3, $0x10;
	s17 =	sshll.u32 s7, $0xD;
	_ =	swait.ge [sflag:s24], $0x2000  }
0x1b9: {  	s3 =	sshll.u32 s20, $0xD;
	s1 =	sor.u32 s17, s18;
	[sflag:s24] =	ssyncset.done $0x0  }
0x1ba: {  	s0 =	sadd.s32 s3, s0;
	[sflag:s24] =	ssyncadd.s32 $0xFFFFE000;
	s24 =	sshrl.u32 s1, $0x3  }
0x1bb: {  	[hbm4b:s0+s4] =	stream.linear.scatter [tilespmem:s23], [sflag:$0x4], $0x2000, $0x38;
	[tilespmem:$0x18000] =	vst v63  }
0x1bc: {  	s0 =	sadd.s32 s9, s24  }
0x1bd: {  	[hbm4b:s0+s4] =	stream.linear.scatter [tilespmem:s15], [sflag:$0x4], $0x2000, $0x38;
	[tilespmem:$0x18000] =	vst v63  }
0x1be: {  	s25 =	sadd.s32 s9, s12  }
0x1bf: {  	[hbm4b:s25+s4] =	stream.linear.scatter [tilespmem:s21], [sflag:$0x4], $0x2000, $0x38;
	[tilespmem:$0x18000] =	vst v63  }
0x1c0: {  	s26 =	sadd.s32 s9, s22;
	s29 =	rddreg [dreg:$0x18]  }
0x1c1: {  	[hbm4b:s26+s4] =	stream.linear.scatter [tilespmem:s19], [sflag:$0x4], $0x2000, $0x38;
	[tilespmem:$0x18000] =	vst v63  }
0x1c2: {  	s0 =	sadd.s32 s9, s29  }
0x1c3: {  	[hbm4b:s0+s4] =	stream.linear.scatter [tilespmem:s28], [sflag:$0x4], $0x2000, $0x38;
	[tilespmem:$0x18000] =	vst v63  }
0x1c4: {  	_ =	swait.ge [sflag:s14], $0x2000  }
0x1c5: {  	[sflag:s14] =	ssyncset.done $0x0  }
0x1c6: {  	[sflag:s14] =	ssyncadd.s32 $0xFFFFE000  }
0x1c7: {  	_ =	swait.ge [sflag:s14], $0x2000  }
0x1c8: {  	[sflag:s14] =	ssyncset.done $0x0  }
0x1c9: {  	[sflag:s14] =	ssyncadd.s32 $0xFFFFE000  }
0x1ca: {  	_ =	swait.ge [sflag:s14], $0x2000  }
0x1cb: {  	[sflag:s14] =	ssyncset.done $0x0  }
0x1cc: {  	[sflag:s14] =	ssyncadd.s32 $0xFFFFE000  }
0x1cd: {  	_ =	swait.ge [sflag:s14], $0x2000  }
0x1ce: {  	[sflag:s14] =	ssyncset.done $0x0  }
0x1cf: {  	[sflag:s14] =	ssyncadd.s32 $0xFFFFE000  }
0x1d0: {  	_ =	swait.ge [sflag:s14], $0x2000  }
0x1d1: {  	s30 =	sld [smem:$0x7F2]  }
0x1d2: {  	s31 =	sld [smem:$0x7FB];
	_ =	sdelay $0x1  }
0x1d3: {  	s1 =	sadd.s32 $0x1, s30  }
0x1d4: {  	p0 =	sne.s32 s1, s31  }
.Ltmp1:
0x1d5: {  	_ = 	snop;
	(pc) =	sbr.rel @p0 .LBB2_1-.Ltmp1, $3  }
0x1d6: {  	_ =	sdelay $0x1  }
0x1d7: {  	s20 =	simm.s32 $0x10000;
	[sflag:s14] =	ssyncset.done $0x0  }
0x1d8: {  	s16 =	simm.s32 $0xE000;
	s22 =	rddreg [dreg:$0x7];
	[sflag:s14] =	ssyncadd.s32 $0xFFFFE000  }
0x1d9: {  	_ =	sfence.sel $0x180000  }
0x1da: {  	[bflag:$0x0] =	sbarrier.arrive $0xFFFF  }
0x1db: {  	_ =	strace $0x90000047  }
0x1dc: {  	s0 =	stileid.u32;
	[bflag:$0x2] =	sbarrier.arrive $0xFFFF  }
0x1dd: {  	p0 =	sne.s32 s0, $0x0;
	s0 =	rddreg [dreg:$0x3]  }
0x1de: {  	s0 =	sadd.s32 @!p0 $0x100000, s0  }
0x1df: {  	[sflag:s0] =	ssyncadd.tile.s32 @!p0 $0x1;
	_ =	shalt  }
.Lfunc_end2:
_tile_overlayer_lowered:
.L_overlay_start_2:
0x1e0: {  	(tag) =	ssettag $0x2  }
0x1e1: {  	s0 =	rddreg [dreg:$0x0];
	s2 =	stileid.u32  }
0x1e2: {  	s1 =	rddreg [dreg:$0x1];
	p0 =	sne.s32 s2, $0x0  }
0x1e3: {  	s3 =	rddreg [dreg:$0x2];
	[bflag:$0x3] =	sbarrier.arrive $0xFFFF;
	s2 =	simm.s32 @!p0 $0x1C05  }
0x1e4: {  	[timem:s3], [sflag:s2] =	dma.local @!p0 [hbm:s0], s1  }
0x1e5: {  	s0 =	simm.s32 @!p0 $0x5  }
0x1e6: {  	_ =	swait.ge @!p0 [sflag:s0], s1  }
0x1e7: {  	s1 =	ssub.s32 @!p0 $0x0, s1;
	[sflag:s0] =	ssyncset.done @!p0 $0x0  }
0x1e8: {  	[sflag:s0] =	ssyncadd.s32 @!p0 s1  }
0x1e9: {  	[bflag:$0x3] =	sbarrier.arrive $0xFFFF  }
0x1ea: {  	_ =	shalt  }

// kernel: sparse-core-data-format-call.cloned.1.call-start
scs
called_computation_lowered:
.L_overlay_start_0:
0x0: {  	s2 =	sld [smem:$0x3FD9]  }
0x1: {  	s3 =	sld [smem:$0x3FFE];
	_ =	sdelay $0x1  }
0x2: {  	s1 =	srdreg.scid  }
0x3: {  	s0 =	sand.u32 $0x1, s1  }
0x4: {  	s18 =	sshll.u32 s0, $0xA;
	s2 =	sadd.s32 s3, s2  }
0x5: {  	s2 =	sadd.s32 s2, s18  }
0x6: {  	[smem:$0x3FC6] =	sst s2  }
0x7: {  	_ = 	snop  }
0x8: {  	s2 =	sld [smem:$0x3FD0];
	(tm) =	ssettm $0x1  }
0x9: {  	s19 =	sld [smem:$0x3FFB];
	_ =	sdelay $0x3  }
0xa: {  	_ =	strace s19  }
0xb: {  	s3 =	sld [smem:$0x3FFC];
	_ =	sdelay $0x3  }
0xc: {  	_ =	strace s3  }
0xd: {  	s3 =	sld [smem:$0x3FFD];
	_ =	sdelay $0x3  }
0xe: {  	_ =	strace s3  }
0xf: {  	_ =	strace $0x8FFFFFFF  }
0x10: {  	s20 =	sld [smem:$0x3FDB];
	_ =	sdelay $0x1  }
0x11: {  	s4 =	simm.s32 $_scs_section_size  }
0x12: {  	s5 =	simm.s32 $_size__tile_overlayer_lowered;
	s6 =	simm.s32 $_tile_overlayer_lowered  }
0x13: {  	s23 =	simm.s32 $0x1BFF;
	s22 =	sshll.u32 s6, $0x1;
	s3 =	sadd.s32 s4, s20  }
0x14: {  	s7 =	simm.s32 $0x0;
	s21 =	sshll.u32 s5, $0x1;
	s5 =	sadd.s32 s22, s3  }
0x15: {  	[timem:s7], [sflag:s23] =	dma.local [hbm:s5], s21  }
0x16: {  	_ =	swait.ge [sflag:s23], s21  }
0x17: {  	s4 =	ssub.s32 $0x0, s21;
	[sflag:s23] =	ssyncset.done $0x0  }
0x18: {  	[sflag:s23] =	ssyncadd.s32 s4;
	_ =	sdelay $0x1  }
0x19: {  	s24 =	simm.s32 $0x1B8B  }
0x1a: {  	_ =	swait.ge [sflag:s24], $0x1  }
0x1b: {  	[sflag:s24] =	ssyncset.done $0x0  }
0x1c: {  	s26 =	simm.s32 $0x1B8E;
	s25 =	sld [smem:$0x3FFE];
	[sflag:s24] =	ssyncadd.s32 $0xFFFFFFFF  }
0x1d: {  	s27 =	simm.s32 $execute0_lowered;
	[smem:$0x3FD2] =	sst s26  }
0x1e: {  	s5 =	sshll.u32 s27, $0x1;
	_ =	strace $0x80000049;
	[dreg:$0x1] =	wrdreg $0xFFFFFFFF  }
0x1f: {  	s28 =	simm.s32 $_size_execute0_lowered;
	s3 =	sadd.s32 s3, s5;
	[dreg:$0x0] =	wrdreg $0x0  }
0x20: {  	s5 =	sshll.u32 s28, $0x1;
	[dreg:$0x2] =	wrdreg s3  }
0x21: {  	[dreg:$0x3] =	wrdreg s5  }
0x22: {  	[dreg:$0x4] =	wrdreg $0xC0  }
0x23: {  	_ =	task [dreg:s7], $0x5FFFF  }
0x24: {  	[dreg:$0x1] =	wrdreg $0xFFFFFFFF  }
0x25: {  	[dreg:$0x0] =	wrdreg $0x60  }
0x26: {  	[dreg:$0x2] =	wrdreg s25  }
0x27: {  	[dreg:$0x3] =	wrdreg s2  }
0x28: {  	[dreg:$0x4] =	wrdreg $0x9  }
0x29: {  	_ =	task.clear_ibuf [dreg:s7], $0x5FFFF;
	_ =	strace $0x90000049  }
0x2a: {  	s29 =	simm.s32 $0x9;
	_ =	strace $0x8000004B  }
0x2b: {  	_ =	swait.ge [sflag:s29], $0x1  }
0x2c: {  	[sflag:s29] =	ssyncadd.s32 $0xFFFFFFFF  }
0x2d: {  	_ =	strace $0x9000004B  }
0x2e: {  	_ =	sfence  }
0x2f: {  	s30 =	sld [smem:$0x0];
	_ =	sdelay $0x2  }
0x30: {  	s31 =	sshll.u32 s1, $0xD;
	s1 =	sshrl.u32 s1, $0x2  }
0x31: {  	s3 =	sand.u32 $0x4000, s31;
	s1 =	sadd.s32 s1, s30  }
0x32: {  	s0 =	sor.u32 s3, s0;
	s1 =	sshll.u32 s1, $0x11  }
0x33: {  	s0 =	sor.u32 s1, s0  }
0x34: {  	s0 =	sadd.s32 $0x8F2B, s0  }
0x35: {  	[sflag:s0] =	ssyncadd.remote.s32 $0x1  }
0x36: {  	_ =	sfence.sel $0xFFFF  }
0x37: {  	[dreg:$0x0] =	wrdreg $0xFFFFFFFF;
	(pc) =	sbr.abs _section_cstart, $3  }
0x38: {  	[dreg:$0x1] =	wrdreg $0xFFFFFFFF  }
0x39: {  	_ =	task.clear_ibuf [dreg:s7], $0x2FFFF;
	_ =	strace $0x9FFFFFFF  }
0x3a: {  	(tm) =	ssettm $0x7FFFFFFF  }
0x3b: {  	_ =	shalt  }
tec
execute0_lowered:
.L_overlay_start_1:
0x0: {  	(tag) =	ssettag $0x1  }
0x1: {  	s7 =	rddreg [dreg:$0x0]  }
0x2: {  	s2 =	rddreg [dreg:$0x1]  }
0x3: {  	s0 =	stileid.u32;
	s1 =	srdreg.scid;
	s31 =	simm.s32 $0x2  }
0x4: {  	s14 =	simm.s32 $0x0;
	s15 =	simm.s32 $0x0;
	s13 =	simm.s32 $0x0  }
0x5: {  	s3 =	sshll.u32 s0, $0x5;
	s4 =	sshll.u32 s1, $0x9;
	s5 =	sshll.u32 s0, $0x1  }
0x6: {  	s1 =	rddreg [dreg:$0x2];
	s4 =	sor.u32 s3, s4;
	s3 =	sand.u32 $0x6, s5  }
0x7: {  	_ =	strace $0x8000004A;
	s4 =	sand.u32 $0x380, s4;
	s5 =	ssub.s32 $0xC8, s3  }
0x8: {  	s12 =	smov.u32 s3;
	s8 =	sshll.u32 s4, $0x4;
	s6 =	sand.u32 $0x6, s5  }
0x9: {  	s9 =	ssub.s32 $0x400, s4;
	s11 =	sshrl.u32 s5, $0x3;
	s5 =	simm.s32 $0x1  }
0xa: {  	p0 =	sne.s32 s6, $0x0;
	s6 =	simm.s32 $0x1;
	s10 =	sand.u32 $0x380, s9  }
0xb: {  	s6 =	simm.s32 @!p0 $0x0;
	p0 =	sne.s32 s10, $0x0;
	s10 =	simm.s32 $0x1  }
.Ltmp0:
0xc: {  	s9 =	sshrl.u32 s9, $0xA;
	s10 =	simm.s32 @!p0 $0x0;
	(pc) =	sbr.rel .LBB1_1-.Ltmp0, $4  }
0xd: {  	[sflag:s5] =	ssyncpa.u1 $0x0;
	s6 =	sadd.s32 s6, s11;
	s9 =	sadd.s32 s10, s9  }
0xe: {  	s8 =	sadd.s32 s8, s7;
	[sflag:s31] =	ssyncpa.u1 $0x0;
	s6 =	smul.u32 s6, s9  }
0xf: {  	s7 =	sadd.s32 $0x800, s8;
	s8 =	sadd.s32 $0x4800, s8;
	p0 =	por $0x0, $0x0  }
0x10: {  	s11 =	simm.s32 $0x2000;
	s10 =	simm.s32 $0x400;
	s9 =	sadd.s32 $0x1, s6  }
.LBB1_7:
0x11: {  	s16 =	sadd.s32 $0x8, s12  }
0x12: {  	p2 =	sgt.s32 s16, $0xC7  }
0x13: {  	s16 =	smov.u32 @p2 s3;
	p2 =	sne.s32 s13, s9  }
.Ltmp1:
0x14: {  	p1 =	slt.u32 s13, $0x2;
	(pc) =	sbr.rel @!p2 .LBB1_8-.Ltmp1, $4  }
0x15: {  	s14 =	simm.s32 @!p1 $0x2  }
0x16: {  	s17 =	sadd.s32 $0x1, s13;
	s15 =	smov.u32 s12;
	_ =	swait.ge @!p1 [sflag:s14], $0x4000  }
0x17: {  	p0 =	por !p0, !p0;
	s13 =	smov.u32 s17;
	[sflag:s14] =	ssyncset.done @!p1 $0x0  }
0x18: {  	s12 =	smov.u32 s16;
	[sflag:s14] =	ssyncadd.s32 @!p1 $0xFFFFC000;
	s14 =	smov.u32 s4  }
.LBB1_1:
0x19: {  	p1 =	sge.u32 s13, s6  }
0x1a: {  	s16 =	sxor.u32 @!p1 $0xFFFFFFFF, s13  }
0x1b: {  	s17 =	sshll.u32 @!p1 s12, $0xE;
	s19 =	simm.s32 @!p1 $0x40;
	s16 =	sshll.u32 @!p1 s16, $0xE  }
0x1c: {  	s20 =	simm.s32 @!p1 $0x80;
	s18 =	sadd.s32 @!p1 s17, s7;
	s16 =	sand.u32 @!p1 $0x4000, s16  }
0x1d: {  	[tilespmem:s16], [sflag:$0x1] =	stream.strided.gather @!p1 [hbm4b:s18+s19], $0x2000, s20, s19, $0x38;
	[tilespmem:$0x10100] =	vst v63  }
0x1e: {  	s31 =	sadd.s32 $0xFFFFFFFF, s13;
	s17 =	sadd.s32 @!p1 s17, s8;
	s16 =	sor.u32 @!p1 $0x2000, s16  }
0x1f: {  	[tilespmem:s16], [sflag:$0x1] =	stream.strided.gather @!p1 [hbm4b:s17+s19], $0x2000, s20, s19, $0x38;
	[tilespmem:$0x10100] =	vst v63  }
0x20: {  	p1 =	sge.u32 s31, s6  }
.Ltmp2:
0x21: {  	_ = 	snop;
	(pc) =	sbr.rel @p1 .LBB1_7-.Ltmp2, $1  }
0x22: {  	_ =	sdelay $0x3  }
0x23: {  	s16 =	simm.s32 $0x1;
	s18 =	sand.u32 $0x1, s13  }
0x24: {  	_ =	swait.ge [sflag:s5], $0x4000;
	s16 =	simm.s32 @!p0 $0x0;
	s18 =	smul.u32 $0x10200, s18  }
0x25: {  	p2 =	por $0x1, $0x1;
	[sflag:s5] =	ssyncset.done $0x0;
	s17 =	smul.u32 $0x10200, s16  }
0x26: {  	s19 =	sshll.u32 s16, $0x10;
	[sflag:s5] =	ssyncadd.s32 $0xFFFFC000;
	s30 =	sshrl.u32 s18, $0x2  }
0x27: {  	s31 =	sshrl.u32 s19, $0x2;
	s19 =	simm.s32 $0x0;
	s17 =	sshrl.u32 s17, $0x2  }
0x28: {  	s16 =	sor.u32 $0x8000, s30;
	s18 =	sadd.s32 $0x20, s31;
	s17 =	sor.u32 $0x8000, s17  }
.LBB1_3:
0x29: {  	s20 =	sshll.u32 s19, $0xD  }
0x2a: {  	s20 =	sand.u32 $0x3FFFE000, s20  }
0x2b: {  	s22 =	sadd.s32 s20, s18  }
0x2c: {  	s31 =	smul.u32 $0x8100, s19;
	v3 =	vld [tilespmem:s22+$0x10]  }
0x2d: {  	v1 =	vld [tilespmem:s22+$0xFFFFFFF0]  }
0x2e: {  	s19 =	sshra.s32 s31, $0x2;
	v0 =	vld [tilespmem:s22+$0x0]  }
0x2f: {  	s19 =	sadd.s32 s19, s17;
	v2 =	vld [tilespmem:s22+$0xFFFFFFE0]  }
0x30: {  	s20 =	sadd.s32 $0x0, s19  }
0x31: {  	p1 =	por p2, p2;
	s21 =	simm.s32 $0x4;
	s22 =	sadd.s32 $0x40, s22;
	[tilespmem:s20+$0x1830 ss:$0x81] =	vst.msk $0xffff, v3  }
.LBB1_4:
0x32: {  	v3 =	vld [tilespmem:s22+$0x10];
	p2 =	sne.s32 s21, $0x1FC;
	[tilespmem:s20+$0x810 ss:$0x81] =	vst.msk $0xffff, v1;
	s23 =	smov.u32 s21;
	s21 =	sadd.s32 $0x4, s21  }
.Ltmp3:
0x33: {  	v1 =	vld [tilespmem:s22+$0xFFFFFFF0];
	[tilespmem:s20+$0x1020 ss:$0x81] =	vst.msk $0xffff, v0;
	(pc) =	sbr.rel @p2 .LBB1_4-.Ltmp3, $4  }
0x34: {  	v0 =	vld [tilespmem:s22+$0x0];
	[tilespmem:s20+$0x0 ss:$0x81] =	vst.msk $0xffff, v2  }
0x35: {  	s20 =	sshra.s32 s23, $0x2;
	v2 =	vld [tilespmem:s22+$0xFFFFFFE0]  }
0x36: {  	s20 =	sadd.s32 s20, s19  }
0x37: {  	s22 =	sadd.s32 $0x40, s22;
	[tilespmem:s20+$0x1830 ss:$0x81] =	vst.msk $0xffff, v3  }
.Ltmp4:
0x38: {  	(pc) =	sbr.rel @p1 .LBB1_3-.Ltmp4, $4  }
0x39: {  	_ = 	snop  }
0x3a: {  	[tilespmem:s20+$0x810 ss:$0x81] =	vst.msk $0xffff, v1  }
0x3b: {  	[tilespmem:s20+$0x1020 ss:$0x81] =	vst.msk $0xffff, v0  }
0x3c: {  	s19 =	simm.s32 $0x1;
	p2 =	por $0x0, $0x0;
	[tilespmem:s20+$0x0 ss:$0x81] =	vst.msk $0xffff, v2  }
.Ltmp5:
0x3d: {  	(pc) =	sbr.rel .LBB1_7-.Ltmp5, $4  }
0x3e: {  	_ = 	snop  }
0x3f: {  	s15 =	sshll.u32 s15, $0xD;
	s14 =	sadd.s32 s2, s14  }
0x40: {  	s14 =	sadd.s32 s15, s14  }
0x41: {  	[hbm4b:s14+s10] =	stream.strided.scatter [tilespmem:s16], [sflag:$0x2], $0x4000, s11, s10, $0x20;
	[tilespmem:$0x10100] =	vst v63  }
.LBB1_8:
0x42: {  	_ =	sfence.sel $0x180000  }
0x43: {  	s2 =	simm.s32 $0x1;
	[bflag:$0x0] =	sbarrier.arrive $0xFFFF  }
0x44: {  	s31 =	simm.s32 $0x2;
	[sflag:s2] =	ssyncpa.u1 $0x1  }
0x45: {  	[sflag:s31] =	ssyncpa.u1 $0x1  }
0x46: {  	p0 =	sne.s32 s0, $0x0;
	_ =	strace $0x9000004A  }
0x47: {  	s0 =	sadd.s32 @!p0 $0x100000, s1;
	[bflag:$0x2] =	sbarrier.arrive $0xFFFF  }
0x48: {  	[sflag:s0] =	ssyncadd.tile.s32 @!p0 $0x1;
	_ =	shalt  }
.Lfunc_end1:
_tile_overlayer_lowered:
.L_overlay_start_2:
0x49: {  	(tag) =	ssettag $0x2  }
0x4a: {  	s0 =	rddreg [dreg:$0x0];
	s2 =	stileid.u32  }
0x4b: {  	s1 =	rddreg [dreg:$0x1];
	p0 =	sne.s32 s2, $0x0  }
0x4c: {  	s3 =	rddreg [dreg:$0x2];
	[bflag:$0x3] =	sbarrier.arrive $0xFFFF;
	s2 =	simm.s32 @!p0 $0x1C01  }
0x4d: {  	[timem:s3], [sflag:s2] =	dma.local @!p0 [hbm:s0], s1  }
0x4e: {  	s0 =	simm.s32 @!p0 $0x1  }
0x4f: {  	_ =	swait.ge @!p0 [sflag:s0], s1  }
0x50: {  	s1 =	ssub.s32 @!p0 $0x0, s1;
	[sflag:s0] =	ssyncset.done @!p0 $0x0  }
0x51: {  	[sflag:s0] =	ssyncadd.s32 @!p0 s1  }
0x52: {  	[bflag:$0x3] =	sbarrier.arrive $0xFFFF  }
0x53: {  	_ =	shalt  }

</sc_bundles>
